<compile_context>
chip_gen: v7x
topology: tpu7x:2x2x1
jax: 0.10.2.dev20260603
libtpu: 0.0.44.dev20260713+nightly
codegen_flags: <defaults>
</compile_context>

<pallas_src>
import jax
import jax.numpy as jnp
from jax import lax
from jax.experimental import pallas as pl
from jax.experimental.pallas import tpu as pltpu
from jax.experimental.pallas import tpu_sc as plsc

BATCHES = 16
CANDS = 512
DIM = 512
NCORES = 2
NSUB = 16
NWORK = NCORES * NSUB
ROWS_PER_W = BATCHES * CANDS // NWORK
RCHUNK = 64
LANES = 16


def _rsqrt_newton(s):
    half = s * jnp.float32(0.5)
    bits = lax.bitcast_convert_type(s, jnp.int32)
    y = lax.bitcast_convert_type(jnp.int32(0x5F3759DF) - (bits >> 1), jnp.float32)
    for _ in range(2):
        y = y * (jnp.float32(1.5) - half * y * y)
    return y


def _lane_perm(a, idx):
    dnums = lax.GatherDimensionNumbers(
        offset_dims=(), collapsed_slice_dims=(0,), start_index_map=(0,))
    return lax.gather(a, idx[:, None], dimension_numbers=dnums,
                      slice_sizes=(1,),
                      mode=lax.GatherScatterMode.PROMISE_IN_BOUNDS)


def _normalize_chunk(buf, nrows):
    @plsc.parallel_loop(0, nrows, unroll=1)
    def row(i):
        vs = [buf[i, pl.ds(k * LANES, LANES)] for k in range(DIM // LANES)]
        accs = [jnp.zeros((LANES,), jnp.float32) for _ in range(8)]
        for k, v in enumerate(vs):
            accs[k % 8] = accs[k % 8] + v * v
        a = ((accs[0] + accs[1]) + (accs[2] + accs[3])) + (
            (accs[4] + accs[5]) + (accs[6] + accs[7]))
        lanes = lax.iota(jnp.int32, LANES)
        for shift in (8, 4, 2, 1):
            a = a + _lane_perm(a, lanes ^ shift)
        y = _rsqrt_newton(a)
        y = jnp.minimum(y, jnp.float32(1e6))
        for k, v in enumerate(vs):
            buf[i, pl.ds(k * LANES, LANES)] = v * y


def _sc_body(values, so, nco, out, so_v, nco_v,
             b0, b1, b2, si0, si1, si2, so0, so1, so2):
    wid = lax.axis_index("c") * NSUB + lax.axis_index("s")
    b = wid // 2
    half_id = wid % 2
    pltpu.sync_copy(so, so_v)
    pltpu.sync_copy(nco, nco_v)
    so_hi = so_v[pl.ds(1, LANES)]
    nco_hi = nco_v[pl.ds(1, LANES)]
    nco_lo = nco_v[pl.ds(0, LANES)]
    starts = so_hi - nco_hi + nco_lo
    lane = lax.iota(jnp.int32, LANES)
    in_base = jnp.sum(jnp.where(lane == b, starts, 0)) + half_id * ROWS_PER_W
    in_base = pl.multiple_of(in_base, 8)
    out_base = wid * ROWS_PER_W

    bufs = [b0, b1, b2]
    in_sems = [si0, si1, si2]
    out_sems = [so0, so1, so2]
    chunks = [(0, 32), (32, 64), (96, 64), (160, 64), (224, 32)]
    nchunks = len(chunks)

    def in_copy(c):
        base, rows = chunks[c]
        return pltpu.make_async_copy(
            values.at[pl.ds(in_base + base, rows)],
            bufs[c % 3].at[pl.ds(0, rows)], in_sems[c % 3])

    def out_copy(c):
        base, rows = chunks[c]
        return pltpu.make_async_copy(
            bufs[c % 3].at[pl.ds(0, rows)],
            out.at[pl.ds(out_base + base, rows)], out_sems[c % 3])

    in_copy(0).start()
    in_copy(1).start()
    for c in range(nchunks):
        in_copy(c).wait()
        _normalize_chunk(bufs[c % 3], chunks[c][1])
        out_copy(c).start()
        nxt = c + 2
        if nxt < nchunks:
            if nxt >= 3:
                out_copy(nxt - 3).wait()
            in_copy(nxt).start()
    for c in range(max(0, nchunks - 3), nchunks):
        out_copy(c).wait()


def kernel(values, seqlen_offsets, num_candidates_offsets, seqlen):
    sc = pl.kernel(
        _sc_body,
        out_type=jax.ShapeDtypeStruct((BATCHES * CANDS, DIM), jnp.float32),
        mesh=plsc.VectorSubcoreMesh(core_axis_name="c", subcore_axis_name="s"),
        scratch_types=[
            pltpu.VMEM((BATCHES + 1,), jnp.int32),
            pltpu.VMEM((BATCHES + 1,), jnp.int32),
            pltpu.VMEM((RCHUNK, DIM), jnp.float32),
            pltpu.VMEM((RCHUNK, DIM), jnp.float32),
            pltpu.VMEM((RCHUNK, DIM), jnp.float32),
            pltpu.SemaphoreType.DMA,
            pltpu.SemaphoreType.DMA,
            pltpu.SemaphoreType.DMA,
            pltpu.SemaphoreType.DMA,
            pltpu.SemaphoreType.DMA,
            pltpu.SemaphoreType.DMA,
        ],
        compiler_params=pltpu.CompilerParams(needs_layout_passes=False),
    )
    emb = sc(values, seqlen_offsets, num_candidates_offsets)
    new_seqlen_offsets = num_candidates_offsets
    new_seqlen = jnp.diff(new_seqlen_offsets).astype(seqlen.dtype)
    return (emb, new_seqlen, new_seqlen_offsets)

# --- scband reference (transcript-rebuilt; emitter-appended) ---
"""Pipeline reference for scband-hstublock-postprocessor-87763361726751 (READ-ONLY COPY).

The authoritative reference and input builder live on the scoring server;
editing this copy changes nothing except your own understanding.
"""

import jax, jax.numpy as jnp
import numpy as np

B = 16
SEQ = 2048
CAND = 512
D = 512
L = B * SEQ


def setup_inputs(seed: int = 0) -> dict:
    key = jax.random.key(seed)
    values = jax.random.normal(key, (L, D), dtype=jnp.float32)
    seqlen_offsets = (jnp.arange(B + 1, dtype=jnp.int32) * SEQ)
    num_candidates_offsets = (jnp.arange(B + 1, dtype=jnp.int32) * CAND)
    seqlen = jnp.full((B,), SEQ, dtype=jnp.int32)
    return {
        "values": values,
        "seqlen_offsets": seqlen_offsets,
        "num_candidates_offsets": num_candidates_offsets,
        "seqlen": seqlen,
    }


def reference(values, seqlen_offsets, num_candidates_offsets, seqlen):
    # HSTUBlockPostprocessor.forward with max_num_candidates > 0,
    # contextual_max_seqlen == 0, has_interleaved_action == False.
    # torch_split_2d_jagged(values, offsets_a=seqlen_offsets - num_candidates_offsets,
    #                        offsets_b=num_candidates_offsets) -> keep B-side (candidates).
    n_batch = seqlen_offsets.shape[0] - 1
    cand_per_batch = CAND
    starts = (seqlen_offsets[1:].astype(jnp.int64)
              - num_candidates_offsets[1:].astype(jnp.int64)
              + num_candidates_offsets[:-1].astype(jnp.int64))
    idx = starts[:, None] + jnp.arange(cand_per_batch, dtype=jnp.int64)[None, :]
    idx = idx.reshape(n_batch * cand_per_batch)
    sequence_embeddings = values[idx]
    norm = jnp.linalg.norm(sequence_embeddings, ord=2, axis=-1, keepdims=True)
    sequence_embeddings = sequence_embeddings / jnp.maximum(norm, 1e-6)
    new_seqlen_offsets = num_candidates_offsets
    new_seqlen = jnp.diff(new_seqlen_offsets).astype(seqlen.dtype)
    return (sequence_embeddings, new_seqlen, new_seqlen_offsets)

if __name__ == "__main__":
    import jax
    _d = setup_inputs()
    print(jax.jit(kernel)(*tuple(_d.values())))

</pallas_src>

<mosaic_0001>
#map = affine_map<(d0, d1) -> (0, 0)>
#map1 = affine_map<(d0, d1) -> (0)>
module attributes {stable_mosaic.version = 14 : i64} {
  func.func @_sc_body(%arg0: i32, %arg1: i32, %arg2: memref<32768x512xf32, #tpu.memory_space<hbm>>, %arg3: memref<17xi32, #tpu.memory_space<hbm>>, %arg4: memref<17xi32, #tpu.memory_space<hbm>>, %arg5: memref<8192x512xf32, #tpu.memory_space<hbm>>, %arg6: memref<17xi32, #tpu.memory_space<vmem>>, %arg7: memref<17xi32, #tpu.memory_space<vmem>>, %arg8: memref<64x512xf32, #tpu.memory_space<vmem>>, %arg9: memref<64x512xf32, #tpu.memory_space<vmem>>, %arg10: memref<64x512xf32, #tpu.memory_space<vmem>>, %arg11: memref<!tpu.dma_semaphore, #tpu.memory_space<semaphore_mem>>, %arg12: memref<!tpu.dma_semaphore, #tpu.memory_space<semaphore_mem>>, %arg13: memref<!tpu.dma_semaphore, #tpu.memory_space<semaphore_mem>>, %arg14: memref<!tpu.dma_semaphore, #tpu.memory_space<semaphore_mem>>, %arg15: memref<!tpu.dma_semaphore, #tpu.memory_space<semaphore_mem>>, %arg16: memref<!tpu.dma_semaphore, #tpu.memory_space<semaphore_mem>>) attributes {dimension_semantics = [#tpu.dimension_semantics<core_parallel>, #tpu.dimension_semantics<subcore_parallel>], iteration_bounds = array<i64: 2, 16>, scalar_prefetch = 0 : i64, scratch_operands = 11 : i64, tpu.core_type = #tpu.core_type<sc_vector_subcore>, window_params = [{transform_indices = #map}, {transform_indices = #map1}, {transform_indices = #map1}, {transform_indices = #map}]} {
    %mul3A = arith.constant 16 : i32
    %mul3A_0 = arith.muli %arg0, %mul3A : i32
    %add3A = arith.addi %mul3A_0, %arg1 : i32
    %jit3A = arith.constant 2 : i32
    %div3A = arith.divsi %add3A, %jit3A : i32
    %sign3A = arith.constant 0 : i32
    %sign3A_1 = arith.cmpi sgt, %add3A, %sign3A : i32
    %sign3A_2 = arith.extui %sign3A_1 : i1 to i32
    %sign3A_3 = arith.constant 0 : i32
    %sign3A_4 = arith.cmpi slt, %add3A, %sign3A_3 : i32
    %sign3A_5 = arith.extui %sign3A_4 : i1 to i32
    %sign3A_6 = arith.subi %sign3A_2, %sign3A_5 : i32
    %sign3A_7 = arith.constant 0 : i32
    %sign3A_8 = arith.cmpi sgt, %jit3A, %sign3A_7 : i32
    %sign3A_9 = arith.extui %sign3A_8 : i1 to i32
    %sign3A_10 = arith.constant 0 : i32
    %sign3A_11 = arith.cmpi slt, %jit3A, %sign3A_10 : i32
    %sign3A_12 = arith.extui %sign3A_11 : i1 to i32
    %sign3A_13 = arith.subi %sign3A_9, %sign3A_12 : i32
    %ne3A = arith.cmpi ne, %sign3A_6, %sign3A_13 : i32
    %rem3A = arith.remsi %add3A, %jit3A : i32
    %ne3A_14 = arith.constant 0 : i32
    %ne3A_15 = arith.cmpi ne, %rem3A, %ne3A_14 : i32
    %and3A = arith.andi %ne3A, %ne3A_15 : i1
    %sub3A = arith.constant 1 : i32
    %sub3A_16 = arith.subi %div3A, %sub3A : i32
    %select_n3A = arith.select %and3A, %sub3A_16, %div3A : i32
    %jit3A_17 = arith.constant 2 : i32
    %eq3A = arith.constant 0 : i32
    %eq3A_18 = arith.cmpi eq, %jit3A_17, %eq3A : i32
    %jit3A_19 = arith.constant 1 : i32
    %select_n3A_20 = arith.select %eq3A_18, %jit3A_19, %jit3A_17 : i32
    %rem3A_21 = arith.remsi %add3A, %select_n3A_20 : i32
    %ne3A_22 = arith.constant 0 : i32
    %ne3A_23 = arith.cmpi ne, %rem3A_21, %ne3A_22 : i32
    %lt3A = arith.constant 0 : i32
    %lt3A_24 = arith.cmpi slt, %rem3A_21, %lt3A : i32
    %lt3A_25 = arith.constant 0 : i32
    %lt3A_26 = arith.cmpi slt, %select_n3A_20, %lt3A_25 : i32
    %ne3A_27 = arith.xori %lt3A_24, %lt3A_26 : i1
    %and3A_28 = arith.andi %ne3A_27, %ne3A_23 : i1
    %add3A_29 = arith.addi %rem3A_21, %select_n3A_20 : i32
    %select_n3A_30 = arith.select %and3A_28, %add3A_29, %rem3A_21 : i32
    "tpu.region"() ({
      %run_scoped3A = tpu.sem_alloc : memref<!tpu.dma_semaphore, #tpu.memory_space<semaphore_mem>>
      tpu.enqueue_dma source(%arg3 : memref<17xi32, #tpu.memory_space<hbm>>) target(%arg6 : memref<17xi32, #tpu.memory_space<vmem>>) target_semaphore(%run_scoped3A : memref<!tpu.dma_semaphore, #tpu.memory_space<semaphore_mem>>)
      tpu.wait_dma2 semaphore(%run_scoped3A : memref<!tpu.dma_semaphore, #tpu.memory_space<semaphore_mem>>) src(%arg3 : memref<17xi32, #tpu.memory_space<hbm>>) dst(%arg6 : memref<17xi32, #tpu.memory_space<vmem>>)
      tpu.yield
    }) : () -> ()
    "tpu.region"() ({
      %run_scoped3A = tpu.sem_alloc : memref<!tpu.dma_semaphore, #tpu.memory_space<semaphore_mem>>
      tpu.enqueue_dma source(%arg4 : memref<17xi32, #tpu.memory_space<hbm>>) target(%arg7 : memref<17xi32, #tpu.memory_space<vmem>>) target_semaphore(%run_scoped3A : memref<!tpu.dma_semaphore, #tpu.memory_space<semaphore_mem>>)
      tpu.wait_dma2 semaphore(%run_scoped3A : memref<!tpu.dma_semaphore, #tpu.memory_space<semaphore_mem>>) src(%arg4 : memref<17xi32, #tpu.memory_space<hbm>>) dst(%arg7 : memref<17xi32, #tpu.memory_space<vmem>>)
      tpu.yield
    }) : () -> ()
    %get3A = arith.constant 1 : index
    %get3A_31 = tpu.vector_load %arg6[%get3A] {strides = array<i32>} : memref<17xi32, #tpu.memory_space<vmem>>, vector<16xi32>,
    %get3A_32 = arith.constant 1 : index
    %get3A_33 = tpu.vector_load %arg7[%get3A_32] {strides = array<i32>} : memref<17xi32, #tpu.memory_space<vmem>>, vector<16xi32>,
    %get3A_34 = arith.constant 0 : index
    %get3A_35 = tpu.vector_load %arg7[%get3A_34] {strides = array<i32>} : memref<17xi32, #tpu.memory_space<vmem>>, vector<16xi32>,
    %sub3A_36 = arith.subi %get3A_31, %get3A_33 : vector<16xi32>
    %add3A_37 = arith.addi %sub3A_36, %get3A_35 : vector<16xi32>
    %iota3A = tpu.iota {dimensions = array<i32: 0>} : vector<16xi32>
    %eq3A_38 = vector.broadcast %select_n3A : i32 to vector<16xi32>
    %eq3A_39 = arith.cmpi eq, %iota3A, %eq3A_38 : vector<16xi32>
    %jit3A_40 = arith.constant 0 : i32
    %broadcast_in_dim3A = vector.broadcast %jit3A_40 : i32 to vector<16xi32>
    %select_n3A_41 = arith.select %eq3A_39, %add3A_37, %broadcast_in_dim3A : vector<16xi1>, vector<16xi32>
    %reduce_sum3A = arith.constant true
    %reduce_sum3A_42 = vector.broadcast %reduce_sum3A : i1 to vector<16xi1>
    %reduce_sum3A_43 = tpu.scan <sum>, %select_n3A_41 masked %reduce_sum3A_42 : vector<16xi32>, vector<16xi1> -> vector<16xi32>
    %reduce_sum3A_44 = vector.extract %reduce_sum3A_43[15] : i32 from vector<16xi32>
    %mul3A_45 = arith.constant 256 : i32
    %mul3A_46 = arith.muli %select_n3A_30, %mul3A_45 : i32
    %add3A_47 = arith.addi %reduce_sum3A_44, %mul3A_46 : i32
    %multiple_of3A = tpu.assume_multiple %add3A_47, 8 : i32
    %mul3A_48 = arith.constant 256 : i32
    %mul3A_49 = arith.muli %add3A, %mul3A_48 : i32
    %add3A_50 = arith.constant 0 : i32
    %add3A_51 = arith.addi %multiple_of3A, %add3A_50 : i32
    %dma_start3A = arith.constant 0 : i32
    %dma_start3A_52 = arith.constant 0 : i32
    %dma_start3A_53 = tpu.memref_slice %arg8[%dma_start3A, %dma_start3A_52] : memref<64x512xf32, #tpu.memory_space<vmem>> -> memref<32x512xf32, #tpu.memory_space<vmem>>
    %dma_start3A_54 = arith.constant 0 : i32
    %dma_start3A_55 = tpu.memref_slice %arg2[%add3A_51, %dma_start3A_54] : memref<32768x512xf32, #tpu.memory_space<hbm>> -> memref<32x512xf32, #tpu.memory_space<hbm>>
    %dma_start3A_56 = arith.constant 0 : i32
    %dma_start3A_57 = arith.constant 0 : i32
    %dma_start3A_58 = tpu.memref_slice %arg8[%dma_start3A_56, %dma_start3A_57] : memref<64x512xf32, #tpu.memory_space<vmem>> -> memref<32x512xf32, #tpu.memory_space<vmem>>
    %dma_start3A_59 = arith.constant 0 : i32
    %dma_start3A_60 = tpu.memref_slice %arg2[%add3A_51, %dma_start3A_59] : memref<32768x512xf32, #tpu.memory_space<hbm>> -> memref<32x512xf32, #tpu.memory_space<hbm>>
    tpu.enqueue_dma source(%dma_start3A_60 : memref<32x512xf32, #tpu.memory_space<hbm>>) target(%dma_start3A_58 : memref<32x512xf32, #tpu.memory_space<vmem>>) target_semaphore(%arg11 : memref<!tpu.dma_semaphore, #tpu.memory_space<semaphore_mem>>)
    %add3A_61 = arith.constant 32 : i32
    %add3A_62 = arith.addi %multiple_of3A, %add3A_61 : i32
    %dma_start3A_63 = arith.constant 0 : i32
    %dma_start3A_64 = arith.constant 0 : i32
    %dma_start3A_65 = tpu.memref_slice %arg9[%dma_start3A_63, %dma_start3A_64] : memref<64x512xf32, #tpu.memory_space<vmem>> -> memref<64x512xf32, #tpu.memory_space<vmem>>
    %dma_start3A_66 = arith.constant 0 : i32
    %dma_start3A_67 = tpu.memref_slice %arg2[%add3A_62, %dma_start3A_66] : memref<32768x512xf32, #tpu.memory_space<hbm>> -> memref<64x512xf32, #tpu.memory_space<hbm>>
    %dma_start3A_68 = arith.constant 0 : i32
    %dma_start3A_69 = arith.constant 0 : i32
    %dma_start3A_70 = tpu.memref_slice %arg9[%dma_start3A_68, %dma_start3A_69] : memref<64x512xf32, #tpu.memory_space<vmem>> -> memref<64x512xf32, #tpu.memory_space<vmem>>
    %dma_start3A_71 = arith.constant 0 : i32
    %dma_start3A_72 = tpu.memref_slice %arg2[%add3A_62, %dma_start3A_71] : memref<32768x512xf32, #tpu.memory_space<hbm>> -> memref<64x512xf32, #tpu.memory_space<hbm>>
    tpu.enqueue_dma source(%dma_start3A_72 : memref<64x512xf32, #tpu.memory_space<hbm>>) target(%dma_start3A_70 : memref<64x512xf32, #tpu.memory_space<vmem>>) target_semaphore(%arg12 : memref<!tpu.dma_semaphore, #tpu.memory_space<semaphore_mem>>)
    %add3A_73 = arith.constant 0 : i32
    %add3A_74 = arith.addi %multiple_of3A, %add3A_73 : i32
    %dma_wait3A = arith.constant 0 : i32
    %dma_wait3A_75 = arith.constant 0 : i32
    %dma_wait3A_76 = tpu.memref_slice %arg8[%dma_wait3A, %dma_wait3A_75] : memref<64x512xf32, #tpu.memory_space<vmem>> -> memref<32x512xf32, #tpu.memory_space<vmem>>
    %dma_wait3A_77 = arith.constant 0 : i32
    %dma_wait3A_78 = tpu.memref_slice %arg2[%add3A_74, %dma_wait3A_77] : memref<32768x512xf32, #tpu.memory_space<hbm>> -> memref<32x512xf32, #tpu.memory_space<hbm>>
    %dma_wait3A_79 = arith.constant 0 : i32
    %dma_wait3A_80 = arith.constant 0 : i32
    %dma_wait3A_81 = tpu.memref_slice %arg8[%dma_wait3A_79, %dma_wait3A_80] : memref<64x512xf32, #tpu.memory_space<vmem>> -> memref<32x512xf32, #tpu.memory_space<vmem>>
    %dma_wait3A_82 = arith.constant 0 : i32
    %dma_wait3A_83 = tpu.memref_slice %arg2[%add3A_74, %dma_wait3A_82] : memref<32768x512xf32, #tpu.memory_space<hbm>> -> memref<32x512xf32, #tpu.memory_space<hbm>>
    tpu.wait_dma2 semaphore(%arg11 : memref<!tpu.dma_semaphore, #tpu.memory_space<semaphore_mem>>) src(%dma_wait3A_83 : memref<32x512xf32, #tpu.memory_space<hbm>>) dst(%dma_wait3A_81 : memref<32x512xf32, #tpu.memory_space<vmem>>)
    %parallel_loop3A = arith.constant 0 : i32
    %parallel_loop3A_84 = arith.constant 32 : i32
    %parallel_loop3A_85 = arith.constant 1 : i32
    scf.for %parallel_loop3A_302 = %parallel_loop3A to %parallel_loop3A_84 step %parallel_loop3A_85  : i32 {
      %parallel_loop3A_303 = arith.index_cast %parallel_loop3A_302 : i32 to index
      %parallel_loop3A_304 = arith.constant 0 : index
      %parallel_loop3A_305 = tpu.vector_load %arg8[%parallel_loop3A_303, %parallel_loop3A_304] {strides = array<i32>} : memref<64x512xf32, #tpu.memory_space<vmem>>, vector<16xf32>,
      %parallel_loop3A_306 = arith.index_cast %parallel_loop3A_302 : i32 to index
      %parallel_loop3A_307 = arith.constant 16 : index
      %parallel_loop3A_308 = tpu.vector_load %arg8[%parallel_loop3A_306, %parallel_loop3A_307] {strides = array<i32>} : memref<64x512xf32, #tpu.memory_space<vmem>>, vector<16xf32>,
      %parallel_loop3A_309 = arith.index_cast %parallel_loop3A_302 : i32 to index
      %parallel_loop3A_310 = arith.constant 32 : index
      %parallel_loop3A_311 = tpu.vector_load %arg8[%parallel_loop3A_309, %parallel_loop3A_310] {strides = array<i32>} : memref<64x512xf32, #tpu.memory_space<vmem>>, vector<16xf32>,
      %parallel_loop3A_312 = arith.index_cast %parallel_loop3A_302 : i32 to index
      %parallel_loop3A_313 = arith.constant 48 : index
      %parallel_loop3A_314 = tpu.vector_load %arg8[%parallel_loop3A_312, %parallel_loop3A_313] {strides = array<i32>} : memref<64x512xf32, #tpu.memory_space<vmem>>, vector<16xf32>,
      %parallel_loop3A_315 = arith.index_cast %parallel_loop3A_302 : i32 to index
      %parallel_loop3A_316 = arith.constant 64 : index
      %parallel_loop3A_317 = tpu.vector_load %arg8[%parallel_loop3A_315, %parallel_loop3A_316] {strides = array<i32>} : memref<64x512xf32, #tpu.memory_space<vmem>>, vector<16xf32>,
      %parallel_loop3A_318 = arith.index_cast %parallel_loop3A_302 : i32 to index
      %parallel_loop3A_319 = arith.constant 80 : index
      %parallel_loop3A_320 = tpu.vector_load %arg8[%parallel_loop3A_318, %parallel_loop3A_319] {strides = array<i32>} : memref<64x512xf32, #tpu.memory_space<vmem>>, vector<16xf32>,
      %parallel_loop3A_321 = arith.index_cast %parallel_loop3A_302 : i32 to index
      %parallel_loop3A_322 = arith.constant 96 : index
      %parallel_loop3A_323 = tpu.vector_load %arg8[%parallel_loop3A_321, %parallel_loop3A_322] {strides = array<i32>} : memref<64x512xf32, #tpu.memory_space<vmem>>, vector<16xf32>,
      %parallel_loop3A_324 = arith.index_cast %parallel_loop3A_302 : i32 to index
      %parallel_loop3A_325 = arith.constant 112 : index
      %parallel_loop3A_326 = tpu.vector_load %arg8[%parallel_loop3A_324, %parallel_loop3A_325] {strides = array<i32>} : memref<64x512xf32, #tpu.memory_space<vmem>>, vector<16xf32>,
      %parallel_loop3A_327 = arith.index_cast %parallel_loop3A_302 : i32 to index
      %parallel_loop3A_328 = arith.constant 128 : index
      %parallel_loop3A_329 = tpu.vector_load %arg8[%parallel_loop3A_327, %parallel_loop3A_328] {strides = array<i32>} : memref<64x512xf32, #tpu.memory_space<vmem>>, vector<16xf32>,
      %parallel_loop3A_330 = arith.index_cast %parallel_loop3A_302 : i32 to index
      %parallel_loop3A_331 = arith.constant 144 : index
      %parallel_loop3A_332 = tpu.vector_load %arg8[%parallel_loop3A_330, %parallel_loop3A_331] {strides = array<i32>} : memref<64x512xf32, #tpu.memory_space<vmem>>, vector<16xf32>,
      %parallel_loop3A_333 = arith.index_cast %parallel_loop3A_302 : i32 to index
      %parallel_loop3A_334 = arith.constant 160 : index
      %parallel_loop3A_335 = tpu.vector_load %arg8[%parallel_loop3A_333, %parallel_loop3A_334] {strides = array<i32>} : memref<64x512xf32, #tpu.memory_space<vmem>>, vector<16xf32>,
      %parallel_loop3A_336 = arith.index_cast %parallel_loop3A_302 : i32 to index
      %parallel_loop3A_337 = arith.constant 176 : index
      %parallel_loop3A_338 = tpu.vector_load %arg8[%parallel_loop3A_336, %parallel_loop3A_337] {strides = array<i32>} : memref<64x512xf32, #tpu.memory_space<vmem>>, vector<16xf32>,
      %parallel_loop3A_339 = arith.index_cast %parallel_loop3A_302 : i32 to index
      %parallel_loop3A_340 = arith.constant 192 : index
      %parallel_loop3A_341 = tpu.vector_load %arg8[%parallel_loop3A_339, %parallel_loop3A_340] {strides = array<i32>} : memref<64x512xf32, #tpu.memory_space<vmem>>, vector<16xf32>,
      %parallel_loop3A_342 = arith.index_cast %parallel_loop3A_302 : i32 to index
      %parallel_loop3A_343 = arith.constant 208 : index
      %parallel_loop3A_344 = tpu.vector_load %arg8[%parallel_loop3A_342, %parallel_loop3A_343] {strides = array<i32>} : memref<64x512xf32, #tpu.memory_space<vmem>>, vector<16xf32>,
      %parallel_loop3A_345 = arith.index_cast %parallel_loop3A_302 : i32 to index
      %parallel_loop3A_346 = arith.constant 224 : index
      %parallel_loop3A_347 = tpu.vector_load %arg8[%parallel_loop3A_345, %parallel_loop3A_346] {strides = array<i32>} : memref<64x512xf32, #tpu.memory_space<vmem>>, vector<16xf32>,
      %parallel_loop3A_348 = arith.index_cast %parallel_loop3A_302 : i32 to index
      %parallel_loop3A_349 = arith.constant 240 : index
      %parallel_loop3A_350 = tpu.vector_load %arg8[%parallel_loop3A_348, %parallel_loop3A_349] {strides = array<i32>} : memref<64x512xf32, #tpu.memory_space<vmem>>, vector<16xf32>,
      %parallel_loop3A_351 = arith.index_cast %parallel_loop3A_302 : i32 to index
      %parallel_loop3A_352 = arith.constant 256 : index
      %parallel_loop3A_353 = tpu.vector_load %arg8[%parallel_loop3A_351, %parallel_loop3A_352] {strides = array<i32>} : memref<64x512xf32, #tpu.memory_space<vmem>>, vector<16xf32>,
      %parallel_loop3A_354 = arith.index_cast %parallel_loop3A_302 : i32 to index
      %parallel_loop3A_355 = arith.constant 272 : index
      %parallel_loop3A_356 = tpu.vector_load %arg8[%parallel_loop3A_354, %parallel_loop3A_355] {strides = array<i32>} : memref<64x512xf32, #tpu.memory_space<vmem>>, vector<16xf32>,
      %parallel_loop3A_357 = arith.index_cast %parallel_loop3A_302 : i32 to index
      %parallel_loop3A_358 = arith.constant 288 : index
      %parallel_loop3A_359 = tpu.vector_load %arg8[%parallel_loop3A_357, %parallel_loop3A_358] {strides = array<i32>} : memref<64x512xf32, #tpu.memory_space<vmem>>, vector<16xf32>,
      %parallel_loop3A_360 = arith.index_cast %parallel_loop3A_302 : i32 to index
      %parallel_loop3A_361 = arith.constant 304 : index
      %parallel_loop3A_362 = tpu.vector_load %arg8[%parallel_loop3A_360, %parallel_loop3A_361] {strides = array<i32>} : memref<64x512xf32, #tpu.memory_space<vmem>>, vector<16xf32>,
      %parallel_loop3A_363 = arith.index_cast %parallel_loop3A_302 : i32 to index
      %parallel_loop3A_364 = arith.constant 320 : index
      %parallel_loop3A_365 = tpu.vector_load %arg8[%parallel_loop3A_363, %parallel_loop3A_364] {strides = array<i32>} : memref<64x512xf32, #tpu.memory_space<vmem>>, vector<16xf32>,
      %parallel_loop3A_366 = arith.index_cast %parallel_loop3A_302 : i32 to index
      %parallel_loop3A_367 = arith.constant 336 : index
      %parallel_loop3A_368 = tpu.vector_load %arg8[%parallel_loop3A_366, %parallel_loop3A_367] {strides = array<i32>} : memref<64x512xf32, #tpu.memory_space<vmem>>, vector<16xf32>,
      %parallel_loop3A_369 = arith.index_cast %parallel_loop3A_302 : i32 to index
      %parallel_loop3A_370 = arith.constant 352 : index
      %parallel_loop3A_371 = tpu.vector_load %arg8[%parallel_loop3A_369, %parallel_loop3A_370] {strides = array<i32>} : memref<64x512xf32, #tpu.memory_space<vmem>>, vector<16xf32>,
      %parallel_loop3A_372 = arith.index_cast %parallel_loop3A_302 : i32 to index
      %parallel_loop3A_373 = arith.constant 368 : index
      %parallel_loop3A_374 = tpu.vector_load %arg8[%parallel_loop3A_372, %parallel_loop3A_373] {strides = array<i32>} : memref<64x512xf32, #tpu.memory_space<vmem>>, vector<16xf32>,
      %parallel_loop3A_375 = arith.index_cast %parallel_loop3A_302 : i32 to index
      %parallel_loop3A_376 = arith.constant 384 : index
      %parallel_loop3A_377 = tpu.vector_load %arg8[%parallel_loop3A_375, %parallel_loop3A_376] {strides = array<i32>} : memref<64x512xf32, #tpu.memory_space<vmem>>, vector<16xf32>,
      %parallel_loop3A_378 = arith.index_cast %parallel_loop3A_302 : i32 to index
      %parallel_loop3A_379 = arith.constant 400 : index
      %parallel_loop3A_380 = tpu.vector_load %arg8[%parallel_loop3A_378, %parallel_loop3A_379] {strides = array<i32>} : memref<64x512xf32, #tpu.memory_space<vmem>>, vector<16xf32>,
      %parallel_loop3A_381 = arith.index_cast %parallel_loop3A_302 : i32 to index
      %parallel_loop3A_382 = arith.constant 416 : index
      %parallel_loop3A_383 = tpu.vector_load %arg8[%parallel_loop3A_381, %parallel_loop3A_382] {strides = array<i32>} : memref<64x512xf32, #tpu.memory_space<vmem>>, vector<16xf32>,
      %parallel_loop3A_384 = arith.index_cast %parallel_loop3A_302 : i32 to index
      %parallel_loop3A_385 = arith.constant 432 : index
      %parallel_loop3A_386 = tpu.vector_load %arg8[%parallel_loop3A_384, %parallel_loop3A_385] {strides = array<i32>} : memref<64x512xf32, #tpu.memory_space<vmem>>, vector<16xf32>,
      %parallel_loop3A_387 = arith.index_cast %parallel_loop3A_302 : i32 to index
      %parallel_loop3A_388 = arith.constant 448 : index
      %parallel_loop3A_389 = tpu.vector_load %arg8[%parallel_loop3A_387, %parallel_loop3A_388] {strides = array<i32>} : memref<64x512xf32, #tpu.memory_space<vmem>>, vector<16xf32>,
      %parallel_loop3A_390 = arith.index_cast %parallel_loop3A_302 : i32 to index
      %parallel_loop3A_391 = arith.constant 464 : index
      %parallel_loop3A_392 = tpu.vector_load %arg8[%parallel_loop3A_390, %parallel_loop3A_391] {strides = array<i32>} : memref<64x512xf32, #tpu.memory_space<vmem>>, vector<16xf32>,
      %parallel_loop3A_393 = arith.index_cast %parallel_loop3A_302 : i32 to index
      %parallel_loop3A_394 = arith.constant 480 : index
      %parallel_loop3A_395 = tpu.vector_load %arg8[%parallel_loop3A_393, %parallel_loop3A_394] {strides = array<i32>} : memref<64x512xf32, #tpu.memory_space<vmem>>, vector<16xf32>,
      %parallel_loop3A_396 = arith.index_cast %parallel_loop3A_302 : i32 to index
      %parallel_loop3A_397 = arith.constant 496 : index
      %parallel_loop3A_398 = tpu.vector_load %arg8[%parallel_loop3A_396, %parallel_loop3A_397] {strides = array<i32>} : memref<64x512xf32, #tpu.memory_space<vmem>>, vector<16xf32>,
      %parallel_loop3A_399 = arith.constant 0.000000e+00 : f32
      %parallel_loop3A_400 = vector.broadcast %parallel_loop3A_399 : f32 to vector<16xf32>
      %parallel_loop3A_401 = arith.constant 0.000000e+00 : f32
      %parallel_loop3A_402 = vector.broadcast %parallel_loop3A_401 : f32 to vector<16xf32>
      %parallel_loop3A_403 = arith.constant 0.000000e+00 : f32
      %parallel_loop3A_404 = vector.broadcast %parallel_loop3A_403 : f32 to vector<16xf32>
      %parallel_loop3A_405 = arith.constant 0.000000e+00 : f32
      %parallel_loop3A_406 = vector.broadcast %parallel_loop3A_405 : f32 to vector<16xf32>
      %parallel_loop3A_407 = arith.constant 0.000000e+00 : f32
      %parallel_loop3A_408 = vector.broadcast %parallel_loop3A_407 : f32 to vector<16xf32>
      %parallel_loop3A_409 = arith.constant 0.000000e+00 : f32
      %parallel_loop3A_410 = vector.broadcast %parallel_loop3A_409 : f32 to vector<16xf32>
      %parallel_loop3A_411 = arith.constant 0.000000e+00 : f32
      %parallel_loop3A_412 = vector.broadcast %parallel_loop3A_411 : f32 to vector<16xf32>
      %parallel_loop3A_413 = arith.constant 0.000000e+00 : f32
      %parallel_loop3A_414 = vector.broadcast %parallel_loop3A_413 : f32 to vector<16xf32>
      %parallel_loop3A_415 = arith.mulf %parallel_loop3A_305, %parallel_loop3A_305 : vector<16xf32>
      %parallel_loop3A_416 = arith.addf %parallel_loop3A_400, %parallel_loop3A_415 : vector<16xf32>
      %parallel_loop3A_417 = arith.mulf %parallel_loop3A_308, %parallel_loop3A_308 : vector<16xf32>
      %parallel_loop3A_418 = arith.addf %parallel_loop3A_402, %parallel_loop3A_417 : vector<16xf32>
      %parallel_loop3A_419 = arith.mulf %parallel_loop3A_311, %parallel_loop3A_311 : vector<16xf32>
      %parallel_loop3A_420 = arith.addf %parallel_loop3A_404, %parallel_loop3A_419 : vector<16xf32>
      %parallel_loop3A_421 = arith.mulf %parallel_loop3A_314, %parallel_loop3A_314 : vector<16xf32>
      %parallel_loop3A_422 = arith.addf %parallel_loop3A_406, %parallel_loop3A_421 : vector<16xf32>
      %parallel_loop3A_423 = arith.mulf %parallel_loop3A_317, %parallel_loop3A_317 : vector<16xf32>
      %parallel_loop3A_424 = arith.addf %parallel_loop3A_408, %parallel_loop3A_423 : vector<16xf32>
      %parallel_loop3A_425 = arith.mulf %parallel_loop3A_320, %parallel_loop3A_320 : vector<16xf32>
      %parallel_loop3A_426 = arith.addf %parallel_loop3A_410, %parallel_loop3A_425 : vector<16xf32>
      %parallel_loop3A_427 = arith.mulf %parallel_loop3A_323, %parallel_loop3A_323 : vector<16xf32>
      %parallel_loop3A_428 = arith.addf %parallel_loop3A_412, %parallel_loop3A_427 : vector<16xf32>
      %parallel_loop3A_429 = arith.mulf %parallel_loop3A_326, %parallel_loop3A_326 : vector<16xf32>
      %parallel_loop3A_430 = arith.addf %parallel_loop3A_414, %parallel_loop3A_429 : vector<16xf32>
      %parallel_loop3A_431 = arith.mulf %parallel_loop3A_329, %parallel_loop3A_329 : vector<16xf32>
      %parallel_loop3A_432 = arith.addf %parallel_loop3A_416, %parallel_loop3A_431 : vector<16xf32>
      %parallel_loop3A_433 = arith.mulf %parallel_loop3A_332, %parallel_loop3A_332 : vector<16xf32>
      %parallel_loop3A_434 = arith.addf %parallel_loop3A_418, %parallel_loop3A_433 : vector<16xf32>
      %parallel_loop3A_435 = arith.mulf %parallel_loop3A_335, %parallel_loop3A_335 : vector<16xf32>
      %parallel_loop3A_436 = arith.addf %parallel_loop3A_420, %parallel_loop3A_435 : vector<16xf32>
      %parallel_loop3A_437 = arith.mulf %parallel_loop3A_338, %parallel_loop3A_338 : vector<16xf32>
      %parallel_loop3A_438 = arith.addf %parallel_loop3A_422, %parallel_loop3A_437 : vector<16xf32>
      %parallel_loop3A_439 = arith.mulf %parallel_loop3A_341, %parallel_loop3A_341 : vector<16xf32>
      %parallel_loop3A_440 = arith.addf %parallel_loop3A_424, %parallel_loop3A_439 : vector<16xf32>
      %parallel_loop3A_441 = arith.mulf %parallel_loop3A_344, %parallel_loop3A_344 : vector<16xf32>
      %parallel_loop3A_442 = arith.addf %parallel_loop3A_426, %parallel_loop3A_441 : vector<16xf32>
      %parallel_loop3A_443 = arith.mulf %parallel_loop3A_347, %parallel_loop3A_347 : vector<16xf32>
      %parallel_loop3A_444 = arith.addf %parallel_loop3A_428, %parallel_loop3A_443 : vector<16xf32>
      %parallel_loop3A_445 = arith.mulf %parallel_loop3A_350, %parallel_loop3A_350 : vector<16xf32>
      %parallel_loop3A_446 = arith.addf %parallel_loop3A_430, %parallel_loop3A_445 : vector<16xf32>
      %parallel_loop3A_447 = arith.mulf %parallel_loop3A_353, %parallel_loop3A_353 : vector<16xf32>
      %parallel_loop3A_448 = arith.addf %parallel_loop3A_432, %parallel_loop3A_447 : vector<16xf32>
      %parallel_loop3A_449 = arith.mulf %parallel_loop3A_356, %parallel_loop3A_356 : vector<16xf32>
      %parallel_loop3A_450 = arith.addf %parallel_loop3A_434, %parallel_loop3A_449 : vector<16xf32>
      %parallel_loop3A_451 = arith.mulf %parallel_loop3A_359, %parallel_loop3A_359 : vector<16xf32>
      %parallel_loop3A_452 = arith.addf %parallel_loop3A_436, %parallel_loop3A_451 : vector<16xf32>
      %parallel_loop3A_453 = arith.mulf %parallel_loop3A_362, %parallel_loop3A_362 : vector<16xf32>
      %parallel_loop3A_454 = arith.addf %parallel_loop3A_438, %parallel_loop3A_453 : vector<16xf32>
      %parallel_loop3A_455 = arith.mulf %parallel_loop3A_365, %parallel_loop3A_365 : vector<16xf32>
      %parallel_loop3A_456 = arith.addf %parallel_loop3A_440, %parallel_loop3A_455 : vector<16xf32>
      %parallel_loop3A_457 = arith.mulf %parallel_loop3A_368, %parallel_loop3A_368 : vector<16xf32>
      %parallel_loop3A_458 = arith.addf %parallel_loop3A_442, %parallel_loop3A_457 : vector<16xf32>
      %parallel_loop3A_459 = arith.mulf %parallel_loop3A_371, %parallel_loop3A_371 : vector<16xf32>
      %parallel_loop3A_460 = arith.addf %parallel_loop3A_444, %parallel_loop3A_459 : vector<16xf32>
      %parallel_loop3A_461 = arith.mulf %parallel_loop3A_374, %parallel_loop3A_374 : vector<16xf32>
      %parallel_loop3A_462 = arith.addf %parallel_loop3A_446, %parallel_loop3A_461 : vector<16xf32>
      %parallel_loop3A_463 = arith.mulf %parallel_loop3A_377, %parallel_loop3A_377 : vector<16xf32>
      %parallel_loop3A_464 = arith.addf %parallel_loop3A_448, %parallel_loop3A_463 : vector<16xf32>
      %parallel_loop3A_465 = arith.mulf %parallel_loop3A_380, %parallel_loop3A_380 : vector<16xf32>
      %parallel_loop3A_466 = arith.addf %parallel_loop3A_450, %parallel_loop3A_465 : vector<16xf32>
      %parallel_loop3A_467 = arith.mulf %parallel_loop3A_383, %parallel_loop3A_383 : vector<16xf32>
      %parallel_loop3A_468 = arith.addf %parallel_loop3A_452, %parallel_loop3A_467 : vector<16xf32>
      %parallel_loop3A_469 = arith.mulf %parallel_loop3A_386, %parallel_loop3A_386 : vector<16xf32>
      %parallel_loop3A_470 = arith.addf %parallel_loop3A_454, %parallel_loop3A_469 : vector<16xf32>
      %parallel_loop3A_471 = arith.mulf %parallel_loop3A_389, %parallel_loop3A_389 : vector<16xf32>
      %parallel_loop3A_472 = arith.addf %parallel_loop3A_456, %parallel_loop3A_471 : vector<16xf32>
      %parallel_loop3A_473 = arith.mulf %parallel_loop3A_392, %parallel_loop3A_392 : vector<16xf32>
      %parallel_loop3A_474 = arith.addf %parallel_loop3A_458, %parallel_loop3A_473 : vector<16xf32>
      %parallel_loop3A_475 = arith.mulf %parallel_loop3A_395, %parallel_loop3A_395 : vector<16xf32>
      %parallel_loop3A_476 = arith.addf %parallel_loop3A_460, %parallel_loop3A_475 : vector<16xf32>
      %parallel_loop3A_477 = arith.mulf %parallel_loop3A_398, %parallel_loop3A_398 : vector<16xf32>
      %parallel_loop3A_478 = arith.addf %parallel_loop3A_462, %parallel_loop3A_477 : vector<16xf32>
      %parallel_loop3A_479 = arith.addf %parallel_loop3A_464, %parallel_loop3A_466 : vector<16xf32>
      %parallel_loop3A_480 = arith.addf %parallel_loop3A_468, %parallel_loop3A_470 : vector<16xf32>
      %parallel_loop3A_481 = arith.addf %parallel_loop3A_479, %parallel_loop3A_480 : vector<16xf32>
      %parallel_loop3A_482 = arith.addf %parallel_loop3A_472, %parallel_loop3A_474 : vector<16xf32>
      %parallel_loop3A_483 = arith.addf %parallel_loop3A_476, %parallel_loop3A_478 : vector<16xf32>
      %parallel_loop3A_484 = arith.addf %parallel_loop3A_482, %parallel_loop3A_483 : vector<16xf32>
      %parallel_loop3A_485 = arith.addf %parallel_loop3A_481, %parallel_loop3A_484 : vector<16xf32>
      %parallel_loop3A_486 = tpu.iota {dimensions = array<i32: 0>} : vector<16xi32>
      %parallel_loop3A_487 = arith.constant 8 : i32
      %parallel_loop3A_488 = vector.broadcast %parallel_loop3A_487 : i32 to vector<16xi32>
      %parallel_loop3A_489 = arith.xori %parallel_loop3A_486, %parallel_loop3A_488 : vector<16xi32>
      %parallel_loop3A_490 = vector.shape_cast %parallel_loop3A_489 : vector<16xi32> to vector<16x1xi32>
      %parallel_loop3A_491 = vector.shape_cast %parallel_loop3A_490 : vector<16x1xi32> to vector<16xi32>
      %parallel_loop3A_492 = tpu.dynamic_gather %parallel_loop3A_485[%parallel_loop3A_491] in [0] : vector<16xf32>, vector<16xi32> -> vector<16xf32>
      %parallel_loop3A_493 = arith.addf %parallel_loop3A_485, %parallel_loop3A_492 : vector<16xf32>
      %parallel_loop3A_494 = arith.constant 4 : i32
      %parallel_loop3A_495 = vector.broadcast %parallel_loop3A_494 : i32 to vector<16xi32>
      %parallel_loop3A_496 = arith.xori %parallel_loop3A_486, %parallel_loop3A_495 : vector<16xi32>
      %parallel_loop3A_497 = vector.shape_cast %parallel_loop3A_496 : vector<16xi32> to vector<16x1xi32>
      %parallel_loop3A_498 = vector.shape_cast %parallel_loop3A_497 : vector<16x1xi32> to vector<16xi32>
      %parallel_loop3A_499 = tpu.dynamic_gather %parallel_loop3A_493[%parallel_loop3A_498] in [0] : vector<16xf32>, vector<16xi32> -> vector<16xf32>
      %parallel_loop3A_500 = arith.addf %parallel_loop3A_493, %parallel_loop3A_499 : vector<16xf32>
      %parallel_loop3A_501 = arith.constant 2 : i32
      %parallel_loop3A_502 = vector.broadcast %parallel_loop3A_501 : i32 to vector<16xi32>
      %parallel_loop3A_503 = arith.xori %parallel_loop3A_486, %parallel_loop3A_502 : vector<16xi32>
      %parallel_loop3A_504 = vector.shape_cast %parallel_loop3A_503 : vector<16xi32> to vector<16x1xi32>
      %parallel_loop3A_505 = vector.shape_cast %parallel_loop3A_504 : vector<16x1xi32> to vector<16xi32>
      %parallel_loop3A_506 = tpu.dynamic_gather %parallel_loop3A_500[%parallel_loop3A_505] in [0] : vector<16xf32>, vector<16xi32> -> vector<16xf32>
      %parallel_loop3A_507 = arith.addf %parallel_loop3A_500, %parallel_loop3A_506 : vector<16xf32>
      %parallel_loop3A_508 = arith.constant 1 : i32
      %parallel_loop3A_509 = vector.broadcast %parallel_loop3A_508 : i32 to vector<16xi32>
      %parallel_loop3A_510 = arith.xori %parallel_loop3A_486, %parallel_loop3A_509 : vector<16xi32>
      %parallel_loop3A_511 = vector.shape_cast %parallel_loop3A_510 : vector<16xi32> to vector<16x1xi32>
      %parallel_loop3A_512 = vector.shape_cast %parallel_loop3A_511 : vector<16x1xi32> to vector<16xi32>
      %parallel_loop3A_513 = tpu.dynamic_gather %parallel_loop3A_507[%parallel_loop3A_512] in [0] : vector<16xf32>, vector<16xi32> -> vector<16xf32>
      %parallel_loop3A_514 = arith.addf %parallel_loop3A_507, %parallel_loop3A_513 : vector<16xf32>
      %parallel_loop3A_515 = arith.constant 5.000000e-01 : f32
      %parallel_loop3A_516 = vector.broadcast %parallel_loop3A_515 : f32 to vector<16xf32>
      %parallel_loop3A_517 = arith.mulf %parallel_loop3A_514, %parallel_loop3A_516 : vector<16xf32>
      %parallel_loop3A_518 = tpu.bitcast %parallel_loop3A_514 : vector<16xf32> -> vector<16xi32>
      %parallel_loop3A_519 = arith.constant 1 : i32
      %parallel_loop3A_520 = vector.broadcast %parallel_loop3A_519 : i32 to vector<16xi32>
      %parallel_loop3A_521 = arith.shrsi %parallel_loop3A_518, %parallel_loop3A_520 : vector<16xi32>
      %parallel_loop3A_522 = arith.constant 1597463007 : i32
      %parallel_loop3A_523 = vector.broadcast %parallel_loop3A_522 : i32 to vector<16xi32>
      %parallel_loop3A_524 = arith.subi %parallel_loop3A_523, %parallel_loop3A_521 : vector<16xi32>
      %parallel_loop3A_525 = tpu.bitcast %parallel_loop3A_524 : vector<16xi32> -> vector<16xf32>
      %parallel_loop3A_526 = arith.mulf %parallel_loop3A_517, %parallel_loop3A_525 : vector<16xf32>
      %parallel_loop3A_527 = arith.mulf %parallel_loop3A_526, %parallel_loop3A_525 : vector<16xf32>
      %parallel_loop3A_528 = arith.constant 1.500000e+00 : f32
      %parallel_loop3A_529 = vector.broadcast %parallel_loop3A_528 : f32 to vector<16xf32>
      %parallel_loop3A_530 = arith.subf %parallel_loop3A_529, %parallel_loop3A_527 : vector<16xf32>
      %parallel_loop3A_531 = arith.mulf %parallel_loop3A_525, %parallel_loop3A_530 : vector<16xf32>
      %parallel_loop3A_532 = arith.mulf %parallel_loop3A_517, %parallel_loop3A_531 : vector<16xf32>
      %parallel_loop3A_533 = arith.mulf %parallel_loop3A_532, %parallel_loop3A_531 : vector<16xf32>
      %parallel_loop3A_534 = arith.constant 1.500000e+00 : f32
      %parallel_loop3A_535 = vector.broadcast %parallel_loop3A_534 : f32 to vector<16xf32>
      %parallel_loop3A_536 = arith.subf %parallel_loop3A_535, %parallel_loop3A_533 : vector<16xf32>
      %parallel_loop3A_537 = arith.mulf %parallel_loop3A_531, %parallel_loop3A_536 : vector<16xf32>
      %parallel_loop3A_538 = arith.constant 1.000000e+06 : f32
      %parallel_loop3A_539 = vector.broadcast %parallel_loop3A_538 : f32 to vector<16xf32>
      %parallel_loop3A_540 = arith.minimumf %parallel_loop3A_537, %parallel_loop3A_539 : vector<16xf32>
      %parallel_loop3A_541 = arith.mulf %parallel_loop3A_305, %parallel_loop3A_540 : vector<16xf32>
      %parallel_loop3A_542 = arith.index_cast %parallel_loop3A_302 : i32 to index
      %parallel_loop3A_543 = arith.constant 0 : index
      %parallel_loop3A_544 = tpu.vector_load %arg8[%parallel_loop3A_542, %parallel_loop3A_543] {strides = array<i32>} : memref<64x512xf32, #tpu.memory_space<vmem>>, vector<16xf32>,
      tpu.vector_store %arg8[%parallel_loop3A_542, %parallel_loop3A_543], %parallel_loop3A_541 {strides = array<i32>} : memref<64x512xf32, #tpu.memory_space<vmem>>, vector<16xf32>,
      %parallel_loop3A_545 = arith.mulf %parallel_loop3A_308, %parallel_loop3A_540 : vector<16xf32>
      %parallel_loop3A_546 = arith.index_cast %parallel_loop3A_302 : i32 to index
      %parallel_loop3A_547 = arith.constant 16 : index
      %parallel_loop3A_548 = tpu.vector_load %arg8[%parallel_loop3A_546, %parallel_loop3A_547] {strides = array<i32>} : memref<64x512xf32, #tpu.memory_space<vmem>>, vector<16xf32>,
      tpu.vector_store %arg8[%parallel_loop3A_546, %parallel_loop3A_547], %parallel_loop3A_545 {strides = array<i32>} : memref<64x512xf32, #tpu.memory_space<vmem>>, vector<16xf32>,
      %parallel_loop3A_549 = arith.mulf %parallel_loop3A_311, %parallel_loop3A_540 : vector<16xf32>
      %parallel_loop3A_550 = arith.index_cast %parallel_loop3A_302 : i32 to index
      %parallel_loop3A_551 = arith.constant 32 : index
      %parallel_loop3A_552 = tpu.vector_load %arg8[%parallel_loop3A_550, %parallel_loop3A_551] {strides = array<i32>} : memref<64x512xf32, #tpu.memory_space<vmem>>, vector<16xf32>,
      tpu.vector_store %arg8[%parallel_loop3A_550, %parallel_loop3A_551], %parallel_loop3A_549 {strides = array<i32>} : memref<64x512xf32, #tpu.memory_space<vmem>>, vector<16xf32>,
      %parallel_loop3A_553 = arith.mulf %parallel_loop3A_314, %parallel_loop3A_540 : vector<16xf32>
      %parallel_loop3A_554 = arith.index_cast %parallel_loop3A_302 : i32 to index
      %parallel_loop3A_555 = arith.constant 48 : index
      %parallel_loop3A_556 = tpu.vector_load %arg8[%parallel_loop3A_554, %parallel_loop3A_555] {strides = array<i32>} : memref<64x512xf32, #tpu.memory_space<vmem>>, vector<16xf32>,
      tpu.vector_store %arg8[%parallel_loop3A_554, %parallel_loop3A_555], %parallel_loop3A_553 {strides = array<i32>} : memref<64x512xf32, #tpu.memory_space<vmem>>, vector<16xf32>,
      %parallel_loop3A_557 = arith.mulf %parallel_loop3A_317, %parallel_loop3A_540 : vector<16xf32>
      %parallel_loop3A_558 = arith.index_cast %parallel_loop3A_302 : i32 to index
      %parallel_loop3A_559 = arith.constant 64 : index
      %parallel_loop3A_560 = tpu.vector_load %arg8[%parallel_loop3A_558, %parallel_loop3A_559] {strides = array<i32>} : memref<64x512xf32, #tpu.memory_space<vmem>>, vector<16xf32>,
      tpu.vector_store %arg8[%parallel_loop3A_558, %parallel_loop3A_559], %parallel_loop3A_557 {strides = array<i32>} : memref<64x512xf32, #tpu.memory_space<vmem>>, vector<16xf32>,
      %parallel_loop3A_561 = arith.mulf %parallel_loop3A_320, %parallel_loop3A_540 : vector<16xf32>
      %parallel_loop3A_562 = arith.index_cast %parallel_loop3A_302 : i32 to index
      %parallel_loop3A_563 = arith.constant 80 : index
      %parallel_loop3A_564 = tpu.vector_load %arg8[%parallel_loop3A_562, %parallel_loop3A_563] {strides = array<i32>} : memref<64x512xf32, #tpu.memory_space<vmem>>, vector<16xf32>,
      tpu.vector_store %arg8[%parallel_loop3A_562, %parallel_loop3A_563], %parallel_loop3A_561 {strides = array<i32>} : memref<64x512xf32, #tpu.memory_space<vmem>>, vector<16xf32>,
      %parallel_loop3A_565 = arith.mulf %parallel_loop3A_323, %parallel_loop3A_540 : vector<16xf32>
      %parallel_loop3A_566 = arith.index_cast %parallel_loop3A_302 : i32 to index
      %parallel_loop3A_567 = arith.constant 96 : index
      %parallel_loop3A_568 = tpu.vector_load %arg8[%parallel_loop3A_566, %parallel_loop3A_567] {strides = array<i32>} : memref<64x512xf32, #tpu.memory_space<vmem>>, vector<16xf32>,
      tpu.vector_store %arg8[%parallel_loop3A_566, %parallel_loop3A_567], %parallel_loop3A_565 {strides = array<i32>} : memref<64x512xf32, #tpu.memory_space<vmem>>, vector<16xf32>,
      %parallel_loop3A_569 = arith.mulf %parallel_loop3A_326, %parallel_loop3A_540 : vector<16xf32>
      %parallel_loop3A_570 = arith.index_cast %parallel_loop3A_302 : i32 to index
      %parallel_loop3A_571 = arith.constant 112 : index
      %parallel_loop3A_572 = tpu.vector_load %arg8[%parallel_loop3A_570, %parallel_loop3A_571] {strides = array<i32>} : memref<64x512xf32, #tpu.memory_space<vmem>>, vector<16xf32>,
      tpu.vector_store %arg8[%parallel_loop3A_570, %parallel_loop3A_571], %parallel_loop3A_569 {strides = array<i32>} : memref<64x512xf32, #tpu.memory_space<vmem>>, vector<16xf32>,
      %parallel_loop3A_573 = arith.mulf %parallel_loop3A_329, %parallel_loop3A_540 : vector<16xf32>
      %parallel_loop3A_574 = arith.index_cast %parallel_loop3A_302 : i32 to index
      %parallel_loop3A_575 = arith.constant 128 : index
      %parallel_loop3A_576 = tpu.vector_load %arg8[%parallel_loop3A_574, %parallel_loop3A_575] {strides = array<i32>} : memref<64x512xf32, #tpu.memory_space<vmem>>, vector<16xf32>,
      tpu.vector_store %arg8[%parallel_loop3A_574, %parallel_loop3A_575], %parallel_loop3A_573 {strides = array<i32>} : memref<64x512xf32, #tpu.memory_space<vmem>>, vector<16xf32>,
      %parallel_loop3A_577 = arith.mulf %parallel_loop3A_332, %parallel_loop3A_540 : vector<16xf32>
      %parallel_loop3A_578 = arith.index_cast %parallel_loop3A_302 : i32 to index
      %parallel_loop3A_579 = arith.constant 144 : index
      %parallel_loop3A_580 = tpu.vector_load %arg8[%parallel_loop3A_578, %parallel_loop3A_579] {strides = array<i32>} : memref<64x512xf32, #tpu.memory_space<vmem>>, vector<16xf32>,
      tpu.vector_store %arg8[%parallel_loop3A_578, %parallel_loop3A_579], %parallel_loop3A_577 {strides = array<i32>} : memref<64x512xf32, #tpu.memory_space<vmem>>, vector<16xf32>,
      %parallel_loop3A_581 = arith.mulf %parallel_loop3A_335, %parallel_loop3A_540 : vector<16xf32>
      %parallel_loop3A_582 = arith.index_cast %parallel_loop3A_302 : i32 to index
      %parallel_loop3A_583 = arith.constant 160 : index
      %parallel_loop3A_584 = tpu.vector_load %arg8[%parallel_loop3A_582, %parallel_loop3A_583] {strides = array<i32>} : memref<64x512xf32, #tpu.memory_space<vmem>>, vector<16xf32>,
      tpu.vector_store %arg8[%parallel_loop3A_582, %parallel_loop3A_583], %parallel_loop3A_581 {strides = array<i32>} : memref<64x512xf32, #tpu.memory_space<vmem>>, vector<16xf32>,
      %parallel_loop3A_585 = arith.mulf %parallel_loop3A_338, %parallel_loop3A_540 : vector<16xf32>
      %parallel_loop3A_586 = arith.index_cast %parallel_loop3A_302 : i32 to index
      %parallel_loop3A_587 = arith.constant 176 : index
      %parallel_loop3A_588 = tpu.vector_load %arg8[%parallel_loop3A_586, %parallel_loop3A_587] {strides = array<i32>} : memref<64x512xf32, #tpu.memory_space<vmem>>, vector<16xf32>,
      tpu.vector_store %arg8[%parallel_loop3A_586, %parallel_loop3A_587], %parallel_loop3A_585 {strides = array<i32>} : memref<64x512xf32, #tpu.memory_space<vmem>>, vector<16xf32>,
      %parallel_loop3A_589 = arith.mulf %parallel_loop3A_341, %parallel_loop3A_540 : vector<16xf32>
      %parallel_loop3A_590 = arith.index_cast %parallel_loop3A_302 : i32 to index
      %parallel_loop3A_591 = arith.constant 192 : index
      %parallel_loop3A_592 = tpu.vector_load %arg8[%parallel_loop3A_590, %parallel_loop3A_591] {strides = array<i32>} : memref<64x512xf32, #tpu.memory_space<vmem>>, vector<16xf32>,
      tpu.vector_store %arg8[%parallel_loop3A_590, %parallel_loop3A_591], %parallel_loop3A_589 {strides = array<i32>} : memref<64x512xf32, #tpu.memory_space<vmem>>, vector<16xf32>,
      %parallel_loop3A_593 = arith.mulf %parallel_loop3A_344, %parallel_loop3A_540 : vector<16xf32>
      %parallel_loop3A_594 = arith.index_cast %parallel_loop3A_302 : i32 to index
      %parallel_loop3A_595 = arith.constant 208 : index
      %parallel_loop3A_596 = tpu.vector_load %arg8[%parallel_loop3A_594, %parallel_loop3A_595] {strides = array<i32>} : memref<64x512xf32, #tpu.memory_space<vmem>>, vector<16xf32>,
      tpu.vector_store %arg8[%parallel_loop3A_594, %parallel_loop3A_595], %parallel_loop3A_593 {strides = array<i32>} : memref<64x512xf32, #tpu.memory_space<vmem>>, vector<16xf32>,
      %parallel_loop3A_597 = arith.mulf %parallel_loop3A_347, %parallel_loop3A_540 : vector<16xf32>
      %parallel_loop3A_598 = arith.index_cast %parallel_loop3A_302 : i32 to index
      %parallel_loop3A_599 = arith.constant 224 : index
      %parallel_loop3A_600 = tpu.vector_load %arg8[%parallel_loop3A_598, %parallel_loop3A_599] {strides = array<i32>} : memref<64x512xf32, #tpu.memory_space<vmem>>, vector<16xf32>,
      tpu.vector_store %arg8[%parallel_loop3A_598, %parallel_loop3A_599], %parallel_loop3A_597 {strides = array<i32>} : memref<64x512xf32, #tpu.memory_space<vmem>>, vector<16xf32>,
      %parallel_loop3A_601 = arith.mulf %parallel_loop3A_350, %parallel_loop3A_540 : vector<16xf32>
      %parallel_loop3A_602 = arith.index_cast %parallel_loop3A_302 : i32 to index
      %parallel_loop3A_603 = arith.constant 240 : index
      %parallel_loop3A_604 = tpu.vector_load %arg8[%parallel_loop3A_602, %parallel_loop3A_603] {strides = array<i32>} : memref<64x512xf32, #tpu.memory_space<vmem>>, vector<16xf32>,
      tpu.vector_store %arg8[%parallel_loop3A_602, %parallel_loop3A_603], %parallel_loop3A_601 {strides = array<i32>} : memref<64x512xf32, #tpu.memory_space<vmem>>, vector<16xf32>,
      %parallel_loop3A_605 = arith.mulf %parallel_loop3A_353, %parallel_loop3A_540 : vector<16xf32>
      %parallel_loop3A_606 = arith.index_cast %parallel_loop3A_302 : i32 to index
      %parallel_loop3A_607 = arith.constant 256 : index
      %parallel_loop3A_608 = tpu.vector_load %arg8[%parallel_loop3A_606, %parallel_loop3A_607] {strides = array<i32>} : memref<64x512xf32, #tpu.memory_space<vmem>>, vector<16xf32>,
      tpu.vector_store %arg8[%parallel_loop3A_606, %parallel_loop3A_607], %parallel_loop3A_605 {strides = array<i32>} : memref<64x512xf32, #tpu.memory_space<vmem>>, vector<16xf32>,
      %parallel_loop3A_609 = arith.mulf %parallel_loop3A_356, %parallel_loop3A_540 : vector<16xf32>
      %parallel_loop3A_610 = arith.index_cast %parallel_loop3A_302 : i32 to index
      %parallel_loop3A_611 = arith.constant 272 : index
      %parallel_loop3A_612 = tpu.vector_load %arg8[%parallel_loop3A_610, %parallel_loop3A_611] {strides = array<i32>} : memref<64x512xf32, #tpu.memory_space<vmem>>, vector<16xf32>,
      tpu.vector_store %arg8[%parallel_loop3A_610, %parallel_loop3A_611], %parallel_loop3A_609 {strides = array<i32>} : memref<64x512xf32, #tpu.memory_space<vmem>>, vector<16xf32>,
      %parallel_loop3A_613 = arith.mulf %parallel_loop3A_359, %parallel_loop3A_540 : vector<16xf32>
      %parallel_loop3A_614 = arith.index_cast %parallel_loop3A_302 : i32 to index
      %parallel_loop3A_615 = arith.constant 288 : index
      %parallel_loop3A_616 = tpu.vector_load %arg8[%parallel_loop3A_614, %parallel_loop3A_615] {strides = array<i32>} : memref<64x512xf32, #tpu.memory_space<vmem>>, vector<16xf32>,
      tpu.vector_store %arg8[%parallel_loop3A_614, %parallel_loop3A_615], %parallel_loop3A_613 {strides = array<i32>} : memref<64x512xf32, #tpu.memory_space<vmem>>, vector<16xf32>,
      %parallel_loop3A_617 = arith.mulf %parallel_loop3A_362, %parallel_loop3A_540 : vector<16xf32>
      %parallel_loop3A_618 = arith.index_cast %parallel_loop3A_302 : i32 to index
      %parallel_loop3A_619 = arith.constant 304 : index
      %parallel_loop3A_620 = tpu.vector_load %arg8[%parallel_loop3A_618, %parallel_loop3A_619] {strides = array<i32>} : memref<64x512xf32, #tpu.memory_space<vmem>>, vector<16xf32>,
      tpu.vector_store %arg8[%parallel_loop3A_618, %parallel_loop3A_619], %parallel_loop3A_617 {strides = array<i32>} : memref<64x512xf32, #tpu.memory_space<vmem>>, vector<16xf32>,
      %parallel_loop3A_621 = arith.mulf %parallel_loop3A_365, %parallel_loop3A_540 : vector<16xf32>
      %parallel_loop3A_622 = arith.index_cast %parallel_loop3A_302 : i32 to index
      %parallel_loop3A_623 = arith.constant 320 : index
      %parallel_loop3A_624 = tpu.vector_load %arg8[%parallel_loop3A_622, %parallel_loop3A_623] {strides = array<i32>} : memref<64x512xf32, #tpu.memory_space<vmem>>, vector<16xf32>,
      tpu.vector_store %arg8[%parallel_loop3A_622, %parallel_loop3A_623], %parallel_loop3A_621 {strides = array<i32>} : memref<64x512xf32, #tpu.memory_space<vmem>>, vector<16xf32>,
      %parallel_loop3A_625 = arith.mulf %parallel_loop3A_368, %parallel_loop3A_540 : vector<16xf32>
      %parallel_loop3A_626 = arith.index_cast %parallel_loop3A_302 : i32 to index
      %parallel_loop3A_627 = arith.constant 336 : index
      %parallel_loop3A_628 = tpu.vector_load %arg8[%parallel_loop3A_626, %parallel_loop3A_627] {strides = array<i32>} : memref<64x512xf32, #tpu.memory_space<vmem>>, vector<16xf32>,
      tpu.vector_store %arg8[%parallel_loop3A_626, %parallel_loop3A_627], %parallel_loop3A_625 {strides = array<i32>} : memref<64x512xf32, #tpu.memory_space<vmem>>, vector<16xf32>,
      %parallel_loop3A_629 = arith.mulf %parallel_loop3A_371, %parallel_loop3A_540 : vector<16xf32>
      %parallel_loop3A_630 = arith.index_cast %parallel_loop3A_302 : i32 to index
      %parallel_loop3A_631 = arith.constant 352 : index
      %parallel_loop3A_632 = tpu.vector_load %arg8[%parallel_loop3A_630, %parallel_loop3A_631] {strides = array<i32>} : memref<64x512xf32, #tpu.memory_space<vmem>>, vector<16xf32>,
      tpu.vector_store %arg8[%parallel_loop3A_630, %parallel_loop3A_631], %parallel_loop3A_629 {strides = array<i32>} : memref<64x512xf32, #tpu.memory_space<vmem>>, vector<16xf32>,
      %parallel_loop3A_633 = arith.mulf %parallel_loop3A_374, %parallel_loop3A_540 : vector<16xf32>
      %parallel_loop3A_634 = arith.index_cast %parallel_loop3A_302 : i32 to index
      %parallel_loop3A_635 = arith.constant 368 : index
      %parallel_loop3A_636 = tpu.vector_load %arg8[%parallel_loop3A_634, %parallel_loop3A_635] {strides = array<i32>} : memref<64x512xf32, #tpu.memory_space<vmem>>, vector<16xf32>,
      tpu.vector_store %arg8[%parallel_loop3A_634, %parallel_loop3A_635], %parallel_loop3A_633 {strides = array<i32>} : memref<64x512xf32, #tpu.memory_space<vmem>>, vector<16xf32>,
      %parallel_loop3A_637 = arith.mulf %parallel_loop3A_377, %parallel_loop3A_540 : vector<16xf32>
      %parallel_loop3A_638 = arith.index_cast %parallel_loop3A_302 : i32 to index
      %parallel_loop3A_639 = arith.constant 384 : index
      %parallel_loop3A_640 = tpu.vector_load %arg8[%parallel_loop3A_638, %parallel_loop3A_639] {strides = array<i32>} : memref<64x512xf32, #tpu.memory_space<vmem>>, vector<16xf32>,
      tpu.vector_store %arg8[%parallel_loop3A_638, %parallel_loop3A_639], %parallel_loop3A_637 {strides = array<i32>} : memref<64x512xf32, #tpu.memory_space<vmem>>, vector<16xf32>,
      %parallel_loop3A_641 = arith.mulf %parallel_loop3A_380, %parallel_loop3A_540 : vector<16xf32>
      %parallel_loop3A_642 = arith.index_cast %parallel_loop3A_302 : i32 to index
      %parallel_loop3A_643 = arith.constant 400 : index
      %parallel_loop3A_644 = tpu.vector_load %arg8[%parallel_loop3A_642, %parallel_loop3A_643] {strides = array<i32>} : memref<64x512xf32, #tpu.memory_space<vmem>>, vector<16xf32>,
      tpu.vector_store %arg8[%parallel_loop3A_642, %parallel_loop3A_643], %parallel_loop3A_641 {strides = array<i32>} : memref<64x512xf32, #tpu.memory_space<vmem>>, vector<16xf32>,
      %parallel_loop3A_645 = arith.mulf %parallel_loop3A_383, %parallel_loop3A_540 : vector<16xf32>
      %parallel_loop3A_646 = arith.index_cast %parallel_loop3A_302 : i32 to index
      %parallel_loop3A_647 = arith.constant 416 : index
      %parallel_loop3A_648 = tpu.vector_load %arg8[%parallel_loop3A_646, %parallel_loop3A_647] {strides = array<i32>} : memref<64x512xf32, #tpu.memory_space<vmem>>, vector<16xf32>,
      tpu.vector_store %arg8[%parallel_loop3A_646, %parallel_loop3A_647], %parallel_loop3A_645 {strides = array<i32>} : memref<64x512xf32, #tpu.memory_space<vmem>>, vector<16xf32>,
      %parallel_loop3A_649 = arith.mulf %parallel_loop3A_386, %parallel_loop3A_540 : vector<16xf32>
      %parallel_loop3A_650 = arith.index_cast %parallel_loop3A_302 : i32 to index
      %parallel_loop3A_651 = arith.constant 432 : index
      %parallel_loop3A_652 = tpu.vector_load %arg8[%parallel_loop3A_650, %parallel_loop3A_651] {strides = array<i32>} : memref<64x512xf32, #tpu.memory_space<vmem>>, vector<16xf32>,
      tpu.vector_store %arg8[%parallel_loop3A_650, %parallel_loop3A_651], %parallel_loop3A_649 {strides = array<i32>} : memref<64x512xf32, #tpu.memory_space<vmem>>, vector<16xf32>,
      %parallel_loop3A_653 = arith.mulf %parallel_loop3A_389, %parallel_loop3A_540 : vector<16xf32>
      %parallel_loop3A_654 = arith.index_cast %parallel_loop3A_302 : i32 to index
      %parallel_loop3A_655 = arith.constant 448 : index
      %parallel_loop3A_656 = tpu.vector_load %arg8[%parallel_loop3A_654, %parallel_loop3A_655] {strides = array<i32>} : memref<64x512xf32, #tpu.memory_space<vmem>>, vector<16xf32>,
      tpu.vector_store %arg8[%parallel_loop3A_654, %parallel_loop3A_655], %parallel_loop3A_653 {strides = array<i32>} : memref<64x512xf32, #tpu.memory_space<vmem>>, vector<16xf32>,
      %parallel_loop3A_657 = arith.mulf %parallel_loop3A_392, %parallel_loop3A_540 : vector<16xf32>
      %parallel_loop3A_658 = arith.index_cast %parallel_loop3A_302 : i32 to index
      %parallel_loop3A_659 = arith.constant 464 : index
      %parallel_loop3A_660 = tpu.vector_load %arg8[%parallel_loop3A_658, %parallel_loop3A_659] {strides = array<i32>} : memref<64x512xf32, #tpu.memory_space<vmem>>, vector<16xf32>,
      tpu.vector_store %arg8[%parallel_loop3A_658, %parallel_loop3A_659], %parallel_loop3A_657 {strides = array<i32>} : memref<64x512xf32, #tpu.memory_space<vmem>>, vector<16xf32>,
      %parallel_loop3A_661 = arith.mulf %parallel_loop3A_395, %parallel_loop3A_540 : vector<16xf32>
      %parallel_loop3A_662 = arith.index_cast %parallel_loop3A_302 : i32 to index
      %parallel_loop3A_663 = arith.constant 480 : index
      %parallel_loop3A_664 = tpu.vector_load %arg8[%parallel_loop3A_662, %parallel_loop3A_663] {strides = array<i32>} : memref<64x512xf32, #tpu.memory_space<vmem>>, vector<16xf32>,
      tpu.vector_store %arg8[%parallel_loop3A_662, %parallel_loop3A_663], %parallel_loop3A_661 {strides = array<i32>} : memref<64x512xf32, #tpu.memory_space<vmem>>, vector<16xf32>,
      %parallel_loop3A_665 = arith.mulf %parallel_loop3A_398, %parallel_loop3A_540 : vector<16xf32>
      %parallel_loop3A_666 = arith.index_cast %parallel_loop3A_302 : i32 to index
      %parallel_loop3A_667 = arith.constant 496 : index
      %parallel_loop3A_668 = tpu.vector_load %arg8[%parallel_loop3A_666, %parallel_loop3A_667] {strides = array<i32>} : memref<64x512xf32, #tpu.memory_space<vmem>>, vector<16xf32>,
      tpu.vector_store %arg8[%parallel_loop3A_666, %parallel_loop3A_667], %parallel_loop3A_665 {strides = array<i32>} : memref<64x512xf32, #tpu.memory_space<vmem>>, vector<16xf32>,
    } {sc.loop_unroll_factor = 1 : i64, sc.parallel_access}
    %add3A_86 = arith.constant 0 : i32
    %add3A_87 = arith.addi %mul3A_49, %add3A_86 : i32
    %dma_start3A_88 = arith.constant 0 : i32
    %dma_start3A_89 = arith.constant 0 : i32
    %dma_start3A_90 = tpu.memref_slice %arg8[%dma_start3A_88, %dma_start3A_89] : memref<64x512xf32, #tpu.memory_space<vmem>> -> memref<32x512xf32, #tpu.memory_space<vmem>>
    %dma_start3A_91 = arith.constant 0 : i32
    %dma_start3A_92 = tpu.memref_slice %arg5[%add3A_87, %dma_start3A_91] : memref<8192x512xf32, #tpu.memory_space<hbm>> -> memref<32x512xf32, #tpu.memory_space<hbm>>
    %dma_start3A_93 = arith.constant 0 : i32
    %dma_start3A_94 = tpu.memref_slice %arg5[%add3A_87, %dma_start3A_93] : memref<8192x512xf32, #tpu.memory_space<hbm>> -> memref<32x512xf32, #tpu.memory_space<hbm>>
    %dma_start3A_95 = arith.constant 0 : i32
    %dma_start3A_96 = arith.constant 0 : i32
    %dma_start3A_97 = tpu.memref_slice %arg8[%dma_start3A_95, %dma_start3A_96] : memref<64x512xf32, #tpu.memory_space<vmem>> -> memref<32x512xf32, #tpu.memory_space<vmem>>
    tpu.enqueue_dma source(%dma_start3A_97 : memref<32x512xf32, #tpu.memory_space<vmem>>) target(%dma_start3A_94 : memref<32x512xf32, #tpu.memory_space<hbm>>) target_semaphore(%arg14 : memref<!tpu.dma_semaphore, #tpu.memory_space<semaphore_mem>>)
    %add3A_98 = arith.constant 96 : i32
    %add3A_99 = arith.addi %multiple_of3A, %add3A_98 : i32
    %dma_start3A_100 = arith.constant 0 : i32
    %dma_start3A_101 = arith.constant 0 : i32
    %dma_start3A_102 = tpu.memref_slice %arg10[%dma_start3A_100, %dma_start3A_101] : memref<64x512xf32, #tpu.memory_space<vmem>> -> memref<64x512xf32, #tpu.memory_space<vmem>>
    %dma_start3A_103 = arith.constant 0 : i32
    %dma_start3A_104 = tpu.memref_slice %arg2[%add3A_99, %dma_start3A_103] : memref<32768x512xf32, #tpu.memory_space<hbm>> -> memref<64x512xf32, #tpu.memory_space<hbm>>
    %dma_start3A_105 = arith.constant 0 : i32
    %dma_start3A_106 = arith.constant 0 : i32
    %dma_start3A_107 = tpu.memref_slice %arg10[%dma_start3A_105, %dma_start3A_106] : memref<64x512xf32, #tpu.memory_space<vmem>> -> memref<64x512xf32, #tpu.memory_space<vmem>>
    %dma_start3A_108 = arith.constant 0 : i32
    %dma_start3A_109 = tpu.memref_slice %arg2[%add3A_99, %dma_start3A_108] : memref<32768x512xf32, #tpu.memory_space<hbm>> -> memref<64x512xf32, #tpu.memory_space<hbm>>
    tpu.enqueue_dma source(%dma_start3A_109 : memref<64x512xf32, #tpu.memory_space<hbm>>) target(%dma_start3A_107 : memref<64x512xf32, #tpu.memory_space<vmem>>) target_semaphore(%arg13 : memref<!tpu.dma_semaphore, #tpu.memory_space<semaphore_mem>>)
    %add3A_110 = arith.constant 32 : i32
    %add3A_111 = arith.addi %multiple_of3A, %add3A_110 : i32
    %dma_wait3A_112 = arith.constant 0 : i32
    %dma_wait3A_113 = arith.constant 0 : i32
    %dma_wait3A_114 = tpu.memref_slice %arg9[%dma_wait3A_112, %dma_wait3A_113] : memref<64x512xf32, #tpu.memory_space<vmem>> -> memref<64x512xf32, #tpu.memory_space<vmem>>
    %dma_wait3A_115 = arith.constant 0 : i32
    %dma_wait3A_116 = tpu.memref_slice %arg2[%add3A_111, %dma_wait3A_115] : memref<32768x512xf32, #tpu.memory_space<hbm>> -> memref<64x512xf32, #tpu.memory_space<hbm>>
    %dma_wait3A_117 = arith.constant 0 : i32
    %dma_wait3A_118 = arith.constant 0 : i32
    %dma_wait3A_119 = tpu.memref_slice %arg9[%dma_wait3A_117, %dma_wait3A_118] : memref<64x512xf32, #tpu.memory_space<vmem>> -> memref<64x512xf32, #tpu.memory_space<vmem>>
    %dma_wait3A_120 = arith.constant 0 : i32
    %dma_wait3A_121 = tpu.memref_slice %arg2[%add3A_111, %dma_wait3A_120] : memref<32768x512xf32, #tpu.memory_space<hbm>> -> memref<64x512xf32, #tpu.memory_space<hbm>>
    tpu.wait_dma2 semaphore(%arg12 : memref<!tpu.dma_semaphore, #tpu.memory_space<semaphore_mem>>) src(%dma_wait3A_121 : memref<64x512xf32, #tpu.memory_space<hbm>>) dst(%dma_wait3A_119 : memref<64x512xf32, #tpu.memory_space<vmem>>)
    %parallel_loop3A_122 = arith.constant 0 : i32
    %parallel_loop3A_123 = arith.constant 64 : i32
    %parallel_loop3A_124 = arith.constant 1 : i32
    scf.for %parallel_loop3A_302 = %parallel_loop3A_122 to %parallel_loop3A_123 step %parallel_loop3A_124  : i32 {
      %parallel_loop3A_303 = arith.index_cast %parallel_loop3A_302 : i32 to index
      %parallel_loop3A_304 = arith.constant 0 : index
      %parallel_loop3A_305 = tpu.vector_load %arg9[%parallel_loop3A_303, %parallel_loop3A_304] {strides = array<i32>} : memref<64x512xf32, #tpu.memory_space<vmem>>, vector<16xf32>,
      %parallel_loop3A_306 = arith.index_cast %parallel_loop3A_302 : i32 to index
      %parallel_loop3A_307 = arith.constant 16 : index
      %parallel_loop3A_308 = tpu.vector_load %arg9[%parallel_loop3A_306, %parallel_loop3A_307] {strides = array<i32>} : memref<64x512xf32, #tpu.memory_space<vmem>>, vector<16xf32>,
      %parallel_loop3A_309 = arith.index_cast %parallel_loop3A_302 : i32 to index
      %parallel_loop3A_310 = arith.constant 32 : index
      %parallel_loop3A_311 = tpu.vector_load %arg9[%parallel_loop3A_309, %parallel_loop3A_310] {strides = array<i32>} : memref<64x512xf32, #tpu.memory_space<vmem>>, vector<16xf32>,
      %parallel_loop3A_312 = arith.index_cast %parallel_loop3A_302 : i32 to index
      %parallel_loop3A_313 = arith.constant 48 : index
      %parallel_loop3A_314 = tpu.vector_load %arg9[%parallel_loop3A_312, %parallel_loop3A_313] {strides = array<i32>} : memref<64x512xf32, #tpu.memory_space<vmem>>, vector<16xf32>,
      %parallel_loop3A_315 = arith.index_cast %parallel_loop3A_302 : i32 to index
      %parallel_loop3A_316 = arith.constant 64 : index
      %parallel_loop3A_317 = tpu.vector_load %arg9[%parallel_loop3A_315, %parallel_loop3A_316] {strides = array<i32>} : memref<64x512xf32, #tpu.memory_space<vmem>>, vector<16xf32>,
      %parallel_loop3A_318 = arith.index_cast %parallel_loop3A_302 : i32 to index
      %parallel_loop3A_319 = arith.constant 80 : index
      %parallel_loop3A_320 = tpu.vector_load %arg9[%parallel_loop3A_318, %parallel_loop3A_319] {strides = array<i32>} : memref<64x512xf32, #tpu.memory_space<vmem>>, vector<16xf32>,
      %parallel_loop3A_321 = arith.index_cast %parallel_loop3A_302 : i32 to index
      %parallel_loop3A_322 = arith.constant 96 : index
      %parallel_loop3A_323 = tpu.vector_load %arg9[%parallel_loop3A_321, %parallel_loop3A_322] {strides = array<i32>} : memref<64x512xf32, #tpu.memory_space<vmem>>, vector<16xf32>,
      %parallel_loop3A_324 = arith.index_cast %parallel_loop3A_302 : i32 to index
      %parallel_loop3A_325 = arith.constant 112 : index
      %parallel_loop3A_326 = tpu.vector_load %arg9[%parallel_loop3A_324, %parallel_loop3A_325] {strides = array<i32>} : memref<64x512xf32, #tpu.memory_space<vmem>>, vector<16xf32>,
      %parallel_loop3A_327 = arith.index_cast %parallel_loop3A_302 : i32 to index
      %parallel_loop3A_328 = arith.constant 128 : index
      %parallel_loop3A_329 = tpu.vector_load %arg9[%parallel_loop3A_327, %parallel_loop3A_328] {strides = array<i32>} : memref<64x512xf32, #tpu.memory_space<vmem>>, vector<16xf32>,
      %parallel_loop3A_330 = arith.index_cast %parallel_loop3A_302 : i32 to index
      %parallel_loop3A_331 = arith.constant 144 : index
      %parallel_loop3A_332 = tpu.vector_load %arg9[%parallel_loop3A_330, %parallel_loop3A_331] {strides = array<i32>} : memref<64x512xf32, #tpu.memory_space<vmem>>, vector<16xf32>,
      %parallel_loop3A_333 = arith.index_cast %parallel_loop3A_302 : i32 to index
      %parallel_loop3A_334 = arith.constant 160 : index
      %parallel_loop3A_335 = tpu.vector_load %arg9[%parallel_loop3A_333, %parallel_loop3A_334] {strides = array<i32>} : memref<64x512xf32, #tpu.memory_space<vmem>>, vector<16xf32>,
      %parallel_loop3A_336 = arith.index_cast %parallel_loop3A_302 : i32 to index
      %parallel_loop3A_337 = arith.constant 176 : index
      %parallel_loop3A_338 = tpu.vector_load %arg9[%parallel_loop3A_336, %parallel_loop3A_337] {strides = array<i32>} : memref<64x512xf32, #tpu.memory_space<vmem>>, vector<16xf32>,
      %parallel_loop3A_339 = arith.index_cast %parallel_loop3A_302 : i32 to index
      %parallel_loop3A_340 = arith.constant 192 : index
      %parallel_loop3A_341 = tpu.vector_load %arg9[%parallel_loop3A_339, %parallel_loop3A_340] {strides = array<i32>} : memref<64x512xf32, #tpu.memory_space<vmem>>, vector<16xf32>,
      %parallel_loop3A_342 = arith.index_cast %parallel_loop3A_302 : i32 to index
      %parallel_loop3A_343 = arith.constant 208 : index
      %parallel_loop3A_344 = tpu.vector_load %arg9[%parallel_loop3A_342, %parallel_loop3A_343] {strides = array<i32>} : memref<64x512xf32, #tpu.memory_space<vmem>>, vector<16xf32>,
      %parallel_loop3A_345 = arith.index_cast %parallel_loop3A_302 : i32 to index
      %parallel_loop3A_346 = arith.constant 224 : index
      %parallel_loop3A_347 = tpu.vector_load %arg9[%parallel_loop3A_345, %parallel_loop3A_346] {strides = array<i32>} : memref<64x512xf32, #tpu.memory_space<vmem>>, vector<16xf32>,
      %parallel_loop3A_348 = arith.index_cast %parallel_loop3A_302 : i32 to index
      %parallel_loop3A_349 = arith.constant 240 : index
      %parallel_loop3A_350 = tpu.vector_load %arg9[%parallel_loop3A_348, %parallel_loop3A_349] {strides = array<i32>} : memref<64x512xf32, #tpu.memory_space<vmem>>, vector<16xf32>,
      %parallel_loop3A_351 = arith.index_cast %parallel_loop3A_302 : i32 to index
      %parallel_loop3A_352 = arith.constant 256 : index
      %parallel_loop3A_353 = tpu.vector_load %arg9[%parallel_loop3A_351, %parallel_loop3A_352] {strides = array<i32>} : memref<64x512xf32, #tpu.memory_space<vmem>>, vector<16xf32>,
      %parallel_loop3A_354 = arith.index_cast %parallel_loop3A_302 : i32 to index
      %parallel_loop3A_355 = arith.constant 272 : index
      %parallel_loop3A_356 = tpu.vector_load %arg9[%parallel_loop3A_354, %parallel_loop3A_355] {strides = array<i32>} : memref<64x512xf32, #tpu.memory_space<vmem>>, vector<16xf32>,
      %parallel_loop3A_357 = arith.index_cast %parallel_loop3A_302 : i32 to index
      %parallel_loop3A_358 = arith.constant 288 : index
      %parallel_loop3A_359 = tpu.vector_load %arg9[%parallel_loop3A_357, %parallel_loop3A_358] {strides = array<i32>} : memref<64x512xf32, #tpu.memory_space<vmem>>, vector<16xf32>,
      %parallel_loop3A_360 = arith.index_cast %parallel_loop3A_302 : i32 to index
      %parallel_loop3A_361 = arith.constant 304 : index
      %parallel_loop3A_362 = tpu.vector_load %arg9[%parallel_loop3A_360, %parallel_loop3A_361] {strides = array<i32>} : memref<64x512xf32, #tpu.memory_space<vmem>>, vector<16xf32>,
      %parallel_loop3A_363 = arith.index_cast %parallel_loop3A_302 : i32 to index
      %parallel_loop3A_364 = arith.constant 320 : index
      %parallel_loop3A_365 = tpu.vector_load %arg9[%parallel_loop3A_363, %parallel_loop3A_364] {strides = array<i32>} : memref<64x512xf32, #tpu.memory_space<vmem>>, vector<16xf32>,
      %parallel_loop3A_366 = arith.index_cast %parallel_loop3A_302 : i32 to index
      %parallel_loop3A_367 = arith.constant 336 : index
      %parallel_loop3A_368 = tpu.vector_load %arg9[%parallel_loop3A_366, %parallel_loop3A_367] {strides = array<i32>} : memref<64x512xf32, #tpu.memory_space<vmem>>, vector<16xf32>,
      %parallel_loop3A_369 = arith.index_cast %parallel_loop3A_302 : i32 to index
      %parallel_loop3A_370 = arith.constant 352 : index
      %parallel_loop3A_371 = tpu.vector_load %arg9[%parallel_loop3A_369, %parallel_loop3A_370] {strides = array<i32>} : memref<64x512xf32, #tpu.memory_space<vmem>>, vector<16xf32>,
      %parallel_loop3A_372 = arith.index_cast %parallel_loop3A_302 : i32 to index
      %parallel_loop3A_373 = arith.constant 368 : index
      %parallel_loop3A_374 = tpu.vector_load %arg9[%parallel_loop3A_372, %parallel_loop3A_373] {strides = array<i32>} : memref<64x512xf32, #tpu.memory_space<vmem>>, vector<16xf32>,
      %parallel_loop3A_375 = arith.index_cast %parallel_loop3A_302 : i32 to index
      %parallel_loop3A_376 = arith.constant 384 : index
      %parallel_loop3A_377 = tpu.vector_load %arg9[%parallel_loop3A_375, %parallel_loop3A_376] {strides = array<i32>} : memref<64x512xf32, #tpu.memory_space<vmem>>, vector<16xf32>,
      %parallel_loop3A_378 = arith.index_cast %parallel_loop3A_302 : i32 to index
      %parallel_loop3A_379 = arith.constant 400 : index
      %parallel_loop3A_380 = tpu.vector_load %arg9[%parallel_loop3A_378, %parallel_loop3A_379] {strides = array<i32>} : memref<64x512xf32, #tpu.memory_space<vmem>>, vector<16xf32>,
      %parallel_loop3A_381 = arith.index_cast %parallel_loop3A_302 : i32 to index
      %parallel_loop3A_382 = arith.constant 416 : index
      %parallel_loop3A_383 = tpu.vector_load %arg9[%parallel_loop3A_381, %parallel_loop3A_382] {strides = array<i32>} : memref<64x512xf32, #tpu.memory_space<vmem>>, vector<16xf32>,
      %parallel_loop3A_384 = arith.index_cast %parallel_loop3A_302 : i32 to index
      %parallel_loop3A_385 = arith.constant 432 : index
      %parallel_loop3A_386 = tpu.vector_load %arg9[%parallel_loop3A_384, %parallel_loop3A_385] {strides = array<i32>} : memref<64x512xf32, #tpu.memory_space<vmem>>, vector<16xf32>,
      %parallel_loop3A_387 = arith.index_cast %parallel_loop3A_302 : i32 to index
      %parallel_loop3A_388 = arith.constant 448 : index
      %parallel_loop3A_389 = tpu.vector_load %arg9[%parallel_loop3A_387, %parallel_loop3A_388] {strides = array<i32>} : memref<64x512xf32, #tpu.memory_space<vmem>>, vector<16xf32>,
      %parallel_loop3A_390 = arith.index_cast %parallel_loop3A_302 : i32 to index
      %parallel_loop3A_391 = arith.constant 464 : index
      %parallel_loop3A_392 = tpu.vector_load %arg9[%parallel_loop3A_390, %parallel_loop3A_391] {strides = array<i32>} : memref<64x512xf32, #tpu.memory_space<vmem>>, vector<16xf32>,
      %parallel_loop3A_393 = arith.index_cast %parallel_loop3A_302 : i32 to index
      %parallel_loop3A_394 = arith.constant 480 : index
      %parallel_loop3A_395 = tpu.vector_load %arg9[%parallel_loop3A_393, %parallel_loop3A_394] {strides = array<i32>} : memref<64x512xf32, #tpu.memory_space<vmem>>, vector<16xf32>,
      %parallel_loop3A_396 = arith.index_cast %parallel_loop3A_302 : i32 to index
      %parallel_loop3A_397 = arith.constant 496 : index
      %parallel_loop3A_398 = tpu.vector_load %arg9[%parallel_loop3A_396, %parallel_loop3A_397] {strides = array<i32>} : memref<64x512xf32, #tpu.memory_space<vmem>>, vector<16xf32>,
      %parallel_loop3A_399 = arith.constant 0.000000e+00 : f32
      %parallel_loop3A_400 = vector.broadcast %parallel_loop3A_399 : f32 to vector<16xf32>
      %parallel_loop3A_401 = arith.constant 0.000000e+00 : f32
      %parallel_loop3A_402 = vector.broadcast %parallel_loop3A_401 : f32 to vector<16xf32>
      %parallel_loop3A_403 = arith.constant 0.000000e+00 : f32
      %parallel_loop3A_404 = vector.broadcast %parallel_loop3A_403 : f32 to vector<16xf32>
      %parallel_loop3A_405 = arith.constant 0.000000e+00 : f32
      %parallel_loop3A_406 = vector.broadcast %parallel_loop3A_405 : f32 to vector<16xf32>
      %parallel_loop3A_407 = arith.constant 0.000000e+00 : f32
      %parallel_loop3A_408 = vector.broadcast %parallel_loop3A_407 : f32 to vector<16xf32>
      %parallel_loop3A_409 = arith.constant 0.000000e+00 : f32
      %parallel_loop3A_410 = vector.broadcast %parallel_loop3A_409 : f32 to vector<16xf32>
      %parallel_loop3A_411 = arith.constant 0.000000e+00 : f32
      %parallel_loop3A_412 = vector.broadcast %parallel_loop3A_411 : f32 to vector<16xf32>
      %parallel_loop3A_413 = arith.constant 0.000000e+00 : f32
      %parallel_loop3A_414 = vector.broadcast %parallel_loop3A_413 : f32 to vector<16xf32>
      %parallel_loop3A_415 = arith.mulf %parallel_loop3A_305, %parallel_loop3A_305 : vector<16xf32>
      %parallel_loop3A_416 = arith.addf %parallel_loop3A_400, %parallel_loop3A_415 : vector<16xf32>
      %parallel_loop3A_417 = arith.mulf %parallel_loop3A_308, %parallel_loop3A_308 : vector<16xf32>
      %parallel_loop3A_418 = arith.addf %parallel_loop3A_402, %parallel_loop3A_417 : vector<16xf32>
      %parallel_loop3A_419 = arith.mulf %parallel_loop3A_311, %parallel_loop3A_311 : vector<16xf32>
      %parallel_loop3A_420 = arith.addf %parallel_loop3A_404, %parallel_loop3A_419 : vector<16xf32>
      %parallel_loop3A_421 = arith.mulf %parallel_loop3A_314, %parallel_loop3A_314 : vector<16xf32>
      %parallel_loop3A_422 = arith.addf %parallel_loop3A_406, %parallel_loop3A_421 : vector<16xf32>
      %parallel_loop3A_423 = arith.mulf %parallel_loop3A_317, %parallel_loop3A_317 : vector<16xf32>
      %parallel_loop3A_424 = arith.addf %parallel_loop3A_408, %parallel_loop3A_423 : vector<16xf32>
      %parallel_loop3A_425 = arith.mulf %parallel_loop3A_320, %parallel_loop3A_320 : vector<16xf32>
      %parallel_loop3A_426 = arith.addf %parallel_loop3A_410, %parallel_loop3A_425 : vector<16xf32>
      %parallel_loop3A_427 = arith.mulf %parallel_loop3A_323, %parallel_loop3A_323 : vector<16xf32>
      %parallel_loop3A_428 = arith.addf %parallel_loop3A_412, %parallel_loop3A_427 : vector<16xf32>
      %parallel_loop3A_429 = arith.mulf %parallel_loop3A_326, %parallel_loop3A_326 : vector<16xf32>
      %parallel_loop3A_430 = arith.addf %parallel_loop3A_414, %parallel_loop3A_429 : vector<16xf32>
      %parallel_loop3A_431 = arith.mulf %parallel_loop3A_329, %parallel_loop3A_329 : vector<16xf32>
      %parallel_loop3A_432 = arith.addf %parallel_loop3A_416, %parallel_loop3A_431 : vector<16xf32>
      %parallel_loop3A_433 = arith.mulf %parallel_loop3A_332, %parallel_loop3A_332 : vector<16xf32>
      %parallel_loop3A_434 = arith.addf %parallel_loop3A_418, %parallel_loop3A_433 : vector<16xf32>
      %parallel_loop3A_435 = arith.mulf %parallel_loop3A_335, %parallel_loop3A_335 : vector<16xf32>
      %parallel_loop3A_436 = arith.addf %parallel_loop3A_420, %parallel_loop3A_435 : vector<16xf32>
      %parallel_loop3A_437 = arith.mulf %parallel_loop3A_338, %parallel_loop3A_338 : vector<16xf32>
      %parallel_loop3A_438 = arith.addf %parallel_loop3A_422, %parallel_loop3A_437 : vector<16xf32>
      %parallel_loop3A_439 = arith.mulf %parallel_loop3A_341, %parallel_loop3A_341 : vector<16xf32>
      %parallel_loop3A_440 = arith.addf %parallel_loop3A_424, %parallel_loop3A_439 : vector<16xf32>
      %parallel_loop3A_441 = arith.mulf %parallel_loop3A_344, %parallel_loop3A_344 : vector<16xf32>
      %parallel_loop3A_442 = arith.addf %parallel_loop3A_426, %parallel_loop3A_441 : vector<16xf32>
      %parallel_loop3A_443 = arith.mulf %parallel_loop3A_347, %parallel_loop3A_347 : vector<16xf32>
      %parallel_loop3A_444 = arith.addf %parallel_loop3A_428, %parallel_loop3A_443 : vector<16xf32>
      %parallel_loop3A_445 = arith.mulf %parallel_loop3A_350, %parallel_loop3A_350 : vector<16xf32>
      %parallel_loop3A_446 = arith.addf %parallel_loop3A_430, %parallel_loop3A_445 : vector<16xf32>
      %parallel_loop3A_447 = arith.mulf %parallel_loop3A_353, %parallel_loop3A_353 : vector<16xf32>
      %parallel_loop3A_448 = arith.addf %parallel_loop3A_432, %parallel_loop3A_447 : vector<16xf32>
      %parallel_loop3A_449 = arith.mulf %parallel_loop3A_356, %parallel_loop3A_356 : vector<16xf32>
      %parallel_loop3A_450 = arith.addf %parallel_loop3A_434, %parallel_loop3A_449 : vector<16xf32>
      %parallel_loop3A_451 = arith.mulf %parallel_loop3A_359, %parallel_loop3A_359 : vector<16xf32>
      %parallel_loop3A_452 = arith.addf %parallel_loop3A_436, %parallel_loop3A_451 : vector<16xf32>
      %parallel_loop3A_453 = arith.mulf %parallel_loop3A_362, %parallel_loop3A_362 : vector<16xf32>
      %parallel_loop3A_454 = arith.addf %parallel_loop3A_438, %parallel_loop3A_453 : vector<16xf32>
      %parallel_loop3A_455 = arith.mulf %parallel_loop3A_365, %parallel_loop3A_365 : vector<16xf32>
      %parallel_loop3A_456 = arith.addf %parallel_loop3A_440, %parallel_loop3A_455 : vector<16xf32>
      %parallel_loop3A_457 = arith.mulf %parallel_loop3A_368, %parallel_loop3A_368 : vector<16xf32>
      %parallel_loop3A_458 = arith.addf %parallel_loop3A_442, %parallel_loop3A_457 : vector<16xf32>
      %parallel_loop3A_459 = arith.mulf %parallel_loop3A_371, %parallel_loop3A_371 : vector<16xf32>
      %parallel_loop3A_460 = arith.addf %parallel_loop3A_444, %parallel_loop3A_459 : vector<16xf32>
      %parallel_loop3A_461 = arith.mulf %parallel_loop3A_374, %parallel_loop3A_374 : vector<16xf32>
      %parallel_loop3A_462 = arith.addf %parallel_loop3A_446, %parallel_loop3A_461 : vector<16xf32>
      %parallel_loop3A_463 = arith.mulf %parallel_loop3A_377, %parallel_loop3A_377 : vector<16xf32>
      %parallel_loop3A_464 = arith.addf %parallel_loop3A_448, %parallel_loop3A_463 : vector<16xf32>
      %parallel_loop3A_465 = arith.mulf %parallel_loop3A_380, %parallel_loop3A_380 : vector<16xf32>
      %parallel_loop3A_466 = arith.addf %parallel_loop3A_450, %parallel_loop3A_465 : vector<16xf32>
      %parallel_loop3A_467 = arith.mulf %parallel_loop3A_383, %parallel_loop3A_383 : vector<16xf32>
      %parallel_loop3A_468 = arith.addf %parallel_loop3A_452, %parallel_loop3A_467 : vector<16xf32>
      %parallel_loop3A_469 = arith.mulf %parallel_loop3A_386, %parallel_loop3A_386 : vector<16xf32>
      %parallel_loop3A_470 = arith.addf %parallel_loop3A_454, %parallel_loop3A_469 : vector<16xf32>
      %parallel_loop3A_471 = arith.mulf %parallel_loop3A_389, %parallel_loop3A_389 : vector<16xf32>
      %parallel_loop3A_472 = arith.addf %parallel_loop3A_456, %parallel_loop3A_471 : vector<16xf32>
      %parallel_loop3A_473 = arith.mulf %parallel_loop3A_392, %parallel_loop3A_392 : vector<16xf32>
      %parallel_loop3A_474 = arith.addf %parallel_loop3A_458, %parallel_loop3A_473 : vector<16xf32>
      %parallel_loop3A_475 = arith.mulf %parallel_loop3A_395, %parallel_loop3A_395 : vector<16xf32>
      %parallel_loop3A_476 = arith.addf %parallel_loop3A_460, %parallel_loop3A_475 : vector<16xf32>
      %parallel_loop3A_477 = arith.mulf %parallel_loop3A_398, %parallel_loop3A_398 : vector<16xf32>
      %parallel_loop3A_478 = arith.addf %parallel_loop3A_462, %parallel_loop3A_477 : vector<16xf32>
      %parallel_loop3A_479 = arith.addf %parallel_loop3A_464, %parallel_loop3A_466 : vector<16xf32>
      %parallel_loop3A_480 = arith.addf %parallel_loop3A_468, %parallel_loop3A_470 : vector<16xf32>
      %parallel_loop3A_481 = arith.addf %parallel_loop3A_479, %parallel_loop3A_480 : vector<16xf32>
      %parallel_loop3A_482 = arith.addf %parallel_loop3A_472, %parallel_loop3A_474 : vector<16xf32>
      %parallel_loop3A_483 = arith.addf %parallel_loop3A_476, %parallel_loop3A_478 : vector<16xf32>
      %parallel_loop3A_484 = arith.addf %parallel_loop3A_482, %parallel_loop3A_483 : vector<16xf32>
      %parallel_loop3A_485 = arith.addf %parallel_loop3A_481, %parallel_loop3A_484 : vector<16xf32>
      %parallel_loop3A_486 = tpu.iota {dimensions = array<i32: 0>} : vector<16xi32>
      %parallel_loop3A_487 = arith.constant 8 : i32
      %parallel_loop3A_488 = vector.broadcast %parallel_loop3A_487 : i32 to vector<16xi32>
      %parallel_loop3A_489 = arith.xori %parallel_loop3A_486, %parallel_loop3A_488 : vector<16xi32>
      %parallel_loop3A_490 = vector.shape_cast %parallel_loop3A_489 : vector<16xi32> to vector<16x1xi32>
      %parallel_loop3A_491 = vector.shape_cast %parallel_loop3A_490 : vector<16x1xi32> to vector<16xi32>
      %parallel_loop3A_492 = tpu.dynamic_gather %parallel_loop3A_485[%parallel_loop3A_491] in [0] : vector<16xf32>, vector<16xi32> -> vector<16xf32>
      %parallel_loop3A_493 = arith.addf %parallel_loop3A_485, %parallel_loop3A_492 : vector<16xf32>
      %parallel_loop3A_494 = arith.constant 4 : i32
      %parallel_loop3A_495 = vector.broadcast %parallel_loop3A_494 : i32 to vector<16xi32>
      %parallel_loop3A_496 = arith.xori %parallel_loop3A_486, %parallel_loop3A_495 : vector<16xi32>
      %parallel_loop3A_497 = vector.shape_cast %parallel_loop3A_496 : vector<16xi32> to vector<16x1xi32>
      %parallel_loop3A_498 = vector.shape_cast %parallel_loop3A_497 : vector<16x1xi32> to vector<16xi32>
      %parallel_loop3A_499 = tpu.dynamic_gather %parallel_loop3A_493[%parallel_loop3A_498] in [0] : vector<16xf32>, vector<16xi32> -> vector<16xf32>
      %parallel_loop3A_500 = arith.addf %parallel_loop3A_493, %parallel_loop3A_499 : vector<16xf32>
      %parallel_loop3A_501 = arith.constant 2 : i32
      %parallel_loop3A_502 = vector.broadcast %parallel_loop3A_501 : i32 to vector<16xi32>
      %parallel_loop3A_503 = arith.xori %parallel_loop3A_486, %parallel_loop3A_502 : vector<16xi32>
      %parallel_loop3A_504 = vector.shape_cast %parallel_loop3A_503 : vector<16xi32> to vector<16x1xi32>
      %parallel_loop3A_505 = vector.shape_cast %parallel_loop3A_504 : vector<16x1xi32> to vector<16xi32>
      %parallel_loop3A_506 = tpu.dynamic_gather %parallel_loop3A_500[%parallel_loop3A_505] in [0] : vector<16xf32>, vector<16xi32> -> vector<16xf32>
      %parallel_loop3A_507 = arith.addf %parallel_loop3A_500, %parallel_loop3A_506 : vector<16xf32>
      %parallel_loop3A_508 = arith.constant 1 : i32
      %parallel_loop3A_509 = vector.broadcast %parallel_loop3A_508 : i32 to vector<16xi32>
      %parallel_loop3A_510 = arith.xori %parallel_loop3A_486, %parallel_loop3A_509 : vector<16xi32>
      %parallel_loop3A_511 = vector.shape_cast %parallel_loop3A_510 : vector<16xi32> to vector<16x1xi32>
      %parallel_loop3A_512 = vector.shape_cast %parallel_loop3A_511 : vector<16x1xi32> to vector<16xi32>
      %parallel_loop3A_513 = tpu.dynamic_gather %parallel_loop3A_507[%parallel_loop3A_512] in [0] : vector<16xf32>, vector<16xi32> -> vector<16xf32>
      %parallel_loop3A_514 = arith.addf %parallel_loop3A_507, %parallel_loop3A_513 : vector<16xf32>
      %parallel_loop3A_515 = arith.constant 5.000000e-01 : f32
      %parallel_loop3A_516 = vector.broadcast %parallel_loop3A_515 : f32 to vector<16xf32>
      %parallel_loop3A_517 = arith.mulf %parallel_loop3A_514, %parallel_loop3A_516 : vector<16xf32>
      %parallel_loop3A_518 = tpu.bitcast %parallel_loop3A_514 : vector<16xf32> -> vector<16xi32>
      %parallel_loop3A_519 = arith.constant 1 : i32
      %parallel_loop3A_520 = vector.broadcast %parallel_loop3A_519 : i32 to vector<16xi32>
      %parallel_loop3A_521 = arith.shrsi %parallel_loop3A_518, %parallel_loop3A_520 : vector<16xi32>
      %parallel_loop3A_522 = arith.constant 1597463007 : i32
      %parallel_loop3A_523 = vector.broadcast %parallel_loop3A_522 : i32 to vector<16xi32>
      %parallel_loop3A_524 = arith.subi %parallel_loop3A_523, %parallel_loop3A_521 : vector<16xi32>
      %parallel_loop3A_525 = tpu.bitcast %parallel_loop3A_524 : vector<16xi32> -> vector<16xf32>
      %parallel_loop3A_526 = arith.mulf %parallel_loop3A_517, %parallel_loop3A_525 : vector<16xf32>
      %parallel_loop3A_527 = arith.mulf %parallel_loop3A_526, %parallel_loop3A_525 : vector<16xf32>
      %parallel_loop3A_528 = arith.constant 1.500000e+00 : f32
      %parallel_loop3A_529 = vector.broadcast %parallel_loop3A_528 : f32 to vector<16xf32>
      %parallel_loop3A_530 = arith.subf %parallel_loop3A_529, %parallel_loop3A_527 : vector<16xf32>
      %parallel_loop3A_531 = arith.mulf %parallel_loop3A_525, %parallel_loop3A_530 : vector<16xf32>
      %parallel_loop3A_532 = arith.mulf %parallel_loop3A_517, %parallel_loop3A_531 : vector<16xf32>
      %parallel_loop3A_533 = arith.mulf %parallel_loop3A_532, %parallel_loop3A_531 : vector<16xf32>
      %parallel_loop3A_534 = arith.constant 1.500000e+00 : f32
      %parallel_loop3A_535 = vector.broadcast %parallel_loop3A_534 : f32 to vector<16xf32>
      %parallel_loop3A_536 = arith.subf %parallel_loop3A_535, %parallel_loop3A_533 : vector<16xf32>
      %parallel_loop3A_537 = arith.mulf %parallel_loop3A_531, %parallel_loop3A_536 : vector<16xf32>
      %parallel_loop3A_538 = arith.constant 1.000000e+06 : f32
      %parallel_loop3A_539 = vector.broadcast %parallel_loop3A_538 : f32 to vector<16xf32>
      %parallel_loop3A_540 = arith.minimumf %parallel_loop3A_537, %parallel_loop3A_539 : vector<16xf32>
      %parallel_loop3A_541 = arith.mulf %parallel_loop3A_305, %parallel_loop3A_540 : vector<16xf32>
      %parallel_loop3A_542 = arith.index_cast %parallel_loop3A_302 : i32 to index
      %parallel_loop3A_543 = arith.constant 0 : index
      %parallel_loop3A_544 = tpu.vector_load %arg9[%parallel_loop3A_542, %parallel_loop3A_543] {strides = array<i32>} : memref<64x512xf32, #tpu.memory_space<vmem>>, vector<16xf32>,
      tpu.vector_store %arg9[%parallel_loop3A_542, %parallel_loop3A_543], %parallel_loop3A_541 {strides = array<i32>} : memref<64x512xf32, #tpu.memory_space<vmem>>, vector<16xf32>,
      %parallel_loop3A_545 = arith.mulf %parallel_loop3A_308, %parallel_loop3A_540 : vector<16xf32>
      %parallel_loop3A_546 = arith.index_cast %parallel_loop3A_302 : i32 to index
      %parallel_loop3A_547 = arith.constant 16 : index
      %parallel_loop3A_548 = tpu.vector_load %arg9[%parallel_loop3A_546, %parallel_loop3A_547] {strides = array<i32>} : memref<64x512xf32, #tpu.memory_space<vmem>>, vector<16xf32>,
      tpu.vector_store %arg9[%parallel_loop3A_546, %parallel_loop3A_547], %parallel_loop3A_545 {strides = array<i32>} : memref<64x512xf32, #tpu.memory_space<vmem>>, vector<16xf32>,
      %parallel_loop3A_549 = arith.mulf %parallel_loop3A_311, %parallel_loop3A_540 : vector<16xf32>
      %parallel_loop3A_550 = arith.index_cast %parallel_loop3A_302 : i32 to index
      %parallel_loop3A_551 = arith.constant 32 : index
      %parallel_loop3A_552 = tpu.vector_load %arg9[%parallel_loop3A_550, %parallel_loop3A_551] {strides = array<i32>} : memref<64x512xf32, #tpu.memory_space<vmem>>, vector<16xf32>,
      tpu.vector_store %arg9[%parallel_loop3A_550, %parallel_loop3A_551], %parallel_loop3A_549 {strides = array<i32>} : memref<64x512xf32, #tpu.memory_space<vmem>>, vector<16xf32>,
      %parallel_loop3A_553 = arith.mulf %parallel_loop3A_314, %parallel_loop3A_540 : vector<16xf32>
      %parallel_loop3A_554 = arith.index_cast %parallel_loop3A_302 : i32 to index
      %parallel_loop3A_555 = arith.constant 48 : index
      %parallel_loop3A_556 = tpu.vector_load %arg9[%parallel_loop3A_554, %parallel_loop3A_555] {strides = array<i32>} : memref<64x512xf32, #tpu.memory_space<vmem>>, vector<16xf32>,
      tpu.vector_store %arg9[%parallel_loop3A_554, %parallel_loop3A_555], %parallel_loop3A_553 {strides = array<i32>} : memref<64x512xf32, #tpu.memory_space<vmem>>, vector<16xf32>,
      %parallel_loop3A_557 = arith.mulf %parallel_loop3A_317, %parallel_loop3A_540 : vector<16xf32>
      %parallel_loop3A_558 = arith.index_cast %parallel_loop3A_302 : i32 to index
      %parallel_loop3A_559 = arith.constant 64 : index
      %parallel_loop3A_560 = tpu.vector_load %arg9[%parallel_loop3A_558, %parallel_loop3A_559] {strides = array<i32>} : memref<64x512xf32, #tpu.memory_space<vmem>>, vector<16xf32>,
      tpu.vector_store %arg9[%parallel_loop3A_558, %parallel_loop3A_559], %parallel_loop3A_557 {strides = array<i32>} : memref<64x512xf32, #tpu.memory_space<vmem>>, vector<16xf32>,
      %parallel_loop3A_561 = arith.mulf %parallel_loop3A_320, %parallel_loop3A_540 : vector<16xf32>
      %parallel_loop3A_562 = arith.index_cast %parallel_loop3A_302 : i32 to index
      %parallel_loop3A_563 = arith.constant 80 : index
      %parallel_loop3A_564 = tpu.vector_load %arg9[%parallel_loop3A_562, %parallel_loop3A_563] {strides = array<i32>} : memref<64x512xf32, #tpu.memory_space<vmem>>, vector<16xf32>,
      tpu.vector_store %arg9[%parallel_loop3A_562, %parallel_loop3A_563], %parallel_loop3A_561 {strides = array<i32>} : memref<64x512xf32, #tpu.memory_space<vmem>>, vector<16xf32>,
      %parallel_loop3A_565 = arith.mulf %parallel_loop3A_323, %parallel_loop3A_540 : vector<16xf32>
      %parallel_loop3A_566 = arith.index_cast %parallel_loop3A_302 : i32 to index
      %parallel_loop3A_567 = arith.constant 96 : index
      %parallel_loop3A_568 = tpu.vector_load %arg9[%parallel_loop3A_566, %parallel_loop3A_567] {strides = array<i32>} : memref<64x512xf32, #tpu.memory_space<vmem>>, vector<16xf32>,
      tpu.vector_store %arg9[%parallel_loop3A_566, %parallel_loop3A_567], %parallel_loop3A_565 {strides = array<i32>} : memref<64x512xf32, #tpu.memory_space<vmem>>, vector<16xf32>,
      %parallel_loop3A_569 = arith.mulf %parallel_loop3A_326, %parallel_loop3A_540 : vector<16xf32>
      %parallel_loop3A_570 = arith.index_cast %parallel_loop3A_302 : i32 to index
      %parallel_loop3A_571 = arith.constant 112 : index
      %parallel_loop3A_572 = tpu.vector_load %arg9[%parallel_loop3A_570, %parallel_loop3A_571] {strides = array<i32>} : memref<64x512xf32, #tpu.memory_space<vmem>>, vector<16xf32>,
      tpu.vector_store %arg9[%parallel_loop3A_570, %parallel_loop3A_571], %parallel_loop3A_569 {strides = array<i32>} : memref<64x512xf32, #tpu.memory_space<vmem>>, vector<16xf32>,
      %parallel_loop3A_573 = arith.mulf %parallel_loop3A_329, %parallel_loop3A_540 : vector<16xf32>
      %parallel_loop3A_574 = arith.index_cast %parallel_loop3A_302 : i32 to index
      %parallel_loop3A_575 = arith.constant 128 : index
      %parallel_loop3A_576 = tpu.vector_load %arg9[%parallel_loop3A_574, %parallel_loop3A_575] {strides = array<i32>} : memref<64x512xf32, #tpu.memory_space<vmem>>, vector<16xf32>,
      tpu.vector_store %arg9[%parallel_loop3A_574, %parallel_loop3A_575], %parallel_loop3A_573 {strides = array<i32>} : memref<64x512xf32, #tpu.memory_space<vmem>>, vector<16xf32>,
      %parallel_loop3A_577 = arith.mulf %parallel_loop3A_332, %parallel_loop3A_540 : vector<16xf32>
      %parallel_loop3A_578 = arith.index_cast %parallel_loop3A_302 : i32 to index
      %parallel_loop3A_579 = arith.constant 144 : index
      %parallel_loop3A_580 = tpu.vector_load %arg9[%parallel_loop3A_578, %parallel_loop3A_579] {strides = array<i32>} : memref<64x512xf32, #tpu.memory_space<vmem>>, vector<16xf32>,
      tpu.vector_store %arg9[%parallel_loop3A_578, %parallel_loop3A_579], %parallel_loop3A_577 {strides = array<i32>} : memref<64x512xf32, #tpu.memory_space<vmem>>, vector<16xf32>,
      %parallel_loop3A_581 = arith.mulf %parallel_loop3A_335, %parallel_loop3A_540 : vector<16xf32>
      %parallel_loop3A_582 = arith.index_cast %parallel_loop3A_302 : i32 to index
      %parallel_loop3A_583 = arith.constant 160 : index
      %parallel_loop3A_584 = tpu.vector_load %arg9[%parallel_loop3A_582, %parallel_loop3A_583] {strides = array<i32>} : memref<64x512xf32, #tpu.memory_space<vmem>>, vector<16xf32>,
      tpu.vector_store %arg9[%parallel_loop3A_582, %parallel_loop3A_583], %parallel_loop3A_581 {strides = array<i32>} : memref<64x512xf32, #tpu.memory_space<vmem>>, vector<16xf32>,
      %parallel_loop3A_585 = arith.mulf %parallel_loop3A_338, %parallel_loop3A_540 : vector<16xf32>
      %parallel_loop3A_586 = arith.index_cast %parallel_loop3A_302 : i32 to index
      %parallel_loop3A_587 = arith.constant 176 : index
      %parallel_loop3A_588 = tpu.vector_load %arg9[%parallel_loop3A_586, %parallel_loop3A_587] {strides = array<i32>} : memref<64x512xf32, #tpu.memory_space<vmem>>, vector<16xf32>,
      tpu.vector_store %arg9[%parallel_loop3A_586, %parallel_loop3A_587], %parallel_loop3A_585 {strides = array<i32>} : memref<64x512xf32, #tpu.memory_space<vmem>>, vector<16xf32>,
      %parallel_loop3A_589 = arith.mulf %parallel_loop3A_341, %parallel_loop3A_540 : vector<16xf32>
      %parallel_loop3A_590 = arith.index_cast %parallel_loop3A_302 : i32 to index
      %parallel_loop3A_591 = arith.constant 192 : index
      %parallel_loop3A_592 = tpu.vector_load %arg9[%parallel_loop3A_590, %parallel_loop3A_591] {strides = array<i32>} : memref<64x512xf32, #tpu.memory_space<vmem>>, vector<16xf32>,
      tpu.vector_store %arg9[%parallel_loop3A_590, %parallel_loop3A_591], %parallel_loop3A_589 {strides = array<i32>} : memref<64x512xf32, #tpu.memory_space<vmem>>, vector<16xf32>,
      %parallel_loop3A_593 = arith.mulf %parallel_loop3A_344, %parallel_loop3A_540 : vector<16xf32>
      %parallel_loop3A_594 = arith.index_cast %parallel_loop3A_302 : i32 to index
      %parallel_loop3A_595 = arith.constant 208 : index
      %parallel_loop3A_596 = tpu.vector_load %arg9[%parallel_loop3A_594, %parallel_loop3A_595] {strides = array<i32>} : memref<64x512xf32, #tpu.memory_space<vmem>>, vector<16xf32>,
      tpu.vector_store %arg9[%parallel_loop3A_594, %parallel_loop3A_595], %parallel_loop3A_593 {strides = array<i32>} : memref<64x512xf32, #tpu.memory_space<vmem>>, vector<16xf32>,
      %parallel_loop3A_597 = arith.mulf %parallel_loop3A_347, %parallel_loop3A_540 : vector<16xf32>
      %parallel_loop3A_598 = arith.index_cast %parallel_loop3A_302 : i32 to index
      %parallel_loop3A_599 = arith.constant 224 : index
      %parallel_loop3A_600 = tpu.vector_load %arg9[%parallel_loop3A_598, %parallel_loop3A_599] {strides = array<i32>} : memref<64x512xf32, #tpu.memory_space<vmem>>, vector<16xf32>,
      tpu.vector_store %arg9[%parallel_loop3A_598, %parallel_loop3A_599], %parallel_loop3A_597 {strides = array<i32>} : memref<64x512xf32, #tpu.memory_space<vmem>>, vector<16xf32>,
      %parallel_loop3A_601 = arith.mulf %parallel_loop3A_350, %parallel_loop3A_540 : vector<16xf32>
      %parallel_loop3A_602 = arith.index_cast %parallel_loop3A_302 : i32 to index
      %parallel_loop3A_603 = arith.constant 240 : index
      %parallel_loop3A_604 = tpu.vector_load %arg9[%parallel_loop3A_602, %parallel_loop3A_603] {strides = array<i32>} : memref<64x512xf32, #tpu.memory_space<vmem>>, vector<16xf32>,
      tpu.vector_store %arg9[%parallel_loop3A_602, %parallel_loop3A_603], %parallel_loop3A_601 {strides = array<i32>} : memref<64x512xf32, #tpu.memory_space<vmem>>, vector<16xf32>,
      %parallel_loop3A_605 = arith.mulf %parallel_loop3A_353, %parallel_loop3A_540 : vector<16xf32>
      %parallel_loop3A_606 = arith.index_cast %parallel_loop3A_302 : i32 to index
      %parallel_loop3A_607 = arith.constant 256 : index
      %parallel_loop3A_608 = tpu.vector_load %arg9[%parallel_loop3A_606, %parallel_loop3A_607] {strides = array<i32>} : memref<64x512xf32, #tpu.memory_space<vmem>>, vector<16xf32>,
      tpu.vector_store %arg9[%parallel_loop3A_606, %parallel_loop3A_607], %parallel_loop3A_605 {strides = array<i32>} : memref<64x512xf32, #tpu.memory_space<vmem>>, vector<16xf32>,
      %parallel_loop3A_609 = arith.mulf %parallel_loop3A_356, %parallel_loop3A_540 : vector<16xf32>
      %parallel_loop3A_610 = arith.index_cast %parallel_loop3A_302 : i32 to index
      %parallel_loop3A_611 = arith.constant 272 : index
      %parallel_loop3A_612 = tpu.vector_load %arg9[%parallel_loop3A_610, %parallel_loop3A_611] {strides = array<i32>} : memref<64x512xf32, #tpu.memory_space<vmem>>, vector<16xf32>,
      tpu.vector_store %arg9[%parallel_loop3A_610, %parallel_loop3A_611], %parallel_loop3A_609 {strides = array<i32>} : memref<64x512xf32, #tpu.memory_space<vmem>>, vector<16xf32>,
      %parallel_loop3A_613 = arith.mulf %parallel_loop3A_359, %parallel_loop3A_540 : vector<16xf32>
      %parallel_loop3A_614 = arith.index_cast %parallel_loop3A_302 : i32 to index
      %parallel_loop3A_615 = arith.constant 288 : index
      %parallel_loop3A_616 = tpu.vector_load %arg9[%parallel_loop3A_614, %parallel_loop3A_615] {strides = array<i32>} : memref<64x512xf32, #tpu.memory_space<vmem>>, vector<16xf32>,
      tpu.vector_store %arg9[%parallel_loop3A_614, %parallel_loop3A_615], %parallel_loop3A_613 {strides = array<i32>} : memref<64x512xf32, #tpu.memory_space<vmem>>, vector<16xf32>,
      %parallel_loop3A_617 = arith.mulf %parallel_loop3A_362, %parallel_loop3A_540 : vector<16xf32>
      %parallel_loop3A_618 = arith.index_cast %parallel_loop3A_302 : i32 to index
      %parallel_loop3A_619 = arith.constant 304 : index
      %parallel_loop3A_620 = tpu.vector_load %arg9[%parallel_loop3A_618, %parallel_loop3A_619] {strides = array<i32>} : memref<64x512xf32, #tpu.memory_space<vmem>>, vector<16xf32>,
      tpu.vector_store %arg9[%parallel_loop3A_618, %parallel_loop3A_619], %parallel_loop3A_617 {strides = array<i32>} : memref<64x512xf32, #tpu.memory_space<vmem>>, vector<16xf32>,
      %parallel_loop3A_621 = arith.mulf %parallel_loop3A_365, %parallel_loop3A_540 : vector<16xf32>
      %parallel_loop3A_622 = arith.index_cast %parallel_loop3A_302 : i32 to index
      %parallel_loop3A_623 = arith.constant 320 : index
      %parallel_loop3A_624 = tpu.vector_load %arg9[%parallel_loop3A_622, %parallel_loop3A_623] {strides = array<i32>} : memref<64x512xf32, #tpu.memory_space<vmem>>, vector<16xf32>,
      tpu.vector_store %arg9[%parallel_loop3A_622, %parallel_loop3A_623], %parallel_loop3A_621 {strides = array<i32>} : memref<64x512xf32, #tpu.memory_space<vmem>>, vector<16xf32>,
      %parallel_loop3A_625 = arith.mulf %parallel_loop3A_368, %parallel_loop3A_540 : vector<16xf32>
      %parallel_loop3A_626 = arith.index_cast %parallel_loop3A_302 : i32 to index
      %parallel_loop3A_627 = arith.constant 336 : index
      %parallel_loop3A_628 = tpu.vector_load %arg9[%parallel_loop3A_626, %parallel_loop3A_627] {strides = array<i32>} : memref<64x512xf32, #tpu.memory_space<vmem>>, vector<16xf32>,
      tpu.vector_store %arg9[%parallel_loop3A_626, %parallel_loop3A_627], %parallel_loop3A_625 {strides = array<i32>} : memref<64x512xf32, #tpu.memory_space<vmem>>, vector<16xf32>,
      %parallel_loop3A_629 = arith.mulf %parallel_loop3A_371, %parallel_loop3A_540 : vector<16xf32>
      %parallel_loop3A_630 = arith.index_cast %parallel_loop3A_302 : i32 to index
      %parallel_loop3A_631 = arith.constant 352 : index
      %parallel_loop3A_632 = tpu.vector_load %arg9[%parallel_loop3A_630, %parallel_loop3A_631] {strides = array<i32>} : memref<64x512xf32, #tpu.memory_space<vmem>>, vector<16xf32>,
      tpu.vector_store %arg9[%parallel_loop3A_630, %parallel_loop3A_631], %parallel_loop3A_629 {strides = array<i32>} : memref<64x512xf32, #tpu.memory_space<vmem>>, vector<16xf32>,
      %parallel_loop3A_633 = arith.mulf %parallel_loop3A_374, %parallel_loop3A_540 : vector<16xf32>
      %parallel_loop3A_634 = arith.index_cast %parallel_loop3A_302 : i32 to index
      %parallel_loop3A_635 = arith.constant 368 : index
      %parallel_loop3A_636 = tpu.vector_load %arg9[%parallel_loop3A_634, %parallel_loop3A_635] {strides = array<i32>} : memref<64x512xf32, #tpu.memory_space<vmem>>, vector<16xf32>,
      tpu.vector_store %arg9[%parallel_loop3A_634, %parallel_loop3A_635], %parallel_loop3A_633 {strides = array<i32>} : memref<64x512xf32, #tpu.memory_space<vmem>>, vector<16xf32>,
      %parallel_loop3A_637 = arith.mulf %parallel_loop3A_377, %parallel_loop3A_540 : vector<16xf32>
      %parallel_loop3A_638 = arith.index_cast %parallel_loop3A_302 : i32 to index
      %parallel_loop3A_639 = arith.constant 384 : index
      %parallel_loop3A_640 = tpu.vector_load %arg9[%parallel_loop3A_638, %parallel_loop3A_639] {strides = array<i32>} : memref<64x512xf32, #tpu.memory_space<vmem>>, vector<16xf32>,
      tpu.vector_store %arg9[%parallel_loop3A_638, %parallel_loop3A_639], %parallel_loop3A_637 {strides = array<i32>} : memref<64x512xf32, #tpu.memory_space<vmem>>, vector<16xf32>,
      %parallel_loop3A_641 = arith.mulf %parallel_loop3A_380, %parallel_loop3A_540 : vector<16xf32>
      %parallel_loop3A_642 = arith.index_cast %parallel_loop3A_302 : i32 to index
      %parallel_loop3A_643 = arith.constant 400 : index
      %parallel_loop3A_644 = tpu.vector_load %arg9[%parallel_loop3A_642, %parallel_loop3A_643] {strides = array<i32>} : memref<64x512xf32, #tpu.memory_space<vmem>>, vector<16xf32>,
      tpu.vector_store %arg9[%parallel_loop3A_642, %parallel_loop3A_643], %parallel_loop3A_641 {strides = array<i32>} : memref<64x512xf32, #tpu.memory_space<vmem>>, vector<16xf32>,
      %parallel_loop3A_645 = arith.mulf %parallel_loop3A_383, %parallel_loop3A_540 : vector<16xf32>
      %parallel_loop3A_646 = arith.index_cast %parallel_loop3A_302 : i32 to index
      %parallel_loop3A_647 = arith.constant 416 : index
      %parallel_loop3A_648 = tpu.vector_load %arg9[%parallel_loop3A_646, %parallel_loop3A_647] {strides = array<i32>} : memref<64x512xf32, #tpu.memory_space<vmem>>, vector<16xf32>,
      tpu.vector_store %arg9[%parallel_loop3A_646, %parallel_loop3A_647], %parallel_loop3A_645 {strides = array<i32>} : memref<64x512xf32, #tpu.memory_space<vmem>>, vector<16xf32>,
      %parallel_loop3A_649 = arith.mulf %parallel_loop3A_386, %parallel_loop3A_540 : vector<16xf32>
      %parallel_loop3A_650 = arith.index_cast %parallel_loop3A_302 : i32 to index
      %parallel_loop3A_651 = arith.constant 432 : index
      %parallel_loop3A_652 = tpu.vector_load %arg9[%parallel_loop3A_650, %parallel_loop3A_651] {strides = array<i32>} : memref<64x512xf32, #tpu.memory_space<vmem>>, vector<16xf32>,
      tpu.vector_store %arg9[%parallel_loop3A_650, %parallel_loop3A_651], %parallel_loop3A_649 {strides = array<i32>} : memref<64x512xf32, #tpu.memory_space<vmem>>, vector<16xf32>,
      %parallel_loop3A_653 = arith.mulf %parallel_loop3A_389, %parallel_loop3A_540 : vector<16xf32>
      %parallel_loop3A_654 = arith.index_cast %parallel_loop3A_302 : i32 to index
      %parallel_loop3A_655 = arith.constant 448 : index
      %parallel_loop3A_656 = tpu.vector_load %arg9[%parallel_loop3A_654, %parallel_loop3A_655] {strides = array<i32>} : memref<64x512xf32, #tpu.memory_space<vmem>>, vector<16xf32>,
      tpu.vector_store %arg9[%parallel_loop3A_654, %parallel_loop3A_655], %parallel_loop3A_653 {strides = array<i32>} : memref<64x512xf32, #tpu.memory_space<vmem>>, vector<16xf32>,
      %parallel_loop3A_657 = arith.mulf %parallel_loop3A_392, %parallel_loop3A_540 : vector<16xf32>
      %parallel_loop3A_658 = arith.index_cast %parallel_loop3A_302 : i32 to index
      %parallel_loop3A_659 = arith.constant 464 : index
      %parallel_loop3A_660 = tpu.vector_load %arg9[%parallel_loop3A_658, %parallel_loop3A_659] {strides = array<i32>} : memref<64x512xf32, #tpu.memory_space<vmem>>, vector<16xf32>,
      tpu.vector_store %arg9[%parallel_loop3A_658, %parallel_loop3A_659], %parallel_loop3A_657 {strides = array<i32>} : memref<64x512xf32, #tpu.memory_space<vmem>>, vector<16xf32>,
      %parallel_loop3A_661 = arith.mulf %parallel_loop3A_395, %parallel_loop3A_540 : vector<16xf32>
      %parallel_loop3A_662 = arith.index_cast %parallel_loop3A_302 : i32 to index
      %parallel_loop3A_663 = arith.constant 480 : index
      %parallel_loop3A_664 = tpu.vector_load %arg9[%parallel_loop3A_662, %parallel_loop3A_663] {strides = array<i32>} : memref<64x512xf32, #tpu.memory_space<vmem>>, vector<16xf32>,
      tpu.vector_store %arg9[%parallel_loop3A_662, %parallel_loop3A_663], %parallel_loop3A_661 {strides = array<i32>} : memref<64x512xf32, #tpu.memory_space<vmem>>, vector<16xf32>,
      %parallel_loop3A_665 = arith.mulf %parallel_loop3A_398, %parallel_loop3A_540 : vector<16xf32>
      %parallel_loop3A_666 = arith.index_cast %parallel_loop3A_302 : i32 to index
      %parallel_loop3A_667 = arith.constant 496 : index
      %parallel_loop3A_668 = tpu.vector_load %arg9[%parallel_loop3A_666, %parallel_loop3A_667] {strides = array<i32>} : memref<64x512xf32, #tpu.memory_space<vmem>>, vector<16xf32>,
      tpu.vector_store %arg9[%parallel_loop3A_666, %parallel_loop3A_667], %parallel_loop3A_665 {strides = array<i32>} : memref<64x512xf32, #tpu.memory_space<vmem>>, vector<16xf32>,
    } {sc.loop_unroll_factor = 1 : i64, sc.parallel_access}
    %add3A_125 = arith.constant 32 : i32
    %add3A_126 = arith.addi %mul3A_49, %add3A_125 : i32
    %dma_start3A_127 = arith.constant 0 : i32
    %dma_start3A_128 = arith.constant 0 : i32
    %dma_start3A_129 = tpu.memref_slice %arg9[%dma_start3A_127, %dma_start3A_128] : memref<64x512xf32, #tpu.memory_space<vmem>> -> memref<64x512xf32, #tpu.memory_space<vmem>>
    %dma_start3A_130 = arith.constant 0 : i32
    %dma_start3A_131 = tpu.memref_slice %arg5[%add3A_126, %dma_start3A_130] : memref<8192x512xf32, #tpu.memory_space<hbm>> -> memref<64x512xf32, #tpu.memory_space<hbm>>
    %dma_start3A_132 = arith.constant 0 : i32
    %dma_start3A_133 = tpu.memref_slice %arg5[%add3A_126, %dma_start3A_132] : memref<8192x512xf32, #tpu.memory_space<hbm>> -> memref<64x512xf32, #tpu.memory_space<hbm>>
    %dma_start3A_134 = arith.constant 0 : i32
    %dma_start3A_135 = arith.constant 0 : i32
    %dma_start3A_136 = tpu.memref_slice %arg9[%dma_start3A_134, %dma_start3A_135] : memref<64x512xf32, #tpu.memory_space<vmem>> -> memref<64x512xf32, #tpu.memory_space<vmem>>
    tpu.enqueue_dma source(%dma_start3A_136 : memref<64x512xf32, #tpu.memory_space<vmem>>) target(%dma_start3A_133 : memref<64x512xf32, #tpu.memory_space<hbm>>) target_semaphore(%arg15 : memref<!tpu.dma_semaphore, #tpu.memory_space<semaphore_mem>>)
    %add3A_137 = arith.constant 0 : i32
    %add3A_138 = arith.addi %mul3A_49, %add3A_137 : i32
    %dma_wait3A_139 = arith.constant 0 : i32
    %dma_wait3A_140 = arith.constant 0 : i32
    %dma_wait3A_141 = tpu.memref_slice %arg8[%dma_wait3A_139, %dma_wait3A_140] : memref<64x512xf32, #tpu.memory_space<vmem>> -> memref<32x512xf32, #tpu.memory_space<vmem>>
    %dma_wait3A_142 = arith.constant 0 : i32
    %dma_wait3A_143 = tpu.memref_slice %arg5[%add3A_138, %dma_wait3A_142] : memref<8192x512xf32, #tpu.memory_space<hbm>> -> memref<32x512xf32, #tpu.memory_space<hbm>>
    %dma_wait3A_144 = arith.constant 0 : i32
    %dma_wait3A_145 = tpu.memref_slice %arg5[%add3A_138, %dma_wait3A_144] : memref<8192x512xf32, #tpu.memory_space<hbm>> -> memref<32x512xf32, #tpu.memory_space<hbm>>
    %dma_wait3A_146 = arith.constant 0 : i32
    %dma_wait3A_147 = arith.constant 0 : i32
    %dma_wait3A_148 = tpu.memref_slice %arg8[%dma_wait3A_146, %dma_wait3A_147] : memref<64x512xf32, #tpu.memory_space<vmem>> -> memref<32x512xf32, #tpu.memory_space<vmem>>
    tpu.wait_dma2 semaphore(%arg14 : memref<!tpu.dma_semaphore, #tpu.memory_space<semaphore_mem>>) src(%dma_wait3A_148 : memref<32x512xf32, #tpu.memory_space<vmem>>) dst(%dma_wait3A_145 : memref<32x512xf32, #tpu.memory_space<hbm>>)
    %add3A_149 = arith.constant 160 : i32
    %add3A_150 = arith.addi %multiple_of3A, %add3A_149 : i32
    %dma_start3A_151 = arith.constant 0 : i32
    %dma_start3A_152 = arith.constant 0 : i32
    %dma_start3A_153 = tpu.memref_slice %arg8[%dma_start3A_151, %dma_start3A_152] : memref<64x512xf32, #tpu.memory_space<vmem>> -> memref<64x512xf32, #tpu.memory_space<vmem>>
    %dma_start3A_154 = arith.constant 0 : i32
    %dma_start3A_155 = tpu.memref_slice %arg2[%add3A_150, %dma_start3A_154] : memref<32768x512xf32, #tpu.memory_space<hbm>> -> memref<64x512xf32, #tpu.memory_space<hbm>>
    %dma_start3A_156 = arith.constant 0 : i32
    %dma_start3A_157 = arith.constant 0 : i32
    %dma_start3A_158 = tpu.memref_slice %arg8[%dma_start3A_156, %dma_start3A_157] : memref<64x512xf32, #tpu.memory_space<vmem>> -> memref<64x512xf32, #tpu.memory_space<vmem>>
    %dma_start3A_159 = arith.constant 0 : i32
    %dma_start3A_160 = tpu.memref_slice %arg2[%add3A_150, %dma_start3A_159] : memref<32768x512xf32, #tpu.memory_space<hbm>> -> memref<64x512xf32, #tpu.memory_space<hbm>>
    tpu.enqueue_dma source(%dma_start3A_160 : memref<64x512xf32, #tpu.memory_space<hbm>>) target(%dma_start3A_158 : memref<64x512xf32, #tpu.memory_space<vmem>>) target_semaphore(%arg11 : memref<!tpu.dma_semaphore, #tpu.memory_space<semaphore_mem>>)
    %add3A_161 = arith.constant 96 : i32
    %add3A_162 = arith.addi %multiple_of3A, %add3A_161 : i32
    %dma_wait3A_163 = arith.constant 0 : i32
    %dma_wait3A_164 = arith.constant 0 : i32
    %dma_wait3A_165 = tpu.memref_slice %arg10[%dma_wait3A_163, %dma_wait3A_164] : memref<64x512xf32, #tpu.memory_space<vmem>> -> memref<64x512xf32, #tpu.memory_space<vmem>>
    %dma_wait3A_166 = arith.constant 0 : i32
    %dma_wait3A_167 = tpu.memref_slice %arg2[%add3A_162, %dma_wait3A_166] : memref<32768x512xf32, #tpu.memory_space<hbm>> -> memref<64x512xf32, #tpu.memory_space<hbm>>
    %dma_wait3A_168 = arith.constant 0 : i32
    %dma_wait3A_169 = arith.constant 0 : i32
    %dma_wait3A_170 = tpu.memref_slice %arg10[%dma_wait3A_168, %dma_wait3A_169] : memref<64x512xf32, #tpu.memory_space<vmem>> -> memref<64x512xf32, #tpu.memory_space<vmem>>
    %dma_wait3A_171 = arith.constant 0 : i32
    %dma_wait3A_172 = tpu.memref_slice %arg2[%add3A_162, %dma_wait3A_171] : memref<32768x512xf32, #tpu.memory_space<hbm>> -> memref<64x512xf32, #tpu.memory_space<hbm>>
    tpu.wait_dma2 semaphore(%arg13 : memref<!tpu.dma_semaphore, #tpu.memory_space<semaphore_mem>>) src(%dma_wait3A_172 : memref<64x512xf32, #tpu.memory_space<hbm>>) dst(%dma_wait3A_170 : memref<64x512xf32, #tpu.memory_space<vmem>>)
    %parallel_loop3A_173 = arith.constant 0 : i32
    %parallel_loop3A_174 = arith.constant 64 : i32
    %parallel_loop3A_175 = arith.constant 1 : i32
    scf.for %parallel_loop3A_302 = %parallel_loop3A_173 to %parallel_loop3A_174 step %parallel_loop3A_175  : i32 {
      %parallel_loop3A_303 = arith.index_cast %parallel_loop3A_302 : i32 to index
      %parallel_loop3A_304 = arith.constant 0 : index
      %parallel_loop3A_305 = tpu.vector_load %arg10[%parallel_loop3A_303, %parallel_loop3A_304] {strides = array<i32>} : memref<64x512xf32, #tpu.memory_space<vmem>>, vector<16xf32>,
      %parallel_loop3A_306 = arith.index_cast %parallel_loop3A_302 : i32 to index
      %parallel_loop3A_307 = arith.constant 16 : index
      %parallel_loop3A_308 = tpu.vector_load %arg10[%parallel_loop3A_306, %parallel_loop3A_307] {strides = array<i32>} : memref<64x512xf32, #tpu.memory_space<vmem>>, vector<16xf32>,
      %parallel_loop3A_309 = arith.index_cast %parallel_loop3A_302 : i32 to index
      %parallel_loop3A_310 = arith.constant 32 : index
      %parallel_loop3A_311 = tpu.vector_load %arg10[%parallel_loop3A_309, %parallel_loop3A_310] {strides = array<i32>} : memref<64x512xf32, #tpu.memory_space<vmem>>, vector<16xf32>,
      %parallel_loop3A_312 = arith.index_cast %parallel_loop3A_302 : i32 to index
      %parallel_loop3A_313 = arith.constant 48 : index
      %parallel_loop3A_314 = tpu.vector_load %arg10[%parallel_loop3A_312, %parallel_loop3A_313] {strides = array<i32>} : memref<64x512xf32, #tpu.memory_space<vmem>>, vector<16xf32>,
      %parallel_loop3A_315 = arith.index_cast %parallel_loop3A_302 : i32 to index
      %parallel_loop3A_316 = arith.constant 64 : index
      %parallel_loop3A_317 = tpu.vector_load %arg10[%parallel_loop3A_315, %parallel_loop3A_316] {strides = array<i32>} : memref<64x512xf32, #tpu.memory_space<vmem>>, vector<16xf32>,
      %parallel_loop3A_318 = arith.index_cast %parallel_loop3A_302 : i32 to index
      %parallel_loop3A_319 = arith.constant 80 : index
      %parallel_loop3A_320 = tpu.vector_load %arg10[%parallel_loop3A_318, %parallel_loop3A_319] {strides = array<i32>} : memref<64x512xf32, #tpu.memory_space<vmem>>, vector<16xf32>,
      %parallel_loop3A_321 = arith.index_cast %parallel_loop3A_302 : i32 to index
      %parallel_loop3A_322 = arith.constant 96 : index
      %parallel_loop3A_323 = tpu.vector_load %arg10[%parallel_loop3A_321, %parallel_loop3A_322] {strides = array<i32>} : memref<64x512xf32, #tpu.memory_space<vmem>>, vector<16xf32>,
      %parallel_loop3A_324 = arith.index_cast %parallel_loop3A_302 : i32 to index
      %parallel_loop3A_325 = arith.constant 112 : index
      %parallel_loop3A_326 = tpu.vector_load %arg10[%parallel_loop3A_324, %parallel_loop3A_325] {strides = array<i32>} : memref<64x512xf32, #tpu.memory_space<vmem>>, vector<16xf32>,
      %parallel_loop3A_327 = arith.index_cast %parallel_loop3A_302 : i32 to index
      %parallel_loop3A_328 = arith.constant 128 : index
      %parallel_loop3A_329 = tpu.vector_load %arg10[%parallel_loop3A_327, %parallel_loop3A_328] {strides = array<i32>} : memref<64x512xf32, #tpu.memory_space<vmem>>, vector<16xf32>,
      %parallel_loop3A_330 = arith.index_cast %parallel_loop3A_302 : i32 to index
      %parallel_loop3A_331 = arith.constant 144 : index
      %parallel_loop3A_332 = tpu.vector_load %arg10[%parallel_loop3A_330, %parallel_loop3A_331] {strides = array<i32>} : memref<64x512xf32, #tpu.memory_space<vmem>>, vector<16xf32>,
      %parallel_loop3A_333 = arith.index_cast %parallel_loop3A_302 : i32 to index
      %parallel_loop3A_334 = arith.constant 160 : index
      %parallel_loop3A_335 = tpu.vector_load %arg10[%parallel_loop3A_333, %parallel_loop3A_334] {strides = array<i32>} : memref<64x512xf32, #tpu.memory_space<vmem>>, vector<16xf32>,
      %parallel_loop3A_336 = arith.index_cast %parallel_loop3A_302 : i32 to index
      %parallel_loop3A_337 = arith.constant 176 : index
      %parallel_loop3A_338 = tpu.vector_load %arg10[%parallel_loop3A_336, %parallel_loop3A_337] {strides = array<i32>} : memref<64x512xf32, #tpu.memory_space<vmem>>, vector<16xf32>,
      %parallel_loop3A_339 = arith.index_cast %parallel_loop3A_302 : i32 to index
      %parallel_loop3A_340 = arith.constant 192 : index
      %parallel_loop3A_341 = tpu.vector_load %arg10[%parallel_loop3A_339, %parallel_loop3A_340] {strides = array<i32>} : memref<64x512xf32, #tpu.memory_space<vmem>>, vector<16xf32>,
      %parallel_loop3A_342 = arith.index_cast %parallel_loop3A_302 : i32 to index
      %parallel_loop3A_343 = arith.constant 208 : index
      %parallel_loop3A_344 = tpu.vector_load %arg10[%parallel_loop3A_342, %parallel_loop3A_343] {strides = array<i32>} : memref<64x512xf32, #tpu.memory_space<vmem>>, vector<16xf32>,
      %parallel_loop3A_345 = arith.index_cast %parallel_loop3A_302 : i32 to index
      %parallel_loop3A_346 = arith.constant 224 : index
      %parallel_loop3A_347 = tpu.vector_load %arg10[%parallel_loop3A_345, %parallel_loop3A_346] {strides = array<i32>} : memref<64x512xf32, #tpu.memory_space<vmem>>, vector<16xf32>,
      %parallel_loop3A_348 = arith.index_cast %parallel_loop3A_302 : i32 to index
      %parallel_loop3A_349 = arith.constant 240 : index
      %parallel_loop3A_350 = tpu.vector_load %arg10[%parallel_loop3A_348, %parallel_loop3A_349] {strides = array<i32>} : memref<64x512xf32, #tpu.memory_space<vmem>>, vector<16xf32>,
      %parallel_loop3A_351 = arith.index_cast %parallel_loop3A_302 : i32 to index
      %parallel_loop3A_352 = arith.constant 256 : index
      %parallel_loop3A_353 = tpu.vector_load %arg10[%parallel_loop3A_351, %parallel_loop3A_352] {strides = array<i32>} : memref<64x512xf32, #tpu.memory_space<vmem>>, vector<16xf32>,
      %parallel_loop3A_354 = arith.index_cast %parallel_loop3A_302 : i32 to index
      %parallel_loop3A_355 = arith.constant 272 : index
      %parallel_loop3A_356 = tpu.vector_load %arg10[%parallel_loop3A_354, %parallel_loop3A_355] {strides = array<i32>} : memref<64x512xf32, #tpu.memory_space<vmem>>, vector<16xf32>,
      %parallel_loop3A_357 = arith.index_cast %parallel_loop3A_302 : i32 to index
      %parallel_loop3A_358 = arith.constant 288 : index
      %parallel_loop3A_359 = tpu.vector_load %arg10[%parallel_loop3A_357, %parallel_loop3A_358] {strides = array<i32>} : memref<64x512xf32, #tpu.memory_space<vmem>>, vector<16xf32>,
      %parallel_loop3A_360 = arith.index_cast %parallel_loop3A_302 : i32 to index
      %parallel_loop3A_361 = arith.constant 304 : index
      %parallel_loop3A_362 = tpu.vector_load %arg10[%parallel_loop3A_360, %parallel_loop3A_361] {strides = array<i32>} : memref<64x512xf32, #tpu.memory_space<vmem>>, vector<16xf32>,
      %parallel_loop3A_363 = arith.index_cast %parallel_loop3A_302 : i32 to index
      %parallel_loop3A_364 = arith.constant 320 : index
      %parallel_loop3A_365 = tpu.vector_load %arg10[%parallel_loop3A_363, %parallel_loop3A_364] {strides = array<i32>} : memref<64x512xf32, #tpu.memory_space<vmem>>, vector<16xf32>,
      %parallel_loop3A_366 = arith.index_cast %parallel_loop3A_302 : i32 to index
      %parallel_loop3A_367 = arith.constant 336 : index
      %parallel_loop3A_368 = tpu.vector_load %arg10[%parallel_loop3A_366, %parallel_loop3A_367] {strides = array<i32>} : memref<64x512xf32, #tpu.memory_space<vmem>>, vector<16xf32>,
      %parallel_loop3A_369 = arith.index_cast %parallel_loop3A_302 : i32 to index
      %parallel_loop3A_370 = arith.constant 352 : index
      %parallel_loop3A_371 = tpu.vector_load %arg10[%parallel_loop3A_369, %parallel_loop3A_370] {strides = array<i32>} : memref<64x512xf32, #tpu.memory_space<vmem>>, vector<16xf32>,
      %parallel_loop3A_372 = arith.index_cast %parallel_loop3A_302 : i32 to index
      %parallel_loop3A_373 = arith.constant 368 : index
      %parallel_loop3A_374 = tpu.vector_load %arg10[%parallel_loop3A_372, %parallel_loop3A_373] {strides = array<i32>} : memref<64x512xf32, #tpu.memory_space<vmem>>, vector<16xf32>,
      %parallel_loop3A_375 = arith.index_cast %parallel_loop3A_302 : i32 to index
      %parallel_loop3A_376 = arith.constant 384 : index
      %parallel_loop3A_377 = tpu.vector_load %arg10[%parallel_loop3A_375, %parallel_loop3A_376] {strides = array<i32>} : memref<64x512xf32, #tpu.memory_space<vmem>>, vector<16xf32>,
      %parallel_loop3A_378 = arith.index_cast %parallel_loop3A_302 : i32 to index
      %parallel_loop3A_379 = arith.constant 400 : index
      %parallel_loop3A_380 = tpu.vector_load %arg10[%parallel_loop3A_378, %parallel_loop3A_379] {strides = array<i32>} : memref<64x512xf32, #tpu.memory_space<vmem>>, vector<16xf32>,
      %parallel_loop3A_381 = arith.index_cast %parallel_loop3A_302 : i32 to index
      %parallel_loop3A_382 = arith.constant 416 : index
      %parallel_loop3A_383 = tpu.vector_load %arg10[%parallel_loop3A_381, %parallel_loop3A_382] {strides = array<i32>} : memref<64x512xf32, #tpu.memory_space<vmem>>, vector<16xf32>,
      %parallel_loop3A_384 = arith.index_cast %parallel_loop3A_302 : i32 to index
      %parallel_loop3A_385 = arith.constant 432 : index
      %parallel_loop3A_386 = tpu.vector_load %arg10[%parallel_loop3A_384, %parallel_loop3A_385] {strides = array<i32>} : memref<64x512xf32, #tpu.memory_space<vmem>>, vector<16xf32>,
      %parallel_loop3A_387 = arith.index_cast %parallel_loop3A_302 : i32 to index
      %parallel_loop3A_388 = arith.constant 448 : index
      %parallel_loop3A_389 = tpu.vector_load %arg10[%parallel_loop3A_387, %parallel_loop3A_388] {strides = array<i32>} : memref<64x512xf32, #tpu.memory_space<vmem>>, vector<16xf32>,
      %parallel_loop3A_390 = arith.index_cast %parallel_loop3A_302 : i32 to index
      %parallel_loop3A_391 = arith.constant 464 : index
      %parallel_loop3A_392 = tpu.vector_load %arg10[%parallel_loop3A_390, %parallel_loop3A_391] {strides = array<i32>} : memref<64x512xf32, #tpu.memory_space<vmem>>, vector<16xf32>,
      %parallel_loop3A_393 = arith.index_cast %parallel_loop3A_302 : i32 to index
      %parallel_loop3A_394 = arith.constant 480 : index
      %parallel_loop3A_395 = tpu.vector_load %arg10[%parallel_loop3A_393, %parallel_loop3A_394] {strides = array<i32>} : memref<64x512xf32, #tpu.memory_space<vmem>>, vector<16xf32>,
      %parallel_loop3A_396 = arith.index_cast %parallel_loop3A_302 : i32 to index
      %parallel_loop3A_397 = arith.constant 496 : index
      %parallel_loop3A_398 = tpu.vector_load %arg10[%parallel_loop3A_396, %parallel_loop3A_397] {strides = array<i32>} : memref<64x512xf32, #tpu.memory_space<vmem>>, vector<16xf32>,
      %parallel_loop3A_399 = arith.constant 0.000000e+00 : f32
      %parallel_loop3A_400 = vector.broadcast %parallel_loop3A_399 : f32 to vector<16xf32>
      %parallel_loop3A_401 = arith.constant 0.000000e+00 : f32
      %parallel_loop3A_402 = vector.broadcast %parallel_loop3A_401 : f32 to vector<16xf32>
      %parallel_loop3A_403 = arith.constant 0.000000e+00 : f32
      %parallel_loop3A_404 = vector.broadcast %parallel_loop3A_403 : f32 to vector<16xf32>
      %parallel_loop3A_405 = arith.constant 0.000000e+00 : f32
      %parallel_loop3A_406 = vector.broadcast %parallel_loop3A_405 : f32 to vector<16xf32>
      %parallel_loop3A_407 = arith.constant 0.000000e+00 : f32
      %parallel_loop3A_408 = vector.broadcast %parallel_loop3A_407 : f32 to vector<16xf32>
      %parallel_loop3A_409 = arith.constant 0.000000e+00 : f32
      %parallel_loop3A_410 = vector.broadcast %parallel_loop3A_409 : f32 to vector<16xf32>
      %parallel_loop3A_411 = arith.constant 0.000000e+00 : f32
      %parallel_loop3A_412 = vector.broadcast %parallel_loop3A_411 : f32 to vector<16xf32>
      %parallel_loop3A_413 = arith.constant 0.000000e+00 : f32
      %parallel_loop3A_414 = vector.broadcast %parallel_loop3A_413 : f32 to vector<16xf32>
      %parallel_loop3A_415 = arith.mulf %parallel_loop3A_305, %parallel_loop3A_305 : vector<16xf32>
      %parallel_loop3A_416 = arith.addf %parallel_loop3A_400, %parallel_loop3A_415 : vector<16xf32>
      %parallel_loop3A_417 = arith.mulf %parallel_loop3A_308, %parallel_loop3A_308 : vector<16xf32>
      %parallel_loop3A_418 = arith.addf %parallel_loop3A_402, %parallel_loop3A_417 : vector<16xf32>
      %parallel_loop3A_419 = arith.mulf %parallel_loop3A_311, %parallel_loop3A_311 : vector<16xf32>
      %parallel_loop3A_420 = arith.addf %parallel_loop3A_404, %parallel_loop3A_419 : vector<16xf32>
      %parallel_loop3A_421 = arith.mulf %parallel_loop3A_314, %parallel_loop3A_314 : vector<16xf32>
      %parallel_loop3A_422 = arith.addf %parallel_loop3A_406, %parallel_loop3A_421 : vector<16xf32>
      %parallel_loop3A_423 = arith.mulf %parallel_loop3A_317, %parallel_loop3A_317 : vector<16xf32>
      %parallel_loop3A_424 = arith.addf %parallel_loop3A_408, %parallel_loop3A_423 : vector<16xf32>
      %parallel_loop3A_425 = arith.mulf %parallel_loop3A_320, %parallel_loop3A_320 : vector<16xf32>
      %parallel_loop3A_426 = arith.addf %parallel_loop3A_410, %parallel_loop3A_425 : vector<16xf32>
      %parallel_loop3A_427 = arith.mulf %parallel_loop3A_323, %parallel_loop3A_323 : vector<16xf32>
      %parallel_loop3A_428 = arith.addf %parallel_loop3A_412, %parallel_loop3A_427 : vector<16xf32>
      %parallel_loop3A_429 = arith.mulf %parallel_loop3A_326, %parallel_loop3A_326 : vector<16xf32>
      %parallel_loop3A_430 = arith.addf %parallel_loop3A_414, %parallel_loop3A_429 : vector<16xf32>
      %parallel_loop3A_431 = arith.mulf %parallel_loop3A_329, %parallel_loop3A_329 : vector<16xf32>
      %parallel_loop3A_432 = arith.addf %parallel_loop3A_416, %parallel_loop3A_431 : vector<16xf32>
      %parallel_loop3A_433 = arith.mulf %parallel_loop3A_332, %parallel_loop3A_332 : vector<16xf32>
      %parallel_loop3A_434 = arith.addf %parallel_loop3A_418, %parallel_loop3A_433 : vector<16xf32>
      %parallel_loop3A_435 = arith.mulf %parallel_loop3A_335, %parallel_loop3A_335 : vector<16xf32>
      %parallel_loop3A_436 = arith.addf %parallel_loop3A_420, %parallel_loop3A_435 : vector<16xf32>
      %parallel_loop3A_437 = arith.mulf %parallel_loop3A_338, %parallel_loop3A_338 : vector<16xf32>
      %parallel_loop3A_438 = arith.addf %parallel_loop3A_422, %parallel_loop3A_437 : vector<16xf32>
      %parallel_loop3A_439 = arith.mulf %parallel_loop3A_341, %parallel_loop3A_341 : vector<16xf32>
      %parallel_loop3A_440 = arith.addf %parallel_loop3A_424, %parallel_loop3A_439 : vector<16xf32>
      %parallel_loop3A_441 = arith.mulf %parallel_loop3A_344, %parallel_loop3A_344 : vector<16xf32>
      %parallel_loop3A_442 = arith.addf %parallel_loop3A_426, %parallel_loop3A_441 : vector<16xf32>
      %parallel_loop3A_443 = arith.mulf %parallel_loop3A_347, %parallel_loop3A_347 : vector<16xf32>
      %parallel_loop3A_444 = arith.addf %parallel_loop3A_428, %parallel_loop3A_443 : vector<16xf32>
      %parallel_loop3A_445 = arith.mulf %parallel_loop3A_350, %parallel_loop3A_350 : vector<16xf32>
      %parallel_loop3A_446 = arith.addf %parallel_loop3A_430, %parallel_loop3A_445 : vector<16xf32>
      %parallel_loop3A_447 = arith.mulf %parallel_loop3A_353, %parallel_loop3A_353 : vector<16xf32>
      %parallel_loop3A_448 = arith.addf %parallel_loop3A_432, %parallel_loop3A_447 : vector<16xf32>
      %parallel_loop3A_449 = arith.mulf %parallel_loop3A_356, %parallel_loop3A_356 : vector<16xf32>
      %parallel_loop3A_450 = arith.addf %parallel_loop3A_434, %parallel_loop3A_449 : vector<16xf32>
      %parallel_loop3A_451 = arith.mulf %parallel_loop3A_359, %parallel_loop3A_359 : vector<16xf32>
      %parallel_loop3A_452 = arith.addf %parallel_loop3A_436, %parallel_loop3A_451 : vector<16xf32>
      %parallel_loop3A_453 = arith.mulf %parallel_loop3A_362, %parallel_loop3A_362 : vector<16xf32>
      %parallel_loop3A_454 = arith.addf %parallel_loop3A_438, %parallel_loop3A_453 : vector<16xf32>
      %parallel_loop3A_455 = arith.mulf %parallel_loop3A_365, %parallel_loop3A_365 : vector<16xf32>
      %parallel_loop3A_456 = arith.addf %parallel_loop3A_440, %parallel_loop3A_455 : vector<16xf32>
      %parallel_loop3A_457 = arith.mulf %parallel_loop3A_368, %parallel_loop3A_368 : vector<16xf32>
      %parallel_loop3A_458 = arith.addf %parallel_loop3A_442, %parallel_loop3A_457 : vector<16xf32>
      %parallel_loop3A_459 = arith.mulf %parallel_loop3A_371, %parallel_loop3A_371 : vector<16xf32>
      %parallel_loop3A_460 = arith.addf %parallel_loop3A_444, %parallel_loop3A_459 : vector<16xf32>
      %parallel_loop3A_461 = arith.mulf %parallel_loop3A_374, %parallel_loop3A_374 : vector<16xf32>
      %parallel_loop3A_462 = arith.addf %parallel_loop3A_446, %parallel_loop3A_461 : vector<16xf32>
      %parallel_loop3A_463 = arith.mulf %parallel_loop3A_377, %parallel_loop3A_377 : vector<16xf32>
      %parallel_loop3A_464 = arith.addf %parallel_loop3A_448, %parallel_loop3A_463 : vector<16xf32>
      %parallel_loop3A_465 = arith.mulf %parallel_loop3A_380, %parallel_loop3A_380 : vector<16xf32>
      %parallel_loop3A_466 = arith.addf %parallel_loop3A_450, %parallel_loop3A_465 : vector<16xf32>
      %parallel_loop3A_467 = arith.mulf %parallel_loop3A_383, %parallel_loop3A_383 : vector<16xf32>
      %parallel_loop3A_468 = arith.addf %parallel_loop3A_452, %parallel_loop3A_467 : vector<16xf32>
      %parallel_loop3A_469 = arith.mulf %parallel_loop3A_386, %parallel_loop3A_386 : vector<16xf32>
      %parallel_loop3A_470 = arith.addf %parallel_loop3A_454, %parallel_loop3A_469 : vector<16xf32>
      %parallel_loop3A_471 = arith.mulf %parallel_loop3A_389, %parallel_loop3A_389 : vector<16xf32>
      %parallel_loop3A_472 = arith.addf %parallel_loop3A_456, %parallel_loop3A_471 : vector<16xf32>
      %parallel_loop3A_473 = arith.mulf %parallel_loop3A_392, %parallel_loop3A_392 : vector<16xf32>
      %parallel_loop3A_474 = arith.addf %parallel_loop3A_458, %parallel_loop3A_473 : vector<16xf32>
      %parallel_loop3A_475 = arith.mulf %parallel_loop3A_395, %parallel_loop3A_395 : vector<16xf32>
      %parallel_loop3A_476 = arith.addf %parallel_loop3A_460, %parallel_loop3A_475 : vector<16xf32>
      %parallel_loop3A_477 = arith.mulf %parallel_loop3A_398, %parallel_loop3A_398 : vector<16xf32>
      %parallel_loop3A_478 = arith.addf %parallel_loop3A_462, %parallel_loop3A_477 : vector<16xf32>
      %parallel_loop3A_479 = arith.addf %parallel_loop3A_464, %parallel_loop3A_466 : vector<16xf32>
      %parallel_loop3A_480 = arith.addf %parallel_loop3A_468, %parallel_loop3A_470 : vector<16xf32>
      %parallel_loop3A_481 = arith.addf %parallel_loop3A_479, %parallel_loop3A_480 : vector<16xf32>
      %parallel_loop3A_482 = arith.addf %parallel_loop3A_472, %parallel_loop3A_474 : vector<16xf32>
      %parallel_loop3A_483 = arith.addf %parallel_loop3A_476, %parallel_loop3A_478 : vector<16xf32>
      %parallel_loop3A_484 = arith.addf %parallel_loop3A_482, %parallel_loop3A_483 : vector<16xf32>
      %parallel_loop3A_485 = arith.addf %parallel_loop3A_481, %parallel_loop3A_484 : vector<16xf32>
      %parallel_loop3A_486 = tpu.iota {dimensions = array<i32: 0>} : vector<16xi32>
      %parallel_loop3A_487 = arith.constant 8 : i32
      %parallel_loop3A_488 = vector.broadcast %parallel_loop3A_487 : i32 to vector<16xi32>
      %parallel_loop3A_489 = arith.xori %parallel_loop3A_486, %parallel_loop3A_488 : vector<16xi32>
      %parallel_loop3A_490 = vector.shape_cast %parallel_loop3A_489 : vector<16xi32> to vector<16x1xi32>
      %parallel_loop3A_491 = vector.shape_cast %parallel_loop3A_490 : vector<16x1xi32> to vector<16xi32>
      %parallel_loop3A_492 = tpu.dynamic_gather %parallel_loop3A_485[%parallel_loop3A_491] in [0] : vector<16xf32>, vector<16xi32> -> vector<16xf32>
      %parallel_loop3A_493 = arith.addf %parallel_loop3A_485, %parallel_loop3A_492 : vector<16xf32>
      %parallel_loop3A_494 = arith.constant 4 : i32
      %parallel_loop3A_495 = vector.broadcast %parallel_loop3A_494 : i32 to vector<16xi32>
      %parallel_loop3A_496 = arith.xori %parallel_loop3A_486, %parallel_loop3A_495 : vector<16xi32>
      %parallel_loop3A_497 = vector.shape_cast %parallel_loop3A_496 : vector<16xi32> to vector<16x1xi32>
      %parallel_loop3A_498 = vector.shape_cast %parallel_loop3A_497 : vector<16x1xi32> to vector<16xi32>
      %parallel_loop3A_499 = tpu.dynamic_gather %parallel_loop3A_493[%parallel_loop3A_498] in [0] : vector<16xf32>, vector<16xi32> -> vector<16xf32>
      %parallel_loop3A_500 = arith.addf %parallel_loop3A_493, %parallel_loop3A_499 : vector<16xf32>
      %parallel_loop3A_501 = arith.constant 2 : i32
      %parallel_loop3A_502 = vector.broadcast %parallel_loop3A_501 : i32 to vector<16xi32>
      %parallel_loop3A_503 = arith.xori %parallel_loop3A_486, %parallel_loop3A_502 : vector<16xi32>
      %parallel_loop3A_504 = vector.shape_cast %parallel_loop3A_503 : vector<16xi32> to vector<16x1xi32>
      %parallel_loop3A_505 = vector.shape_cast %parallel_loop3A_504 : vector<16x1xi32> to vector<16xi32>
      %parallel_loop3A_506 = tpu.dynamic_gather %parallel_loop3A_500[%parallel_loop3A_505] in [0] : vector<16xf32>, vector<16xi32> -> vector<16xf32>
      %parallel_loop3A_507 = arith.addf %parallel_loop3A_500, %parallel_loop3A_506 : vector<16xf32>
      %parallel_loop3A_508 = arith.constant 1 : i32
      %parallel_loop3A_509 = vector.broadcast %parallel_loop3A_508 : i32 to vector<16xi32>
      %parallel_loop3A_510 = arith.xori %parallel_loop3A_486, %parallel_loop3A_509 : vector<16xi32>
      %parallel_loop3A_511 = vector.shape_cast %parallel_loop3A_510 : vector<16xi32> to vector<16x1xi32>
      %parallel_loop3A_512 = vector.shape_cast %parallel_loop3A_511 : vector<16x1xi32> to vector<16xi32>
      %parallel_loop3A_513 = tpu.dynamic_gather %parallel_loop3A_507[%parallel_loop3A_512] in [0] : vector<16xf32>, vector<16xi32> -> vector<16xf32>
      %parallel_loop3A_514 = arith.addf %parallel_loop3A_507, %parallel_loop3A_513 : vector<16xf32>
      %parallel_loop3A_515 = arith.constant 5.000000e-01 : f32
      %parallel_loop3A_516 = vector.broadcast %parallel_loop3A_515 : f32 to vector<16xf32>
      %parallel_loop3A_517 = arith.mulf %parallel_loop3A_514, %parallel_loop3A_516 : vector<16xf32>
      %parallel_loop3A_518 = tpu.bitcast %parallel_loop3A_514 : vector<16xf32> -> vector<16xi32>
      %parallel_loop3A_519 = arith.constant 1 : i32
      %parallel_loop3A_520 = vector.broadcast %parallel_loop3A_519 : i32 to vector<16xi32>
      %parallel_loop3A_521 = arith.shrsi %parallel_loop3A_518, %parallel_loop3A_520 : vector<16xi32>
      %parallel_loop3A_522 = arith.constant 1597463007 : i32
      %parallel_loop3A_523 = vector.broadcast %parallel_loop3A_522 : i32 to vector<16xi32>
      %parallel_loop3A_524 = arith.subi %parallel_loop3A_523, %parallel_loop3A_521 : vector<16xi32>
      %parallel_loop3A_525 = tpu.bitcast %parallel_loop3A_524 : vector<16xi32> -> vector<16xf32>
      %parallel_loop3A_526 = arith.mulf %parallel_loop3A_517, %parallel_loop3A_525 : vector<16xf32>
      %parallel_loop3A_527 = arith.mulf %parallel_loop3A_526, %parallel_loop3A_525 : vector<16xf32>
      %parallel_loop3A_528 = arith.constant 1.500000e+00 : f32
      %parallel_loop3A_529 = vector.broadcast %parallel_loop3A_528 : f32 to vector<16xf32>
      %parallel_loop3A_530 = arith.subf %parallel_loop3A_529, %parallel_loop3A_527 : vector<16xf32>
      %parallel_loop3A_531 = arith.mulf %parallel_loop3A_525, %parallel_loop3A_530 : vector<16xf32>
      %parallel_loop3A_532 = arith.mulf %parallel_loop3A_517, %parallel_loop3A_531 : vector<16xf32>
      %parallel_loop3A_533 = arith.mulf %parallel_loop3A_532, %parallel_loop3A_531 : vector<16xf32>
      %parallel_loop3A_534 = arith.constant 1.500000e+00 : f32
      %parallel_loop3A_535 = vector.broadcast %parallel_loop3A_534 : f32 to vector<16xf32>
      %parallel_loop3A_536 = arith.subf %parallel_loop3A_535, %parallel_loop3A_533 : vector<16xf32>
      %parallel_loop3A_537 = arith.mulf %parallel_loop3A_531, %parallel_loop3A_536 : vector<16xf32>
      %parallel_loop3A_538 = arith.constant 1.000000e+06 : f32
      %parallel_loop3A_539 = vector.broadcast %parallel_loop3A_538 : f32 to vector<16xf32>
      %parallel_loop3A_540 = arith.minimumf %parallel_loop3A_537, %parallel_loop3A_539 : vector<16xf32>
      %parallel_loop3A_541 = arith.mulf %parallel_loop3A_305, %parallel_loop3A_540 : vector<16xf32>
      %parallel_loop3A_542 = arith.index_cast %parallel_loop3A_302 : i32 to index
      %parallel_loop3A_543 = arith.constant 0 : index
      %parallel_loop3A_544 = tpu.vector_load %arg10[%parallel_loop3A_542, %parallel_loop3A_543] {strides = array<i32>} : memref<64x512xf32, #tpu.memory_space<vmem>>, vector<16xf32>,
      tpu.vector_store %arg10[%parallel_loop3A_542, %parallel_loop3A_543], %parallel_loop3A_541 {strides = array<i32>} : memref<64x512xf32, #tpu.memory_space<vmem>>, vector<16xf32>,
      %parallel_loop3A_545 = arith.mulf %parallel_loop3A_308, %parallel_loop3A_540 : vector<16xf32>
      %parallel_loop3A_546 = arith.index_cast %parallel_loop3A_302 : i32 to index
      %parallel_loop3A_547 = arith.constant 16 : index
      %parallel_loop3A_548 = tpu.vector_load %arg10[%parallel_loop3A_546, %parallel_loop3A_547] {strides = array<i32>} : memref<64x512xf32, #tpu.memory_space<vmem>>, vector<16xf32>,
      tpu.vector_store %arg10[%parallel_loop3A_546, %parallel_loop3A_547], %parallel_loop3A_545 {strides = array<i32>} : memref<64x512xf32, #tpu.memory_space<vmem>>, vector<16xf32>,
      %parallel_loop3A_549 = arith.mulf %parallel_loop3A_311, %parallel_loop3A_540 : vector<16xf32>
      %parallel_loop3A_550 = arith.index_cast %parallel_loop3A_302 : i32 to index
      %parallel_loop3A_551 = arith.constant 32 : index
      %parallel_loop3A_552 = tpu.vector_load %arg10[%parallel_loop3A_550, %parallel_loop3A_551] {strides = array<i32>} : memref<64x512xf32, #tpu.memory_space<vmem>>, vector<16xf32>,
      tpu.vector_store %arg10[%parallel_loop3A_550, %parallel_loop3A_551], %parallel_loop3A_549 {strides = array<i32>} : memref<64x512xf32, #tpu.memory_space<vmem>>, vector<16xf32>,
      %parallel_loop3A_553 = arith.mulf %parallel_loop3A_314, %parallel_loop3A_540 : vector<16xf32>
      %parallel_loop3A_554 = arith.index_cast %parallel_loop3A_302 : i32 to index
      %parallel_loop3A_555 = arith.constant 48 : index
      %parallel_loop3A_556 = tpu.vector_load %arg10[%parallel_loop3A_554, %parallel_loop3A_555] {strides = array<i32>} : memref<64x512xf32, #tpu.memory_space<vmem>>, vector<16xf32>,
      tpu.vector_store %arg10[%parallel_loop3A_554, %parallel_loop3A_555], %parallel_loop3A_553 {strides = array<i32>} : memref<64x512xf32, #tpu.memory_space<vmem>>, vector<16xf32>,
      %parallel_loop3A_557 = arith.mulf %parallel_loop3A_317, %parallel_loop3A_540 : vector<16xf32>
      %parallel_loop3A_558 = arith.index_cast %parallel_loop3A_302 : i32 to index
      %parallel_loop3A_559 = arith.constant 64 : index
      %parallel_loop3A_560 = tpu.vector_load %arg10[%parallel_loop3A_558, %parallel_loop3A_559] {strides = array<i32>} : memref<64x512xf32, #tpu.memory_space<vmem>>, vector<16xf32>,
      tpu.vector_store %arg10[%parallel_loop3A_558, %parallel_loop3A_559], %parallel_loop3A_557 {strides = array<i32>} : memref<64x512xf32, #tpu.memory_space<vmem>>, vector<16xf32>,
      %parallel_loop3A_561 = arith.mulf %parallel_loop3A_320, %parallel_loop3A_540 : vector<16xf32>
      %parallel_loop3A_562 = arith.index_cast %parallel_loop3A_302 : i32 to index
      %parallel_loop3A_563 = arith.constant 80 : index
      %parallel_loop3A_564 = tpu.vector_load %arg10[%parallel_loop3A_562, %parallel_loop3A_563] {strides = array<i32>} : memref<64x512xf32, #tpu.memory_space<vmem>>, vector<16xf32>,
      tpu.vector_store %arg10[%parallel_loop3A_562, %parallel_loop3A_563], %parallel_loop3A_561 {strides = array<i32>} : memref<64x512xf32, #tpu.memory_space<vmem>>, vector<16xf32>,
      %parallel_loop3A_565 = arith.mulf %parallel_loop3A_323, %parallel_loop3A_540 : vector<16xf32>
      %parallel_loop3A_566 = arith.index_cast %parallel_loop3A_302 : i32 to index
      %parallel_loop3A_567 = arith.constant 96 : index
      %parallel_loop3A_568 = tpu.vector_load %arg10[%parallel_loop3A_566, %parallel_loop3A_567] {strides = array<i32>} : memref<64x512xf32, #tpu.memory_space<vmem>>, vector<16xf32>,
      tpu.vector_store %arg10[%parallel_loop3A_566, %parallel_loop3A_567], %parallel_loop3A_565 {strides = array<i32>} : memref<64x512xf32, #tpu.memory_space<vmem>>, vector<16xf32>,
      %parallel_loop3A_569 = arith.mulf %parallel_loop3A_326, %parallel_loop3A_540 : vector<16xf32>
      %parallel_loop3A_570 = arith.index_cast %parallel_loop3A_302 : i32 to index
      %parallel_loop3A_571 = arith.constant 112 : index
      %parallel_loop3A_572 = tpu.vector_load %arg10[%parallel_loop3A_570, %parallel_loop3A_571] {strides = array<i32>} : memref<64x512xf32, #tpu.memory_space<vmem>>, vector<16xf32>,
      tpu.vector_store %arg10[%parallel_loop3A_570, %parallel_loop3A_571], %parallel_loop3A_569 {strides = array<i32>} : memref<64x512xf32, #tpu.memory_space<vmem>>, vector<16xf32>,
      %parallel_loop3A_573 = arith.mulf %parallel_loop3A_329, %parallel_loop3A_540 : vector<16xf32>
      %parallel_loop3A_574 = arith.index_cast %parallel_loop3A_302 : i32 to index
      %parallel_loop3A_575 = arith.constant 128 : index
      %parallel_loop3A_576 = tpu.vector_load %arg10[%parallel_loop3A_574, %parallel_loop3A_575] {strides = array<i32>} : memref<64x512xf32, #tpu.memory_space<vmem>>, vector<16xf32>,
      tpu.vector_store %arg10[%parallel_loop3A_574, %parallel_loop3A_575], %parallel_loop3A_573 {strides = array<i32>} : memref<64x512xf32, #tpu.memory_space<vmem>>, vector<16xf32>,
      %parallel_loop3A_577 = arith.mulf %parallel_loop3A_332, %parallel_loop3A_540 : vector<16xf32>
      %parallel_loop3A_578 = arith.index_cast %parallel_loop3A_302 : i32 to index
      %parallel_loop3A_579 = arith.constant 144 : index
      %parallel_loop3A_580 = tpu.vector_load %arg10[%parallel_loop3A_578, %parallel_loop3A_579] {strides = array<i32>} : memref<64x512xf32, #tpu.memory_space<vmem>>, vector<16xf32>,
      tpu.vector_store %arg10[%parallel_loop3A_578, %parallel_loop3A_579], %parallel_loop3A_577 {strides = array<i32>} : memref<64x512xf32, #tpu.memory_space<vmem>>, vector<16xf32>,
      %parallel_loop3A_581 = arith.mulf %parallel_loop3A_335, %parallel_loop3A_540 : vector<16xf32>
      %parallel_loop3A_582 = arith.index_cast %parallel_loop3A_302 : i32 to index
      %parallel_loop3A_583 = arith.constant 160 : index
      %parallel_loop3A_584 = tpu.vector_load %arg10[%parallel_loop3A_582, %parallel_loop3A_583] {strides = array<i32>} : memref<64x512xf32, #tpu.memory_space<vmem>>, vector<16xf32>,
      tpu.vector_store %arg10[%parallel_loop3A_582, %parallel_loop3A_583], %parallel_loop3A_581 {strides = array<i32>} : memref<64x512xf32, #tpu.memory_space<vmem>>, vector<16xf32>,
      %parallel_loop3A_585 = arith.mulf %parallel_loop3A_338, %parallel_loop3A_540 : vector<16xf32>
      %parallel_loop3A_586 = arith.index_cast %parallel_loop3A_302 : i32 to index
      %parallel_loop3A_587 = arith.constant 176 : index
      %parallel_loop3A_588 = tpu.vector_load %arg10[%parallel_loop3A_586, %parallel_loop3A_587] {strides = array<i32>} : memref<64x512xf32, #tpu.memory_space<vmem>>, vector<16xf32>,
      tpu.vector_store %arg10[%parallel_loop3A_586, %parallel_loop3A_587], %parallel_loop3A_585 {strides = array<i32>} : memref<64x512xf32, #tpu.memory_space<vmem>>, vector<16xf32>,
      %parallel_loop3A_589 = arith.mulf %parallel_loop3A_341, %parallel_loop3A_540 : vector<16xf32>
      %parallel_loop3A_590 = arith.index_cast %parallel_loop3A_302 : i32 to index
      %parallel_loop3A_591 = arith.constant 192 : index
      %parallel_loop3A_592 = tpu.vector_load %arg10[%parallel_loop3A_590, %parallel_loop3A_591] {strides = array<i32>} : memref<64x512xf32, #tpu.memory_space<vmem>>, vector<16xf32>,
      tpu.vector_store %arg10[%parallel_loop3A_590, %parallel_loop3A_591], %parallel_loop3A_589 {strides = array<i32>} : memref<64x512xf32, #tpu.memory_space<vmem>>, vector<16xf32>,
      %parallel_loop3A_593 = arith.mulf %parallel_loop3A_344, %parallel_loop3A_540 : vector<16xf32>
      %parallel_loop3A_594 = arith.index_cast %parallel_loop3A_302 : i32 to index
      %parallel_loop3A_595 = arith.constant 208 : index
      %parallel_loop3A_596 = tpu.vector_load %arg10[%parallel_loop3A_594, %parallel_loop3A_595] {strides = array<i32>} : memref<64x512xf32, #tpu.memory_space<vmem>>, vector<16xf32>,
      tpu.vector_store %arg10[%parallel_loop3A_594, %parallel_loop3A_595], %parallel_loop3A_593 {strides = array<i32>} : memref<64x512xf32, #tpu.memory_space<vmem>>, vector<16xf32>,
      %parallel_loop3A_597 = arith.mulf %parallel_loop3A_347, %parallel_loop3A_540 : vector<16xf32>
      %parallel_loop3A_598 = arith.index_cast %parallel_loop3A_302 : i32 to index
      %parallel_loop3A_599 = arith.constant 224 : index
      %parallel_loop3A_600 = tpu.vector_load %arg10[%parallel_loop3A_598, %parallel_loop3A_599] {strides = array<i32>} : memref<64x512xf32, #tpu.memory_space<vmem>>, vector<16xf32>,
      tpu.vector_store %arg10[%parallel_loop3A_598, %parallel_loop3A_599], %parallel_loop3A_597 {strides = array<i32>} : memref<64x512xf32, #tpu.memory_space<vmem>>, vector<16xf32>,
      %parallel_loop3A_601 = arith.mulf %parallel_loop3A_350, %parallel_loop3A_540 : vector<16xf32>
      %parallel_loop3A_602 = arith.index_cast %parallel_loop3A_302 : i32 to index
      %parallel_loop3A_603 = arith.constant 240 : index
      %parallel_loop3A_604 = tpu.vector_load %arg10[%parallel_loop3A_602, %parallel_loop3A_603] {strides = array<i32>} : memref<64x512xf32, #tpu.memory_space<vmem>>, vector<16xf32>,
      tpu.vector_store %arg10[%parallel_loop3A_602, %parallel_loop3A_603], %parallel_loop3A_601 {strides = array<i32>} : memref<64x512xf32, #tpu.memory_space<vmem>>, vector<16xf32>,
      %parallel_loop3A_605 = arith.mulf %parallel_loop3A_353, %parallel_loop3A_540 : vector<16xf32>
      %parallel_loop3A_606 = arith.index_cast %parallel_loop3A_302 : i32 to index
      %parallel_loop3A_607 = arith.constant 256 : index
      %parallel_loop3A_608 = tpu.vector_load %arg10[%parallel_loop3A_606, %parallel_loop3A_607] {strides = array<i32>} : memref<64x512xf32, #tpu.memory_space<vmem>>, vector<16xf32>,
      tpu.vector_store %arg10[%parallel_loop3A_606, %parallel_loop3A_607], %parallel_loop3A_605 {strides = array<i32>} : memref<64x512xf32, #tpu.memory_space<vmem>>, vector<16xf32>,
      %parallel_loop3A_609 = arith.mulf %parallel_loop3A_356, %parallel_loop3A_540 : vector<16xf32>
      %parallel_loop3A_610 = arith.index_cast %parallel_loop3A_302 : i32 to index
      %parallel_loop3A_611 = arith.constant 272 : index
      %parallel_loop3A_612 = tpu.vector_load %arg10[%parallel_loop3A_610, %parallel_loop3A_611] {strides = array<i32>} : memref<64x512xf32, #tpu.memory_space<vmem>>, vector<16xf32>,
      tpu.vector_store %arg10[%parallel_loop3A_610, %parallel_loop3A_611], %parallel_loop3A_609 {strides = array<i32>} : memref<64x512xf32, #tpu.memory_space<vmem>>, vector<16xf32>,
      %parallel_loop3A_613 = arith.mulf %parallel_loop3A_359, %parallel_loop3A_540 : vector<16xf32>
      %parallel_loop3A_614 = arith.index_cast %parallel_loop3A_302 : i32 to index
      %parallel_loop3A_615 = arith.constant 288 : index
      %parallel_loop3A_616 = tpu.vector_load %arg10[%parallel_loop3A_614, %parallel_loop3A_615] {strides = array<i32>} : memref<64x512xf32, #tpu.memory_space<vmem>>, vector<16xf32>,
      tpu.vector_store %arg10[%parallel_loop3A_614, %parallel_loop3A_615], %parallel_loop3A_613 {strides = array<i32>} : memref<64x512xf32, #tpu.memory_space<vmem>>, vector<16xf32>,
      %parallel_loop3A_617 = arith.mulf %parallel_loop3A_362, %parallel_loop3A_540 : vector<16xf32>
      %parallel_loop3A_618 = arith.index_cast %parallel_loop3A_302 : i32 to index
      %parallel_loop3A_619 = arith.constant 304 : index
      %parallel_loop3A_620 = tpu.vector_load %arg10[%parallel_loop3A_618, %parallel_loop3A_619] {strides = array<i32>} : memref<64x512xf32, #tpu.memory_space<vmem>>, vector<16xf32>,
      tpu.vector_store %arg10[%parallel_loop3A_618, %parallel_loop3A_619], %parallel_loop3A_617 {strides = array<i32>} : memref<64x512xf32, #tpu.memory_space<vmem>>, vector<16xf32>,
      %parallel_loop3A_621 = arith.mulf %parallel_loop3A_365, %parallel_loop3A_540 : vector<16xf32>
      %parallel_loop3A_622 = arith.index_cast %parallel_loop3A_302 : i32 to index
      %parallel_loop3A_623 = arith.constant 320 : index
      %parallel_loop3A_624 = tpu.vector_load %arg10[%parallel_loop3A_622, %parallel_loop3A_623] {strides = array<i32>} : memref<64x512xf32, #tpu.memory_space<vmem>>, vector<16xf32>,
      tpu.vector_store %arg10[%parallel_loop3A_622, %parallel_loop3A_623], %parallel_loop3A_621 {strides = array<i32>} : memref<64x512xf32, #tpu.memory_space<vmem>>, vector<16xf32>,
      %parallel_loop3A_625 = arith.mulf %parallel_loop3A_368, %parallel_loop3A_540 : vector<16xf32>
      %parallel_loop3A_626 = arith.index_cast %parallel_loop3A_302 : i32 to index
      %parallel_loop3A_627 = arith.constant 336 : index
      %parallel_loop3A_628 = tpu.vector_load %arg10[%parallel_loop3A_626, %parallel_loop3A_627] {strides = array<i32>} : memref<64x512xf32, #tpu.memory_space<vmem>>, vector<16xf32>,
      tpu.vector_store %arg10[%parallel_loop3A_626, %parallel_loop3A_627], %parallel_loop3A_625 {strides = array<i32>} : memref<64x512xf32, #tpu.memory_space<vmem>>, vector<16xf32>,
      %parallel_loop3A_629 = arith.mulf %parallel_loop3A_371, %parallel_loop3A_540 : vector<16xf32>
      %parallel_loop3A_630 = arith.index_cast %parallel_loop3A_302 : i32 to index
      %parallel_loop3A_631 = arith.constant 352 : index
      %parallel_loop3A_632 = tpu.vector_load %arg10[%parallel_loop3A_630, %parallel_loop3A_631] {strides = array<i32>} : memref<64x512xf32, #tpu.memory_space<vmem>>, vector<16xf32>,
      tpu.vector_store %arg10[%parallel_loop3A_630, %parallel_loop3A_631], %parallel_loop3A_629 {strides = array<i32>} : memref<64x512xf32, #tpu.memory_space<vmem>>, vector<16xf32>,
      %parallel_loop3A_633 = arith.mulf %parallel_loop3A_374, %parallel_loop3A_540 : vector<16xf32>
      %parallel_loop3A_634 = arith.index_cast %parallel_loop3A_302 : i32 to index
      %parallel_loop3A_635 = arith.constant 368 : index
      %parallel_loop3A_636 = tpu.vector_load %arg10[%parallel_loop3A_634, %parallel_loop3A_635] {strides = array<i32>} : memref<64x512xf32, #tpu.memory_space<vmem>>, vector<16xf32>,
      tpu.vector_store %arg10[%parallel_loop3A_634, %parallel_loop3A_635], %parallel_loop3A_633 {strides = array<i32>} : memref<64x512xf32, #tpu.memory_space<vmem>>, vector<16xf32>,
      %parallel_loop3A_637 = arith.mulf %parallel_loop3A_377, %parallel_loop3A_540 : vector<16xf32>
      %parallel_loop3A_638 = arith.index_cast %parallel_loop3A_302 : i32 to index
      %parallel_loop3A_639 = arith.constant 384 : index
      %parallel_loop3A_640 = tpu.vector_load %arg10[%parallel_loop3A_638, %parallel_loop3A_639] {strides = array<i32>} : memref<64x512xf32, #tpu.memory_space<vmem>>, vector<16xf32>,
      tpu.vector_store %arg10[%parallel_loop3A_638, %parallel_loop3A_639], %parallel_loop3A_637 {strides = array<i32>} : memref<64x512xf32, #tpu.memory_space<vmem>>, vector<16xf32>,
      %parallel_loop3A_641 = arith.mulf %parallel_loop3A_380, %parallel_loop3A_540 : vector<16xf32>
      %parallel_loop3A_642 = arith.index_cast %parallel_loop3A_302 : i32 to index
      %parallel_loop3A_643 = arith.constant 400 : index
      %parallel_loop3A_644 = tpu.vector_load %arg10[%parallel_loop3A_642, %parallel_loop3A_643] {strides = array<i32>} : memref<64x512xf32, #tpu.memory_space<vmem>>, vector<16xf32>,
      tpu.vector_store %arg10[%parallel_loop3A_642, %parallel_loop3A_643], %parallel_loop3A_641 {strides = array<i32>} : memref<64x512xf32, #tpu.memory_space<vmem>>, vector<16xf32>,
      %parallel_loop3A_645 = arith.mulf %parallel_loop3A_383, %parallel_loop3A_540 : vector<16xf32>
      %parallel_loop3A_646 = arith.index_cast %parallel_loop3A_302 : i32 to index
      %parallel_loop3A_647 = arith.constant 416 : index
      %parallel_loop3A_648 = tpu.vector_load %arg10[%parallel_loop3A_646, %parallel_loop3A_647] {strides = array<i32>} : memref<64x512xf32, #tpu.memory_space<vmem>>, vector<16xf32>,
      tpu.vector_store %arg10[%parallel_loop3A_646, %parallel_loop3A_647], %parallel_loop3A_645 {strides = array<i32>} : memref<64x512xf32, #tpu.memory_space<vmem>>, vector<16xf32>,
      %parallel_loop3A_649 = arith.mulf %parallel_loop3A_386, %parallel_loop3A_540 : vector<16xf32>
      %parallel_loop3A_650 = arith.index_cast %parallel_loop3A_302 : i32 to index
      %parallel_loop3A_651 = arith.constant 432 : index
      %parallel_loop3A_652 = tpu.vector_load %arg10[%parallel_loop3A_650, %parallel_loop3A_651] {strides = array<i32>} : memref<64x512xf32, #tpu.memory_space<vmem>>, vector<16xf32>,
      tpu.vector_store %arg10[%parallel_loop3A_650, %parallel_loop3A_651], %parallel_loop3A_649 {strides = array<i32>} : memref<64x512xf32, #tpu.memory_space<vmem>>, vector<16xf32>,
      %parallel_loop3A_653 = arith.mulf %parallel_loop3A_389, %parallel_loop3A_540 : vector<16xf32>
      %parallel_loop3A_654 = arith.index_cast %parallel_loop3A_302 : i32 to index
      %parallel_loop3A_655 = arith.constant 448 : index
      %parallel_loop3A_656 = tpu.vector_load %arg10[%parallel_loop3A_654, %parallel_loop3A_655] {strides = array<i32>} : memref<64x512xf32, #tpu.memory_space<vmem>>, vector<16xf32>,
      tpu.vector_store %arg10[%parallel_loop3A_654, %parallel_loop3A_655], %parallel_loop3A_653 {strides = array<i32>} : memref<64x512xf32, #tpu.memory_space<vmem>>, vector<16xf32>,
      %parallel_loop3A_657 = arith.mulf %parallel_loop3A_392, %parallel_loop3A_540 : vector<16xf32>
      %parallel_loop3A_658 = arith.index_cast %parallel_loop3A_302 : i32 to index
      %parallel_loop3A_659 = arith.constant 464 : index
      %parallel_loop3A_660 = tpu.vector_load %arg10[%parallel_loop3A_658, %parallel_loop3A_659] {strides = array<i32>} : memref<64x512xf32, #tpu.memory_space<vmem>>, vector<16xf32>,
      tpu.vector_store %arg10[%parallel_loop3A_658, %parallel_loop3A_659], %parallel_loop3A_657 {strides = array<i32>} : memref<64x512xf32, #tpu.memory_space<vmem>>, vector<16xf32>,
      %parallel_loop3A_661 = arith.mulf %parallel_loop3A_395, %parallel_loop3A_540 : vector<16xf32>
      %parallel_loop3A_662 = arith.index_cast %parallel_loop3A_302 : i32 to index
      %parallel_loop3A_663 = arith.constant 480 : index
      %parallel_loop3A_664 = tpu.vector_load %arg10[%parallel_loop3A_662, %parallel_loop3A_663] {strides = array<i32>} : memref<64x512xf32, #tpu.memory_space<vmem>>, vector<16xf32>,
      tpu.vector_store %arg10[%parallel_loop3A_662, %parallel_loop3A_663], %parallel_loop3A_661 {strides = array<i32>} : memref<64x512xf32, #tpu.memory_space<vmem>>, vector<16xf32>,
      %parallel_loop3A_665 = arith.mulf %parallel_loop3A_398, %parallel_loop3A_540 : vector<16xf32>
      %parallel_loop3A_666 = arith.index_cast %parallel_loop3A_302 : i32 to index
      %parallel_loop3A_667 = arith.constant 496 : index
      %parallel_loop3A_668 = tpu.vector_load %arg10[%parallel_loop3A_666, %parallel_loop3A_667] {strides = array<i32>} : memref<64x512xf32, #tpu.memory_space<vmem>>, vector<16xf32>,
      tpu.vector_store %arg10[%parallel_loop3A_666, %parallel_loop3A_667], %parallel_loop3A_665 {strides = array<i32>} : memref<64x512xf32, #tpu.memory_space<vmem>>, vector<16xf32>,
    } {sc.loop_unroll_factor = 1 : i64, sc.parallel_access}
    %add3A_176 = arith.constant 96 : i32
    %add3A_177 = arith.addi %mul3A_49, %add3A_176 : i32
    %dma_start3A_178 = arith.constant 0 : i32
    %dma_start3A_179 = arith.constant 0 : i32
    %dma_start3A_180 = tpu.memref_slice %arg10[%dma_start3A_178, %dma_start3A_179] : memref<64x512xf32, #tpu.memory_space<vmem>> -> memref<64x512xf32, #tpu.memory_space<vmem>>
    %dma_start3A_181 = arith.constant 0 : i32
    %dma_start3A_182 = tpu.memref_slice %arg5[%add3A_177, %dma_start3A_181] : memref<8192x512xf32, #tpu.memory_space<hbm>> -> memref<64x512xf32, #tpu.memory_space<hbm>>
    %dma_start3A_183 = arith.constant 0 : i32
    %dma_start3A_184 = tpu.memref_slice %arg5[%add3A_177, %dma_start3A_183] : memref<8192x512xf32, #tpu.memory_space<hbm>> -> memref<64x512xf32, #tpu.memory_space<hbm>>
    %dma_start3A_185 = arith.constant 0 : i32
    %dma_start3A_186 = arith.constant 0 : i32
    %dma_start3A_187 = tpu.memref_slice %arg10[%dma_start3A_185, %dma_start3A_186] : memref<64x512xf32, #tpu.memory_space<vmem>> -> memref<64x512xf32, #tpu.memory_space<vmem>>
    tpu.enqueue_dma source(%dma_start3A_187 : memref<64x512xf32, #tpu.memory_space<vmem>>) target(%dma_start3A_184 : memref<64x512xf32, #tpu.memory_space<hbm>>) target_semaphore(%arg16 : memref<!tpu.dma_semaphore, #tpu.memory_space<semaphore_mem>>)
    %add3A_188 = arith.constant 32 : i32
    %add3A_189 = arith.addi %mul3A_49, %add3A_188 : i32
    %dma_wait3A_190 = arith.constant 0 : i32
    %dma_wait3A_191 = arith.constant 0 : i32
    %dma_wait3A_192 = tpu.memref_slice %arg9[%dma_wait3A_190, %dma_wait3A_191] : memref<64x512xf32, #tpu.memory_space<vmem>> -> memref<64x512xf32, #tpu.memory_space<vmem>>
    %dma_wait3A_193 = arith.constant 0 : i32
    %dma_wait3A_194 = tpu.memref_slice %arg5[%add3A_189, %dma_wait3A_193] : memref<8192x512xf32, #tpu.memory_space<hbm>> -> memref<64x512xf32, #tpu.memory_space<hbm>>
    %dma_wait3A_195 = arith.constant 0 : i32
    %dma_wait3A_196 = tpu.memref_slice %arg5[%add3A_189, %dma_wait3A_195] : memref<8192x512xf32, #tpu.memory_space<hbm>> -> memref<64x512xf32, #tpu.memory_space<hbm>>
    %dma_wait3A_197 = arith.constant 0 : i32
    %dma_wait3A_198 = arith.constant 0 : i32
    %dma_wait3A_199 = tpu.memref_slice %arg9[%dma_wait3A_197, %dma_wait3A_198] : memref<64x512xf32, #tpu.memory_space<vmem>> -> memref<64x512xf32, #tpu.memory_space<vmem>>
    tpu.wait_dma2 semaphore(%arg15 : memref<!tpu.dma_semaphore, #tpu.memory_space<semaphore_mem>>) src(%dma_wait3A_199 : memref<64x512xf32, #tpu.memory_space<vmem>>) dst(%dma_wait3A_196 : memref<64x512xf32, #tpu.memory_space<hbm>>)
    %add3A_200 = arith.constant 224 : i32
    %add3A_201 = arith.addi %multiple_of3A, %add3A_200 : i32
    %dma_start3A_202 = arith.constant 0 : i32
    %dma_start3A_203 = arith.constant 0 : i32
    %dma_start3A_204 = tpu.memref_slice %arg9[%dma_start3A_202, %dma_start3A_203] : memref<64x512xf32, #tpu.memory_space<vmem>> -> memref<32x512xf32, #tpu.memory_space<vmem>>
    %dma_start3A_205 = arith.constant 0 : i32
    %dma_start3A_206 = tpu.memref_slice %arg2[%add3A_201, %dma_start3A_205] : memref<32768x512xf32, #tpu.memory_space<hbm>> -> memref<32x512xf32, #tpu.memory_space<hbm>>
    %dma_start3A_207 = arith.constant 0 : i32
    %dma_start3A_208 = arith.constant 0 : i32
    %dma_start3A_209 = tpu.memref_slice %arg9[%dma_start3A_207, %dma_start3A_208] : memref<64x512xf32, #tpu.memory_space<vmem>> -> memref<32x512xf32, #tpu.memory_space<vmem>>
    %dma_start3A_210 = arith.constant 0 : i32
    %dma_start3A_211 = tpu.memref_slice %arg2[%add3A_201, %dma_start3A_210] : memref<32768x512xf32, #tpu.memory_space<hbm>> -> memref<32x512xf32, #tpu.memory_space<hbm>>
    tpu.enqueue_dma source(%dma_start3A_211 : memref<32x512xf32, #tpu.memory_space<hbm>>) target(%dma_start3A_209 : memref<32x512xf32, #tpu.memory_space<vmem>>) target_semaphore(%arg12 : memref<!tpu.dma_semaphore, #tpu.memory_space<semaphore_mem>>)
    %add3A_212 = arith.constant 160 : i32
    %add3A_213 = arith.addi %multiple_of3A, %add3A_212 : i32
    %dma_wait3A_214 = arith.constant 0 : i32
    %dma_wait3A_215 = arith.constant 0 : i32
    %dma_wait3A_216 = tpu.memref_slice %arg8[%dma_wait3A_214, %dma_wait3A_215] : memref<64x512xf32, #tpu.memory_space<vmem>> -> memref<64x512xf32, #tpu.memory_space<vmem>>
    %dma_wait3A_217 = arith.constant 0 : i32
    %dma_wait3A_218 = tpu.memref_slice %arg2[%add3A_213, %dma_wait3A_217] : memref<32768x512xf32, #tpu.memory_space<hbm>> -> memref<64x512xf32, #tpu.memory_space<hbm>>
    %dma_wait3A_219 = arith.constant 0 : i32
    %dma_wait3A_220 = arith.constant 0 : i32
    %dma_wait3A_221 = tpu.memref_slice %arg8[%dma_wait3A_219, %dma_wait3A_220] : memref<64x512xf32, #tpu.memory_space<vmem>> -> memref<64x512xf32, #tpu.memory_space<vmem>>
    %dma_wait3A_222 = arith.constant 0 : i32
    %dma_wait3A_223 = tpu.memref_slice %arg2[%add3A_213, %dma_wait3A_222] : memref<32768x512xf32, #tpu.memory_space<hbm>> -> memref<64x512xf32, #tpu.memory_space<hbm>>
    tpu.wait_dma2 semaphore(%arg11 : memref<!tpu.dma_semaphore, #tpu.memory_space<semaphore_mem>>) src(%dma_wait3A_223 : memref<64x512xf32, #tpu.memory_space<hbm>>) dst(%dma_wait3A_221 : memref<64x512xf32, #tpu.memory_space<vmem>>)
    %parallel_loop3A_224 = arith.constant 0 : i32
    %parallel_loop3A_225 = arith.constant 64 : i32
    %parallel_loop3A_226 = arith.constant 1 : i32
    scf.for %parallel_loop3A_302 = %parallel_loop3A_224 to %parallel_loop3A_225 step %parallel_loop3A_226  : i32 {
      %parallel_loop3A_303 = arith.index_cast %parallel_loop3A_302 : i32 to index
      %parallel_loop3A_304 = arith.constant 0 : index
      %parallel_loop3A_305 = tpu.vector_load %arg8[%parallel_loop3A_303, %parallel_loop3A_304] {strides = array<i32>} : memref<64x512xf32, #tpu.memory_space<vmem>>, vector<16xf32>,
      %parallel_loop3A_306 = arith.index_cast %parallel_loop3A_302 : i32 to index
      %parallel_loop3A_307 = arith.constant 16 : index
      %parallel_loop3A_308 = tpu.vector_load %arg8[%parallel_loop3A_306, %parallel_loop3A_307] {strides = array<i32>} : memref<64x512xf32, #tpu.memory_space<vmem>>, vector<16xf32>,
      %parallel_loop3A_309 = arith.index_cast %parallel_loop3A_302 : i32 to index
      %parallel_loop3A_310 = arith.constant 32 : index
      %parallel_loop3A_311 = tpu.vector_load %arg8[%parallel_loop3A_309, %parallel_loop3A_310] {strides = array<i32>} : memref<64x512xf32, #tpu.memory_space<vmem>>, vector<16xf32>,
      %parallel_loop3A_312 = arith.index_cast %parallel_loop3A_302 : i32 to index
      %parallel_loop3A_313 = arith.constant 48 : index
      %parallel_loop3A_314 = tpu.vector_load %arg8[%parallel_loop3A_312, %parallel_loop3A_313] {strides = array<i32>} : memref<64x512xf32, #tpu.memory_space<vmem>>, vector<16xf32>,
      %parallel_loop3A_315 = arith.index_cast %parallel_loop3A_302 : i32 to index
      %parallel_loop3A_316 = arith.constant 64 : index
      %parallel_loop3A_317 = tpu.vector_load %arg8[%parallel_loop3A_315, %parallel_loop3A_316] {strides = array<i32>} : memref<64x512xf32, #tpu.memory_space<vmem>>, vector<16xf32>,
      %parallel_loop3A_318 = arith.index_cast %parallel_loop3A_302 : i32 to index
      %parallel_loop3A_319 = arith.constant 80 : index
      %parallel_loop3A_320 = tpu.vector_load %arg8[%parallel_loop3A_318, %parallel_loop3A_319] {strides = array<i32>} : memref<64x512xf32, #tpu.memory_space<vmem>>, vector<16xf32>,
      %parallel_loop3A_321 = arith.index_cast %parallel_loop3A_302 : i32 to index
      %parallel_loop3A_322 = arith.constant 96 : index
      %parallel_loop3A_323 = tpu.vector_load %arg8[%parallel_loop3A_321, %parallel_loop3A_322] {strides = array<i32>} : memref<64x512xf32, #tpu.memory_space<vmem>>, vector<16xf32>,
      %parallel_loop3A_324 = arith.index_cast %parallel_loop3A_302 : i32 to index
      %parallel_loop3A_325 = arith.constant 112 : index
      %parallel_loop3A_326 = tpu.vector_load %arg8[%parallel_loop3A_324, %parallel_loop3A_325] {strides = array<i32>} : memref<64x512xf32, #tpu.memory_space<vmem>>, vector<16xf32>,
      %parallel_loop3A_327 = arith.index_cast %parallel_loop3A_302 : i32 to index
      %parallel_loop3A_328 = arith.constant 128 : index
      %parallel_loop3A_329 = tpu.vector_load %arg8[%parallel_loop3A_327, %parallel_loop3A_328] {strides = array<i32>} : memref<64x512xf32, #tpu.memory_space<vmem>>, vector<16xf32>,
      %parallel_loop3A_330 = arith.index_cast %parallel_loop3A_302 : i32 to index
      %parallel_loop3A_331 = arith.constant 144 : index
      %parallel_loop3A_332 = tpu.vector_load %arg8[%parallel_loop3A_330, %parallel_loop3A_331] {strides = array<i32>} : memref<64x512xf32, #tpu.memory_space<vmem>>, vector<16xf32>,
      %parallel_loop3A_333 = arith.index_cast %parallel_loop3A_302 : i32 to index
      %parallel_loop3A_334 = arith.constant 160 : index
      %parallel_loop3A_335 = tpu.vector_load %arg8[%parallel_loop3A_333, %parallel_loop3A_334] {strides = array<i32>} : memref<64x512xf32, #tpu.memory_space<vmem>>, vector<16xf32>,
      %parallel_loop3A_336 = arith.index_cast %parallel_loop3A_302 : i32 to index
      %parallel_loop3A_337 = arith.constant 176 : index
      %parallel_loop3A_338 = tpu.vector_load %arg8[%parallel_loop3A_336, %parallel_loop3A_337] {strides = array<i32>} : memref<64x512xf32, #tpu.memory_space<vmem>>, vector<16xf32>,
      %parallel_loop3A_339 = arith.index_cast %parallel_loop3A_302 : i32 to index
      %parallel_loop3A_340 = arith.constant 192 : index
      %parallel_loop3A_341 = tpu.vector_load %arg8[%parallel_loop3A_339, %parallel_loop3A_340] {strides = array<i32>} : memref<64x512xf32, #tpu.memory_space<vmem>>, vector<16xf32>,
      %parallel_loop3A_342 = arith.index_cast %parallel_loop3A_302 : i32 to index
      %parallel_loop3A_343 = arith.constant 208 : index
      %parallel_loop3A_344 = tpu.vector_load %arg8[%parallel_loop3A_342, %parallel_loop3A_343] {strides = array<i32>} : memref<64x512xf32, #tpu.memory_space<vmem>>, vector<16xf32>,
      %parallel_loop3A_345 = arith.index_cast %parallel_loop3A_302 : i32 to index
      %parallel_loop3A_346 = arith.constant 224 : index
      %parallel_loop3A_347 = tpu.vector_load %arg8[%parallel_loop3A_345, %parallel_loop3A_346] {strides = array<i32>} : memref<64x512xf32, #tpu.memory_space<vmem>>, vector<16xf32>,
      %parallel_loop3A_348 = arith.index_cast %parallel_loop3A_302 : i32 to index
      %parallel_loop3A_349 = arith.constant 240 : index
      %parallel_loop3A_350 = tpu.vector_load %arg8[%parallel_loop3A_348, %parallel_loop3A_349] {strides = array<i32>} : memref<64x512xf32, #tpu.memory_space<vmem>>, vector<16xf32>,
      %parallel_loop3A_351 = arith.index_cast %parallel_loop3A_302 : i32 to index
      %parallel_loop3A_352 = arith.constant 256 : index
      %parallel_loop3A_353 = tpu.vector_load %arg8[%parallel_loop3A_351, %parallel_loop3A_352] {strides = array<i32>} : memref<64x512xf32, #tpu.memory_space<vmem>>, vector<16xf32>,
      %parallel_loop3A_354 = arith.index_cast %parallel_loop3A_302 : i32 to index
      %parallel_loop3A_355 = arith.constant 272 : index
      %parallel_loop3A_356 = tpu.vector_load %arg8[%parallel_loop3A_354, %parallel_loop3A_355] {strides = array<i32>} : memref<64x512xf32, #tpu.memory_space<vmem>>, vector<16xf32>,
      %parallel_loop3A_357 = arith.index_cast %parallel_loop3A_302 : i32 to index
      %parallel_loop3A_358 = arith.constant 288 : index
      %parallel_loop3A_359 = tpu.vector_load %arg8[%parallel_loop3A_357, %parallel_loop3A_358] {strides = array<i32>} : memref<64x512xf32, #tpu.memory_space<vmem>>, vector<16xf32>,
      %parallel_loop3A_360 = arith.index_cast %parallel_loop3A_302 : i32 to index
      %parallel_loop3A_361 = arith.constant 304 : index
      %parallel_loop3A_362 = tpu.vector_load %arg8[%parallel_loop3A_360, %parallel_loop3A_361] {strides = array<i32>} : memref<64x512xf32, #tpu.memory_space<vmem>>, vector<16xf32>,
      %parallel_loop3A_363 = arith.index_cast %parallel_loop3A_302 : i32 to index
      %parallel_loop3A_364 = arith.constant 320 : index
      %parallel_loop3A_365 = tpu.vector_load %arg8[%parallel_loop3A_363, %parallel_loop3A_364] {strides = array<i32>} : memref<64x512xf32, #tpu.memory_space<vmem>>, vector<16xf32>,
      %parallel_loop3A_366 = arith.index_cast %parallel_loop3A_302 : i32 to index
      %parallel_loop3A_367 = arith.constant 336 : index
      %parallel_loop3A_368 = tpu.vector_load %arg8[%parallel_loop3A_366, %parallel_loop3A_367] {strides = array<i32>} : memref<64x512xf32, #tpu.memory_space<vmem>>, vector<16xf32>,
      %parallel_loop3A_369 = arith.index_cast %parallel_loop3A_302 : i32 to index
      %parallel_loop3A_370 = arith.constant 352 : index
      %parallel_loop3A_371 = tpu.vector_load %arg8[%parallel_loop3A_369, %parallel_loop3A_370] {strides = array<i32>} : memref<64x512xf32, #tpu.memory_space<vmem>>, vector<16xf32>,
      %parallel_loop3A_372 = arith.index_cast %parallel_loop3A_302 : i32 to index
      %parallel_loop3A_373 = arith.constant 368 : index
      %parallel_loop3A_374 = tpu.vector_load %arg8[%parallel_loop3A_372, %parallel_loop3A_373] {strides = array<i32>} : memref<64x512xf32, #tpu.memory_space<vmem>>, vector<16xf32>,
      %parallel_loop3A_375 = arith.index_cast %parallel_loop3A_302 : i32 to index
      %parallel_loop3A_376 = arith.constant 384 : index
      %parallel_loop3A_377 = tpu.vector_load %arg8[%parallel_loop3A_375, %parallel_loop3A_376] {strides = array<i32>} : memref<64x512xf32, #tpu.memory_space<vmem>>, vector<16xf32>,
      %parallel_loop3A_378 = arith.index_cast %parallel_loop3A_302 : i32 to index
      %parallel_loop3A_379 = arith.constant 400 : index
      %parallel_loop3A_380 = tpu.vector_load %arg8[%parallel_loop3A_378, %parallel_loop3A_379] {strides = array<i32>} : memref<64x512xf32, #tpu.memory_space<vmem>>, vector<16xf32>,
      %parallel_loop3A_381 = arith.index_cast %parallel_loop3A_302 : i32 to index
      %parallel_loop3A_382 = arith.constant 416 : index
      %parallel_loop3A_383 = tpu.vector_load %arg8[%parallel_loop3A_381, %parallel_loop3A_382] {strides = array<i32>} : memref<64x512xf32, #tpu.memory_space<vmem>>, vector<16xf32>,
      %parallel_loop3A_384 = arith.index_cast %parallel_loop3A_302 : i32 to index
      %parallel_loop3A_385 = arith.constant 432 : index
      %parallel_loop3A_386 = tpu.vector_load %arg8[%parallel_loop3A_384, %parallel_loop3A_385] {strides = array<i32>} : memref<64x512xf32, #tpu.memory_space<vmem>>, vector<16xf32>,
      %parallel_loop3A_387 = arith.index_cast %parallel_loop3A_302 : i32 to index
      %parallel_loop3A_388 = arith.constant 448 : index
      %parallel_loop3A_389 = tpu.vector_load %arg8[%parallel_loop3A_387, %parallel_loop3A_388] {strides = array<i32>} : memref<64x512xf32, #tpu.memory_space<vmem>>, vector<16xf32>,
      %parallel_loop3A_390 = arith.index_cast %parallel_loop3A_302 : i32 to index
      %parallel_loop3A_391 = arith.constant 464 : index
      %parallel_loop3A_392 = tpu.vector_load %arg8[%parallel_loop3A_390, %parallel_loop3A_391] {strides = array<i32>} : memref<64x512xf32, #tpu.memory_space<vmem>>, vector<16xf32>,
      %parallel_loop3A_393 = arith.index_cast %parallel_loop3A_302 : i32 to index
      %parallel_loop3A_394 = arith.constant 480 : index
      %parallel_loop3A_395 = tpu.vector_load %arg8[%parallel_loop3A_393, %parallel_loop3A_394] {strides = array<i32>} : memref<64x512xf32, #tpu.memory_space<vmem>>, vector<16xf32>,
      %parallel_loop3A_396 = arith.index_cast %parallel_loop3A_302 : i32 to index
      %parallel_loop3A_397 = arith.constant 496 : index
      %parallel_loop3A_398 = tpu.vector_load %arg8[%parallel_loop3A_396, %parallel_loop3A_397] {strides = array<i32>} : memref<64x512xf32, #tpu.memory_space<vmem>>, vector<16xf32>,
      %parallel_loop3A_399 = arith.constant 0.000000e+00 : f32
      %parallel_loop3A_400 = vector.broadcast %parallel_loop3A_399 : f32 to vector<16xf32>
      %parallel_loop3A_401 = arith.constant 0.000000e+00 : f32
      %parallel_loop3A_402 = vector.broadcast %parallel_loop3A_401 : f32 to vector<16xf32>
      %parallel_loop3A_403 = arith.constant 0.000000e+00 : f32
      %parallel_loop3A_404 = vector.broadcast %parallel_loop3A_403 : f32 to vector<16xf32>
      %parallel_loop3A_405 = arith.constant 0.000000e+00 : f32
      %parallel_loop3A_406 = vector.broadcast %parallel_loop3A_405 : f32 to vector<16xf32>
      %parallel_loop3A_407 = arith.constant 0.000000e+00 : f32
      %parallel_loop3A_408 = vector.broadcast %parallel_loop3A_407 : f32 to vector<16xf32>
      %parallel_loop3A_409 = arith.constant 0.000000e+00 : f32
      %parallel_loop3A_410 = vector.broadcast %parallel_loop3A_409 : f32 to vector<16xf32>
      %parallel_loop3A_411 = arith.constant 0.000000e+00 : f32
      %parallel_loop3A_412 = vector.broadcast %parallel_loop3A_411 : f32 to vector<16xf32>
      %parallel_loop3A_413 = arith.constant 0.000000e+00 : f32
      %parallel_loop3A_414 = vector.broadcast %parallel_loop3A_413 : f32 to vector<16xf32>
      %parallel_loop3A_415 = arith.mulf %parallel_loop3A_305, %parallel_loop3A_305 : vector<16xf32>
      %parallel_loop3A_416 = arith.addf %parallel_loop3A_400, %parallel_loop3A_415 : vector<16xf32>
      %parallel_loop3A_417 = arith.mulf %parallel_loop3A_308, %parallel_loop3A_308 : vector<16xf32>
      %parallel_loop3A_418 = arith.addf %parallel_loop3A_402, %parallel_loop3A_417 : vector<16xf32>
      %parallel_loop3A_419 = arith.mulf %parallel_loop3A_311, %parallel_loop3A_311 : vector<16xf32>
      %parallel_loop3A_420 = arith.addf %parallel_loop3A_404, %parallel_loop3A_419 : vector<16xf32>
      %parallel_loop3A_421 = arith.mulf %parallel_loop3A_314, %parallel_loop3A_314 : vector<16xf32>
      %parallel_loop3A_422 = arith.addf %parallel_loop3A_406, %parallel_loop3A_421 : vector<16xf32>
      %parallel_loop3A_423 = arith.mulf %parallel_loop3A_317, %parallel_loop3A_317 : vector<16xf32>
      %parallel_loop3A_424 = arith.addf %parallel_loop3A_408, %parallel_loop3A_423 : vector<16xf32>
      %parallel_loop3A_425 = arith.mulf %parallel_loop3A_320, %parallel_loop3A_320 : vector<16xf32>
      %parallel_loop3A_426 = arith.addf %parallel_loop3A_410, %parallel_loop3A_425 : vector<16xf32>
      %parallel_loop3A_427 = arith.mulf %parallel_loop3A_323, %parallel_loop3A_323 : vector<16xf32>
      %parallel_loop3A_428 = arith.addf %parallel_loop3A_412, %parallel_loop3A_427 : vector<16xf32>
      %parallel_loop3A_429 = arith.mulf %parallel_loop3A_326, %parallel_loop3A_326 : vector<16xf32>
      %parallel_loop3A_430 = arith.addf %parallel_loop3A_414, %parallel_loop3A_429 : vector<16xf32>
      %parallel_loop3A_431 = arith.mulf %parallel_loop3A_329, %parallel_loop3A_329 : vector<16xf32>
      %parallel_loop3A_432 = arith.addf %parallel_loop3A_416, %parallel_loop3A_431 : vector<16xf32>
      %parallel_loop3A_433 = arith.mulf %parallel_loop3A_332, %parallel_loop3A_332 : vector<16xf32>
      %parallel_loop3A_434 = arith.addf %parallel_loop3A_418, %parallel_loop3A_433 : vector<16xf32>
      %parallel_loop3A_435 = arith.mulf %parallel_loop3A_335, %parallel_loop3A_335 : vector<16xf32>
      %parallel_loop3A_436 = arith.addf %parallel_loop3A_420, %parallel_loop3A_435 : vector<16xf32>
      %parallel_loop3A_437 = arith.mulf %parallel_loop3A_338, %parallel_loop3A_338 : vector<16xf32>
      %parallel_loop3A_438 = arith.addf %parallel_loop3A_422, %parallel_loop3A_437 : vector<16xf32>
      %parallel_loop3A_439 = arith.mulf %parallel_loop3A_341, %parallel_loop3A_341 : vector<16xf32>
      %parallel_loop3A_440 = arith.addf %parallel_loop3A_424, %parallel_loop3A_439 : vector<16xf32>
      %parallel_loop3A_441 = arith.mulf %parallel_loop3A_344, %parallel_loop3A_344 : vector<16xf32>
      %parallel_loop3A_442 = arith.addf %parallel_loop3A_426, %parallel_loop3A_441 : vector<16xf32>
      %parallel_loop3A_443 = arith.mulf %parallel_loop3A_347, %parallel_loop3A_347 : vector<16xf32>
      %parallel_loop3A_444 = arith.addf %parallel_loop3A_428, %parallel_loop3A_443 : vector<16xf32>
      %parallel_loop3A_445 = arith.mulf %parallel_loop3A_350, %parallel_loop3A_350 : vector<16xf32>
      %parallel_loop3A_446 = arith.addf %parallel_loop3A_430, %parallel_loop3A_445 : vector<16xf32>
      %parallel_loop3A_447 = arith.mulf %parallel_loop3A_353, %parallel_loop3A_353 : vector<16xf32>
      %parallel_loop3A_448 = arith.addf %parallel_loop3A_432, %parallel_loop3A_447 : vector<16xf32>
      %parallel_loop3A_449 = arith.mulf %parallel_loop3A_356, %parallel_loop3A_356 : vector<16xf32>
      %parallel_loop3A_450 = arith.addf %parallel_loop3A_434, %parallel_loop3A_449 : vector<16xf32>
      %parallel_loop3A_451 = arith.mulf %parallel_loop3A_359, %parallel_loop3A_359 : vector<16xf32>
      %parallel_loop3A_452 = arith.addf %parallel_loop3A_436, %parallel_loop3A_451 : vector<16xf32>
      %parallel_loop3A_453 = arith.mulf %parallel_loop3A_362, %parallel_loop3A_362 : vector<16xf32>
      %parallel_loop3A_454 = arith.addf %parallel_loop3A_438, %parallel_loop3A_453 : vector<16xf32>
      %parallel_loop3A_455 = arith.mulf %parallel_loop3A_365, %parallel_loop3A_365 : vector<16xf32>
      %parallel_loop3A_456 = arith.addf %parallel_loop3A_440, %parallel_loop3A_455 : vector<16xf32>
      %parallel_loop3A_457 = arith.mulf %parallel_loop3A_368, %parallel_loop3A_368 : vector<16xf32>
      %parallel_loop3A_458 = arith.addf %parallel_loop3A_442, %parallel_loop3A_457 : vector<16xf32>
      %parallel_loop3A_459 = arith.mulf %parallel_loop3A_371, %parallel_loop3A_371 : vector<16xf32>
      %parallel_loop3A_460 = arith.addf %parallel_loop3A_444, %parallel_loop3A_459 : vector<16xf32>
      %parallel_loop3A_461 = arith.mulf %parallel_loop3A_374, %parallel_loop3A_374 : vector<16xf32>
      %parallel_loop3A_462 = arith.addf %parallel_loop3A_446, %parallel_loop3A_461 : vector<16xf32>
      %parallel_loop3A_463 = arith.mulf %parallel_loop3A_377, %parallel_loop3A_377 : vector<16xf32>
      %parallel_loop3A_464 = arith.addf %parallel_loop3A_448, %parallel_loop3A_463 : vector<16xf32>
      %parallel_loop3A_465 = arith.mulf %parallel_loop3A_380, %parallel_loop3A_380 : vector<16xf32>
      %parallel_loop3A_466 = arith.addf %parallel_loop3A_450, %parallel_loop3A_465 : vector<16xf32>
      %parallel_loop3A_467 = arith.mulf %parallel_loop3A_383, %parallel_loop3A_383 : vector<16xf32>
      %parallel_loop3A_468 = arith.addf %parallel_loop3A_452, %parallel_loop3A_467 : vector<16xf32>
      %parallel_loop3A_469 = arith.mulf %parallel_loop3A_386, %parallel_loop3A_386 : vector<16xf32>
      %parallel_loop3A_470 = arith.addf %parallel_loop3A_454, %parallel_loop3A_469 : vector<16xf32>
      %parallel_loop3A_471 = arith.mulf %parallel_loop3A_389, %parallel_loop3A_389 : vector<16xf32>
      %parallel_loop3A_472 = arith.addf %parallel_loop3A_456, %parallel_loop3A_471 : vector<16xf32>
      %parallel_loop3A_473 = arith.mulf %parallel_loop3A_392, %parallel_loop3A_392 : vector<16xf32>
      %parallel_loop3A_474 = arith.addf %parallel_loop3A_458, %parallel_loop3A_473 : vector<16xf32>
      %parallel_loop3A_475 = arith.mulf %parallel_loop3A_395, %parallel_loop3A_395 : vector<16xf32>
      %parallel_loop3A_476 = arith.addf %parallel_loop3A_460, %parallel_loop3A_475 : vector<16xf32>
      %parallel_loop3A_477 = arith.mulf %parallel_loop3A_398, %parallel_loop3A_398 : vector<16xf32>
      %parallel_loop3A_478 = arith.addf %parallel_loop3A_462, %parallel_loop3A_477 : vector<16xf32>
      %parallel_loop3A_479 = arith.addf %parallel_loop3A_464, %parallel_loop3A_466 : vector<16xf32>
      %parallel_loop3A_480 = arith.addf %parallel_loop3A_468, %parallel_loop3A_470 : vector<16xf32>
      %parallel_loop3A_481 = arith.addf %parallel_loop3A_479, %parallel_loop3A_480 : vector<16xf32>
      %parallel_loop3A_482 = arith.addf %parallel_loop3A_472, %parallel_loop3A_474 : vector<16xf32>
      %parallel_loop3A_483 = arith.addf %parallel_loop3A_476, %parallel_loop3A_478 : vector<16xf32>
      %parallel_loop3A_484 = arith.addf %parallel_loop3A_482, %parallel_loop3A_483 : vector<16xf32>
      %parallel_loop3A_485 = arith.addf %parallel_loop3A_481, %parallel_loop3A_484 : vector<16xf32>
      %parallel_loop3A_486 = tpu.iota {dimensions = array<i32: 0>} : vector<16xi32>
      %parallel_loop3A_487 = arith.constant 8 : i32
      %parallel_loop3A_488 = vector.broadcast %parallel_loop3A_487 : i32 to vector<16xi32>
      %parallel_loop3A_489 = arith.xori %parallel_loop3A_486, %parallel_loop3A_488 : vector<16xi32>
      %parallel_loop3A_490 = vector.shape_cast %parallel_loop3A_489 : vector<16xi32> to vector<16x1xi32>
      %parallel_loop3A_491 = vector.shape_cast %parallel_loop3A_490 : vector<16x1xi32> to vector<16xi32>
      %parallel_loop3A_492 = tpu.dynamic_gather %parallel_loop3A_485[%parallel_loop3A_491] in [0] : vector<16xf32>, vector<16xi32> -> vector<16xf32>
      %parallel_loop3A_493 = arith.addf %parallel_loop3A_485, %parallel_loop3A_492 : vector<16xf32>
      %parallel_loop3A_494 = arith.constant 4 : i32
      %parallel_loop3A_495 = vector.broadcast %parallel_loop3A_494 : i32 to vector<16xi32>
      %parallel_loop3A_496 = arith.xori %parallel_loop3A_486, %parallel_loop3A_495 : vector<16xi32>
      %parallel_loop3A_497 = vector.shape_cast %parallel_loop3A_496 : vector<16xi32> to vector<16x1xi32>
      %parallel_loop3A_498 = vector.shape_cast %parallel_loop3A_497 : vector<16x1xi32> to vector<16xi32>
      %parallel_loop3A_499 = tpu.dynamic_gather %parallel_loop3A_493[%parallel_loop3A_498] in [0] : vector<16xf32>, vector<16xi32> -> vector<16xf32>
      %parallel_loop3A_500 = arith.addf %parallel_loop3A_493, %parallel_loop3A_499 : vector<16xf32>
      %parallel_loop3A_501 = arith.constant 2 : i32
      %parallel_loop3A_502 = vector.broadcast %parallel_loop3A_501 : i32 to vector<16xi32>
      %parallel_loop3A_503 = arith.xori %parallel_loop3A_486, %parallel_loop3A_502 : vector<16xi32>
      %parallel_loop3A_504 = vector.shape_cast %parallel_loop3A_503 : vector<16xi32> to vector<16x1xi32>
      %parallel_loop3A_505 = vector.shape_cast %parallel_loop3A_504 : vector<16x1xi32> to vector<16xi32>
      %parallel_loop3A_506 = tpu.dynamic_gather %parallel_loop3A_500[%parallel_loop3A_505] in [0] : vector<16xf32>, vector<16xi32> -> vector<16xf32>
      %parallel_loop3A_507 = arith.addf %parallel_loop3A_500, %parallel_loop3A_506 : vector<16xf32>
      %parallel_loop3A_508 = arith.constant 1 : i32
      %parallel_loop3A_509 = vector.broadcast %parallel_loop3A_508 : i32 to vector<16xi32>
      %parallel_loop3A_510 = arith.xori %parallel_loop3A_486, %parallel_loop3A_509 : vector<16xi32>
      %parallel_loop3A_511 = vector.shape_cast %parallel_loop3A_510 : vector<16xi32> to vector<16x1xi32>
      %parallel_loop3A_512 = vector.shape_cast %parallel_loop3A_511 : vector<16x1xi32> to vector<16xi32>
      %parallel_loop3A_513 = tpu.dynamic_gather %parallel_loop3A_507[%parallel_loop3A_512] in [0] : vector<16xf32>, vector<16xi32> -> vector<16xf32>
      %parallel_loop3A_514 = arith.addf %parallel_loop3A_507, %parallel_loop3A_513 : vector<16xf32>
      %parallel_loop3A_515 = arith.constant 5.000000e-01 : f32
      %parallel_loop3A_516 = vector.broadcast %parallel_loop3A_515 : f32 to vector<16xf32>
      %parallel_loop3A_517 = arith.mulf %parallel_loop3A_514, %parallel_loop3A_516 : vector<16xf32>
      %parallel_loop3A_518 = tpu.bitcast %parallel_loop3A_514 : vector<16xf32> -> vector<16xi32>
      %parallel_loop3A_519 = arith.constant 1 : i32
      %parallel_loop3A_520 = vector.broadcast %parallel_loop3A_519 : i32 to vector<16xi32>
      %parallel_loop3A_521 = arith.shrsi %parallel_loop3A_518, %parallel_loop3A_520 : vector<16xi32>
      %parallel_loop3A_522 = arith.constant 1597463007 : i32
      %parallel_loop3A_523 = vector.broadcast %parallel_loop3A_522 : i32 to vector<16xi32>
      %parallel_loop3A_524 = arith.subi %parallel_loop3A_523, %parallel_loop3A_521 : vector<16xi32>
      %parallel_loop3A_525 = tpu.bitcast %parallel_loop3A_524 : vector<16xi32> -> vector<16xf32>
      %parallel_loop3A_526 = arith.mulf %parallel_loop3A_517, %parallel_loop3A_525 : vector<16xf32>
      %parallel_loop3A_527 = arith.mulf %parallel_loop3A_526, %parallel_loop3A_525 : vector<16xf32>
      %parallel_loop3A_528 = arith.constant 1.500000e+00 : f32
      %parallel_loop3A_529 = vector.broadcast %parallel_loop3A_528 : f32 to vector<16xf32>
      %parallel_loop3A_530 = arith.subf %parallel_loop3A_529, %parallel_loop3A_527 : vector<16xf32>
      %parallel_loop3A_531 = arith.mulf %parallel_loop3A_525, %parallel_loop3A_530 : vector<16xf32>
      %parallel_loop3A_532 = arith.mulf %parallel_loop3A_517, %parallel_loop3A_531 : vector<16xf32>
      %parallel_loop3A_533 = arith.mulf %parallel_loop3A_532, %parallel_loop3A_531 : vector<16xf32>
      %parallel_loop3A_534 = arith.constant 1.500000e+00 : f32
      %parallel_loop3A_535 = vector.broadcast %parallel_loop3A_534 : f32 to vector<16xf32>
      %parallel_loop3A_536 = arith.subf %parallel_loop3A_535, %parallel_loop3A_533 : vector<16xf32>
      %parallel_loop3A_537 = arith.mulf %parallel_loop3A_531, %parallel_loop3A_536 : vector<16xf32>
      %parallel_loop3A_538 = arith.constant 1.000000e+06 : f32
      %parallel_loop3A_539 = vector.broadcast %parallel_loop3A_538 : f32 to vector<16xf32>
      %parallel_loop3A_540 = arith.minimumf %parallel_loop3A_537, %parallel_loop3A_539 : vector<16xf32>
      %parallel_loop3A_541 = arith.mulf %parallel_loop3A_305, %parallel_loop3A_540 : vector<16xf32>
      %parallel_loop3A_542 = arith.index_cast %parallel_loop3A_302 : i32 to index
      %parallel_loop3A_543 = arith.constant 0 : index
      %parallel_loop3A_544 = tpu.vector_load %arg8[%parallel_loop3A_542, %parallel_loop3A_543] {strides = array<i32>} : memref<64x512xf32, #tpu.memory_space<vmem>>, vector<16xf32>,
      tpu.vector_store %arg8[%parallel_loop3A_542, %parallel_loop3A_543], %parallel_loop3A_541 {strides = array<i32>} : memref<64x512xf32, #tpu.memory_space<vmem>>, vector<16xf32>,
      %parallel_loop3A_545 = arith.mulf %parallel_loop3A_308, %parallel_loop3A_540 : vector<16xf32>
      %parallel_loop3A_546 = arith.index_cast %parallel_loop3A_302 : i32 to index
      %parallel_loop3A_547 = arith.constant 16 : index
      %parallel_loop3A_548 = tpu.vector_load %arg8[%parallel_loop3A_546, %parallel_loop3A_547] {strides = array<i32>} : memref<64x512xf32, #tpu.memory_space<vmem>>, vector<16xf32>,
      tpu.vector_store %arg8[%parallel_loop3A_546, %parallel_loop3A_547], %parallel_loop3A_545 {strides = array<i32>} : memref<64x512xf32, #tpu.memory_space<vmem>>, vector<16xf32>,
      %parallel_loop3A_549 = arith.mulf %parallel_loop3A_311, %parallel_loop3A_540 : vector<16xf32>
      %parallel_loop3A_550 = arith.index_cast %parallel_loop3A_302 : i32 to index
      %parallel_loop3A_551 = arith.constant 32 : index
      %parallel_loop3A_552 = tpu.vector_load %arg8[%parallel_loop3A_550, %parallel_loop3A_551] {strides = array<i32>} : memref<64x512xf32, #tpu.memory_space<vmem>>, vector<16xf32>,
      tpu.vector_store %arg8[%parallel_loop3A_550, %parallel_loop3A_551], %parallel_loop3A_549 {strides = array<i32>} : memref<64x512xf32, #tpu.memory_space<vmem>>, vector<16xf32>,
      %parallel_loop3A_553 = arith.mulf %parallel_loop3A_314, %parallel_loop3A_540 : vector<16xf32>
      %parallel_loop3A_554 = arith.index_cast %parallel_loop3A_302 : i32 to index
      %parallel_loop3A_555 = arith.constant 48 : index
      %parallel_loop3A_556 = tpu.vector_load %arg8[%parallel_loop3A_554, %parallel_loop3A_555] {strides = array<i32>} : memref<64x512xf32, #tpu.memory_space<vmem>>, vector<16xf32>,
      tpu.vector_store %arg8[%parallel_loop3A_554, %parallel_loop3A_555], %parallel_loop3A_553 {strides = array<i32>} : memref<64x512xf32, #tpu.memory_space<vmem>>, vector<16xf32>,
      %parallel_loop3A_557 = arith.mulf %parallel_loop3A_317, %parallel_loop3A_540 : vector<16xf32>
      %parallel_loop3A_558 = arith.index_cast %parallel_loop3A_302 : i32 to index
      %parallel_loop3A_559 = arith.constant 64 : index
      %parallel_loop3A_560 = tpu.vector_load %arg8[%parallel_loop3A_558, %parallel_loop3A_559] {strides = array<i32>} : memref<64x512xf32, #tpu.memory_space<vmem>>, vector<16xf32>,
      tpu.vector_store %arg8[%parallel_loop3A_558, %parallel_loop3A_559], %parallel_loop3A_557 {strides = array<i32>} : memref<64x512xf32, #tpu.memory_space<vmem>>, vector<16xf32>,
      %parallel_loop3A_561 = arith.mulf %parallel_loop3A_320, %parallel_loop3A_540 : vector<16xf32>
      %parallel_loop3A_562 = arith.index_cast %parallel_loop3A_302 : i32 to index
      %parallel_loop3A_563 = arith.constant 80 : index
      %parallel_loop3A_564 = tpu.vector_load %arg8[%parallel_loop3A_562, %parallel_loop3A_563] {strides = array<i32>} : memref<64x512xf32, #tpu.memory_space<vmem>>, vector<16xf32>,
      tpu.vector_store %arg8[%parallel_loop3A_562, %parallel_loop3A_563], %parallel_loop3A_561 {strides = array<i32>} : memref<64x512xf32, #tpu.memory_space<vmem>>, vector<16xf32>,
      %parallel_loop3A_565 = arith.mulf %parallel_loop3A_323, %parallel_loop3A_540 : vector<16xf32>
      %parallel_loop3A_566 = arith.index_cast %parallel_loop3A_302 : i32 to index
      %parallel_loop3A_567 = arith.constant 96 : index
      %parallel_loop3A_568 = tpu.vector_load %arg8[%parallel_loop3A_566, %parallel_loop3A_567] {strides = array<i32>} : memref<64x512xf32, #tpu.memory_space<vmem>>, vector<16xf32>,
      tpu.vector_store %arg8[%parallel_loop3A_566, %parallel_loop3A_567], %parallel_loop3A_565 {strides = array<i32>} : memref<64x512xf32, #tpu.memory_space<vmem>>, vector<16xf32>,
      %parallel_loop3A_569 = arith.mulf %parallel_loop3A_326, %parallel_loop3A_540 : vector<16xf32>
      %parallel_loop3A_570 = arith.index_cast %parallel_loop3A_302 : i32 to index
      %parallel_loop3A_571 = arith.constant 112 : index
      %parallel_loop3A_572 = tpu.vector_load %arg8[%parallel_loop3A_570, %parallel_loop3A_571] {strides = array<i32>} : memref<64x512xf32, #tpu.memory_space<vmem>>, vector<16xf32>,
      tpu.vector_store %arg8[%parallel_loop3A_570, %parallel_loop3A_571], %parallel_loop3A_569 {strides = array<i32>} : memref<64x512xf32, #tpu.memory_space<vmem>>, vector<16xf32>,
      %parallel_loop3A_573 = arith.mulf %parallel_loop3A_329, %parallel_loop3A_540 : vector<16xf32>
      %parallel_loop3A_574 = arith.index_cast %parallel_loop3A_302 : i32 to index
      %parallel_loop3A_575 = arith.constant 128 : index
      %parallel_loop3A_576 = tpu.vector_load %arg8[%parallel_loop3A_574, %parallel_loop3A_575] {strides = array<i32>} : memref<64x512xf32, #tpu.memory_space<vmem>>, vector<16xf32>,
      tpu.vector_store %arg8[%parallel_loop3A_574, %parallel_loop3A_575], %parallel_loop3A_573 {strides = array<i32>} : memref<64x512xf32, #tpu.memory_space<vmem>>, vector<16xf32>,
      %parallel_loop3A_577 = arith.mulf %parallel_loop3A_332, %parallel_loop3A_540 : vector<16xf32>
      %parallel_loop3A_578 = arith.index_cast %parallel_loop3A_302 : i32 to index
      %parallel_loop3A_579 = arith.constant 144 : index
      %parallel_loop3A_580 = tpu.vector_load %arg8[%parallel_loop3A_578, %parallel_loop3A_579] {strides = array<i32>} : memref<64x512xf32, #tpu.memory_space<vmem>>, vector<16xf32>,
      tpu.vector_store %arg8[%parallel_loop3A_578, %parallel_loop3A_579], %parallel_loop3A_577 {strides = array<i32>} : memref<64x512xf32, #tpu.memory_space<vmem>>, vector<16xf32>,
      %parallel_loop3A_581 = arith.mulf %parallel_loop3A_335, %parallel_loop3A_540 : vector<16xf32>
      %parallel_loop3A_582 = arith.index_cast %parallel_loop3A_302 : i32 to index
      %parallel_loop3A_583 = arith.constant 160 : index
      %parallel_loop3A_584 = tpu.vector_load %arg8[%parallel_loop3A_582, %parallel_loop3A_583] {strides = array<i32>} : memref<64x512xf32, #tpu.memory_space<vmem>>, vector<16xf32>,
      tpu.vector_store %arg8[%parallel_loop3A_582, %parallel_loop3A_583], %parallel_loop3A_581 {strides = array<i32>} : memref<64x512xf32, #tpu.memory_space<vmem>>, vector<16xf32>,
      %parallel_loop3A_585 = arith.mulf %parallel_loop3A_338, %parallel_loop3A_540 : vector<16xf32>
      %parallel_loop3A_586 = arith.index_cast %parallel_loop3A_302 : i32 to index
      %parallel_loop3A_587 = arith.constant 176 : index
      %parallel_loop3A_588 = tpu.vector_load %arg8[%parallel_loop3A_586, %parallel_loop3A_587] {strides = array<i32>} : memref<64x512xf32, #tpu.memory_space<vmem>>, vector<16xf32>,
      tpu.vector_store %arg8[%parallel_loop3A_586, %parallel_loop3A_587], %parallel_loop3A_585 {strides = array<i32>} : memref<64x512xf32, #tpu.memory_space<vmem>>, vector<16xf32>,
      %parallel_loop3A_589 = arith.mulf %parallel_loop3A_341, %parallel_loop3A_540 : vector<16xf32>
      %parallel_loop3A_590 = arith.index_cast %parallel_loop3A_302 : i32 to index
      %parallel_loop3A_591 = arith.constant 192 : index
      %parallel_loop3A_592 = tpu.vector_load %arg8[%parallel_loop3A_590, %parallel_loop3A_591] {strides = array<i32>} : memref<64x512xf32, #tpu.memory_space<vmem>>, vector<16xf32>,
      tpu.vector_store %arg8[%parallel_loop3A_590, %parallel_loop3A_591], %parallel_loop3A_589 {strides = array<i32>} : memref<64x512xf32, #tpu.memory_space<vmem>>, vector<16xf32>,
      %parallel_loop3A_593 = arith.mulf %parallel_loop3A_344, %parallel_loop3A_540 : vector<16xf32>
      %parallel_loop3A_594 = arith.index_cast %parallel_loop3A_302 : i32 to index
      %parallel_loop3A_595 = arith.constant 208 : index
      %parallel_loop3A_596 = tpu.vector_load %arg8[%parallel_loop3A_594, %parallel_loop3A_595] {strides = array<i32>} : memref<64x512xf32, #tpu.memory_space<vmem>>, vector<16xf32>,
      tpu.vector_store %arg8[%parallel_loop3A_594, %parallel_loop3A_595], %parallel_loop3A_593 {strides = array<i32>} : memref<64x512xf32, #tpu.memory_space<vmem>>, vector<16xf32>,
      %parallel_loop3A_597 = arith.mulf %parallel_loop3A_347, %parallel_loop3A_540 : vector<16xf32>
      %parallel_loop3A_598 = arith.index_cast %parallel_loop3A_302 : i32 to index
      %parallel_loop3A_599 = arith.constant 224 : index
      %parallel_loop3A_600 = tpu.vector_load %arg8[%parallel_loop3A_598, %parallel_loop3A_599] {strides = array<i32>} : memref<64x512xf32, #tpu.memory_space<vmem>>, vector<16xf32>,
      tpu.vector_store %arg8[%parallel_loop3A_598, %parallel_loop3A_599], %parallel_loop3A_597 {strides = array<i32>} : memref<64x512xf32, #tpu.memory_space<vmem>>, vector<16xf32>,
      %parallel_loop3A_601 = arith.mulf %parallel_loop3A_350, %parallel_loop3A_540 : vector<16xf32>
      %parallel_loop3A_602 = arith.index_cast %parallel_loop3A_302 : i32 to index
      %parallel_loop3A_603 = arith.constant 240 : index
      %parallel_loop3A_604 = tpu.vector_load %arg8[%parallel_loop3A_602, %parallel_loop3A_603] {strides = array<i32>} : memref<64x512xf32, #tpu.memory_space<vmem>>, vector<16xf32>,
      tpu.vector_store %arg8[%parallel_loop3A_602, %parallel_loop3A_603], %parallel_loop3A_601 {strides = array<i32>} : memref<64x512xf32, #tpu.memory_space<vmem>>, vector<16xf32>,
      %parallel_loop3A_605 = arith.mulf %parallel_loop3A_353, %parallel_loop3A_540 : vector<16xf32>
      %parallel_loop3A_606 = arith.index_cast %parallel_loop3A_302 : i32 to index
      %parallel_loop3A_607 = arith.constant 256 : index
      %parallel_loop3A_608 = tpu.vector_load %arg8[%parallel_loop3A_606, %parallel_loop3A_607] {strides = array<i32>} : memref<64x512xf32, #tpu.memory_space<vmem>>, vector<16xf32>,
      tpu.vector_store %arg8[%parallel_loop3A_606, %parallel_loop3A_607], %parallel_loop3A_605 {strides = array<i32>} : memref<64x512xf32, #tpu.memory_space<vmem>>, vector<16xf32>,
      %parallel_loop3A_609 = arith.mulf %parallel_loop3A_356, %parallel_loop3A_540 : vector<16xf32>
      %parallel_loop3A_610 = arith.index_cast %parallel_loop3A_302 : i32 to index
      %parallel_loop3A_611 = arith.constant 272 : index
      %parallel_loop3A_612 = tpu.vector_load %arg8[%parallel_loop3A_610, %parallel_loop3A_611] {strides = array<i32>} : memref<64x512xf32, #tpu.memory_space<vmem>>, vector<16xf32>,
      tpu.vector_store %arg8[%parallel_loop3A_610, %parallel_loop3A_611], %parallel_loop3A_609 {strides = array<i32>} : memref<64x512xf32, #tpu.memory_space<vmem>>, vector<16xf32>,
      %parallel_loop3A_613 = arith.mulf %parallel_loop3A_359, %parallel_loop3A_540 : vector<16xf32>
      %parallel_loop3A_614 = arith.index_cast %parallel_loop3A_302 : i32 to index
      %parallel_loop3A_615 = arith.constant 288 : index
      %parallel_loop3A_616 = tpu.vector_load %arg8[%parallel_loop3A_614, %parallel_loop3A_615] {strides = array<i32>} : memref<64x512xf32, #tpu.memory_space<vmem>>, vector<16xf32>,
      tpu.vector_store %arg8[%parallel_loop3A_614, %parallel_loop3A_615], %parallel_loop3A_613 {strides = array<i32>} : memref<64x512xf32, #tpu.memory_space<vmem>>, vector<16xf32>,
      %parallel_loop3A_617 = arith.mulf %parallel_loop3A_362, %parallel_loop3A_540 : vector<16xf32>
      %parallel_loop3A_618 = arith.index_cast %parallel_loop3A_302 : i32 to index
      %parallel_loop3A_619 = arith.constant 304 : index
      %parallel_loop3A_620 = tpu.vector_load %arg8[%parallel_loop3A_618, %parallel_loop3A_619] {strides = array<i32>} : memref<64x512xf32, #tpu.memory_space<vmem>>, vector<16xf32>,
      tpu.vector_store %arg8[%parallel_loop3A_618, %parallel_loop3A_619], %parallel_loop3A_617 {strides = array<i32>} : memref<64x512xf32, #tpu.memory_space<vmem>>, vector<16xf32>,
      %parallel_loop3A_621 = arith.mulf %parallel_loop3A_365, %parallel_loop3A_540 : vector<16xf32>
      %parallel_loop3A_622 = arith.index_cast %parallel_loop3A_302 : i32 to index
      %parallel_loop3A_623 = arith.constant 320 : index
      %parallel_loop3A_624 = tpu.vector_load %arg8[%parallel_loop3A_622, %parallel_loop3A_623] {strides = array<i32>} : memref<64x512xf32, #tpu.memory_space<vmem>>, vector<16xf32>,
      tpu.vector_store %arg8[%parallel_loop3A_622, %parallel_loop3A_623], %parallel_loop3A_621 {strides = array<i32>} : memref<64x512xf32, #tpu.memory_space<vmem>>, vector<16xf32>,
      %parallel_loop3A_625 = arith.mulf %parallel_loop3A_368, %parallel_loop3A_540 : vector<16xf32>
      %parallel_loop3A_626 = arith.index_cast %parallel_loop3A_302 : i32 to index
      %parallel_loop3A_627 = arith.constant 336 : index
      %parallel_loop3A_628 = tpu.vector_load %arg8[%parallel_loop3A_626, %parallel_loop3A_627] {strides = array<i32>} : memref<64x512xf32, #tpu.memory_space<vmem>>, vector<16xf32>,
      tpu.vector_store %arg8[%parallel_loop3A_626, %parallel_loop3A_627], %parallel_loop3A_625 {strides = array<i32>} : memref<64x512xf32, #tpu.memory_space<vmem>>, vector<16xf32>,
      %parallel_loop3A_629 = arith.mulf %parallel_loop3A_371, %parallel_loop3A_540 : vector<16xf32>
      %parallel_loop3A_630 = arith.index_cast %parallel_loop3A_302 : i32 to index
      %parallel_loop3A_631 = arith.constant 352 : index
      %parallel_loop3A_632 = tpu.vector_load %arg8[%parallel_loop3A_630, %parallel_loop3A_631] {strides = array<i32>} : memref<64x512xf32, #tpu.memory_space<vmem>>, vector<16xf32>,
      tpu.vector_store %arg8[%parallel_loop3A_630, %parallel_loop3A_631], %parallel_loop3A_629 {strides = array<i32>} : memref<64x512xf32, #tpu.memory_space<vmem>>, vector<16xf32>,
      %parallel_loop3A_633 = arith.mulf %parallel_loop3A_374, %parallel_loop3A_540 : vector<16xf32>
      %parallel_loop3A_634 = arith.index_cast %parallel_loop3A_302 : i32 to index
      %parallel_loop3A_635 = arith.constant 368 : index
      %parallel_loop3A_636 = tpu.vector_load %arg8[%parallel_loop3A_634, %parallel_loop3A_635] {strides = array<i32>} : memref<64x512xf32, #tpu.memory_space<vmem>>, vector<16xf32>,
      tpu.vector_store %arg8[%parallel_loop3A_634, %parallel_loop3A_635], %parallel_loop3A_633 {strides = array<i32>} : memref<64x512xf32, #tpu.memory_space<vmem>>, vector<16xf32>,
      %parallel_loop3A_637 = arith.mulf %parallel_loop3A_377, %parallel_loop3A_540 : vector<16xf32>
      %parallel_loop3A_638 = arith.index_cast %parallel_loop3A_302 : i32 to index
      %parallel_loop3A_639 = arith.constant 384 : index
      %parallel_loop3A_640 = tpu.vector_load %arg8[%parallel_loop3A_638, %parallel_loop3A_639] {strides = array<i32>} : memref<64x512xf32, #tpu.memory_space<vmem>>, vector<16xf32>,
      tpu.vector_store %arg8[%parallel_loop3A_638, %parallel_loop3A_639], %parallel_loop3A_637 {strides = array<i32>} : memref<64x512xf32, #tpu.memory_space<vmem>>, vector<16xf32>,
      %parallel_loop3A_641 = arith.mulf %parallel_loop3A_380, %parallel_loop3A_540 : vector<16xf32>
      %parallel_loop3A_642 = arith.index_cast %parallel_loop3A_302 : i32 to index
      %parallel_loop3A_643 = arith.constant 400 : index
      %parallel_loop3A_644 = tpu.vector_load %arg8[%parallel_loop3A_642, %parallel_loop3A_643] {strides = array<i32>} : memref<64x512xf32, #tpu.memory_space<vmem>>, vector<16xf32>,
      tpu.vector_store %arg8[%parallel_loop3A_642, %parallel_loop3A_643], %parallel_loop3A_641 {strides = array<i32>} : memref<64x512xf32, #tpu.memory_space<vmem>>, vector<16xf32>,
      %parallel_loop3A_645 = arith.mulf %parallel_loop3A_383, %parallel_loop3A_540 : vector<16xf32>
      %parallel_loop3A_646 = arith.index_cast %parallel_loop3A_302 : i32 to index
      %parallel_loop3A_647 = arith.constant 416 : index
      %parallel_loop3A_648 = tpu.vector_load %arg8[%parallel_loop3A_646, %parallel_loop3A_647] {strides = array<i32>} : memref<64x512xf32, #tpu.memory_space<vmem>>, vector<16xf32>,
      tpu.vector_store %arg8[%parallel_loop3A_646, %parallel_loop3A_647], %parallel_loop3A_645 {strides = array<i32>} : memref<64x512xf32, #tpu.memory_space<vmem>>, vector<16xf32>,
      %parallel_loop3A_649 = arith.mulf %parallel_loop3A_386, %parallel_loop3A_540 : vector<16xf32>
      %parallel_loop3A_650 = arith.index_cast %parallel_loop3A_302 : i32 to index
      %parallel_loop3A_651 = arith.constant 432 : index
      %parallel_loop3A_652 = tpu.vector_load %arg8[%parallel_loop3A_650, %parallel_loop3A_651] {strides = array<i32>} : memref<64x512xf32, #tpu.memory_space<vmem>>, vector<16xf32>,
      tpu.vector_store %arg8[%parallel_loop3A_650, %parallel_loop3A_651], %parallel_loop3A_649 {strides = array<i32>} : memref<64x512xf32, #tpu.memory_space<vmem>>, vector<16xf32>,
      %parallel_loop3A_653 = arith.mulf %parallel_loop3A_389, %parallel_loop3A_540 : vector<16xf32>
      %parallel_loop3A_654 = arith.index_cast %parallel_loop3A_302 : i32 to index
      %parallel_loop3A_655 = arith.constant 448 : index
      %parallel_loop3A_656 = tpu.vector_load %arg8[%parallel_loop3A_654, %parallel_loop3A_655] {strides = array<i32>} : memref<64x512xf32, #tpu.memory_space<vmem>>, vector<16xf32>,
      tpu.vector_store %arg8[%parallel_loop3A_654, %parallel_loop3A_655], %parallel_loop3A_653 {strides = array<i32>} : memref<64x512xf32, #tpu.memory_space<vmem>>, vector<16xf32>,
      %parallel_loop3A_657 = arith.mulf %parallel_loop3A_392, %parallel_loop3A_540 : vector<16xf32>
      %parallel_loop3A_658 = arith.index_cast %parallel_loop3A_302 : i32 to index
      %parallel_loop3A_659 = arith.constant 464 : index
      %parallel_loop3A_660 = tpu.vector_load %arg8[%parallel_loop3A_658, %parallel_loop3A_659] {strides = array<i32>} : memref<64x512xf32, #tpu.memory_space<vmem>>, vector<16xf32>,
      tpu.vector_store %arg8[%parallel_loop3A_658, %parallel_loop3A_659], %parallel_loop3A_657 {strides = array<i32>} : memref<64x512xf32, #tpu.memory_space<vmem>>, vector<16xf32>,
      %parallel_loop3A_661 = arith.mulf %parallel_loop3A_395, %parallel_loop3A_540 : vector<16xf32>
      %parallel_loop3A_662 = arith.index_cast %parallel_loop3A_302 : i32 to index
      %parallel_loop3A_663 = arith.constant 480 : index
      %parallel_loop3A_664 = tpu.vector_load %arg8[%parallel_loop3A_662, %parallel_loop3A_663] {strides = array<i32>} : memref<64x512xf32, #tpu.memory_space<vmem>>, vector<16xf32>,
      tpu.vector_store %arg8[%parallel_loop3A_662, %parallel_loop3A_663], %parallel_loop3A_661 {strides = array<i32>} : memref<64x512xf32, #tpu.memory_space<vmem>>, vector<16xf32>,
      %parallel_loop3A_665 = arith.mulf %parallel_loop3A_398, %parallel_loop3A_540 : vector<16xf32>
      %parallel_loop3A_666 = arith.index_cast %parallel_loop3A_302 : i32 to index
      %parallel_loop3A_667 = arith.constant 496 : index
      %parallel_loop3A_668 = tpu.vector_load %arg8[%parallel_loop3A_666, %parallel_loop3A_667] {strides = array<i32>} : memref<64x512xf32, #tpu.memory_space<vmem>>, vector<16xf32>,
      tpu.vector_store %arg8[%parallel_loop3A_666, %parallel_loop3A_667], %parallel_loop3A_665 {strides = array<i32>} : memref<64x512xf32, #tpu.memory_space<vmem>>, vector<16xf32>,
    } {sc.loop_unroll_factor = 1 : i64, sc.parallel_access}
    %add3A_227 = arith.constant 160 : i32
    %add3A_228 = arith.addi %mul3A_49, %add3A_227 : i32
    %dma_start3A_229 = arith.constant 0 : i32
    %dma_start3A_230 = arith.constant 0 : i32
    %dma_start3A_231 = tpu.memref_slice %arg8[%dma_start3A_229, %dma_start3A_230] : memref<64x512xf32, #tpu.memory_space<vmem>> -> memref<64x512xf32, #tpu.memory_space<vmem>>
    %dma_start3A_232 = arith.constant 0 : i32
    %dma_start3A_233 = tpu.memref_slice %arg5[%add3A_228, %dma_start3A_232] : memref<8192x512xf32, #tpu.memory_space<hbm>> -> memref<64x512xf32, #tpu.memory_space<hbm>>
    %dma_start3A_234 = arith.constant 0 : i32
    %dma_start3A_235 = tpu.memref_slice %arg5[%add3A_228, %dma_start3A_234] : memref<8192x512xf32, #tpu.memory_space<hbm>> -> memref<64x512xf32, #tpu.memory_space<hbm>>
    %dma_start3A_236 = arith.constant 0 : i32
    %dma_start3A_237 = arith.constant 0 : i32
    %dma_start3A_238 = tpu.memref_slice %arg8[%dma_start3A_236, %dma_start3A_237] : memref<64x512xf32, #tpu.memory_space<vmem>> -> memref<64x512xf32, #tpu.memory_space<vmem>>
    tpu.enqueue_dma source(%dma_start3A_238 : memref<64x512xf32, #tpu.memory_space<vmem>>) target(%dma_start3A_235 : memref<64x512xf32, #tpu.memory_space<hbm>>) target_semaphore(%arg14 : memref<!tpu.dma_semaphore, #tpu.memory_space<semaphore_mem>>)
    %add3A_239 = arith.constant 224 : i32
    %add3A_240 = arith.addi %multiple_of3A, %add3A_239 : i32
    %dma_wait3A_241 = arith.constant 0 : i32
    %dma_wait3A_242 = arith.constant 0 : i32
    %dma_wait3A_243 = tpu.memref_slice %arg9[%dma_wait3A_241, %dma_wait3A_242] : memref<64x512xf32, #tpu.memory_space<vmem>> -> memref<32x512xf32, #tpu.memory_space<vmem>>
    %dma_wait3A_244 = arith.constant 0 : i32
    %dma_wait3A_245 = tpu.memref_slice %arg2[%add3A_240, %dma_wait3A_244] : memref<32768x512xf32, #tpu.memory_space<hbm>> -> memref<32x512xf32, #tpu.memory_space<hbm>>
    %dma_wait3A_246 = arith.constant 0 : i32
    %dma_wait3A_247 = arith.constant 0 : i32
    %dma_wait3A_248 = tpu.memref_slice %arg9[%dma_wait3A_246, %dma_wait3A_247] : memref<64x512xf32, #tpu.memory_space<vmem>> -> memref<32x512xf32, #tpu.memory_space<vmem>>
    %dma_wait3A_249 = arith.constant 0 : i32
    %dma_wait3A_250 = tpu.memref_slice %arg2[%add3A_240, %dma_wait3A_249] : memref<32768x512xf32, #tpu.memory_space<hbm>> -> memref<32x512xf32, #tpu.memory_space<hbm>>
    tpu.wait_dma2 semaphore(%arg12 : memref<!tpu.dma_semaphore, #tpu.memory_space<semaphore_mem>>) src(%dma_wait3A_250 : memref<32x512xf32, #tpu.memory_space<hbm>>) dst(%dma_wait3A_248 : memref<32x512xf32, #tpu.memory_space<vmem>>)
    %parallel_loop3A_251 = arith.constant 0 : i32
    %parallel_loop3A_252 = arith.constant 32 : i32
    %parallel_loop3A_253 = arith.constant 1 : i32
    scf.for %parallel_loop3A_302 = %parallel_loop3A_251 to %parallel_loop3A_252 step %parallel_loop3A_253  : i32 {
      %parallel_loop3A_303 = arith.index_cast %parallel_loop3A_302 : i32 to index
      %parallel_loop3A_304 = arith.constant 0 : index
      %parallel_loop3A_305 = tpu.vector_load %arg9[%parallel_loop3A_303, %parallel_loop3A_304] {strides = array<i32>} : memref<64x512xf32, #tpu.memory_space<vmem>>, vector<16xf32>,
      %parallel_loop3A_306 = arith.index_cast %parallel_loop3A_302 : i32 to index
      %parallel_loop3A_307 = arith.constant 16 : index
      %parallel_loop3A_308 = tpu.vector_load %arg9[%parallel_loop3A_306, %parallel_loop3A_307] {strides = array<i32>} : memref<64x512xf32, #tpu.memory_space<vmem>>, vector<16xf32>,
      %parallel_loop3A_309 = arith.index_cast %parallel_loop3A_302 : i32 to index
      %parallel_loop3A_310 = arith.constant 32 : index
      %parallel_loop3A_311 = tpu.vector_load %arg9[%parallel_loop3A_309, %parallel_loop3A_310] {strides = array<i32>} : memref<64x512xf32, #tpu.memory_space<vmem>>, vector<16xf32>,
      %parallel_loop3A_312 = arith.index_cast %parallel_loop3A_302 : i32 to index
      %parallel_loop3A_313 = arith.constant 48 : index
      %parallel_loop3A_314 = tpu.vector_load %arg9[%parallel_loop3A_312, %parallel_loop3A_313] {strides = array<i32>} : memref<64x512xf32, #tpu.memory_space<vmem>>, vector<16xf32>,
      %parallel_loop3A_315 = arith.index_cast %parallel_loop3A_302 : i32 to index
      %parallel_loop3A_316 = arith.constant 64 : index
      %parallel_loop3A_317 = tpu.vector_load %arg9[%parallel_loop3A_315, %parallel_loop3A_316] {strides = array<i32>} : memref<64x512xf32, #tpu.memory_space<vmem>>, vector<16xf32>,
      %parallel_loop3A_318 = arith.index_cast %parallel_loop3A_302 : i32 to index
      %parallel_loop3A_319 = arith.constant 80 : index
      %parallel_loop3A_320 = tpu.vector_load %arg9[%parallel_loop3A_318, %parallel_loop3A_319] {strides = array<i32>} : memref<64x512xf32, #tpu.memory_space<vmem>>, vector<16xf32>,
      %parallel_loop3A_321 = arith.index_cast %parallel_loop3A_302 : i32 to index
      %parallel_loop3A_322 = arith.constant 96 : index
      %parallel_loop3A_323 = tpu.vector_load %arg9[%parallel_loop3A_321, %parallel_loop3A_322] {strides = array<i32>} : memref<64x512xf32, #tpu.memory_space<vmem>>, vector<16xf32>,
      %parallel_loop3A_324 = arith.index_cast %parallel_loop3A_302 : i32 to index
      %parallel_loop3A_325 = arith.constant 112 : index
      %parallel_loop3A_326 = tpu.vector_load %arg9[%parallel_loop3A_324, %parallel_loop3A_325] {strides = array<i32>} : memref<64x512xf32, #tpu.memory_space<vmem>>, vector<16xf32>,
      %parallel_loop3A_327 = arith.index_cast %parallel_loop3A_302 : i32 to index
      %parallel_loop3A_328 = arith.constant 128 : index
      %parallel_loop3A_329 = tpu.vector_load %arg9[%parallel_loop3A_327, %parallel_loop3A_328] {strides = array<i32>} : memref<64x512xf32, #tpu.memory_space<vmem>>, vector<16xf32>,
      %parallel_loop3A_330 = arith.index_cast %parallel_loop3A_302 : i32 to index
      %parallel_loop3A_331 = arith.constant 144 : index
      %parallel_loop3A_332 = tpu.vector_load %arg9[%parallel_loop3A_330, %parallel_loop3A_331] {strides = array<i32>} : memref<64x512xf32, #tpu.memory_space<vmem>>, vector<16xf32>,
      %parallel_loop3A_333 = arith.index_cast %parallel_loop3A_302 : i32 to index
      %parallel_loop3A_334 = arith.constant 160 : index
      %parallel_loop3A_335 = tpu.vector_load %arg9[%parallel_loop3A_333, %parallel_loop3A_334] {strides = array<i32>} : memref<64x512xf32, #tpu.memory_space<vmem>>, vector<16xf32>,
      %parallel_loop3A_336 = arith.index_cast %parallel_loop3A_302 : i32 to index
      %parallel_loop3A_337 = arith.constant 176 : index
      %parallel_loop3A_338 = tpu.vector_load %arg9[%parallel_loop3A_336, %parallel_loop3A_337] {strides = array<i32>} : memref<64x512xf32, #tpu.memory_space<vmem>>, vector<16xf32>,
      %parallel_loop3A_339 = arith.index_cast %parallel_loop3A_302 : i32 to index
      %parallel_loop3A_340 = arith.constant 192 : index
      %parallel_loop3A_341 = tpu.vector_load %arg9[%parallel_loop3A_339, %parallel_loop3A_340] {strides = array<i32>} : memref<64x512xf32, #tpu.memory_space<vmem>>, vector<16xf32>,
      %parallel_loop3A_342 = arith.index_cast %parallel_loop3A_302 : i32 to index
      %parallel_loop3A_343 = arith.constant 208 : index
      %parallel_loop3A_344 = tpu.vector_load %arg9[%parallel_loop3A_342, %parallel_loop3A_343] {strides = array<i32>} : memref<64x512xf32, #tpu.memory_space<vmem>>, vector<16xf32>,
      %parallel_loop3A_345 = arith.index_cast %parallel_loop3A_302 : i32 to index
      %parallel_loop3A_346 = arith.constant 224 : index
      %parallel_loop3A_347 = tpu.vector_load %arg9[%parallel_loop3A_345, %parallel_loop3A_346] {strides = array<i32>} : memref<64x512xf32, #tpu.memory_space<vmem>>, vector<16xf32>,
      %parallel_loop3A_348 = arith.index_cast %parallel_loop3A_302 : i32 to index
      %parallel_loop3A_349 = arith.constant 240 : index
      %parallel_loop3A_350 = tpu.vector_load %arg9[%parallel_loop3A_348, %parallel_loop3A_349] {strides = array<i32>} : memref<64x512xf32, #tpu.memory_space<vmem>>, vector<16xf32>,
      %parallel_loop3A_351 = arith.index_cast %parallel_loop3A_302 : i32 to index
      %parallel_loop3A_352 = arith.constant 256 : index
      %parallel_loop3A_353 = tpu.vector_load %arg9[%parallel_loop3A_351, %parallel_loop3A_352] {strides = array<i32>} : memref<64x512xf32, #tpu.memory_space<vmem>>, vector<16xf32>,
      %parallel_loop3A_354 = arith.index_cast %parallel_loop3A_302 : i32 to index
      %parallel_loop3A_355 = arith.constant 272 : index
      %parallel_loop3A_356 = tpu.vector_load %arg9[%parallel_loop3A_354, %parallel_loop3A_355] {strides = array<i32>} : memref<64x512xf32, #tpu.memory_space<vmem>>, vector<16xf32>,
      %parallel_loop3A_357 = arith.index_cast %parallel_loop3A_302 : i32 to index
      %parallel_loop3A_358 = arith.constant 288 : index
      %parallel_loop3A_359 = tpu.vector_load %arg9[%parallel_loop3A_357, %parallel_loop3A_358] {strides = array<i32>} : memref<64x512xf32, #tpu.memory_space<vmem>>, vector<16xf32>,
      %parallel_loop3A_360 = arith.index_cast %parallel_loop3A_302 : i32 to index
      %parallel_loop3A_361 = arith.constant 304 : index
      %parallel_loop3A_362 = tpu.vector_load %arg9[%parallel_loop3A_360, %parallel_loop3A_361] {strides = array<i32>} : memref<64x512xf32, #tpu.memory_space<vmem>>, vector<16xf32>,
      %parallel_loop3A_363 = arith.index_cast %parallel_loop3A_302 : i32 to index
      %parallel_loop3A_364 = arith.constant 320 : index
      %parallel_loop3A_365 = tpu.vector_load %arg9[%parallel_loop3A_363, %parallel_loop3A_364] {strides = array<i32>} : memref<64x512xf32, #tpu.memory_space<vmem>>, vector<16xf32>,
      %parallel_loop3A_366 = arith.index_cast %parallel_loop3A_302 : i32 to index
      %parallel_loop3A_367 = arith.constant 336 : index
      %parallel_loop3A_368 = tpu.vector_load %arg9[%parallel_loop3A_366, %parallel_loop3A_367] {strides = array<i32>} : memref<64x512xf32, #tpu.memory_space<vmem>>, vector<16xf32>,
      %parallel_loop3A_369 = arith.index_cast %parallel_loop3A_302 : i32 to index
      %parallel_loop3A_370 = arith.constant 352 : index
      %parallel_loop3A_371 = tpu.vector_load %arg9[%parallel_loop3A_369, %parallel_loop3A_370] {strides = array<i32>} : memref<64x512xf32, #tpu.memory_space<vmem>>, vector<16xf32>,
      %parallel_loop3A_372 = arith.index_cast %parallel_loop3A_302 : i32 to index
      %parallel_loop3A_373 = arith.constant 368 : index
      %parallel_loop3A_374 = tpu.vector_load %arg9[%parallel_loop3A_372, %parallel_loop3A_373] {strides = array<i32>} : memref<64x512xf32, #tpu.memory_space<vmem>>, vector<16xf32>,
      %parallel_loop3A_375 = arith.index_cast %parallel_loop3A_302 : i32 to index
      %parallel_loop3A_376 = arith.constant 384 : index
      %parallel_loop3A_377 = tpu.vector_load %arg9[%parallel_loop3A_375, %parallel_loop3A_376] {strides = array<i32>} : memref<64x512xf32, #tpu.memory_space<vmem>>, vector<16xf32>,
      %parallel_loop3A_378 = arith.index_cast %parallel_loop3A_302 : i32 to index
      %parallel_loop3A_379 = arith.constant 400 : index
      %parallel_loop3A_380 = tpu.vector_load %arg9[%parallel_loop3A_378, %parallel_loop3A_379] {strides = array<i32>} : memref<64x512xf32, #tpu.memory_space<vmem>>, vector<16xf32>,
      %parallel_loop3A_381 = arith.index_cast %parallel_loop3A_302 : i32 to index
      %parallel_loop3A_382 = arith.constant 416 : index
      %parallel_loop3A_383 = tpu.vector_load %arg9[%parallel_loop3A_381, %parallel_loop3A_382] {strides = array<i32>} : memref<64x512xf32, #tpu.memory_space<vmem>>, vector<16xf32>,
      %parallel_loop3A_384 = arith.index_cast %parallel_loop3A_302 : i32 to index
      %parallel_loop3A_385 = arith.constant 432 : index
      %parallel_loop3A_386 = tpu.vector_load %arg9[%parallel_loop3A_384, %parallel_loop3A_385] {strides = array<i32>} : memref<64x512xf32, #tpu.memory_space<vmem>>, vector<16xf32>,
      %parallel_loop3A_387 = arith.index_cast %parallel_loop3A_302 : i32 to index
      %parallel_loop3A_388 = arith.constant 448 : index
      %parallel_loop3A_389 = tpu.vector_load %arg9[%parallel_loop3A_387, %parallel_loop3A_388] {strides = array<i32>} : memref<64x512xf32, #tpu.memory_space<vmem>>, vector<16xf32>,
      %parallel_loop3A_390 = arith.index_cast %parallel_loop3A_302 : i32 to index
      %parallel_loop3A_391 = arith.constant 464 : index
      %parallel_loop3A_392 = tpu.vector_load %arg9[%parallel_loop3A_390, %parallel_loop3A_391] {strides = array<i32>} : memref<64x512xf32, #tpu.memory_space<vmem>>, vector<16xf32>,
      %parallel_loop3A_393 = arith.index_cast %parallel_loop3A_302 : i32 to index
      %parallel_loop3A_394 = arith.constant 480 : index
      %parallel_loop3A_395 = tpu.vector_load %arg9[%parallel_loop3A_393, %parallel_loop3A_394] {strides = array<i32>} : memref<64x512xf32, #tpu.memory_space<vmem>>, vector<16xf32>,
      %parallel_loop3A_396 = arith.index_cast %parallel_loop3A_302 : i32 to index
      %parallel_loop3A_397 = arith.constant 496 : index
      %parallel_loop3A_398 = tpu.vector_load %arg9[%parallel_loop3A_396, %parallel_loop3A_397] {strides = array<i32>} : memref<64x512xf32, #tpu.memory_space<vmem>>, vector<16xf32>,
      %parallel_loop3A_399 = arith.constant 0.000000e+00 : f32
      %parallel_loop3A_400 = vector.broadcast %parallel_loop3A_399 : f32 to vector<16xf32>
      %parallel_loop3A_401 = arith.constant 0.000000e+00 : f32
      %parallel_loop3A_402 = vector.broadcast %parallel_loop3A_401 : f32 to vector<16xf32>
      %parallel_loop3A_403 = arith.constant 0.000000e+00 : f32
      %parallel_loop3A_404 = vector.broadcast %parallel_loop3A_403 : f32 to vector<16xf32>
      %parallel_loop3A_405 = arith.constant 0.000000e+00 : f32
      %parallel_loop3A_406 = vector.broadcast %parallel_loop3A_405 : f32 to vector<16xf32>
      %parallel_loop3A_407 = arith.constant 0.000000e+00 : f32
      %parallel_loop3A_408 = vector.broadcast %parallel_loop3A_407 : f32 to vector<16xf32>
      %parallel_loop3A_409 = arith.constant 0.000000e+00 : f32
      %parallel_loop3A_410 = vector.broadcast %parallel_loop3A_409 : f32 to vector<16xf32>
      %parallel_loop3A_411 = arith.constant 0.000000e+00 : f32
      %parallel_loop3A_412 = vector.broadcast %parallel_loop3A_411 : f32 to vector<16xf32>
      %parallel_loop3A_413 = arith.constant 0.000000e+00 : f32
      %parallel_loop3A_414 = vector.broadcast %parallel_loop3A_413 : f32 to vector<16xf32>
      %parallel_loop3A_415 = arith.mulf %parallel_loop3A_305, %parallel_loop3A_305 : vector<16xf32>
      %parallel_loop3A_416 = arith.addf %parallel_loop3A_400, %parallel_loop3A_415 : vector<16xf32>
      %parallel_loop3A_417 = arith.mulf %parallel_loop3A_308, %parallel_loop3A_308 : vector<16xf32>
      %parallel_loop3A_418 = arith.addf %parallel_loop3A_402, %parallel_loop3A_417 : vector<16xf32>
      %parallel_loop3A_419 = arith.mulf %parallel_loop3A_311, %parallel_loop3A_311 : vector<16xf32>
      %parallel_loop3A_420 = arith.addf %parallel_loop3A_404, %parallel_loop3A_419 : vector<16xf32>
      %parallel_loop3A_421 = arith.mulf %parallel_loop3A_314, %parallel_loop3A_314 : vector<16xf32>
      %parallel_loop3A_422 = arith.addf %parallel_loop3A_406, %parallel_loop3A_421 : vector<16xf32>
      %parallel_loop3A_423 = arith.mulf %parallel_loop3A_317, %parallel_loop3A_317 : vector<16xf32>
      %parallel_loop3A_424 = arith.addf %parallel_loop3A_408, %parallel_loop3A_423 : vector<16xf32>
      %parallel_loop3A_425 = arith.mulf %parallel_loop3A_320, %parallel_loop3A_320 : vector<16xf32>
      %parallel_loop3A_426 = arith.addf %parallel_loop3A_410, %parallel_loop3A_425 : vector<16xf32>
      %parallel_loop3A_427 = arith.mulf %parallel_loop3A_323, %parallel_loop3A_323 : vector<16xf32>
      %parallel_loop3A_428 = arith.addf %parallel_loop3A_412, %parallel_loop3A_427 : vector<16xf32>
      %parallel_loop3A_429 = arith.mulf %parallel_loop3A_326, %parallel_loop3A_326 : vector<16xf32>
      %parallel_loop3A_430 = arith.addf %parallel_loop3A_414, %parallel_loop3A_429 : vector<16xf32>
      %parallel_loop3A_431 = arith.mulf %parallel_loop3A_329, %parallel_loop3A_329 : vector<16xf32>
      %parallel_loop3A_432 = arith.addf %parallel_loop3A_416, %parallel_loop3A_431 : vector<16xf32>
      %parallel_loop3A_433 = arith.mulf %parallel_loop3A_332, %parallel_loop3A_332 : vector<16xf32>
      %parallel_loop3A_434 = arith.addf %parallel_loop3A_418, %parallel_loop3A_433 : vector<16xf32>
      %parallel_loop3A_435 = arith.mulf %parallel_loop3A_335, %parallel_loop3A_335 : vector<16xf32>
      %parallel_loop3A_436 = arith.addf %parallel_loop3A_420, %parallel_loop3A_435 : vector<16xf32>
      %parallel_loop3A_437 = arith.mulf %parallel_loop3A_338, %parallel_loop3A_338 : vector<16xf32>
      %parallel_loop3A_438 = arith.addf %parallel_loop3A_422, %parallel_loop3A_437 : vector<16xf32>
      %parallel_loop3A_439 = arith.mulf %parallel_loop3A_341, %parallel_loop3A_341 : vector<16xf32>
      %parallel_loop3A_440 = arith.addf %parallel_loop3A_424, %parallel_loop3A_439 : vector<16xf32>
      %parallel_loop3A_441 = arith.mulf %parallel_loop3A_344, %parallel_loop3A_344 : vector<16xf32>
      %parallel_loop3A_442 = arith.addf %parallel_loop3A_426, %parallel_loop3A_441 : vector<16xf32>
      %parallel_loop3A_443 = arith.mulf %parallel_loop3A_347, %parallel_loop3A_347 : vector<16xf32>
      %parallel_loop3A_444 = arith.addf %parallel_loop3A_428, %parallel_loop3A_443 : vector<16xf32>
      %parallel_loop3A_445 = arith.mulf %parallel_loop3A_350, %parallel_loop3A_350 : vector<16xf32>
      %parallel_loop3A_446 = arith.addf %parallel_loop3A_430, %parallel_loop3A_445 : vector<16xf32>
      %parallel_loop3A_447 = arith.mulf %parallel_loop3A_353, %parallel_loop3A_353 : vector<16xf32>
      %parallel_loop3A_448 = arith.addf %parallel_loop3A_432, %parallel_loop3A_447 : vector<16xf32>
      %parallel_loop3A_449 = arith.mulf %parallel_loop3A_356, %parallel_loop3A_356 : vector<16xf32>
      %parallel_loop3A_450 = arith.addf %parallel_loop3A_434, %parallel_loop3A_449 : vector<16xf32>
      %parallel_loop3A_451 = arith.mulf %parallel_loop3A_359, %parallel_loop3A_359 : vector<16xf32>
      %parallel_loop3A_452 = arith.addf %parallel_loop3A_436, %parallel_loop3A_451 : vector<16xf32>
      %parallel_loop3A_453 = arith.mulf %parallel_loop3A_362, %parallel_loop3A_362 : vector<16xf32>
      %parallel_loop3A_454 = arith.addf %parallel_loop3A_438, %parallel_loop3A_453 : vector<16xf32>
      %parallel_loop3A_455 = arith.mulf %parallel_loop3A_365, %parallel_loop3A_365 : vector<16xf32>
      %parallel_loop3A_456 = arith.addf %parallel_loop3A_440, %parallel_loop3A_455 : vector<16xf32>
      %parallel_loop3A_457 = arith.mulf %parallel_loop3A_368, %parallel_loop3A_368 : vector<16xf32>
      %parallel_loop3A_458 = arith.addf %parallel_loop3A_442, %parallel_loop3A_457 : vector<16xf32>
      %parallel_loop3A_459 = arith.mulf %parallel_loop3A_371, %parallel_loop3A_371 : vector<16xf32>
      %parallel_loop3A_460 = arith.addf %parallel_loop3A_444, %parallel_loop3A_459 : vector<16xf32>
      %parallel_loop3A_461 = arith.mulf %parallel_loop3A_374, %parallel_loop3A_374 : vector<16xf32>
      %parallel_loop3A_462 = arith.addf %parallel_loop3A_446, %parallel_loop3A_461 : vector<16xf32>
      %parallel_loop3A_463 = arith.mulf %parallel_loop3A_377, %parallel_loop3A_377 : vector<16xf32>
      %parallel_loop3A_464 = arith.addf %parallel_loop3A_448, %parallel_loop3A_463 : vector<16xf32>
      %parallel_loop3A_465 = arith.mulf %parallel_loop3A_380, %parallel_loop3A_380 : vector<16xf32>
      %parallel_loop3A_466 = arith.addf %parallel_loop3A_450, %parallel_loop3A_465 : vector<16xf32>
      %parallel_loop3A_467 = arith.mulf %parallel_loop3A_383, %parallel_loop3A_383 : vector<16xf32>
      %parallel_loop3A_468 = arith.addf %parallel_loop3A_452, %parallel_loop3A_467 : vector<16xf32>
      %parallel_loop3A_469 = arith.mulf %parallel_loop3A_386, %parallel_loop3A_386 : vector<16xf32>
      %parallel_loop3A_470 = arith.addf %parallel_loop3A_454, %parallel_loop3A_469 : vector<16xf32>
      %parallel_loop3A_471 = arith.mulf %parallel_loop3A_389, %parallel_loop3A_389 : vector<16xf32>
      %parallel_loop3A_472 = arith.addf %parallel_loop3A_456, %parallel_loop3A_471 : vector<16xf32>
      %parallel_loop3A_473 = arith.mulf %parallel_loop3A_392, %parallel_loop3A_392 : vector<16xf32>
      %parallel_loop3A_474 = arith.addf %parallel_loop3A_458, %parallel_loop3A_473 : vector<16xf32>
      %parallel_loop3A_475 = arith.mulf %parallel_loop3A_395, %parallel_loop3A_395 : vector<16xf32>
      %parallel_loop3A_476 = arith.addf %parallel_loop3A_460, %parallel_loop3A_475 : vector<16xf32>
      %parallel_loop3A_477 = arith.mulf %parallel_loop3A_398, %parallel_loop3A_398 : vector<16xf32>
      %parallel_loop3A_478 = arith.addf %parallel_loop3A_462, %parallel_loop3A_477 : vector<16xf32>
      %parallel_loop3A_479 = arith.addf %parallel_loop3A_464, %parallel_loop3A_466 : vector<16xf32>
      %parallel_loop3A_480 = arith.addf %parallel_loop3A_468, %parallel_loop3A_470 : vector<16xf32>
      %parallel_loop3A_481 = arith.addf %parallel_loop3A_479, %parallel_loop3A_480 : vector<16xf32>
      %parallel_loop3A_482 = arith.addf %parallel_loop3A_472, %parallel_loop3A_474 : vector<16xf32>
      %parallel_loop3A_483 = arith.addf %parallel_loop3A_476, %parallel_loop3A_478 : vector<16xf32>
      %parallel_loop3A_484 = arith.addf %parallel_loop3A_482, %parallel_loop3A_483 : vector<16xf32>
      %parallel_loop3A_485 = arith.addf %parallel_loop3A_481, %parallel_loop3A_484 : vector<16xf32>
      %parallel_loop3A_486 = tpu.iota {dimensions = array<i32: 0>} : vector<16xi32>
      %parallel_loop3A_487 = arith.constant 8 : i32
      %parallel_loop3A_488 = vector.broadcast %parallel_loop3A_487 : i32 to vector<16xi32>
      %parallel_loop3A_489 = arith.xori %parallel_loop3A_486, %parallel_loop3A_488 : vector<16xi32>
      %parallel_loop3A_490 = vector.shape_cast %parallel_loop3A_489 : vector<16xi32> to vector<16x1xi32>
      %parallel_loop3A_491 = vector.shape_cast %parallel_loop3A_490 : vector<16x1xi32> to vector<16xi32>
      %parallel_loop3A_492 = tpu.dynamic_gather %parallel_loop3A_485[%parallel_loop3A_491] in [0] : vector<16xf32>, vector<16xi32> -> vector<16xf32>
      %parallel_loop3A_493 = arith.addf %parallel_loop3A_485, %parallel_loop3A_492 : vector<16xf32>
      %parallel_loop3A_494 = arith.constant 4 : i32
      %parallel_loop3A_495 = vector.broadcast %parallel_loop3A_494 : i32 to vector<16xi32>
      %parallel_loop3A_496 = arith.xori %parallel_loop3A_486, %parallel_loop3A_495 : vector<16xi32>
      %parallel_loop3A_497 = vector.shape_cast %parallel_loop3A_496 : vector<16xi32> to vector<16x1xi32>
      %parallel_loop3A_498 = vector.shape_cast %parallel_loop3A_497 : vector<16x1xi32> to vector<16xi32>
      %parallel_loop3A_499 = tpu.dynamic_gather %parallel_loop3A_493[%parallel_loop3A_498] in [0] : vector<16xf32>, vector<16xi32> -> vector<16xf32>
      %parallel_loop3A_500 = arith.addf %parallel_loop3A_493, %parallel_loop3A_499 : vector<16xf32>
      %parallel_loop3A_501 = arith.constant 2 : i32
      %parallel_loop3A_502 = vector.broadcast %parallel_loop3A_501 : i32 to vector<16xi32>
      %parallel_loop3A_503 = arith.xori %parallel_loop3A_486, %parallel_loop3A_502 : vector<16xi32>
      %parallel_loop3A_504 = vector.shape_cast %parallel_loop3A_503 : vector<16xi32> to vector<16x1xi32>
      %parallel_loop3A_505 = vector.shape_cast %parallel_loop3A_504 : vector<16x1xi32> to vector<16xi32>
      %parallel_loop3A_506 = tpu.dynamic_gather %parallel_loop3A_500[%parallel_loop3A_505] in [0] : vector<16xf32>, vector<16xi32> -> vector<16xf32>
      %parallel_loop3A_507 = arith.addf %parallel_loop3A_500, %parallel_loop3A_506 : vector<16xf32>
      %parallel_loop3A_508 = arith.constant 1 : i32
      %parallel_loop3A_509 = vector.broadcast %parallel_loop3A_508 : i32 to vector<16xi32>
      %parallel_loop3A_510 = arith.xori %parallel_loop3A_486, %parallel_loop3A_509 : vector<16xi32>
      %parallel_loop3A_511 = vector.shape_cast %parallel_loop3A_510 : vector<16xi32> to vector<16x1xi32>
      %parallel_loop3A_512 = vector.shape_cast %parallel_loop3A_511 : vector<16x1xi32> to vector<16xi32>
      %parallel_loop3A_513 = tpu.dynamic_gather %parallel_loop3A_507[%parallel_loop3A_512] in [0] : vector<16xf32>, vector<16xi32> -> vector<16xf32>
      %parallel_loop3A_514 = arith.addf %parallel_loop3A_507, %parallel_loop3A_513 : vector<16xf32>
      %parallel_loop3A_515 = arith.constant 5.000000e-01 : f32
      %parallel_loop3A_516 = vector.broadcast %parallel_loop3A_515 : f32 to vector<16xf32>
      %parallel_loop3A_517 = arith.mulf %parallel_loop3A_514, %parallel_loop3A_516 : vector<16xf32>
      %parallel_loop3A_518 = tpu.bitcast %parallel_loop3A_514 : vector<16xf32> -> vector<16xi32>
      %parallel_loop3A_519 = arith.constant 1 : i32
      %parallel_loop3A_520 = vector.broadcast %parallel_loop3A_519 : i32 to vector<16xi32>
      %parallel_loop3A_521 = arith.shrsi %parallel_loop3A_518, %parallel_loop3A_520 : vector<16xi32>
      %parallel_loop3A_522 = arith.constant 1597463007 : i32
      %parallel_loop3A_523 = vector.broadcast %parallel_loop3A_522 : i32 to vector<16xi32>
      %parallel_loop3A_524 = arith.subi %parallel_loop3A_523, %parallel_loop3A_521 : vector<16xi32>
      %parallel_loop3A_525 = tpu.bitcast %parallel_loop3A_524 : vector<16xi32> -> vector<16xf32>
      %parallel_loop3A_526 = arith.mulf %parallel_loop3A_517, %parallel_loop3A_525 : vector<16xf32>
      %parallel_loop3A_527 = arith.mulf %parallel_loop3A_526, %parallel_loop3A_525 : vector<16xf32>
      %parallel_loop3A_528 = arith.constant 1.500000e+00 : f32
      %parallel_loop3A_529 = vector.broadcast %parallel_loop3A_528 : f32 to vector<16xf32>
      %parallel_loop3A_530 = arith.subf %parallel_loop3A_529, %parallel_loop3A_527 : vector<16xf32>
      %parallel_loop3A_531 = arith.mulf %parallel_loop3A_525, %parallel_loop3A_530 : vector<16xf32>
      %parallel_loop3A_532 = arith.mulf %parallel_loop3A_517, %parallel_loop3A_531 : vector<16xf32>
      %parallel_loop3A_533 = arith.mulf %parallel_loop3A_532, %parallel_loop3A_531 : vector<16xf32>
      %parallel_loop3A_534 = arith.constant 1.500000e+00 : f32
      %parallel_loop3A_535 = vector.broadcast %parallel_loop3A_534 : f32 to vector<16xf32>
      %parallel_loop3A_536 = arith.subf %parallel_loop3A_535, %parallel_loop3A_533 : vector<16xf32>
      %parallel_loop3A_537 = arith.mulf %parallel_loop3A_531, %parallel_loop3A_536 : vector<16xf32>
      %parallel_loop3A_538 = arith.constant 1.000000e+06 : f32
      %parallel_loop3A_539 = vector.broadcast %parallel_loop3A_538 : f32 to vector<16xf32>
      %parallel_loop3A_540 = arith.minimumf %parallel_loop3A_537, %parallel_loop3A_539 : vector<16xf32>
      %parallel_loop3A_541 = arith.mulf %parallel_loop3A_305, %parallel_loop3A_540 : vector<16xf32>
      %parallel_loop3A_542 = arith.index_cast %parallel_loop3A_302 : i32 to index
      %parallel_loop3A_543 = arith.constant 0 : index
      %parallel_loop3A_544 = tpu.vector_load %arg9[%parallel_loop3A_542, %parallel_loop3A_543] {strides = array<i32>} : memref<64x512xf32, #tpu.memory_space<vmem>>, vector<16xf32>,
      tpu.vector_store %arg9[%parallel_loop3A_542, %parallel_loop3A_543], %parallel_loop3A_541 {strides = array<i32>} : memref<64x512xf32, #tpu.memory_space<vmem>>, vector<16xf32>,
      %parallel_loop3A_545 = arith.mulf %parallel_loop3A_308, %parallel_loop3A_540 : vector<16xf32>
      %parallel_loop3A_546 = arith.index_cast %parallel_loop3A_302 : i32 to index
      %parallel_loop3A_547 = arith.constant 16 : index
      %parallel_loop3A_548 = tpu.vector_load %arg9[%parallel_loop3A_546, %parallel_loop3A_547] {strides = array<i32>} : memref<64x512xf32, #tpu.memory_space<vmem>>, vector<16xf32>,
      tpu.vector_store %arg9[%parallel_loop3A_546, %parallel_loop3A_547], %parallel_loop3A_545 {strides = array<i32>} : memref<64x512xf32, #tpu.memory_space<vmem>>, vector<16xf32>,
      %parallel_loop3A_549 = arith.mulf %parallel_loop3A_311, %parallel_loop3A_540 : vector<16xf32>
      %parallel_loop3A_550 = arith.index_cast %parallel_loop3A_302 : i32 to index
      %parallel_loop3A_551 = arith.constant 32 : index
      %parallel_loop3A_552 = tpu.vector_load %arg9[%parallel_loop3A_550, %parallel_loop3A_551] {strides = array<i32>} : memref<64x512xf32, #tpu.memory_space<vmem>>, vector<16xf32>,
      tpu.vector_store %arg9[%parallel_loop3A_550, %parallel_loop3A_551], %parallel_loop3A_549 {strides = array<i32>} : memref<64x512xf32, #tpu.memory_space<vmem>>, vector<16xf32>,
      %parallel_loop3A_553 = arith.mulf %parallel_loop3A_314, %parallel_loop3A_540 : vector<16xf32>
      %parallel_loop3A_554 = arith.index_cast %parallel_loop3A_302 : i32 to index
      %parallel_loop3A_555 = arith.constant 48 : index
      %parallel_loop3A_556 = tpu.vector_load %arg9[%parallel_loop3A_554, %parallel_loop3A_555] {strides = array<i32>} : memref<64x512xf32, #tpu.memory_space<vmem>>, vector<16xf32>,
      tpu.vector_store %arg9[%parallel_loop3A_554, %parallel_loop3A_555], %parallel_loop3A_553 {strides = array<i32>} : memref<64x512xf32, #tpu.memory_space<vmem>>, vector<16xf32>,
      %parallel_loop3A_557 = arith.mulf %parallel_loop3A_317, %parallel_loop3A_540 : vector<16xf32>
      %parallel_loop3A_558 = arith.index_cast %parallel_loop3A_302 : i32 to index
      %parallel_loop3A_559 = arith.constant 64 : index
      %parallel_loop3A_560 = tpu.vector_load %arg9[%parallel_loop3A_558, %parallel_loop3A_559] {strides = array<i32>} : memref<64x512xf32, #tpu.memory_space<vmem>>, vector<16xf32>,
      tpu.vector_store %arg9[%parallel_loop3A_558, %parallel_loop3A_559], %parallel_loop3A_557 {strides = array<i32>} : memref<64x512xf32, #tpu.memory_space<vmem>>, vector<16xf32>,
      %parallel_loop3A_561 = arith.mulf %parallel_loop3A_320, %parallel_loop3A_540 : vector<16xf32>
      %parallel_loop3A_562 = arith.index_cast %parallel_loop3A_302 : i32 to index
      %parallel_loop3A_563 = arith.constant 80 : index
      %parallel_loop3A_564 = tpu.vector_load %arg9[%parallel_loop3A_562, %parallel_loop3A_563] {strides = array<i32>} : memref<64x512xf32, #tpu.memory_space<vmem>>, vector<16xf32>,
      tpu.vector_store %arg9[%parallel_loop3A_562, %parallel_loop3A_563], %parallel_loop3A_561 {strides = array<i32>} : memref<64x512xf32, #tpu.memory_space<vmem>>, vector<16xf32>,
      %parallel_loop3A_565 = arith.mulf %parallel_loop3A_323, %parallel_loop3A_540 : vector<16xf32>
      %parallel_loop3A_566 = arith.index_cast %parallel_loop3A_302 : i32 to index
      %parallel_loop3A_567 = arith.constant 96 : index
      %parallel_loop3A_568 = tpu.vector_load %arg9[%parallel_loop3A_566, %parallel_loop3A_567] {strides = array<i32>} : memref<64x512xf32, #tpu.memory_space<vmem>>, vector<16xf32>,
      tpu.vector_store %arg9[%parallel_loop3A_566, %parallel_loop3A_567], %parallel_loop3A_565 {strides = array<i32>} : memref<64x512xf32, #tpu.memory_space<vmem>>, vector<16xf32>,
      %parallel_loop3A_569 = arith.mulf %parallel_loop3A_326, %parallel_loop3A_540 : vector<16xf32>
      %parallel_loop3A_570 = arith.index_cast %parallel_loop3A_302 : i32 to index
      %parallel_loop3A_571 = arith.constant 112 : index
      %parallel_loop3A_572 = tpu.vector_load %arg9[%parallel_loop3A_570, %parallel_loop3A_571] {strides = array<i32>} : memref<64x512xf32, #tpu.memory_space<vmem>>, vector<16xf32>,
      tpu.vector_store %arg9[%parallel_loop3A_570, %parallel_loop3A_571], %parallel_loop3A_569 {strides = array<i32>} : memref<64x512xf32, #tpu.memory_space<vmem>>, vector<16xf32>,
      %parallel_loop3A_573 = arith.mulf %parallel_loop3A_329, %parallel_loop3A_540 : vector<16xf32>
      %parallel_loop3A_574 = arith.index_cast %parallel_loop3A_302 : i32 to index
      %parallel_loop3A_575 = arith.constant 128 : index
      %parallel_loop3A_576 = tpu.vector_load %arg9[%parallel_loop3A_574, %parallel_loop3A_575] {strides = array<i32>} : memref<64x512xf32, #tpu.memory_space<vmem>>, vector<16xf32>,
      tpu.vector_store %arg9[%parallel_loop3A_574, %parallel_loop3A_575], %parallel_loop3A_573 {strides = array<i32>} : memref<64x512xf32, #tpu.memory_space<vmem>>, vector<16xf32>,
      %parallel_loop3A_577 = arith.mulf %parallel_loop3A_332, %parallel_loop3A_540 : vector<16xf32>
      %parallel_loop3A_578 = arith.index_cast %parallel_loop3A_302 : i32 to index
      %parallel_loop3A_579 = arith.constant 144 : index
      %parallel_loop3A_580 = tpu.vector_load %arg9[%parallel_loop3A_578, %parallel_loop3A_579] {strides = array<i32>} : memref<64x512xf32, #tpu.memory_space<vmem>>, vector<16xf32>,
      tpu.vector_store %arg9[%parallel_loop3A_578, %parallel_loop3A_579], %parallel_loop3A_577 {strides = array<i32>} : memref<64x512xf32, #tpu.memory_space<vmem>>, vector<16xf32>,
      %parallel_loop3A_581 = arith.mulf %parallel_loop3A_335, %parallel_loop3A_540 : vector<16xf32>
      %parallel_loop3A_582 = arith.index_cast %parallel_loop3A_302 : i32 to index
      %parallel_loop3A_583 = arith.constant 160 : index
      %parallel_loop3A_584 = tpu.vector_load %arg9[%parallel_loop3A_582, %parallel_loop3A_583] {strides = array<i32>} : memref<64x512xf32, #tpu.memory_space<vmem>>, vector<16xf32>,
      tpu.vector_store %arg9[%parallel_loop3A_582, %parallel_loop3A_583], %parallel_loop3A_581 {strides = array<i32>} : memref<64x512xf32, #tpu.memory_space<vmem>>, vector<16xf32>,
      %parallel_loop3A_585 = arith.mulf %parallel_loop3A_338, %parallel_loop3A_540 : vector<16xf32>
      %parallel_loop3A_586 = arith.index_cast %parallel_loop3A_302 : i32 to index
      %parallel_loop3A_587 = arith.constant 176 : index
      %parallel_loop3A_588 = tpu.vector_load %arg9[%parallel_loop3A_586, %parallel_loop3A_587] {strides = array<i32>} : memref<64x512xf32, #tpu.memory_space<vmem>>, vector<16xf32>,
      tpu.vector_store %arg9[%parallel_loop3A_586, %parallel_loop3A_587], %parallel_loop3A_585 {strides = array<i32>} : memref<64x512xf32, #tpu.memory_space<vmem>>, vector<16xf32>,
      %parallel_loop3A_589 = arith.mulf %parallel_loop3A_341, %parallel_loop3A_540 : vector<16xf32>
      %parallel_loop3A_590 = arith.index_cast %parallel_loop3A_302 : i32 to index
      %parallel_loop3A_591 = arith.constant 192 : index
      %parallel_loop3A_592 = tpu.vector_load %arg9[%parallel_loop3A_590, %parallel_loop3A_591] {strides = array<i32>} : memref<64x512xf32, #tpu.memory_space<vmem>>, vector<16xf32>,
      tpu.vector_store %arg9[%parallel_loop3A_590, %parallel_loop3A_591], %parallel_loop3A_589 {strides = array<i32>} : memref<64x512xf32, #tpu.memory_space<vmem>>, vector<16xf32>,
      %parallel_loop3A_593 = arith.mulf %parallel_loop3A_344, %parallel_loop3A_540 : vector<16xf32>
      %parallel_loop3A_594 = arith.index_cast %parallel_loop3A_302 : i32 to index
      %parallel_loop3A_595 = arith.constant 208 : index
      %parallel_loop3A_596 = tpu.vector_load %arg9[%parallel_loop3A_594, %parallel_loop3A_595] {strides = array<i32>} : memref<64x512xf32, #tpu.memory_space<vmem>>, vector<16xf32>,
      tpu.vector_store %arg9[%parallel_loop3A_594, %parallel_loop3A_595], %parallel_loop3A_593 {strides = array<i32>} : memref<64x512xf32, #tpu.memory_space<vmem>>, vector<16xf32>,
      %parallel_loop3A_597 = arith.mulf %parallel_loop3A_347, %parallel_loop3A_540 : vector<16xf32>
      %parallel_loop3A_598 = arith.index_cast %parallel_loop3A_302 : i32 to index
      %parallel_loop3A_599 = arith.constant 224 : index
      %parallel_loop3A_600 = tpu.vector_load %arg9[%parallel_loop3A_598, %parallel_loop3A_599] {strides = array<i32>} : memref<64x512xf32, #tpu.memory_space<vmem>>, vector<16xf32>,
      tpu.vector_store %arg9[%parallel_loop3A_598, %parallel_loop3A_599], %parallel_loop3A_597 {strides = array<i32>} : memref<64x512xf32, #tpu.memory_space<vmem>>, vector<16xf32>,
      %parallel_loop3A_601 = arith.mulf %parallel_loop3A_350, %parallel_loop3A_540 : vector<16xf32>
      %parallel_loop3A_602 = arith.index_cast %parallel_loop3A_302 : i32 to index
      %parallel_loop3A_603 = arith.constant 240 : index
      %parallel_loop3A_604 = tpu.vector_load %arg9[%parallel_loop3A_602, %parallel_loop3A_603] {strides = array<i32>} : memref<64x512xf32, #tpu.memory_space<vmem>>, vector<16xf32>,
      tpu.vector_store %arg9[%parallel_loop3A_602, %parallel_loop3A_603], %parallel_loop3A_601 {strides = array<i32>} : memref<64x512xf32, #tpu.memory_space<vmem>>, vector<16xf32>,
      %parallel_loop3A_605 = arith.mulf %parallel_loop3A_353, %parallel_loop3A_540 : vector<16xf32>
      %parallel_loop3A_606 = arith.index_cast %parallel_loop3A_302 : i32 to index
      %parallel_loop3A_607 = arith.constant 256 : index
      %parallel_loop3A_608 = tpu.vector_load %arg9[%parallel_loop3A_606, %parallel_loop3A_607] {strides = array<i32>} : memref<64x512xf32, #tpu.memory_space<vmem>>, vector<16xf32>,
      tpu.vector_store %arg9[%parallel_loop3A_606, %parallel_loop3A_607], %parallel_loop3A_605 {strides = array<i32>} : memref<64x512xf32, #tpu.memory_space<vmem>>, vector<16xf32>,
      %parallel_loop3A_609 = arith.mulf %parallel_loop3A_356, %parallel_loop3A_540 : vector<16xf32>
      %parallel_loop3A_610 = arith.index_cast %parallel_loop3A_302 : i32 to index
      %parallel_loop3A_611 = arith.constant 272 : index
      %parallel_loop3A_612 = tpu.vector_load %arg9[%parallel_loop3A_610, %parallel_loop3A_611] {strides = array<i32>} : memref<64x512xf32, #tpu.memory_space<vmem>>, vector<16xf32>,
      tpu.vector_store %arg9[%parallel_loop3A_610, %parallel_loop3A_611], %parallel_loop3A_609 {strides = array<i32>} : memref<64x512xf32, #tpu.memory_space<vmem>>, vector<16xf32>,
      %parallel_loop3A_613 = arith.mulf %parallel_loop3A_359, %parallel_loop3A_540 : vector<16xf32>
      %parallel_loop3A_614 = arith.index_cast %parallel_loop3A_302 : i32 to index
      %parallel_loop3A_615 = arith.constant 288 : index
      %parallel_loop3A_616 = tpu.vector_load %arg9[%parallel_loop3A_614, %parallel_loop3A_615] {strides = array<i32>} : memref<64x512xf32, #tpu.memory_space<vmem>>, vector<16xf32>,
      tpu.vector_store %arg9[%parallel_loop3A_614, %parallel_loop3A_615], %parallel_loop3A_613 {strides = array<i32>} : memref<64x512xf32, #tpu.memory_space<vmem>>, vector<16xf32>,
      %parallel_loop3A_617 = arith.mulf %parallel_loop3A_362, %parallel_loop3A_540 : vector<16xf32>
      %parallel_loop3A_618 = arith.index_cast %parallel_loop3A_302 : i32 to index
      %parallel_loop3A_619 = arith.constant 304 : index
      %parallel_loop3A_620 = tpu.vector_load %arg9[%parallel_loop3A_618, %parallel_loop3A_619] {strides = array<i32>} : memref<64x512xf32, #tpu.memory_space<vmem>>, vector<16xf32>,
      tpu.vector_store %arg9[%parallel_loop3A_618, %parallel_loop3A_619], %parallel_loop3A_617 {strides = array<i32>} : memref<64x512xf32, #tpu.memory_space<vmem>>, vector<16xf32>,
      %parallel_loop3A_621 = arith.mulf %parallel_loop3A_365, %parallel_loop3A_540 : vector<16xf32>
      %parallel_loop3A_622 = arith.index_cast %parallel_loop3A_302 : i32 to index
      %parallel_loop3A_623 = arith.constant 320 : index
      %parallel_loop3A_624 = tpu.vector_load %arg9[%parallel_loop3A_622, %parallel_loop3A_623] {strides = array<i32>} : memref<64x512xf32, #tpu.memory_space<vmem>>, vector<16xf32>,
      tpu.vector_store %arg9[%parallel_loop3A_622, %parallel_loop3A_623], %parallel_loop3A_621 {strides = array<i32>} : memref<64x512xf32, #tpu.memory_space<vmem>>, vector<16xf32>,
      %parallel_loop3A_625 = arith.mulf %parallel_loop3A_368, %parallel_loop3A_540 : vector<16xf32>
      %parallel_loop3A_626 = arith.index_cast %parallel_loop3A_302 : i32 to index
      %parallel_loop3A_627 = arith.constant 336 : index
      %parallel_loop3A_628 = tpu.vector_load %arg9[%parallel_loop3A_626, %parallel_loop3A_627] {strides = array<i32>} : memref<64x512xf32, #tpu.memory_space<vmem>>, vector<16xf32>,
      tpu.vector_store %arg9[%parallel_loop3A_626, %parallel_loop3A_627], %parallel_loop3A_625 {strides = array<i32>} : memref<64x512xf32, #tpu.memory_space<vmem>>, vector<16xf32>,
      %parallel_loop3A_629 = arith.mulf %parallel_loop3A_371, %parallel_loop3A_540 : vector<16xf32>
      %parallel_loop3A_630 = arith.index_cast %parallel_loop3A_302 : i32 to index
      %parallel_loop3A_631 = arith.constant 352 : index
      %parallel_loop3A_632 = tpu.vector_load %arg9[%parallel_loop3A_630, %parallel_loop3A_631] {strides = array<i32>} : memref<64x512xf32, #tpu.memory_space<vmem>>, vector<16xf32>,
      tpu.vector_store %arg9[%parallel_loop3A_630, %parallel_loop3A_631], %parallel_loop3A_629 {strides = array<i32>} : memref<64x512xf32, #tpu.memory_space<vmem>>, vector<16xf32>,
      %parallel_loop3A_633 = arith.mulf %parallel_loop3A_374, %parallel_loop3A_540 : vector<16xf32>
      %parallel_loop3A_634 = arith.index_cast %parallel_loop3A_302 : i32 to index
      %parallel_loop3A_635 = arith.constant 368 : index
      %parallel_loop3A_636 = tpu.vector_load %arg9[%parallel_loop3A_634, %parallel_loop3A_635] {strides = array<i32>} : memref<64x512xf32, #tpu.memory_space<vmem>>, vector<16xf32>,
      tpu.vector_store %arg9[%parallel_loop3A_634, %parallel_loop3A_635], %parallel_loop3A_633 {strides = array<i32>} : memref<64x512xf32, #tpu.memory_space<vmem>>, vector<16xf32>,
      %parallel_loop3A_637 = arith.mulf %parallel_loop3A_377, %parallel_loop3A_540 : vector<16xf32>
      %parallel_loop3A_638 = arith.index_cast %parallel_loop3A_302 : i32 to index
      %parallel_loop3A_639 = arith.constant 384 : index
      %parallel_loop3A_640 = tpu.vector_load %arg9[%parallel_loop3A_638, %parallel_loop3A_639] {strides = array<i32>} : memref<64x512xf32, #tpu.memory_space<vmem>>, vector<16xf32>,
      tpu.vector_store %arg9[%parallel_loop3A_638, %parallel_loop3A_639], %parallel_loop3A_637 {strides = array<i32>} : memref<64x512xf32, #tpu.memory_space<vmem>>, vector<16xf32>,
      %parallel_loop3A_641 = arith.mulf %parallel_loop3A_380, %parallel_loop3A_540 : vector<16xf32>
      %parallel_loop3A_642 = arith.index_cast %parallel_loop3A_302 : i32 to index
      %parallel_loop3A_643 = arith.constant 400 : index
      %parallel_loop3A_644 = tpu.vector_load %arg9[%parallel_loop3A_642, %parallel_loop3A_643] {strides = array<i32>} : memref<64x512xf32, #tpu.memory_space<vmem>>, vector<16xf32>,
      tpu.vector_store %arg9[%parallel_loop3A_642, %parallel_loop3A_643], %parallel_loop3A_641 {strides = array<i32>} : memref<64x512xf32, #tpu.memory_space<vmem>>, vector<16xf32>,
      %parallel_loop3A_645 = arith.mulf %parallel_loop3A_383, %parallel_loop3A_540 : vector<16xf32>
      %parallel_loop3A_646 = arith.index_cast %parallel_loop3A_302 : i32 to index
      %parallel_loop3A_647 = arith.constant 416 : index
      %parallel_loop3A_648 = tpu.vector_load %arg9[%parallel_loop3A_646, %parallel_loop3A_647] {strides = array<i32>} : memref<64x512xf32, #tpu.memory_space<vmem>>, vector<16xf32>,
      tpu.vector_store %arg9[%parallel_loop3A_646, %parallel_loop3A_647], %parallel_loop3A_645 {strides = array<i32>} : memref<64x512xf32, #tpu.memory_space<vmem>>, vector<16xf32>,
      %parallel_loop3A_649 = arith.mulf %parallel_loop3A_386, %parallel_loop3A_540 : vector<16xf32>
      %parallel_loop3A_650 = arith.index_cast %parallel_loop3A_302 : i32 to index
      %parallel_loop3A_651 = arith.constant 432 : index
      %parallel_loop3A_652 = tpu.vector_load %arg9[%parallel_loop3A_650, %parallel_loop3A_651] {strides = array<i32>} : memref<64x512xf32, #tpu.memory_space<vmem>>, vector<16xf32>,
      tpu.vector_store %arg9[%parallel_loop3A_650, %parallel_loop3A_651], %parallel_loop3A_649 {strides = array<i32>} : memref<64x512xf32, #tpu.memory_space<vmem>>, vector<16xf32>,
      %parallel_loop3A_653 = arith.mulf %parallel_loop3A_389, %parallel_loop3A_540 : vector<16xf32>
      %parallel_loop3A_654 = arith.index_cast %parallel_loop3A_302 : i32 to index
      %parallel_loop3A_655 = arith.constant 448 : index
      %parallel_loop3A_656 = tpu.vector_load %arg9[%parallel_loop3A_654, %parallel_loop3A_655] {strides = array<i32>} : memref<64x512xf32, #tpu.memory_space<vmem>>, vector<16xf32>,
      tpu.vector_store %arg9[%parallel_loop3A_654, %parallel_loop3A_655], %parallel_loop3A_653 {strides = array<i32>} : memref<64x512xf32, #tpu.memory_space<vmem>>, vector<16xf32>,
      %parallel_loop3A_657 = arith.mulf %parallel_loop3A_392, %parallel_loop3A_540 : vector<16xf32>
      %parallel_loop3A_658 = arith.index_cast %parallel_loop3A_302 : i32 to index
      %parallel_loop3A_659 = arith.constant 464 : index
      %parallel_loop3A_660 = tpu.vector_load %arg9[%parallel_loop3A_658, %parallel_loop3A_659] {strides = array<i32>} : memref<64x512xf32, #tpu.memory_space<vmem>>, vector<16xf32>,
      tpu.vector_store %arg9[%parallel_loop3A_658, %parallel_loop3A_659], %parallel_loop3A_657 {strides = array<i32>} : memref<64x512xf32, #tpu.memory_space<vmem>>, vector<16xf32>,
      %parallel_loop3A_661 = arith.mulf %parallel_loop3A_395, %parallel_loop3A_540 : vector<16xf32>
      %parallel_loop3A_662 = arith.index_cast %parallel_loop3A_302 : i32 to index
      %parallel_loop3A_663 = arith.constant 480 : index
      %parallel_loop3A_664 = tpu.vector_load %arg9[%parallel_loop3A_662, %parallel_loop3A_663] {strides = array<i32>} : memref<64x512xf32, #tpu.memory_space<vmem>>, vector<16xf32>,
      tpu.vector_store %arg9[%parallel_loop3A_662, %parallel_loop3A_663], %parallel_loop3A_661 {strides = array<i32>} : memref<64x512xf32, #tpu.memory_space<vmem>>, vector<16xf32>,
      %parallel_loop3A_665 = arith.mulf %parallel_loop3A_398, %parallel_loop3A_540 : vector<16xf32>
      %parallel_loop3A_666 = arith.index_cast %parallel_loop3A_302 : i32 to index
      %parallel_loop3A_667 = arith.constant 496 : index
      %parallel_loop3A_668 = tpu.vector_load %arg9[%parallel_loop3A_666, %parallel_loop3A_667] {strides = array<i32>} : memref<64x512xf32, #tpu.memory_space<vmem>>, vector<16xf32>,
      tpu.vector_store %arg9[%parallel_loop3A_666, %parallel_loop3A_667], %parallel_loop3A_665 {strides = array<i32>} : memref<64x512xf32, #tpu.memory_space<vmem>>, vector<16xf32>,
    } {sc.loop_unroll_factor = 1 : i64, sc.parallel_access}
    %add3A_254 = arith.constant 224 : i32
    %add3A_255 = arith.addi %mul3A_49, %add3A_254 : i32
    %dma_start3A_256 = arith.constant 0 : i32
    %dma_start3A_257 = arith.constant 0 : i32
    %dma_start3A_258 = tpu.memref_slice %arg9[%dma_start3A_256, %dma_start3A_257] : memref<64x512xf32, #tpu.memory_space<vmem>> -> memref<32x512xf32, #tpu.memory_space<vmem>>
    %dma_start3A_259 = arith.constant 0 : i32
    %dma_start3A_260 = tpu.memref_slice %arg5[%add3A_255, %dma_start3A_259] : memref<8192x512xf32, #tpu.memory_space<hbm>> -> memref<32x512xf32, #tpu.memory_space<hbm>>
    %dma_start3A_261 = arith.constant 0 : i32
    %dma_start3A_262 = tpu.memref_slice %arg5[%add3A_255, %dma_start3A_261] : memref<8192x512xf32, #tpu.memory_space<hbm>> -> memref<32x512xf32, #tpu.memory_space<hbm>>
    %dma_start3A_263 = arith.constant 0 : i32
    %dma_start3A_264 = arith.constant 0 : i32
    %dma_start3A_265 = tpu.memref_slice %arg9[%dma_start3A_263, %dma_start3A_264] : memref<64x512xf32, #tpu.memory_space<vmem>> -> memref<32x512xf32, #tpu.memory_space<vmem>>
    tpu.enqueue_dma source(%dma_start3A_265 : memref<32x512xf32, #tpu.memory_space<vmem>>) target(%dma_start3A_262 : memref<32x512xf32, #tpu.memory_space<hbm>>) target_semaphore(%arg15 : memref<!tpu.dma_semaphore, #tpu.memory_space<semaphore_mem>>)
    %add3A_266 = arith.constant 96 : i32
    %add3A_267 = arith.addi %mul3A_49, %add3A_266 : i32
    %dma_wait3A_268 = arith.constant 0 : i32
    %dma_wait3A_269 = arith.constant 0 : i32
    %dma_wait3A_270 = tpu.memref_slice %arg10[%dma_wait3A_268, %dma_wait3A_269] : memref<64x512xf32, #tpu.memory_space<vmem>> -> memref<64x512xf32, #tpu.memory_space<vmem>>
    %dma_wait3A_271 = arith.constant 0 : i32
    %dma_wait3A_272 = tpu.memref_slice %arg5[%add3A_267, %dma_wait3A_271] : memref<8192x512xf32, #tpu.memory_space<hbm>> -> memref<64x512xf32, #tpu.memory_space<hbm>>
    %dma_wait3A_273 = arith.constant 0 : i32
    %dma_wait3A_274 = tpu.memref_slice %arg5[%add3A_267, %dma_wait3A_273] : memref<8192x512xf32, #tpu.memory_space<hbm>> -> memref<64x512xf32, #tpu.memory_space<hbm>>
    %dma_wait3A_275 = arith.constant 0 : i32
    %dma_wait3A_276 = arith.constant 0 : i32
    %dma_wait3A_277 = tpu.memref_slice %arg10[%dma_wait3A_275, %dma_wait3A_276] : memref<64x512xf32, #tpu.memory_space<vmem>> -> memref<64x512xf32, #tpu.memory_space<vmem>>
    tpu.wait_dma2 semaphore(%arg16 : memref<!tpu.dma_semaphore, #tpu.memory_space<semaphore_mem>>) src(%dma_wait3A_277 : memref<64x512xf32, #tpu.memory_space<vmem>>) dst(%dma_wait3A_274 : memref<64x512xf32, #tpu.memory_space<hbm>>)
    %add3A_278 = arith.constant 160 : i32
    %add3A_279 = arith.addi %mul3A_49, %add3A_278 : i32
    %dma_wait3A_280 = arith.constant 0 : i32
    %dma_wait3A_281 = arith.constant 0 : i32
    %dma_wait3A_282 = tpu.memref_slice %arg8[%dma_wait3A_280, %dma_wait3A_281] : memref<64x512xf32, #tpu.memory_space<vmem>> -> memref<64x512xf32, #tpu.memory_space<vmem>>
    %dma_wait3A_283 = arith.constant 0 : i32
    %dma_wait3A_284 = tpu.memref_slice %arg5[%add3A_279, %dma_wait3A_283] : memref<8192x512xf32, #tpu.memory_space<hbm>> -> memref<64x512xf32, #tpu.memory_space<hbm>>
    %dma_wait3A_285 = arith.constant 0 : i32
    %dma_wait3A_286 = tpu.memref_slice %arg5[%add3A_279, %dma_wait3A_285] : memref<8192x512xf32, #tpu.memory_space<hbm>> -> memref<64x512xf32, #tpu.memory_space<hbm>>
    %dma_wait3A_287 = arith.constant 0 : i32
    %dma_wait3A_288 = arith.constant 0 : i32
    %dma_wait3A_289 = tpu.memref_slice %arg8[%dma_wait3A_287, %dma_wait3A_288] : memref<64x512xf32, #tpu.memory_space<vmem>> -> memref<64x512xf32, #tpu.memory_space<vmem>>
    tpu.wait_dma2 semaphore(%arg14 : memref<!tpu.dma_semaphore, #tpu.memory_space<semaphore_mem>>) src(%dma_wait3A_289 : memref<64x512xf32, #tpu.memory_space<vmem>>) dst(%dma_wait3A_286 : memref<64x512xf32, #tpu.memory_space<hbm>>)
    %add3A_290 = arith.constant 224 : i32
    %add3A_291 = arith.addi %mul3A_49, %add3A_290 : i32
    %dma_wait3A_292 = arith.constant 0 : i32
    %dma_wait3A_293 = arith.constant 0 : i32
    %dma_wait3A_294 = tpu.memref_slice %arg9[%dma_wait3A_292, %dma_wait3A_293] : memref<64x512xf32, #tpu.memory_space<vmem>> -> memref<32x512xf32, #tpu.memory_space<vmem>>
    %dma_wait3A_295 = arith.constant 0 : i32
    %dma_wait3A_296 = tpu.memref_slice %arg5[%add3A_291, %dma_wait3A_295] : memref<8192x512xf32, #tpu.memory_space<hbm>> -> memref<32x512xf32, #tpu.memory_space<hbm>>
    %dma_wait3A_297 = arith.constant 0 : i32
    %dma_wait3A_298 = tpu.memref_slice %arg5[%add3A_291, %dma_wait3A_297] : memref<8192x512xf32, #tpu.memory_space<hbm>> -> memref<32x512xf32, #tpu.memory_space<hbm>>
    %dma_wait3A_299 = arith.constant 0 : i32
    %dma_wait3A_300 = arith.constant 0 : i32
    %dma_wait3A_301 = tpu.memref_slice %arg9[%dma_wait3A_299, %dma_wait3A_300] : memref<64x512xf32, #tpu.memory_space<vmem>> -> memref<32x512xf32, #tpu.memory_space<vmem>>
    tpu.wait_dma2 semaphore(%arg15 : memref<!tpu.dma_semaphore, #tpu.memory_space<semaphore_mem>>) src(%dma_wait3A_301 : memref<32x512xf32, #tpu.memory_space<vmem>>) dst(%dma_wait3A_298 : memref<32x512xf32, #tpu.memory_space<hbm>>)
    return
  }
}

</mosaic_0001>

<sc_bundles>
// kernel: kernel.3.cloned.1.call-start
scs
__scs_entry_jumppad:
0x0: {  	(pc) =	sbr.rel $0x88, $3  }
0x1: {  	(tag) =	ssettag $0x0;
	lr =	simm.s32 $0x1  }
0x2: {  	[smem:$0x3F9E] =	sst lr;
	_ =	strace $0xD0000000  }
0x3: {  	_ = 	snop  }
0x4: {  	_ = 	snop  }
0x5: {  	_ = 	snop  }
0x6: {  	_ = 	snop  }
0x7: {  	_ = 	snop  }
__scs_overlays_trampoline_lowered:
0x8: {  	[smem:$0x3FAD] =	sst s0  }
0x9: {  	[smem:$0x3FAE] =	sst s1  }
0xa: {  	[smem:$0x3FAF] =	sst s2  }
0xb: {  	[smem:$0x3FB0] =	sst s3  }
0xc: {  	[smem:$0x3FB1] =	sst s4  }
0xd: {  	[smem:$0x3FB2] =	sst s5  }
0xe: {  	[smem:$0x3FB3] =	sst s6  }
0xf: {  	[smem:$0x3FB4] =	sst s7  }
0x10: {  	[smem:$0x3FB5] =	sst s8  }
0x11: {  	[smem:$0x3FB6] =	sst s9;
	s0 =	simm.s32 @!p0 $0x0  }
0x12: {  	s1 =	sld [smem:$0x3F9C];
	s0 =	simm.s32 @p0 $0x1  }
0x13: {  	[smem:$0x3FB7] =	sst s0;
	s0 =	simm.s32 @!p1 $0x0  }
0x14: {  	s2 =	sld [smem:$0x3F9B];
	s0 =	simm.s32 @p1 $0x1  }
0x15: {  	[smem:$0x3FB8] =	sst s0;
	s0 =	simm.s32 @!p2 $0x0  }
0x16: {  	s3 =	sld [smem:$0x3FDB];
	s0 =	simm.s32 @p2 $0x1  }
0x17: {  	s4 =	simm.s32 $0x1BF5;
	[smem:$0x3FBA] =	sst s0  }
0x18: {  	s0 =	sld [smem:$0x3F9D];
	_ =	swait.ge [sflag:s4], $0x0  }
0x19: {  	s7 =	sld [smem:$0x3F9E]  }
0x1a: {  	s8 =	sadd.s32 $0xFFFFE003, lr  }
0x1b: {  	s9 =	sadd.s32 $0xFFFFFEF7, lr;
	s5 =	simm.s32 $0xFFFFFFFF;
	p2 =	slt.u32 s8, $0xFFFFF086  }
0x1c: {  	p1 =	slt.u32 s9, $0xF7A;
	s5 =	simm.s32 @!p2 $0x0  }
0x1d: {  	s5 =	simm.s32 @p1 $0x1;
	p0 =	seq.s32 s7, s2  }
0x1e: {  	s7 =	smul.u32 @!p0 $0xF7A, s2;
	p2 =	seq.s32 @!p0 s5, $0x0  }
0x1f: {  	s9 =	smul.u32 $0xF7A, s1;
	s8 =	simm.s32 @!p0 $0x1BF5;
	p2 =	por !p2, p0  }
0x20: {  	[sflag:s8] =	ssyncset.s32 @!p0 $0xFFFFF086;
	s6 =	sadd.s32 @!p0 s3, s7;
	s7 =	simm.s32 @!p0 $0x108  }
0x21: {  	s3 =	sadd.s32 s3, s9;
	s6 =	sadd.s32 @!p0 $0x88, s6;
	s7 =	simm.s32 @p2 $0x1082  }
0x22: {  	[simem:s7], [sflag:s8] =	dma.local @!p0 [hbm:s6], $0xF7A  }
0x23: {  	s9 =	sor.u32 $0xD0000000, s2;
	s6 =	simm.s32 $0x108;
	_ =	swait.ge @!p0 [sflag:s8], $0x0  }
0x24: {  	s3 =	sadd.s32 $0x88, s3;
	s6 =	simm.s32 @!p1 $0x1082;
	[sflag:s4] =	ssyncset.s32 $0xFFFFF086  }
0x25: {  	[simem:s6], [sflag:s4] =	dma.local [hbm:s3], $0xF7A  }
0x26: {  	[smem:$0x3F9E] =	sst s1;
	(tag) =	ssettag s2;
	_ =	strace s9  }
0x27: {  	s1 =	sld [smem:$0x3FAE]  }
0x28: {  	s2 =	sld [smem:$0x3FAF]  }
0x29: {  	s4 =	sld [smem:$0x3FB1]  }
0x2a: {  	p0 =	seq.s32 s5, $0x0;
	s5 =	sld [smem:$0x3FB2]  }
0x2b: {  	s6 =	sld [smem:$0x3FB3]  }
0x2c: {  	s7 =	sld [smem:$0x3FB4]  }
0x2d: {  	s3 =	simm.s32 $0x108;
	s8 =	sld [smem:$0x3FB5]  }
0x2e: {  	s3 =	simm.s32 @!p0 $0x1082;
	s9 =	sld [smem:$0x3FB6]  }
0x2f: {  	lr =	sadd.s32 s0, s3;
	s0 =	sld [smem:$0x3FAD]  }
0x30: {  	s3 =	sld [smem:$0x3FB0]  }
0x31: {  	[smem:$0x3FB9] =	sst s10  }
0x32: {  	s10 =	sld [smem:$0x3FB7];
	_ =	sdelay $0x3  }
0x33: {  	p0 =	seq.s32 s10, $0x1;
	s10 =	sld [smem:$0x3FB9];
	_ =	sdelay $0x3  }
0x34: {  	[smem:$0x3FB9] =	sst s10  }
0x35: {  	s10 =	sld [smem:$0x3FB8];
	_ =	sdelay $0x3  }
0x36: {  	p1 =	seq.s32 s10, $0x1;
	s10 =	sld [smem:$0x3FB9];
	_ =	sdelay $0x3  }
0x37: {  	[smem:$0x3FB9] =	sst s10  }
0x38: {  	s10 =	sld [smem:$0x3FBA]  }
0x39: {  	_ = 	snop;
	(pc) =	sbr.ind lr, $3  }
0x3a: {  	_ = 	snop  }
0x3b: {  	_ = 	snop  }
0x3c: {  	p2 =	seq.s32 s10, $0x1;
	s10 =	sld [smem:$0x3FB9]  }
0x3d: {  	_ =	shalt  }
0x3e: {  	_ =	shalt  }
0x3f: {  	_ =	shalt  }
0x40: {  	_ =	shalt  }
0x41: {  	_ =	shalt  }
0x42: {  	_ =	shalt  }
0x43: {  	_ =	shalt  }
0x44: {  	_ =	shalt  }
0x45: {  	_ =	shalt  }
0x46: {  	_ =	shalt  }
0x47: {  	_ =	shalt  }
0x48: {  	_ =	shalt  }
0x49: {  	_ =	shalt  }
0x4a: {  	_ =	shalt  }
0x4b: {  	_ =	shalt  }
0x4c: {  	_ =	shalt  }
0x4d: {  	_ =	shalt  }
0x4e: {  	_ =	shalt  }
0x4f: {  	_ =	shalt  }
0x50: {  	_ =	shalt  }
0x51: {  	_ =	shalt  }
0x52: {  	_ =	shalt  }
0x53: {  	_ =	shalt  }
0x54: {  	_ =	shalt  }
0x55: {  	_ =	shalt  }
0x56: {  	_ =	shalt  }
0x57: {  	_ =	shalt  }
0x58: {  	_ =	shalt  }
0x59: {  	_ =	shalt  }
0x5a: {  	_ =	shalt  }
0x5b: {  	_ =	shalt  }
0x5c: {  	_ =	shalt  }
0x5d: {  	_ =	shalt  }
0x5e: {  	_ =	shalt  }
0x5f: {  	_ =	shalt  }
0x60: {  	_ =	shalt  }
0x61: {  	_ =	shalt  }
0x62: {  	_ =	shalt  }
0x63: {  	_ =	shalt  }
0x64: {  	_ =	shalt  }
0x65: {  	_ =	shalt  }
0x66: {  	_ =	shalt  }
0x67: {  	_ =	shalt  }
0x68: {  	_ =	shalt  }
0x69: {  	_ =	shalt  }
0x6a: {  	_ =	shalt  }
0x6b: {  	_ =	shalt  }
0x6c: {  	_ =	shalt  }
0x6d: {  	_ =	shalt  }
0x6e: {  	_ =	shalt  }
0x6f: {  	_ =	shalt  }
0x70: {  	_ =	shalt  }
0x71: {  	_ =	shalt  }
0x72: {  	_ =	shalt  }
0x73: {  	_ =	shalt  }
0x74: {  	_ =	shalt  }
0x75: {  	_ =	shalt  }
0x76: {  	_ =	shalt  }
0x77: {  	_ =	shalt  }
0x78: {  	_ =	shalt  }
0x79: {  	_ =	shalt  }
0x7a: {  	_ =	shalt  }
0x7b: {  	_ =	shalt  }
0x7c: {  	_ =	shalt  }
0x7d: {  	_ =	shalt  }
0x7e: {  	_ =	shalt  }
0x7f: {  	_ =	shalt  }
0x80: {  	_ =	shalt  }
0x81: {  	_ =	shalt  }
0x82: {  	_ =	shalt  }
0x83: {  	_ =	shalt  }
0x84: {  	_ =	shalt  }
0x85: {  	_ =	shalt  }
0x86: {  	_ =	shalt  }
0x87: {  	_ =	shalt  }
.Lfunc_end0:
.L_simem_size_0:
called_computation_lowered:
.L_overlay_start_0:
0x88: {  	s2 =	sld [smem:$0x3FD9]  }
0x89: {  	s3 =	sld [smem:$0x3FFE];
	_ =	sdelay $0x1  }
0x8a: {  	s1 =	srdreg.scid  }
0x8b: {  	s0 =	sand.u32 $0x1, s1  }
0x8c: {  	s15 =	sshll.u32 s0, $0xA;
	s2 =	sadd.s32 s3, s2  }
0x8d: {  	s2 =	sadd.s32 s2, s15  }
0x8e: {  	[smem:$0x3FC5] =	sst s2  }
0x8f: {  	_ = 	snop  }
0x90: {  	s2 =	sld [smem:$0x3FD0]  }
0x91: {  	s16 =	sld [smem:$0x3FC9]  }
0x92: {  	s4 =	sld [smem:$0x3FC8]  }
0x93: {  	s6 =	simm.s32 $0xA;
	s7 =	simm.s32 $0x10;
	s5 =	sld [smem:$0x3FC7]  }
0x94: {  	[smem:s7], [sflag:s6] =	dma.local [hbm:s2], $0x1  }
0x95: {  	_ =	swait.eq [sflag:s6], $0x1  }
0x96: {  	[sflag:s6] =	ssyncset.done $0x0  }
0x97: {  	[sflag:s6] =	ssyncadd.s32 $0xFFFFFFFF  }
0x98: {  	s17 =	sld [smem:$0x10];
	(tm) =	ssettm $0x1  }
0x99: {  	s18 =	sld [smem:$0x3FFB];
	_ =	sdelay $0x3  }
0x9a: {  	_ =	strace s18  }
0x9b: {  	s6 =	sld [smem:$0x3FFC];
	_ =	sdelay $0x3  }
0x9c: {  	_ =	strace s6  }
0x9d: {  	s6 =	sld [smem:$0x3FFD];
	_ =	sdelay $0x3  }
0x9e: {  	_ =	strace s6  }
0x9f: {  	_ =	strace $0x8FFFFFFF  }
0xa0: {  	s19 =	sld [smem:$0x3FDB];
	_ =	sdelay $0x1  }
0xa1: {  	s20 =	simm.s32 $_scs_section_size  }
0xa2: {  	s8 =	simm.s32 $_size__tile_overlayer_lowered;
	s9 =	simm.s32 $_tile_overlayer_lowered  }
0xa3: {  	s23 =	simm.s32 $0x1BFF;
	s22 =	sshll.u32 s9, $0x1;
	s6 =	sadd.s32 s20, s19  }
0xa4: {  	s10 =	simm.s32 $0x0;
	s21 =	sshll.u32 s8, $0x1;
	s8 =	sadd.s32 s22, s6  }
0xa5: {  	[timem:s10], [sflag:s23] =	dma.local [hbm:s8], s21  }
0xa6: {  	_ =	swait.ge [sflag:s23], s21  }
0xa7: {  	s7 =	ssub.s32 $0x0, s21;
	[sflag:s23] =	ssyncset.done $0x0  }
0xa8: {  	[sflag:s23] =	ssyncadd.s32 s7;
	_ =	sdelay $0x1  }
0xa9: {  	s24 =	simm.s32 $0x1B8B  }
0xaa: {  	_ =	swait.ge [sflag:s24], $0x1  }
0xab: {  	[sflag:s24] =	ssyncset.done $0x0  }
0xac: {  	s25 =	simm.s32 $0x1B8E;
	[sflag:s24] =	ssyncadd.s32 $0xFFFFFFFF  }
0xad: {  	s26 =	simm.s32 $execute0_lowered;
	[smem:$0x3FD2] =	sst s25  }
0xae: {  	s7 =	sshll.u32 s26, $0x1;
	_ =	strace $0x80000046;
	[dreg:$0x1] =	wrdreg $0xFFFFFFFF  }
0xaf: {  	s28 =	simm.s32 $_size_execute0_lowered;
	s6 =	sadd.s32 s6, s7;
	[dreg:$0x0] =	wrdreg $0x0  }
0xb0: {  	s7 =	sshll.u32 s28, $0x1;
	[dreg:$0x2] =	wrdreg s6  }
0xb1: {  	[dreg:$0x3] =	wrdreg s7  }
0xb2: {  	[dreg:$0x4] =	wrdreg $0xC0  }
0xb3: {  	_ =	task [dreg:s10], $0x5FFFF  }
0xb4: {  	[dreg:$0x1] =	wrdreg $0xFFFFFFFF  }
0xb5: {  	[dreg:$0x0] =	wrdreg $0x60  }
0xb6: {  	[dreg:$0x2] =	wrdreg s16  }
0xb7: {  	[dreg:$0x3] =	wrdreg s4  }
0xb8: {  	[dreg:$0x4] =	wrdreg s5  }
0xb9: {  	[dreg:$0x5] =	wrdreg s17  }
0xba: {  	[dreg:$0x6] =	wrdreg $0x9  }
0xbb: {  	_ =	task.clear_ibuf [dreg:s10], $0x7FFFF;
	_ =	strace $0x90000046  }
0xbc: {  	s29 =	simm.s32 $0x9;
	_ =	strace $0x80000048  }
0xbd: {  	_ =	swait.ge [sflag:s29], $0x1  }
0xbe: {  	[sflag:s29] =	ssyncadd.s32 $0xFFFFFFFF  }
0xbf: {  	_ =	strace $0x90000048  }
0xc0: {  	_ =	sfence  }
0xc1: {  	s30 =	sld [smem:$0x0];
	_ =	sdelay $0x2  }
0xc2: {  	s31 =	sshll.u32 s1, $0xD;
	s1 =	sshrl.u32 s1, $0x2  }
0xc3: {  	s3 =	sand.u32 $0x4000, s31;
	s1 =	sadd.s32 s1, s30  }
0xc4: {  	s0 =	sor.u32 s3, s0;
	s1 =	sshll.u32 s1, $0x11  }
0xc5: {  	s0 =	sor.u32 s1, s0  }
0xc6: {  	s0 =	sadd.s32 $0x8F2B, s0  }
0xc7: {  	[sflag:s0] =	ssyncadd.remote.s32 $0x1  }
0xc8: {  	_ =	sfence.sel $0xFFFF  }
0xc9: {  	[dreg:$0x0] =	wrdreg $0xFFFFFFFF;
	(pc) =	sbr.abs _section_cstart, $3  }
0xca: {  	[dreg:$0x1] =	wrdreg $0xFFFFFFFF  }
0xcb: {  	_ =	task.clear_ibuf [dreg:s10], $0x2FFFF;
	_ =	strace $0x9FFFFFFF  }
0xcc: {  	(tm) =	ssettm $0x7FFFFFFF  }
0xcd: {  	_ =	shalt  }
tec
execute0_lowered:
.L_overlay_start_1:
0x0: {  	(tag) =	ssettag $0x1  }
0x1: {  	s1 =	rddreg [dreg:$0x0]  }
0x2: {  	s2 =	rddreg [dreg:$0x1]  }
0x3: {  	s3 =	rddreg [dreg:$0x2];
	v0 =	vimm.s32 $0xFEDCBA98  }
0x4: {  	s0 =	rddreg [dreg:$0x3];
	s4 =	simm.s32 $0x0;
	s5 =	srdreg.scid;
	v1 =	vimm.s32 $0x76543210;
	v0 =	vunpack.c.l.s4.s8 v0  }
0x5: {  	s11 =	stileid.u32;
	s10 =	simm.s32 $0x1;
	s14 =	simm.s32 $0x7;
	v1 =	vunpack.c.l.s4.s8 v1  }
0x6: {  	v59 =	vimm.s32 $0xBA98FEDC;
	v60 =	vimm.s32 $0x32107654;
	s15 =	simm.s32 $0x80;
	s16 =	simm.s32 $0x100;
	s17 =	simm.s32 $0x8100;
	v0 =	vunpack.c.0.s8.s32 v0  }
0x7: {  	v2 =	vimm.s32 $0xDCFE98BA;
	v3 =	vimm.s32 $0x54761032;
	s18 =	simm.s32 $0x10100;
	s19 =	simm.s32 $0x2;
	s20 =	simm.s32 $0x4;
	v1 =	vunpack.c.0.s8.s32 v1  }
0x8: {  	v4 =	vimm.s32 $0xEFCDAB89;
	s21 =	simm.s32 $0x3;
	s22 =	simm.s32 $0x5;
	s5 =	sand.u32 $0x1, s5;
	v2 =	vunpack.c.l.s4.s8 v2;
	v0 =	vand.u32 $0xF, v0  }
0x9: {  	v5 =	vimm.s32 $0x67452301;
	s23 =	simm.s32 $0x6;
	v3 =	vunpack.c.l.s4.s8 v3;
	s6 =	ssub.s32 $0x2, s5;
	s5 =	sshll.u32 s5, $0x4;
	v0 =	vcombine.low v0, v1  }
0xa: {  	[smem:$0x7FF] =	sst s4;
	s8 =	sand.u32 $0x1, s11;
	v4 =	vunpack.c.l.s4.s8 v4;
	v5 =	vunpack.c.l.s4.s8 v5;
	s5 =	sor.u32 s11, s5;
	v2 =	vunpack.c.0.s8.s32 v2  }
0xb: {  	_ =	strace $0x80000047;
	p1 =	seq.s32 s8, $0x1;
	v3 =	vunpack.c.0.s8.s32 v3;
	p0 =	seq.s32 s5, $0x0;
	v1 =	vunpack.c.l.s4.s8 v60;
	[tilespmem:$0x1FFC0] =	vst v0;
	v0 =	vunpack.c.l.s4.s8 v59  }
0xc: {  	s24 =	simm.s32 $0x0;
	s30 =	sshll.u32 s11, $0x8;
	v4 =	vunpack.c.0.s8.s32 v4;
	v5 =	vunpack.c.0.s8.s32 v5;
	p0 =	por !p0, !p1  }
0xd: {  	s8 =	simm.s32 $0x1;
	s7 =	sshrl.u32 s6, $0x1;
	v62 =	vcombine.low v3, v2;
	p0 =	por !p0, !p0;
	v1 =	vunpack.c.0.s8.s32 v1;
	v0 =	vunpack.c.0.s8.s32 v0  }
0xe: {  	s9 =	sshrl.u32 s5, $0x1;
	s5 =	sshll.u32 s5, $0xE;
	v63 =	vcombine.low v5, v4;
	s10 =	simm.s32 @!p0 $0x0  }
0xf: {  	s13 =	ssub.s32 s6, s7;
	s6 =	sadd.s32 s0, s5;
	[tilespmem:$0x1FFE0] =	vst v62;
	s31 =	ssub.s32 s9, s10;
	v0 =	vcombine.low v1, v0  }
0x10: {  	v61 =	vlaneseq.u32;
	s13 =	smax.u32 s13, $0x1;
	s7 =	sadd.s32 $0x800, s6;
	s11 =	sadd.s32 $0x2800, s6;
	[tilespmem:$0x1FFF0] =	vst v63;
	v6 =	vmov s31  }
0x11: {  	s12 =	sadd.s32 $0x3800, s6;
	s9 =	sand.u32 $0x100, s30;
	s10 =	sadd.s32 $0x1800, s6;
	vm0 =	veq.s32 v6, v61;
	[tilespmem:$0x1FFD0] =	vst v0  }
.LBB2_1:
0x12: {  	[tilespmem:s4], [sflag:$0x7] =	stream.linear.gather [hbm4b:s2+s4], $0x80, $0x38;
	[tilespmem:$0x18100] =	vst v63  }
0x13: {  	_ =	swait.ge [sflag:s14], $0x80  }
0x14: {  	[sflag:s14] =	ssyncset.done $0x0  }
0x15: {  	[sflag:s14] =	ssyncadd.s32 $0xFFFFFF80  }
0x16: {  	[tilespmem:s15], [sflag:$0x7] =	stream.linear.gather [hbm4b:s3+s4], $0x80, $0x38;
	[tilespmem:$0x18100] =	vst v63  }
0x17: {  	_ =	swait.ge [sflag:s14], $0x80  }
0x18: {  	[sflag:s14] =	ssyncset.done $0x0  }
0x19: {  	[sflag:s14] =	ssyncadd.s32 $0xFFFFFF80  }
0x1a: {  	v0 =	vld [tilespmem:$0x1]  }
0x1b: {  	v1 =	vld [tilespmem:$0x81]  }
0x1c: {  	v2 =	vld [tilespmem:$0x80];
	_ =	sdelay $0x3  }
0x1d: {  	v0 =	vsub.s32 v0, v1  }
0x1e: {  	v0 =	vadd.s32 v2, v0  }
0x1f: {  	v0 =	vnsel vm0, $0x0, v0  }
0x20: {  	(xrf0) =	vadd.scan.msk.s32 $0xffff, v0;
	_ =	sdelay $0x5  }
0x21: {  	v0, _, _ =	vpop (xrf0)  }
0x22: {  	(v2sf) =	vpush v0, $0xF;
	_ =	sdelay $0xe  }
0x23: {  	s0 =	spop (v2sf)  }
0x24: {  	s5 =	sadd.s32 s9, s0  }
0x25: {  	s25 =	sshll.u32 s5, $0x6  }
0x26: {  	s25 =	sand.u32 $0xFFFFE00, s25  }
0x27: {  	s0 =	sshll.u32 s0, $0x7;
	s5 =	sshll.u32 s5, $0x9;
	s25 =	sadd.s32 s1, s25  }
0x28: {  	[tilespmem:s16], [sflag:$0x1] =	stream.linear.gather [hbm4b:s25+s4], $0x4000, $0x38;
	[tilespmem:$0x18100] =	vst v63  }
0x29: {  	s26 =	sand.u32 $0x380, s0;
	s25 =	sand.u32 $0xFFFFF000, s5  }
0x2a: {  	s0 =	sor.u32 s26, s25  }
0x2b: {  	s0 =	sadd.s32 $0x4000, s0  }
0x2c: {  	s0 =	sshrl.u32 s0, $0x3  }
0x2d: {  	s0 =	sadd.s32 s1, s0  }
0x2e: {  	[tilespmem:s17], [sflag:$0x2] =	stream.linear.gather [hbm4b:s0+s4], $0x8000, $0x38;
	[tilespmem:$0x18100] =	vst v63  }
0x2f: {  	_ =	swait.ge [sflag:s8], $0x4000  }
0x30: {  	s31 =	sand.u32 $0x380, s4;
	s5 =	sand.u32 $0x3000, s4;
	[sflag:s8] =	ssyncset.done $0x0  }
0x31: {  	s28 =	sor.u32 s31, s5;
	[sflag:s8] =	ssyncadd.s32 $0xFFFFC000  }
0x32: {  	v42 =	vld [tilespmem:s28+$0xD00]  }
0x33: {  	v1 =	vld [tilespmem:s28+$0xD10]  }
0x34: {  	v2 =	vld [tilespmem:s28+$0xD20]  }
0x35: {  	v3 =	vld [tilespmem:s28+$0xD30]  }
0x36: {  	v4 =	vld [tilespmem:s28+$0x900]  }
0x37: {  	v5 =	vld [tilespmem:s28+$0x910]  }
0x38: {  	v6 =	vld [tilespmem:s28+$0x920]  }
0x39: {  	v7 =	vld [tilespmem:s28+$0x930]  }
0x3a: {  	v8 =	vld [tilespmem:s28+$0x100]  }
0x3b: {  	v9 =	vld [tilespmem:s28+$0x110]  }
0x3c: {  	v10 =	vld [tilespmem:s28+$0x120]  }
0x3d: {  	v11 =	vld [tilespmem:s28+$0x130]  }
0x3e: {  	v12 =	vld [tilespmem:s28+$0x140]  }
0x3f: {  	v13 =	vld [tilespmem:s28+$0x150]  }
0x40: {  	v14 =	vld [tilespmem:s28+$0x160]  }
0x41: {  	v15 =	vld [tilespmem:s28+$0x170];
	[tilespmem:$0x1FE20] =	vst v1  }
0x42: {  	v16 =	vld [tilespmem:s28+$0x500];
	[tilespmem:$0x1FE30] =	vst v2  }
0x43: {  	[tilespmem:$0x1FE40] =	vst v3  }
0x44: {  	v17 =	vld [tilespmem:s28+$0x510];
	[tilespmem:$0x1FE50] =	vst v4  }
0x45: {  	[tilespmem:$0x1FE60] =	vst v5  }
0x46: {  	v18 =	vld [tilespmem:s28+$0x520];
	[tilespmem:$0x1FE70] =	vst v6  }
0x47: {  	[tilespmem:$0x1FE80] =	vst v7  }
0x48: {  	v19 =	vld [tilespmem:s28+$0x530];
	[tilespmem:$0x1FE90] =	vst v8  }
0x49: {  	[tilespmem:$0x1FEA0] =	vst v9  }
0x4a: {  	v0 =	vmul.f32 v42, v42;
	v52 =	vld [tilespmem:s28+$0x540];
	[tilespmem:$0x1FEB0] =	vst v10  }
0x4b: {  	v1 =	vmul.f32 v1, v1;
	v2 =	vmul.f32 v2, v2;
	[tilespmem:$0x1FEC0] =	vst v11  }
0x4c: {  	v4 =	vmul.f32 v4, v4;
	v5 =	vmul.f32 v5, v5;
	v50 =	vld [tilespmem:s28+$0x550];
	[tilespmem:$0x1FED0] =	vst v12  }
0x4d: {  	v6 =	vmul.f32 v6, v6;
	v7 =	vmul.f32 v7, v7;
	v49 =	vld [tilespmem:s28+$0x560];
	[tilespmem:$0x1FEE0] =	vst v13  }
0x4e: {  	v8 =	vmul.f32 v8, v8;
	v9 =	vmul.f32 v9, v9;
	[tilespmem:$0x1FEF0] =	vst v14  }
0x4f: {  	v10 =	vmul.f32 v10, v10;
	v11 =	vmul.f32 v11, v11;
	v51 =	vld [tilespmem:s28+$0x570];
	[tilespmem:$0x1FF00] =	vst v15  }
0x50: {  	v12 =	vmul.f32 v12, v12;
	v13 =	vmul.f32 v13, v13;
	v23 =	vld [tilespmem:s28+$0x940];
	[tilespmem:$0x1FF10] =	vst v16  }
0x51: {  	v14 =	vmul.f32 v14, v14;
	v16 =	vmul.f32 v16, v16;
	[tilespmem:$0x1FF20] =	vst v17  }
0x52: {  	v17 =	vmul.f32 v17, v17;
	[tilespmem:$0x1FF30] =	vst v18;
	v18 =	vmul.f32 v18, v18  }
0x53: {  	v47 =	vld [tilespmem:s28+$0x950];
	[tilespmem:$0x1FF40] =	vst v19;
	v19 =	vmul.f32 v19, v19;
	v20 =	vmul.f32 v52, v52  }
0x54: {  	v48 =	vld [tilespmem:s28+$0x960];
	v21 =	vmul.f32 v50, v50;
	v8 =	vadd.f32 v16, v8;
	v9 =	vadd.f32 v17, v9  }
0x55: {  	v15 =	vmul.f32 v15, v15;
	v22 =	vld [tilespmem:s28+$0x970];
	v10 =	vadd.f32 v18, v10;
	v11 =	vadd.f32 v19, v11  }
0x56: {  	v24 =	vld [tilespmem:s28+$0xD40];
	v16 =	vmul.f32 v49, v49;
	v12 =	vadd.f32 v20, v12;
	v13 =	vadd.f32 v21, v13  }
0x57: {  	v25 =	vld [tilespmem:s28+$0xD50];
	v17 =	vmul.f32 v51, v51;
	v4 =	vadd.f32 v4, v8;
	v5 =	vadd.f32 v5, v9;
	[tilespmem:$0x1FF50] =	vst v23  }
0x58: {  	v3 =	vmul.f32 v3, v3;
	v6 =	vadd.f32 v6, v10;
	v14 =	vadd.f32 v16, v14;
	v19 =	vld [tilespmem:s28+$0xD60]  }
0x59: {  	v18 =	vmul.f32 v23, v23;
	v7 =	vadd.f32 v7, v11;
	v15 =	vadd.f32 v17, v15;
	v20 =	vld [tilespmem:s28+$0xD70]  }
0x5a: {  	v16 =	vmul.f32 v47, v47;
	v0 =	vadd.f32 v0, v4;
	v1 =	vadd.f32 v1, v5  }
0x5b: {  	v2 =	vadd.f32 v2, v6;
	v17 =	vmul.f32 v48, v48;
	v8 =	vmul.f32 v22, v22  }
0x5c: {  	v9 =	vmul.f32 v24, v24;
	v10 =	vadd.f32 v18, v12;
	v3 =	vadd.f32 v3, v7  }
0x5d: {  	v12 =	vmul.f32 v25, v25;
	v11 =	vadd.f32 v16, v13;
	v16 =	vadd.f32 v17, v14  }
0x5e: {  	v8 =	vadd.f32 v8, v15;
	v14 =	vmul.f32 v19, v19;
	v4 =	vmul.f32 v20, v20  }
0x5f: {  	v5 =	vadd.f32 v9, v10;
	v6 =	vadd.f32 v12, v11  }
0x60: {  	v7 =	vadd.f32 v14, v16;
	v4 =	vadd.f32 v4, v8  }
0x61: {  	v0 =	vadd.f32 v1, v0;
	v1 =	vadd.f32 v3, v2  }
0x62: {  	v2 =	vadd.f32 v6, v5;
	v3 =	vadd.f32 v4, v7;
	_ =	sdelay $0x1  }
0x63: {  	v0 =	vadd.f32 v1, v0;
	v1 =	vadd.f32 v3, v2;
	_ =	sdelay $0x1  }
0x64: {  	v0 =	vadd.f32 v1, v0;
	v1 =	vld [tilespmem:$0x1FFC0];
	_ =	sdelay $0x4  }
0x65: {  	v1 =	vperm.xlane v0, v1;
	_ =	sdelay $0x1  }
0x66: {  	[tilespmem:$0x1FF60] =	vst v22;
	v0 =	vadd.f32 v0, v1;
	v1 =	vld [tilespmem:$0x1FFD0]  }
0x67: {  	s30 =	simm.s32 $0x80;
	s5 =	simm.s32 $0x200;
	[tilespmem:$0x1FF70] =	vst v24  }
0x68: {  	s31 =	sand.u32 $0x380, s30;
	s0 =	sand.u32 $0x3000, s5;
	[tilespmem:$0x1FF80] =	vst v25  }
0x69: {  	s29 =	sor.u32 s31, s0;
	[tilespmem:$0x1FF90] =	vst v19  }
0x6a: {  	v15 =	vld [tilespmem:s29+$0xD10]  }
0x6b: {  	v17 =	vld [tilespmem:s29+$0xD20];
	v1 =	vperm.xlane v0, v1  }
0x6c: {  	v12 =	vld [tilespmem:s29+$0xD50]  }
0x6d: {  	v0 =	vadd.f32 v0, v1;
	v1 =	vld [tilespmem:$0x1FFE0]  }
0x6e: {  	v46 =	vld [tilespmem:s29+$0x900]  }
0x6f: {  	v21 =	vld [tilespmem:s29+$0x910]  }
0x70: {  	v22 =	vld [tilespmem:s29+$0x920]  }
0x71: {  	v23 =	vld [tilespmem:s29+$0x930]  }
0x72: {  	v24 =	vld [tilespmem:s29+$0x940];
	v1 =	vperm.xlane v0, v1  }
0x73: {  	v60 =	vld [tilespmem:s29+$0x100]  }
0x74: {  	v0 =	vadd.f32 v0, v1;
	v1 =	vld [tilespmem:$0x1FFF0]  }
0x75: {  	v53 =	vld [tilespmem:s29+$0x110]  }
0x76: {  	v56 =	vld [tilespmem:s29+$0x120]  }
0x77: {  	v54 =	vld [tilespmem:s29+$0x130]  }
0x78: {  	v4 =	vld [tilespmem:s29+$0xD30]  }
0x79: {  	v8 =	vld [tilespmem:s29+$0xD40];
	v1 =	vperm.xlane v0, v1  }
0x7a: {  	v57 =	vld [tilespmem:s29+$0x140]  }
0x7b: {  	v55 =	vld [tilespmem:s29+$0x150];
	v0 =	vadd.f32 v0, v1  }
0x7c: {  	v58 =	vld [tilespmem:s29+$0x160];
	v2 =	vmul.f32 v15, v15  }
0x7d: {  	v16 =	vld [tilespmem:s29+$0xD00];
	v9 =	vmul.f32 v46, v46;
	[tilespmem:$0x1FFA0] =	vst v4;
	v7 =	vmul.f32 $5.000000000e-01, v0;
	v0 =	vshra.s32 v0, $0x1  }
0x7e: {  	v11 =	vmul.f32 v21, v21;
	v10 =	vmul.f32 v22, v22;
	v61 =	vld [tilespmem:s29+$0x170];
	[tilespmem:$0x1FFB0] =	vst v8;
	v0 =	vsub.s32 $0x5F3759DF, v0  }
0x7f: {  	v18 =	vmul.f32 v23, v23;
	v62 =	vld [tilespmem:s29+$0x500];
	v3 =	vmul.f32 v0, v7  }
0x80: {  	v25 =	vmul.f32 v60, v60;
	v19 =	vmul.f32 v24, v24;
	v63 =	vld [tilespmem:s29+$0x510]  }
0x81: {  	v26 =	vmul.f32 v53, v53;
	v59 =	vld [tilespmem:s29+$0x530];
	v6 =	vmul.f32 v0, v3  }
0x82: {  	v29 =	vmul.f32 v56, v56;
	v27 =	vmul.f32 v54, v54;
	v40 =	vld [tilespmem:s29+$0x540]  }
0x83: {  	v5 =	vmul.f32 v4, v4;
	v4 =	vmul.f32 v8, v8;
	v39 =	vld [tilespmem:s29+$0x550];
	v8 =	vsub.f32 $1.500000000e+00, v6  }
0x84: {  	v28 =	vmul.f32 v57, v57;
	v30 =	vmul.f32 v55, v55  }
0x85: {  	v13 =	vmov v20;
	v31 =	vmul.f32 v58, v58;
	v20 =	vmul.f32 v0, v8;
	v0 =	vld [tilespmem:s29+$0x520]  }
0x86: {  	v32 =	vmul.f32 v61, v61;
	v33 =	vmul.f32 v62, v62  }
0x87: {  	v44 =	vld [tilespmem:s29+$0x560];
	v34 =	vmul.f32 v63, v63;
	v36 =	vmul.f32 v59, v59  }
0x88: {  	v43 =	vld [tilespmem:s29+$0x570];
	v38 =	vmul.f32 v40, v40;
	v37 =	vmul.f32 v39, v39  }
0x89: {  	v41 =	vld [tilespmem:s29+$0x950];
	v1 =	vmul.f32 v16, v16;
	v3 =	vmul.f32 v17, v17  }
0x8a: {  	s0 =	simm.s32 $0x400;
	v45 =	vld [tilespmem:s29+$0x960];
	v6 =	vmul.f32 v12, v12;
	v35 =	vmul.f32 v0, v0  }
.LBB2_2:
0x8b: {  	_ = 	snop  }
0x8c: {  	v14 =	vmov v12;
	v25 =	vadd.f32 v33, v25;
	v26 =	vadd.f32 v34, v26  }
0x8d: {  	v12 =	vmovc v42;
	v42 =	vmul.f32 v20, v7;
	v29 =	vadd.f32 v35, v29;
	v27 =	vadd.f32 v36, v27  }
0x8e: {  	v28 =	vadd.f32 v38, v28;
	v30 =	vadd.f32 v37, v30  }
0x8f: {  	v8 =	vld [tilespmem:s29+$0x970];
	v38 =	vmul.f32 v42, v20;
	v25 =	vadd.f32 v9, v25;
	v11 =	vadd.f32 v11, v26  }
0x90: {  	v10 =	vadd.f32 v10, v29;
	v18 =	vadd.f32 v18, v27  }
0x91: {  	v19 =	vadd.f32 v19, v28;
	v35 =	vsub.f32 $1.500000000e+00, v38  }
0x92: {  	v7 =	vld [tilespmem:s29+$0xD60];
	v34 =	vmul.f32 v43, v43;
	v1 =	vadd.f32 v1, v25;
	v2 =	vadd.f32 v2, v11  }
0x93: {  	v42 =	vld [tilespmem:s29+$0xD70];
	v3 =	vadd.f32 v3, v10;
	v5 =	vadd.f32 v5, v18  }
0x94: {  	v9 =	vmul.f32 v8, v8;
	v18 =	vld [tilespmem:$0x1FE90];
	v32 =	vadd.f32 v34, v32;
	v20 =	vmul.f32 v35, v20  }
0x95: {  	v33 =	vmul.f32 v44, v44;
	v1 =	vadd.f32 v2, v1;
	v2 =	vadd.f32 v5, v3;
	v3 =	vld [tilespmem:$0x1FEB0]  }
0x96: {  	v4 =	vadd.f32 v4, v19;
	v19 =	vld [tilespmem:$0x1FEA0];
	v29 =	vadd.f32 v9, v32;
	v9 =	vmin.f32 v20, $1.000000000e+06  }
0x97: {  	v31 =	vadd.f32 v33, v31;
	v33 =	vmul.f32 v41, v41;
	v11 =	vmul.f32 v9, v13  }
0x98: {  	s30 =	sadd.s32 $0x80, s30;
	v34 =	vmul.f32 v45, v45;
	v27 =	vmul.f32 v7, v7  }
0x99: {  	s5 =	sand.u32 $0x3000, s0;
	s31 =	sand.u32 $0x380, s30;
	v26 =	vadd.f32 v33, v30;
	v18 =	vmul.f32 v9, v18;
	v20 =	vmov v60;
	[tilespmem:s28+$0xD70] =	vst v11  }
0x9a: {  	s31 =	sor.u32 s31, s5;
	v28 =	vadd.f32 v34, v31;
	v10 =	vmul.f32 v42, v42;
	[tilespmem:$0x1FE90] =	vst v20;
	v3 =	vmul.f32 v9, v3  }
0x9b: {  	v30 =	vmov v21;
	v21 =	vld [tilespmem:s31+$0x910];
	v6 =	vadd.f32 v6, v26;
	v19 =	vmul.f32 v9, v19;
	[tilespmem:s28+$0x100] =	vst v18  }
0x9c: {  	v25 =	vadd.f32 v27, v28;
	v10 =	vadd.f32 v10, v29;
	[tilespmem:s28+$0x120] =	vst v3;
	v3 =	vld [tilespmem:$0x1FED0]  }
0x9d: {  	v4 =	vadd.f32 v6, v4;
	[tilespmem:s28+$0x110] =	vst v19;
	v6 =	vld [tilespmem:$0x1FEC0];
	v26 =	vmov v55  }
0x9e: {  	v5 =	vadd.f32 v10, v25;
	v10 =	vld [tilespmem:$0x1FEE0];
	[tilespmem:$0x1FEE0] =	vst v26;
	v20 =	vmov v53  }
0x9f: {  	v26 =	vld [tilespmem:$0x1FFC0];
	v11 =	vmov v56;
	[tilespmem:$0x1FEA0] =	vst v20  }
0xa0: {  	v1 =	vadd.f32 v2, v1;
	v2 =	vadd.f32 v5, v4;
	v4 =	vld [tilespmem:$0x1FEF0];
	v19 =	vmov v54;
	[tilespmem:$0x1FEB0] =	vst v11  }
0xa1: {  	v5 =	vld [tilespmem:s31+$0xD10];
	v18 =	vmov v57;
	[tilespmem:$0x1FEC0] =	vst v19;
	v3 =	vmul.f32 v9, v3  }
0xa2: {  	v11 =	vld [tilespmem:s31+$0xD00];
	[tilespmem:$0x1FED0] =	vst v18  }
0xa3: {  	v33 =	vmul.f32 v9, v12;
	v25 =	vmov v58;
	[tilespmem:s28+$0x140] =	vst v3;
	v3 =	vld [tilespmem:$0x1FF00]  }
0xa4: {  	v18 =	vld [tilespmem:s31+$0xD20];
	[tilespmem:$0x1FEF0] =	vst v25;
	v1 =	vadd.f32 v2, v1  }
0xa5: {  	v13 =	vmov v42;
	v42 =	vmov v63;
	v19 =	vld [tilespmem:s31+$0xD30];
	v20 =	vmul.f32 v9, v52;
	[tilespmem:s28+$0xD00] =	vst v33  }
0xa6: {  	v2 =	vld [tilespmem:$0x1FF20];
	[tilespmem:$0x1FF20] =	vst v42;
	v26 =	vperm.xlane v1, v26  }
0xa7: {  	v31 =	vmov v46;
	v46 =	vmov v22;
	v22 =	vld [tilespmem:s31+$0x920];
	[tilespmem:s28+$0x540] =	vst v20;
	v4 =	vmul.f32 v9, v4  }
0xa8: {  	v1 =	vadd.f32 v1, v26;
	v26 =	vld [tilespmem:$0x1FE60];
	[tilespmem:$0x1FE60] =	vst v30;
	v3 =	vmul.f32 v9, v3  }
0xa9: {  	v6 =	vmul.f32 v9, v6;
	[tilespmem:s28+$0x160] =	vst v4;
	v4 =	vld [tilespmem:$0x1FF40]  }
0xaa: {  	v30 =	vld [tilespmem:$0x1FFD0];
	[tilespmem:s28+$0x170] =	vst v3;
	v3 =	vmul.f32 v9, v50  }
0xab: {  	v29 =	vmov v0;
	v0 =	vld [tilespmem:s31+$0x900];
	v10 =	vmul.f32 v9, v10;
	[tilespmem:s28+$0x130] =	vst v6  }
0xac: {  	[tilespmem:s28+$0x550] =	vst v3;
	v3 =	vld [tilespmem:$0x1FF60]  }
0xad: {  	v27 =	vmov v62;
	v25 =	vld [tilespmem:s31+$0xD40];
	[tilespmem:s28+$0x150] =	vst v10  }
0xae: {  	v6 =	vld [tilespmem:$0x1FF10];
	[tilespmem:$0x1FF10] =	vst v27;
	v4 =	vmul.f32 v9, v4  }
0xaf: {  	v10 =	vld [tilespmem:$0x1FF30];
	[tilespmem:$0x1FF30] =	vst v29;
	v30 =	vperm.xlane v1, v30  }
0xb0: {  	v28 =	vmov v61;
	v2 =	vmul.f32 v9, v2;
	[tilespmem:s28+$0x530] =	vst v4;
	v4 =	vld [tilespmem:$0x1FF50]  }
0xb1: {  	[tilespmem:$0x1FF00] =	vst v28;
	v1 =	vadd.f32 v1, v30;
	v30 =	vmul.f32 v9, v3;
	v3 =	vld [tilespmem:$0x1FE20]  }
0xb2: {  	v29 =	vld [tilespmem:$0x1FE80];
	v28 =	vmul.f32 v9, v51;
	[tilespmem:s28+$0x510] =	vst v2  }
0xb3: {  	v2 =	vld [tilespmem:$0x1FE50];
	[tilespmem:$0x1FE50] =	vst v31;
	v6 =	vmul.f32 v9, v6  }
0xb4: {  	v53 =	vld [tilespmem:s31+$0x110];
	[tilespmem:s28+$0x570] =	vst v28;
	v10 =	vmul.f32 v9, v10  }
0xb5: {  	v56 =	vld [tilespmem:s31+$0x120];
	[tilespmem:s28+$0x500] =	vst v6  }
0xb6: {  	[tilespmem:s28+$0x520] =	vst v10;
	v31 =	vmul.f32 v9, v4;
	v4 =	vmov v59;
	v34 =	vmul.f32 v9, v3;
	v3 =	vld [tilespmem:$0x1FE30]  }
0xb7: {  	[tilespmem:$0x1FF40] =	vst v4;
	v4 =	vld [tilespmem:$0x1FE40]  }
0xb8: {  	v6 =	vmul.f32 v9, v49;
	v10 =	vld [tilespmem:$0x1FE70];
	[tilespmem:$0x1FE70] =	vst v46;
	v49 =	vmov v23  }
0xb9: {  	v24 =	vmov v24;
	v23 =	vld [tilespmem:s31+$0x930];
	[tilespmem:$0x1FE80] =	vst v49;
	v2 =	vmul.f32 v9, v2  }
0xba: {  	[tilespmem:$0x1FF50] =	vst v24;
	v24 =	vld [tilespmem:s31+$0x940]  }
0xbb: {  	[tilespmem:s28+$0x900] =	vst v2;
	v2 =	vld [tilespmem:$0x1FF70];
	v35 =	vmul.f32 v9, v3;
	v3 =	vmov v8  }
0xbc: {  	v8 =	vmul.f32 v9, v4;
	v4 =	vmov v15;
	[tilespmem:$0x1FF60] =	vst v3;
	v3 =	vld [tilespmem:$0x1FFE0]  }
0xbd: {  	v26 =	vmul.f32 v9, v26;
	[tilespmem:$0x1FE20] =	vst v4;
	v4 =	vld [tilespmem:$0x1FFA0]  }
0xbe: {  	v29 =	vmul.f32 v9, v29;
	[tilespmem:s28+$0x560] =	vst v6;
	v58 =	vld [tilespmem:s31+$0x160]  }
0xbf: {  	v20 =	vmul.f32 v9, v47;
	[tilespmem:s28+$0x910] =	vst v26;
	v61 =	vld [tilespmem:s31+$0x170]  }
0xc0: {  	v50 =	vmul.f32 v9, v48;
	[tilespmem:s28+$0x930] =	vst v29;
	v62 =	vld [tilespmem:s31+$0x500];
	v10 =	vmul.f32 v9, v10  }
0xc1: {  	[tilespmem:s28+$0x950] =	vst v20;
	v36 =	vmul.f32 v9, v2;
	v2 =	vld [tilespmem:$0x1FF80];
	v6 =	vperm.xlane v1, v3  }
0xc2: {  	[tilespmem:s28+$0x960] =	vst v50;
	v3 =	vmov v4;
	v4 =	vld [tilespmem:$0x1FFF0]  }
0xc3: {  	[tilespmem:s28+$0x920] =	vst v10;
	v28 =	vadd.f32 v1, v6;
	v1 =	vld [tilespmem:$0x1FF90]  }
0xc4: {  	v26 =	vmul.f32 v53, v53;
	v59 =	vld [tilespmem:s31+$0x530];
	[tilespmem:s28+$0x940] =	vst v31  }
0xc5: {  	v27 =	vld [tilespmem:s31+$0xD50];
	v29 =	vmul.f32 v56, v56;
	v10 =	vmul.f32 v22, v22;
	[tilespmem:s28+$0x970] =	vst v30  }
0xc6: {  	v50 =	vmovc v39;
	v39 =	vld [tilespmem:s31+$0x550];
	v32 =	vmul.f32 v61, v61;
	[tilespmem:s28+$0xD40] =	vst v36;
	v37 =	vmul.f32 v9, v2;
	v2 =	vmov v17  }
0xc7: {  	v33 =	vmul.f32 v62, v62;
	v31 =	vmul.f32 v58, v58;
	[tilespmem:$0x1FE30] =	vst v2  }
0xc8: {  	[tilespmem:s28+$0xD10] =	vst v34;
	v15 =	vmovc v5;
	v6 =	vld [tilespmem:$0x1FFB0];
	v38 =	vmul.f32 v9, v1;
	v1 =	vmov v7;
	v7 =	vperm.xlane v28, v4  }
0xc9: {  	v60 =	vld [tilespmem:s31+$0x100];
	v36 =	vmul.f32 v59, v59;
	[tilespmem:s28+$0xD50] =	vst v37;
	v2 =	vmul.f32 v5, v15;
	v5 =	vmov v19  }
0xca: {  	v52 =	vmovc v40;
	v54 =	vld [tilespmem:s31+$0x130];
	v17 =	vmov v18;
	[tilespmem:$0x1FFA0] =	vst v5;
	v5 =	vmul.f32 v19, v5;
	v19 =	vadd.f32 v28, v7  }
0xcb: {  	v42 =	vmovc v16;
	v16 =	vmov v11;
	v57 =	vld [tilespmem:s31+$0x140];
	v37 =	vmul.f32 v39, v39;
	[tilespmem:$0x1FE40] =	vst v3;
	v3 =	vmul.f32 v18, v17  }
0xcc: {  	v12 =	vmovc v27;
	v55 =	vld [tilespmem:s31+$0x150];
	v18 =	vmul.f32 v23, v23;
	v4 =	vmovc v25;
	[tilespmem:$0x1FF90] =	vst v1;
	v7 =	vmul.f32 $5.000000000e-01, v19;
	v20 =	vshra.s32 v19, $0x1  }
0xcd: {  	v40 =	vld [tilespmem:s31+$0x540];
	v9 =	vmovc v6;
	v1 =	vmul.f32 v11, v16;
	[tilespmem:$0x1FFB0] =	vst v4;
	v4 =	vmul.f32 v25, v4;
	v20 =	vsub.s32 $0x5F3759DF, v20  }
0xce: {  	v46 =	vmovc v0;
	v6 =	vmov v14;
	[tilespmem:$0x1FF70] =	vst v9;
	v9 =	vmul.f32 v0, v0;
	v0 =	vld [tilespmem:s31+$0x520];
	v30 =	vmul.f32 v20, v7  }
0xcf: {  	p0 =	sne.s32 s0, $0x3E00;
	v63 =	vld [tilespmem:s31+$0x510];
	[tilespmem:$0x1FF80] =	vst v6;
	v6 =	vmul.f32 v27, v12;
	v11 =	vmul.f32 v21, v21  }
.Ltmp0:
0xd0: {  	[tilespmem:s28+$0xD20] =	vst v35;
	v25 =	vmul.f32 v60, v60;
	v34 =	vmul.f32 v20, v30;
	(pc) =	sbr.rel @p0 .LBB2_2-.Ltmp0, $4  }
0xd1: {  	v49 =	vmov v44;
	v44 =	vld [tilespmem:s31+$0x560];
	[tilespmem:s28+$0xD30] =	vst v8;
	v27 =	vmul.f32 v54, v54;
	v28 =	vmul.f32 v57, v57  }
0xd2: {  	v51 =	vmovc v43;
	v43 =	vld [tilespmem:s31+$0x570];
	[tilespmem:s28+$0xD60] =	vst v38;
	s28 =	smov.u32 s29;
	s29 =	smov.u32 s31;
	v38 =	vmul.f32 v40, v40;
	v19 =	vmul.f32 v24, v24;
	v8 =	vsub.f32 $1.500000000e+00, v34  }
0xd3: {  	v47 =	vmov v41;
	v41 =	vld [tilespmem:s29+$0x950];
	v35 =	vmul.f32 v0, v0;
	v30 =	vmul.f32 v55, v55  }
0xd4: {  	s0 =	sadd.s32 $0x200, s0;
	v48 =	vmov v45;
	v45 =	vld [tilespmem:s29+$0x960];
	v34 =	vmul.f32 v63, v63;
	v20 =	vmul.f32 v20, v8  }
0xd5: {  	v8 =	vadd.f32 v33, v25;
	v27 =	vadd.f32 v36, v27  }
0xd6: {  	v28 =	vadd.f32 v38, v28;
	v30 =	vadd.f32 v37, v30  }
0xd7: {  	v25 =	vadd.f32 v34, v26;
	v26 =	vadd.f32 v35, v29;
	v34 =	vld [tilespmem:s29+$0x970]  }
0xd8: {  	v14 =	vld [tilespmem:s29+$0xD60];
	v29 =	vmul.f32 v44, v44;
	v8 =	vadd.f32 v9, v8;
	v18 =	vadd.f32 v18, v27  }
0xd9: {  	v36 =	vmul.f32 v43, v43;
	v19 =	vadd.f32 v19, v28;
	v10 =	vadd.f32 v10, v26;
	v26 =	vld [tilespmem:s29+$0xD70]  }
0xda: {  	v29 =	vadd.f32 v29, v31;
	v9 =	vadd.f32 v11, v25;
	v11 =	vmul.f32 v41, v41  }
0xdb: {  	v31 =	vadd.f32 v36, v32;
	v25 =	vmul.f32 v45, v45;
	v1 =	vadd.f32 v1, v8  }
0xdc: {  	v5 =	vadd.f32 v5, v18;
	v4 =	vadd.f32 v4, v19;
	v27 =	vmul.f32 v34, v34  }
0xdd: {  	v11 =	vadd.f32 v11, v30;
	v2 =	vadd.f32 v2, v9;
	v8 =	vmul.f32 v14, v14  }
0xde: {  	v25 =	vadd.f32 v25, v29;
	v27 =	vadd.f32 v27, v31;
	v9 =	vmul.f32 v26, v26  }
0xdf: {  	v3 =	vadd.f32 v3, v10;
	v6 =	vadd.f32 v6, v11  }
0xe0: {  	v8 =	vadd.f32 v8, v25;
	v9 =	vadd.f32 v9, v27  }
0xe1: {  	v1 =	vadd.f32 v2, v1;
	v2 =	vadd.f32 v5, v3  }
0xe2: {  	v5 =	vmul.f32 v20, v7;
	v3 =	vadd.f32 v6, v4;
	v4 =	vadd.f32 v9, v8;
	_ =	sdelay $0x1  }
0xe3: {  	v25 =	vld [tilespmem:$0x1FFC0];
	v1 =	vadd.f32 v2, v1;
	v2 =	vadd.f32 v4, v3;
	v3 =	vmul.f32 v5, v20;
	_ =	sdelay $0x1  }
0xe4: {  	v1 =	vadd.f32 v2, v1;
	v2 =	vsub.f32 $1.500000000e+00, v3;
	_ =	sdelay $0x1  }
0xe5: {  	v2 =	vmul.f32 v2, v20  }
0xe6: {  	v3 =	vperm.xlane v1, v25  }
0xe7: {  	v2 =	vmin.f32 v2, $1.000000000e+06  }
0xe8: {  	v4 =	vld [tilespmem:$0x1FE90];
	v1 =	vadd.f32 v1, v3;
	v3 =	vmul.f32 v2, v13;
	_ =	sdelay $0x1  }
0xe9: {  	v27 =	vld [tilespmem:$0x1FFD0];
	[tilespmem:s28+$0xD70] =	vst v3  }
0xea: {  	v3 =	vld [tilespmem:$0x1FEA0];
	_ =	sdelay $0x1  }
0xeb: {  	v4 =	vmul.f32 v2, v4;
	_ =	sdelay $0x1  }
0xec: {  	[tilespmem:s28+$0x100] =	vst v4  }
0xed: {  	v4 =	vld [tilespmem:$0x1FEB0];
	v3 =	vmul.f32 v2, v3;
	_ =	sdelay $0x1  }
0xee: {  	[tilespmem:s28+$0x110] =	vst v3  }
0xef: {  	v3 =	vld [tilespmem:$0x1FEC0];
	_ =	sdelay $0x1  }
0xf0: {  	v4 =	vmul.f32 v2, v4;
	_ =	sdelay $0x1  }
0xf1: {  	[tilespmem:s28+$0x120] =	vst v4  }
0xf2: {  	v4 =	vld [tilespmem:$0x1FED0];
	v3 =	vmul.f32 v2, v3  }
0xf3: {  	v28 =	vld [tilespmem:$0x1FFE0]  }
0xf4: {  	v6 =	vld [tilespmem:$0x1FEE0];
	[tilespmem:s28+$0x130] =	vst v3  }
0xf5: {  	v3 =	vld [tilespmem:$0x1FEF0]  }
0xf6: {  	v5 =	vperm.xlane v1, v27;
	_ =	sdelay $0x1  }
0xf7: {  	v1 =	vadd.f32 v1, v5;
	v4 =	vmul.f32 v2, v4  }
0xf8: {  	v6 =	vmul.f32 v2, v6  }
0xf9: {  	v5 =	vperm.xlane v1, v28;
	[tilespmem:s28+$0x140] =	vst v4;
	v3 =	vmul.f32 v2, v3  }
0xfa: {  	v4 =	vld [tilespmem:$0x1FF00];
	[tilespmem:s28+$0x150] =	vst v6  }
0xfb: {  	v1 =	vadd.f32 v1, v5;
	v5 =	vld [tilespmem:$0x1FF10];
	[tilespmem:s28+$0x160] =	vst v3  }
0xfc: {  	v29 =	vld [tilespmem:$0x1FFF0];
	_ =	sdelay $0x2  }
0xfd: {  	v4 =	vmul.f32 v2, v4  }
0xfe: {  	v5 =	vmul.f32 v2, v5;
	v6 =	vld [tilespmem:$0x1FF20]  }
0xff: {  	[tilespmem:s28+$0x170] =	vst v4;
	v3 =	vperm.xlane v1, v29  }
0x100: {  	v4 =	vld [tilespmem:$0x1FF30];
	[tilespmem:s28+$0x500] =	vst v5  }
0x101: {  	v1 =	vadd.f32 v1, v3;
	v3 =	vld [tilespmem:$0x1FF40];
	_ =	sdelay $0x1  }
0x102: {  	v6 =	vmul.f32 v2, v6  }
0x103: {  	v5 =	vmul.f32 v2, v52  }
0x104: {  	v4 =	vmul.f32 v2, v4;
	[tilespmem:s28+$0x510] =	vst v6  }
0x105: {  	[tilespmem:s28+$0x540] =	vst v5;
	v3 =	vmul.f32 v2, v3  }
0x106: {  	v6 =	vmul.f32 v2, v50;
	[tilespmem:s28+$0x520] =	vst v4;
	v4 =	vmul.f32 $5.000000000e-01, v1;
	v1 =	vshra.s32 v1, $0x1  }
0x107: {  	v1 =	vsub.s32 $0x5F3759DF, v1;
	[tilespmem:s28+$0x530] =	vst v3;
	v3 =	vmul.f32 v2, v49  }
0x108: {  	[tilespmem:s28+$0x550] =	vst v6;
	v5 =	vmul.f32 v1, v4  }
0x109: {  	v6 =	vld [tilespmem:$0x1FE50];
	[tilespmem:s28+$0x560] =	vst v3  }
0x10a: {  	v3 =	vmul.f32 v1, v5;
	v5 =	vld [tilespmem:$0x1FE60];
	_ =	sdelay $0x2  }
0x10b: {  	v7 =	vmul.f32 v2, v51  }
0x10c: {  	v6 =	vmul.f32 v2, v6  }
0x10d: {  	[tilespmem:s28+$0x570] =	vst v7;
	v5 =	vmul.f32 v2, v5  }
0x10e: {  	v7 =	vld [tilespmem:$0x1FE70];
	[tilespmem:s28+$0x900] =	vst v6  }
0x10f: {  	v6 =	vld [tilespmem:$0x1FE80];
	[tilespmem:s28+$0x910] =	vst v5  }
0x110: {  	v5 =	vld [tilespmem:$0x1FF50];
	_ =	sdelay $0x2  }
0x111: {  	v7 =	vmul.f32 v2, v7  }
0x112: {  	v6 =	vmul.f32 v2, v6  }
0x113: {  	[tilespmem:s28+$0x920] =	vst v7;
	v5 =	vmul.f32 v2, v5  }
0x114: {  	[tilespmem:s28+$0x930] =	vst v6  }
0x115: {  	[tilespmem:s28+$0x940] =	vst v5  }
0x116: {  	v3 =	vsub.f32 $1.500000000e+00, v3;
	v5 =	vld [tilespmem:$0x1FF60];
	_ =	sdelay $0x1  }
0x117: {  	v1 =	vmul.f32 v1, v3;
	v3 =	vmul.f32 v2, v47  }
0x118: {  	v6 =	vmul.f32 v2, v48  }
0x119: {  	[tilespmem:s28+$0x950] =	vst v3  }
0x11a: {  	[tilespmem:s28+$0x960] =	vst v6;
	v5 =	vmul.f32 v2, v5  }
0x11b: {  	v4 =	vmul.f32 v1, v4;
	v6 =	vld [tilespmem:$0x1FE20]  }
0x11c: {  	v3 =	vmul.f32 v2, v42;
	[tilespmem:s28+$0x970] =	vst v5  }
0x11d: {  	v4 =	vmul.f32 v4, v1;
	v5 =	vld [tilespmem:$0x1FE30]  }
0x11e: {  	[tilespmem:s28+$0xD00] =	vst v3  }
0x11f: {  	v3 =	vsub.f32 $1.500000000e+00, v4;
	v4 =	vld [tilespmem:$0x1FE40]  }
0x120: {  	v6 =	vmul.f32 v2, v6;
	_ =	sdelay $0x1  }
0x121: {  	[tilespmem:s28+$0xD10] =	vst v6;
	v1 =	vmul.f32 v3, v1;
	v5 =	vmul.f32 v2, v5  }
0x122: {  	v6 =	vld [tilespmem:$0x1FF70]  }
0x123: {  	v1 =	vmin.f32 v1, $1.000000000e+06;
	v4 =	vmul.f32 v2, v4;
	[tilespmem:s28+$0xD20] =	vst v5  }
0x124: {  	v0 =	vmul.f32 v1, v0;
	v3 =	vld [tilespmem:$0x1FF80]  }
0x125: {  	[tilespmem:s28+$0xD30] =	vst v4  }
0x126: {  	v4 =	vld [tilespmem:$0x1FF90];
	[tilespmem:s29+$0x520] =	vst v0;
	v0 =	vmul.f32 v1, v39  }
0x127: {  	v6 =	vmul.f32 v2, v6  }
0x128: {  	[tilespmem:s29+$0x550] =	vst v0;
	v0 =	vmul.f32 v1, v46  }
0x129: {  	[tilespmem:s28+$0xD40] =	vst v6;
	v3 =	vmul.f32 v2, v3  }
0x12a: {  	[tilespmem:s29+$0x900] =	vst v0;
	v0 =	vmul.f32 v1, v23  }
0x12b: {  	v2 =	vmul.f32 v2, v4;
	[tilespmem:s28+$0xD50] =	vst v3  }
0x12c: {  	v4 =	vmul.f32 v1, v55;
	[tilespmem:s29+$0x930] =	vst v0  }
0x12d: {  	v3 =	vmul.f32 v1, v26;
	[tilespmem:s28+$0xD60] =	vst v2  }
0x12e: {  	v0 =	vmul.f32 v1, v45;
	[tilespmem:s29+$0x150] =	vst v4  }
0x12f: {  	v2 =	vmul.f32 v1, v60;
	[tilespmem:s29+$0xD70] =	vst v3  }
0x130: {  	v4 =	vmul.f32 v1, v62;
	[tilespmem:s29+$0x960] =	vst v0  }
0x131: {  	v3 =	vmul.f32 v1, v53;
	[tilespmem:s29+$0x100] =	vst v2  }
0x132: {  	v2 =	vmul.f32 v1, v56;
	[tilespmem:s29+$0x500] =	vst v4  }
0x133: {  	[tilespmem:s29+$0x110] =	vst v3;
	v3 =	vmul.f32 v1, v54  }
0x134: {  	[tilespmem:s29+$0x120] =	vst v2;
	v2 =	vmul.f32 v1, v57  }
0x135: {  	[tilespmem:s29+$0x130] =	vst v3;
	v3 =	vmul.f32 v1, v58  }
0x136: {  	[tilespmem:s29+$0x140] =	vst v2;
	v2 =	vmul.f32 v1, v61  }
0x137: {  	[tilespmem:s29+$0x160] =	vst v3;
	v3 =	vmul.f32 v1, v63  }
0x138: {  	[tilespmem:s29+$0x170] =	vst v2;
	v2 =	vmul.f32 v1, v59  }
0x139: {  	[tilespmem:s29+$0x510] =	vst v3;
	v3 =	vmul.f32 v1, v40  }
0x13a: {  	[tilespmem:s29+$0x530] =	vst v2;
	v2 =	vmul.f32 v1, v44  }
0x13b: {  	[tilespmem:s29+$0x540] =	vst v3;
	v3 =	vmul.f32 v1, v43  }
0x13c: {  	[tilespmem:s29+$0x560] =	vst v2;
	v2 =	vmul.f32 v1, v21  }
0x13d: {  	[tilespmem:s29+$0x570] =	vst v3;
	v3 =	vmul.f32 v1, v22  }
0x13e: {  	[tilespmem:s29+$0x910] =	vst v2;
	v2 =	vmul.f32 v1, v24  }
0x13f: {  	[tilespmem:s29+$0x920] =	vst v3;
	v3 =	vmul.f32 v1, v41  }
0x140: {  	[tilespmem:s29+$0x940] =	vst v2;
	v2 =	vmul.f32 v1, v34  }
0x141: {  	[tilespmem:s29+$0x950] =	vst v3;
	v3 =	vmul.f32 v1, v16  }
0x142: {  	v0 =	vmul.f32 v1, v15;
	[tilespmem:s29+$0x970] =	vst v2  }
0x143: {  	[tilespmem:s29+$0xD00] =	vst v3  }
0x144: {  	v3 =	vld [tilespmem:$0x1FFA0];
	[tilespmem:s29+$0xD10] =	vst v0  }
0x145: {  	v0 =	vld [tilespmem:$0x1FFB0]  }
0x146: {  	v2 =	vmul.f32 v1, v17;
	_ =	sdelay $0x1  }
0x147: {  	[tilespmem:s29+$0xD20] =	vst v2;
	v2 =	vmul.f32 v1, v12  }
0x148: {  	v3 =	vmul.f32 v1, v3  }
0x149: {  	[tilespmem:s29+$0xD50] =	vst v2;
	v0 =	vmul.f32 v1, v0  }
0x14a: {  	s25 =	sadd.s32 s26, s25;
	v1 =	vmul.f32 v1, v14;
	[tilespmem:s29+$0xD30] =	vst v3  }
0x14b: {  	s5 =	sadd.s32 $0xC000, s25;
	[tilespmem:s29+$0xD40] =	vst v0  }
0x14c: {  	s0 =	simm.s32 $0x0;
	s5 =	sshrl.u32 s5, $0x3;
	[tilespmem:s29+$0xD60] =	vst v1  }
0x14d: {  	[hbm4b:s6+s0] =	stream.linear.scatter [tilespmem:s16], [sflag:$0x4], $0x4000, $0x38;
	[tilespmem:$0x18100] =	vst v63  }
0x14e: {  	s5 =	sadd.s32 s1, s5  }
0x14f: {  	[tilespmem:s18], [sflag:$0x3] =	stream.linear.gather [hbm4b:s5+s0], $0x8000, $0x38;
	[tilespmem:$0x18100] =	vst v63  }
0x150: {  	_ =	swait.ge [sflag:s19], $0x8000  }
0x151: {  	s26 =	sand.u32 $0x7000, s0;
	s0 =	sand.u32 $0x380, s0;
	[sflag:s19] =	ssyncset.done $0x0  }
0x152: {  	s26 =	sor.u32 s0, s26;
	[sflag:s19] =	ssyncadd.s32 $0xFFFF8000  }
0x153: {  	v42 =	vld [tilespmem:s26+$0x8D00]  }
0x154: {  	v1 =	vld [tilespmem:s26+$0x8D10]  }
0x155: {  	v2 =	vld [tilespmem:s26+$0x8D20]  }
0x156: {  	v3 =	vld [tilespmem:s26+$0x8D30]  }
0x157: {  	v4 =	vld [tilespmem:s26+$0x8900]  }
0x158: {  	v5 =	vld [tilespmem:s26+$0x8910]  }
0x159: {  	v6 =	vld [tilespmem:s26+$0x8920]  }
0x15a: {  	v7 =	vld [tilespmem:s26+$0x8930]  }
0x15b: {  	v8 =	vld [tilespmem:s26+$0x8100]  }
0x15c: {  	v9 =	vld [tilespmem:s26+$0x8110]  }
0x15d: {  	v10 =	vld [tilespmem:s26+$0x8120]  }
0x15e: {  	v11 =	vld [tilespmem:s26+$0x8130]  }
0x15f: {  	v12 =	vld [tilespmem:s26+$0x8140]  }
0x160: {  	v13 =	vld [tilespmem:s26+$0x8150]  }
0x161: {  	v14 =	vld [tilespmem:s26+$0x8160]  }
0x162: {  	v15 =	vld [tilespmem:s26+$0x8170];
	[tilespmem:$0x1FC80] =	vst v1  }
0x163: {  	v16 =	vld [tilespmem:s26+$0x8500];
	[tilespmem:$0x1FC90] =	vst v2  }
0x164: {  	[tilespmem:$0x1FCA0] =	vst v3  }
0x165: {  	v17 =	vld [tilespmem:s26+$0x8510];
	[tilespmem:$0x1FCB0] =	vst v4  }
0x166: {  	[tilespmem:$0x1FCC0] =	vst v5  }
0x167: {  	v18 =	vld [tilespmem:s26+$0x8520];
	[tilespmem:$0x1FCD0] =	vst v6  }
0x168: {  	[tilespmem:$0x1FCE0] =	vst v7  }
0x169: {  	v19 =	vld [tilespmem:s26+$0x8530];
	[tilespmem:$0x1FCF0] =	vst v8  }
0x16a: {  	[tilespmem:$0x1FD00] =	vst v9  }
0x16b: {  	v0 =	vmul.f32 v42, v42;
	v52 =	vld [tilespmem:s26+$0x8540];
	[tilespmem:$0x1FD10] =	vst v10  }
0x16c: {  	v1 =	vmul.f32 v1, v1;
	v2 =	vmul.f32 v2, v2;
	[tilespmem:$0x1FD20] =	vst v11  }
0x16d: {  	v4 =	vmul.f32 v4, v4;
	v5 =	vmul.f32 v5, v5;
	v50 =	vld [tilespmem:s26+$0x8550];
	[tilespmem:$0x1FD30] =	vst v12  }
0x16e: {  	v6 =	vmul.f32 v6, v6;
	v7 =	vmul.f32 v7, v7;
	v49 =	vld [tilespmem:s26+$0x8560];
	[tilespmem:$0x1FD40] =	vst v13  }
0x16f: {  	v8 =	vmul.f32 v8, v8;
	v9 =	vmul.f32 v9, v9;
	[tilespmem:$0x1FD50] =	vst v14  }
0x170: {  	v10 =	vmul.f32 v10, v10;
	v11 =	vmul.f32 v11, v11;
	v51 =	vld [tilespmem:s26+$0x8570];
	[tilespmem:$0x1FD60] =	vst v15  }
0x171: {  	v12 =	vmul.f32 v12, v12;
	v13 =	vmul.f32 v13, v13;
	v23 =	vld [tilespmem:s26+$0x8940];
	[tilespmem:$0x1FD70] =	vst v16  }
0x172: {  	v14 =	vmul.f32 v14, v14;
	v16 =	vmul.f32 v16, v16;
	[tilespmem:$0x1FD80] =	vst v17  }
0x173: {  	v17 =	vmul.f32 v17, v17;
	[tilespmem:$0x1FD90] =	vst v18;
	v18 =	vmul.f32 v18, v18  }
0x174: {  	v47 =	vld [tilespmem:s26+$0x8950];
	[tilespmem:$0x1FDA0] =	vst v19;
	v19 =	vmul.f32 v19, v19;
	v20 =	vmul.f32 v52, v52  }
0x175: {  	v48 =	vld [tilespmem:s26+$0x8960];
	v21 =	vmul.f32 v50, v50;
	v8 =	vadd.f32 v16, v8;
	v9 =	vadd.f32 v17, v9  }
0x176: {  	v15 =	vmul.f32 v15, v15;
	v22 =	vld [tilespmem:s26+$0x8970];
	v10 =	vadd.f32 v18, v10;
	v11 =	vadd.f32 v19, v11  }
0x177: {  	v24 =	vld [tilespmem:s26+$0x8D40];
	v16 =	vmul.f32 v49, v49;
	v12 =	vadd.f32 v20, v12;
	v13 =	vadd.f32 v21, v13  }
0x178: {  	v26 =	vld [tilespmem:s26+$0x8D50];
	v17 =	vmul.f32 v51, v51;
	v4 =	vadd.f32 v4, v8;
	v5 =	vadd.f32 v5, v9;
	[tilespmem:$0x1FDB0] =	vst v23  }
0x179: {  	v3 =	vmul.f32 v3, v3;
	v6 =	vadd.f32 v6, v10;
	v14 =	vadd.f32 v16, v14;
	v19 =	vld [tilespmem:s26+$0x8D60]  }
0x17a: {  	v18 =	vmul.f32 v23, v23;
	v7 =	vadd.f32 v7, v11;
	v15 =	vadd.f32 v17, v15;
	v20 =	vld [tilespmem:s26+$0x8D70]  }
0x17b: {  	v16 =	vmul.f32 v47, v47;
	v0 =	vadd.f32 v0, v4;
	v1 =	vadd.f32 v1, v5  }
0x17c: {  	v2 =	vadd.f32 v2, v6;
	v17 =	vmul.f32 v48, v48;
	v8 =	vmul.f32 v22, v22  }
0x17d: {  	v9 =	vmul.f32 v24, v24;
	v10 =	vadd.f32 v18, v12;
	v3 =	vadd.f32 v3, v7  }
0x17e: {  	v12 =	vmul.f32 v26, v26;
	v11 =	vadd.f32 v16, v13;
	v16 =	vadd.f32 v17, v14  }
0x17f: {  	v8 =	vadd.f32 v8, v15;
	v14 =	vmul.f32 v19, v19;
	v4 =	vmul.f32 v20, v20  }
0x180: {  	v5 =	vadd.f32 v9, v10;
	v6 =	vadd.f32 v12, v11  }
0x181: {  	v7 =	vadd.f32 v14, v16;
	v4 =	vadd.f32 v4, v8  }
0x182: {  	v0 =	vadd.f32 v1, v0;
	v1 =	vadd.f32 v3, v2  }
0x183: {  	[tilespmem:$0x1FDC0] =	vst v22;
	v2 =	vadd.f32 v6, v5;
	v3 =	vadd.f32 v4, v7  }
0x184: {  	s30 =	simm.s32 $0x200;
	s29 =	simm.s32 $0x80;
	[tilespmem:$0x1FDD0] =	vst v24  }
0x185: {  	s31 =	sand.u32 $0x380, s29;
	s0 =	sand.u32 $0x7000, s30;
	[tilespmem:$0x1FDE0] =	vst v26;
	v0 =	vadd.f32 v1, v0;
	v1 =	vadd.f32 v3, v2  }
0x186: {  	s28 =	sor.u32 s31, s0;
	[tilespmem:$0x1FDF0] =	vst v19  }
0x187: {  	v15 =	vld [tilespmem:s28+$0x8D10];
	v0 =	vadd.f32 v1, v0  }
0x188: {  	v17 =	vld [tilespmem:s28+$0x8D20]  }
0x189: {  	v12 =	vld [tilespmem:s28+$0x8D50];
	v1 =	vperm.xlane v0, v25  }
0x18a: {  	v46 =	vld [tilespmem:s28+$0x8900]  }
0x18b: {  	v21 =	vld [tilespmem:s28+$0x8910];
	v0 =	vadd.f32 v0, v1  }
0x18c: {  	v22 =	vld [tilespmem:s28+$0x8920]  }
0x18d: {  	v23 =	vld [tilespmem:s28+$0x8930];
	v1 =	vperm.xlane v0, v27  }
0x18e: {  	v24 =	vld [tilespmem:s28+$0x8940]  }
0x18f: {  	v60 =	vld [tilespmem:s28+$0x8100];
	v0 =	vadd.f32 v0, v1  }
0x190: {  	v53 =	vld [tilespmem:s28+$0x8110]  }
0x191: {  	v56 =	vld [tilespmem:s28+$0x8120];
	v1 =	vperm.xlane v0, v28  }
0x192: {  	v54 =	vld [tilespmem:s28+$0x8130]  }
0x193: {  	v4 =	vld [tilespmem:s28+$0x8D30];
	v0 =	vadd.f32 v0, v1  }
0x194: {  	v8 =	vld [tilespmem:s28+$0x8D40]  }
0x195: {  	v57 =	vld [tilespmem:s28+$0x8140];
	v1 =	vperm.xlane v0, v29  }
0x196: {  	v55 =	vld [tilespmem:s28+$0x8150]  }
0x197: {  	v58 =	vld [tilespmem:s28+$0x8160];
	v0 =	vadd.f32 v0, v1  }
0x198: {  	v16 =	vld [tilespmem:s28+$0x8D00];
	v2 =	vmul.f32 v15, v15;
	[tilespmem:$0x1FE00] =	vst v4  }
0x199: {  	v9 =	vmul.f32 v46, v46;
	v61 =	vld [tilespmem:s28+$0x8170];
	[tilespmem:$0x1FE10] =	vst v8;
	v7 =	vmul.f32 $5.000000000e-01, v0;
	v0 =	vshra.s32 v0, $0x1  }
0x19a: {  	v11 =	vmul.f32 v21, v21;
	v10 =	vmul.f32 v22, v22;
	v62 =	vld [tilespmem:s28+$0x8500];
	v0 =	vsub.s32 $0x5F3759DF, v0  }
0x19b: {  	v18 =	vmul.f32 v23, v23;
	v63 =	vld [tilespmem:s28+$0x8510];
	v3 =	vmul.f32 v0, v7  }
0x19c: {  	v19 =	vmul.f32 v24, v24;
	v26 =	vmul.f32 v53, v53;
	v59 =	vld [tilespmem:s28+$0x8530]  }
0x19d: {  	v30 =	vmul.f32 v55, v55;
	v40 =	vld [tilespmem:s28+$0x8540];
	v6 =	vmul.f32 v0, v3  }
0x19e: {  	v31 =	vmul.f32 v58, v58;
	v5 =	vmul.f32 v4, v4;
	v39 =	vld [tilespmem:s28+$0x8550]  }
0x19f: {  	v4 =	vmul.f32 v8, v8;
	v25 =	vmul.f32 v60, v60;
	v8 =	vsub.f32 $1.500000000e+00, v6  }
0x1a0: {  	v27 =	vmul.f32 v54, v54;
	v32 =	vmul.f32 v61, v61  }
0x1a1: {  	v13 =	vmov v20;
	v33 =	vmul.f32 v62, v62;
	v20 =	vmul.f32 v0, v8;
	v0 =	vld [tilespmem:s28+$0x8520]  }
0x1a2: {  	v34 =	vmul.f32 v63, v63;
	v36 =	vmul.f32 v59, v59  }
0x1a3: {  	v44 =	vld [tilespmem:s28+$0x8560];
	v38 =	vmul.f32 v40, v40;
	v37 =	vmul.f32 v39, v39  }
0x1a4: {  	v43 =	vld [tilespmem:s28+$0x8570];
	v28 =	vmul.f32 v57, v57;
	v29 =	vmul.f32 v56, v56  }
0x1a5: {  	v41 =	vld [tilespmem:s28+$0x8950];
	v1 =	vmul.f32 v16, v16;
	v3 =	vmul.f32 v17, v17  }
0x1a6: {  	s0 =	simm.s32 $0x400;
	v45 =	vld [tilespmem:s28+$0x8960];
	v6 =	vmul.f32 v12, v12;
	v35 =	vmul.f32 v0, v0  }
.LBB2_4:
0x1a7: {  	_ = 	snop  }
0x1a8: {  	v14 =	vmov v12;
	v25 =	vadd.f32 v33, v25;
	v26 =	vadd.f32 v34, v26  }
0x1a9: {  	v12 =	vmovc v42;
	v42 =	vmul.f32 v20, v7;
	v29 =	vadd.f32 v35, v29;
	v27 =	vadd.f32 v36, v27  }
0x1aa: {  	v28 =	vadd.f32 v38, v28;
	v30 =	vadd.f32 v37, v30  }
0x1ab: {  	v8 =	vld [tilespmem:s28+$0x8970];
	v38 =	vmul.f32 v42, v20;
	v25 =	vadd.f32 v9, v25;
	v11 =	vadd.f32 v11, v26  }
0x1ac: {  	v10 =	vadd.f32 v10, v29;
	v18 =	vadd.f32 v18, v27  }
0x1ad: {  	v19 =	vadd.f32 v19, v28;
	v35 =	vsub.f32 $1.500000000e+00, v38  }
0x1ae: {  	v7 =	vld [tilespmem:s28+$0x8D60];
	v34 =	vmul.f32 v43, v43;
	v1 =	vadd.f32 v1, v25;
	v2 =	vadd.f32 v2, v11  }
0x1af: {  	v42 =	vld [tilespmem:s28+$0x8D70];
	v3 =	vadd.f32 v3, v10;
	v5 =	vadd.f32 v5, v18  }
0x1b0: {  	v9 =	vmul.f32 v8, v8;
	v18 =	vld [tilespmem:$0x1FCF0];
	v32 =	vadd.f32 v34, v32;
	v20 =	vmul.f32 v35, v20  }
0x1b1: {  	v33 =	vmul.f32 v44, v44;
	v1 =	vadd.f32 v2, v1;
	v2 =	vadd.f32 v5, v3;
	v3 =	vld [tilespmem:$0x1FD10]  }
0x1b2: {  	v4 =	vadd.f32 v4, v19;
	v19 =	vld [tilespmem:$0x1FD00];
	v29 =	vadd.f32 v9, v32;
	v9 =	vmin.f32 v20, $1.000000000e+06  }
0x1b3: {  	v31 =	vadd.f32 v33, v31;
	v33 =	vmul.f32 v41, v41;
	v11 =	vmul.f32 v9, v13  }
0x1b4: {  	s29 =	sadd.s32 $0x80, s29;
	v34 =	vmul.f32 v45, v45;
	v27 =	vmul.f32 v7, v7  }
0x1b5: {  	s5 =	sand.u32 $0x7000, s0;
	s30 =	sand.u32 $0x380, s29;
	v26 =	vadd.f32 v33, v30;
	v18 =	vmul.f32 v9, v18;
	v20 =	vmov v60;
	[tilespmem:s26+$0x8D70] =	vst v11  }
0x1b6: {  	s30 =	sor.u32 s30, s5;
	v28 =	vadd.f32 v34, v31;
	v10 =	vmul.f32 v42, v42;
	[tilespmem:$0x1FCF0] =	vst v20;
	v3 =	vmul.f32 v9, v3  }
0x1b7: {  	v30 =	vmov v21;
	v21 =	vld [tilespmem:s30+$0x8910];
	v6 =	vadd.f32 v6, v26;
	v19 =	vmul.f32 v9, v19;
	[tilespmem:s26+$0x8100] =	vst v18  }
0x1b8: {  	v25 =	vadd.f32 v27, v28;
	v10 =	vadd.f32 v10, v29;
	[tilespmem:s26+$0x8120] =	vst v3;
	v3 =	vld [tilespmem:$0x1FD30]  }
0x1b9: {  	v4 =	vadd.f32 v6, v4;
	[tilespmem:s26+$0x8110] =	vst v19;
	v6 =	vld [tilespmem:$0x1FD20];
	v26 =	vmov v55  }
0x1ba: {  	v5 =	vadd.f32 v10, v25;
	v10 =	vld [tilespmem:$0x1FD40];
	[tilespmem:$0x1FD40] =	vst v26;
	v20 =	vmov v53  }
0x1bb: {  	v26 =	vld [tilespmem:$0x1FFC0];
	v11 =	vmov v56;
	[tilespmem:$0x1FD00] =	vst v20  }
0x1bc: {  	v1 =	vadd.f32 v2, v1;
	v2 =	vadd.f32 v5, v4;
	v4 =	vld [tilespmem:$0x1FD50];
	v19 =	vmov v54;
	[tilespmem:$0x1FD10] =	vst v11  }
0x1bd: {  	v5 =	vld [tilespmem:s30+$0x8D10];
	v18 =	vmov v57;
	[tilespmem:$0x1FD20] =	vst v19;
	v3 =	vmul.f32 v9, v3  }
0x1be: {  	v11 =	vld [tilespmem:s30+$0x8D00];
	[tilespmem:$0x1FD30] =	vst v18  }
0x1bf: {  	v33 =	vmul.f32 v9, v12;
	v25 =	vmov v58;
	[tilespmem:s26+$0x8140] =	vst v3;
	v3 =	vld [tilespmem:$0x1FD60]  }
0x1c0: {  	v18 =	vld [tilespmem:s30+$0x8D20];
	[tilespmem:$0x1FD50] =	vst v25;
	v1 =	vadd.f32 v2, v1  }
0x1c1: {  	v13 =	vmov v42;
	v42 =	vmov v63;
	v19 =	vld [tilespmem:s30+$0x8D30];
	v20 =	vmul.f32 v9, v52;
	[tilespmem:s26+$0x8D00] =	vst v33  }
0x1c2: {  	v2 =	vld [tilespmem:$0x1FD80];
	[tilespmem:$0x1FD80] =	vst v42;
	v26 =	vperm.xlane v1, v26  }
0x1c3: {  	v31 =	vmov v46;
	v46 =	vmov v22;
	v22 =	vld [tilespmem:s30+$0x8920];
	[tilespmem:s26+$0x8540] =	vst v20;
	v4 =	vmul.f32 v9, v4  }
0x1c4: {  	v1 =	vadd.f32 v1, v26;
	v26 =	vld [tilespmem:$0x1FCC0];
	[tilespmem:$0x1FCC0] =	vst v30;
	v3 =	vmul.f32 v9, v3  }
0x1c5: {  	v6 =	vmul.f32 v9, v6;
	[tilespmem:s26+$0x8160] =	vst v4;
	v4 =	vld [tilespmem:$0x1FDA0]  }
0x1c6: {  	v30 =	vld [tilespmem:$0x1FFD0];
	[tilespmem:s26+$0x8170] =	vst v3;
	v3 =	vmul.f32 v9, v50  }
0x1c7: {  	v29 =	vmov v0;
	v0 =	vld [tilespmem:s30+$0x8900];
	v10 =	vmul.f32 v9, v10;
	[tilespmem:s26+$0x8130] =	vst v6  }
0x1c8: {  	[tilespmem:s26+$0x8550] =	vst v3;
	v3 =	vld [tilespmem:$0x1FDC0]  }
0x1c9: {  	v27 =	vmov v62;
	v25 =	vld [tilespmem:s30+$0x8D40];
	[tilespmem:s26+$0x8150] =	vst v10  }
0x1ca: {  	v6 =	vld [tilespmem:$0x1FD70];
	[tilespmem:$0x1FD70] =	vst v27;
	v4 =	vmul.f32 v9, v4  }
0x1cb: {  	v10 =	vld [tilespmem:$0x1FD90];
	[tilespmem:$0x1FD90] =	vst v29;
	v30 =	vperm.xlane v1, v30  }
0x1cc: {  	v28 =	vmov v61;
	v2 =	vmul.f32 v9, v2;
	[tilespmem:s26+$0x8530] =	vst v4;
	v4 =	vld [tilespmem:$0x1FDB0]  }
0x1cd: {  	[tilespmem:$0x1FD60] =	vst v28;
	v1 =	vadd.f32 v1, v30;
	v30 =	vmul.f32 v9, v3;
	v3 =	vld [tilespmem:$0x1FC80]  }
0x1ce: {  	v29 =	vld [tilespmem:$0x1FCE0];
	v28 =	vmul.f32 v9, v51;
	[tilespmem:s26+$0x8510] =	vst v2  }
0x1cf: {  	v2 =	vld [tilespmem:$0x1FCB0];
	[tilespmem:$0x1FCB0] =	vst v31;
	v6 =	vmul.f32 v9, v6  }
0x1d0: {  	v53 =	vld [tilespmem:s30+$0x8110];
	[tilespmem:s26+$0x8570] =	vst v28;
	v10 =	vmul.f32 v9, v10  }
0x1d1: {  	v56 =	vld [tilespmem:s30+$0x8120];
	[tilespmem:s26+$0x8500] =	vst v6  }
0x1d2: {  	[tilespmem:s26+$0x8520] =	vst v10;
	v31 =	vmul.f32 v9, v4;
	v4 =	vmov v59;
	v34 =	vmul.f32 v9, v3;
	v3 =	vld [tilespmem:$0x1FC90]  }
0x1d3: {  	[tilespmem:$0x1FDA0] =	vst v4;
	v4 =	vld [tilespmem:$0x1FCA0]  }
0x1d4: {  	v6 =	vmul.f32 v9, v49;
	v10 =	vld [tilespmem:$0x1FCD0];
	[tilespmem:$0x1FCD0] =	vst v46;
	v49 =	vmov v23  }
0x1d5: {  	v24 =	vmov v24;
	v23 =	vld [tilespmem:s30+$0x8930];
	[tilespmem:$0x1FCE0] =	vst v49;
	v2 =	vmul.f32 v9, v2  }
0x1d6: {  	[tilespmem:$0x1FDB0] =	vst v24;
	v24 =	vld [tilespmem:s30+$0x8940]  }
0x1d7: {  	[tilespmem:s26+$0x8900] =	vst v2;
	v2 =	vld [tilespmem:$0x1FDD0];
	v35 =	vmul.f32 v9, v3;
	v3 =	vmov v8  }
0x1d8: {  	v8 =	vmul.f32 v9, v4;
	v4 =	vmov v15;
	[tilespmem:$0x1FDC0] =	vst v3;
	v3 =	vld [tilespmem:$0x1FFE0]  }
0x1d9: {  	v26 =	vmul.f32 v9, v26;
	[tilespmem:$0x1FC80] =	vst v4;
	v4 =	vld [tilespmem:$0x1FE00]  }
0x1da: {  	v29 =	vmul.f32 v9, v29;
	[tilespmem:s26+$0x8560] =	vst v6;
	v58 =	vld [tilespmem:s30+$0x8160]  }
0x1db: {  	v20 =	vmul.f32 v9, v47;
	[tilespmem:s26+$0x8910] =	vst v26;
	v61 =	vld [tilespmem:s30+$0x8170]  }
0x1dc: {  	v50 =	vmul.f32 v9, v48;
	[tilespmem:s26+$0x8930] =	vst v29;
	v62 =	vld [tilespmem:s30+$0x8500];
	v10 =	vmul.f32 v9, v10  }
0x1dd: {  	[tilespmem:s26+$0x8950] =	vst v20;
	v36 =	vmul.f32 v9, v2;
	v2 =	vld [tilespmem:$0x1FDE0];
	v6 =	vperm.xlane v1, v3  }
0x1de: {  	[tilespmem:s26+$0x8960] =	vst v50;
	v3 =	vmov v4;
	v4 =	vld [tilespmem:$0x1FFF0]  }
0x1df: {  	[tilespmem:s26+$0x8920] =	vst v10;
	v28 =	vadd.f32 v1, v6;
	v1 =	vld [tilespmem:$0x1FDF0]  }
0x1e0: {  	v26 =	vmul.f32 v53, v53;
	v59 =	vld [tilespmem:s30+$0x8530];
	[tilespmem:s26+$0x8940] =	vst v31  }
0x1e1: {  	v27 =	vld [tilespmem:s30+$0x8D50];
	v29 =	vmul.f32 v56, v56;
	v10 =	vmul.f32 v22, v22;
	[tilespmem:s26+$0x8970] =	vst v30  }
0x1e2: {  	v50 =	vmovc v39;
	v39 =	vld [tilespmem:s30+$0x8550];
	v32 =	vmul.f32 v61, v61;
	[tilespmem:s26+$0x8D40] =	vst v36;
	v37 =	vmul.f32 v9, v2;
	v2 =	vmov v17  }
0x1e3: {  	v33 =	vmul.f32 v62, v62;
	v31 =	vmul.f32 v58, v58;
	[tilespmem:$0x1FC90] =	vst v2  }
0x1e4: {  	[tilespmem:s26+$0x8D10] =	vst v34;
	v15 =	vmovc v5;
	v6 =	vld [tilespmem:$0x1FE10];
	v38 =	vmul.f32 v9, v1;
	v1 =	vmov v7;
	v7 =	vperm.xlane v28, v4  }
0x1e5: {  	v60 =	vld [tilespmem:s30+$0x8100];
	v36 =	vmul.f32 v59, v59;
	[tilespmem:s26+$0x8D50] =	vst v37;
	v2 =	vmul.f32 v5, v15;
	v5 =	vmov v19  }
0x1e6: {  	v52 =	vmovc v40;
	v54 =	vld [tilespmem:s30+$0x8130];
	v17 =	vmov v18;
	[tilespmem:$0x1FE00] =	vst v5;
	v5 =	vmul.f32 v19, v5;
	v19 =	vadd.f32 v28, v7  }
0x1e7: {  	v42 =	vmovc v16;
	v16 =	vmov v11;
	v57 =	vld [tilespmem:s30+$0x8140];
	v37 =	vmul.f32 v39, v39;
	[tilespmem:$0x1FCA0] =	vst v3;
	v3 =	vmul.f32 v18, v17  }
0x1e8: {  	v12 =	vmovc v27;
	v55 =	vld [tilespmem:s30+$0x8150];
	v18 =	vmul.f32 v23, v23;
	v4 =	vmovc v25;
	[tilespmem:$0x1FDF0] =	vst v1;
	v7 =	vmul.f32 $5.000000000e-01, v19;
	v20 =	vshra.s32 v19, $0x1  }
0x1e9: {  	v40 =	vld [tilespmem:s30+$0x8540];
	v9 =	vmovc v6;
	v1 =	vmul.f32 v11, v16;
	[tilespmem:$0x1FE10] =	vst v4;
	v4 =	vmul.f32 v25, v4;
	v20 =	vsub.s32 $0x5F3759DF, v20  }
0x1ea: {  	v46 =	vmovc v0;
	v6 =	vmov v14;
	[tilespmem:$0x1FDD0] =	vst v9;
	v9 =	vmul.f32 v0, v0;
	v0 =	vld [tilespmem:s30+$0x8520];
	v30 =	vmul.f32 v20, v7  }
0x1eb: {  	p0 =	sne.s32 s0, $0x7E00;
	v63 =	vld [tilespmem:s30+$0x8510];
	[tilespmem:$0x1FDE0] =	vst v6;
	v6 =	vmul.f32 v27, v12;
	v11 =	vmul.f32 v21, v21  }
.Ltmp1:
0x1ec: {  	[tilespmem:s26+$0x8D20] =	vst v35;
	v25 =	vmul.f32 v60, v60;
	v34 =	vmul.f32 v20, v30;
	(pc) =	sbr.rel @p0 .LBB2_4-.Ltmp1, $4  }
0x1ed: {  	v49 =	vmov v44;
	v44 =	vld [tilespmem:s30+$0x8560];
	[tilespmem:s26+$0x8D30] =	vst v8;
	v27 =	vmul.f32 v54, v54;
	v28 =	vmul.f32 v57, v57  }
0x1ee: {  	v51 =	vmovc v43;
	v43 =	vld [tilespmem:s30+$0x8570];
	[tilespmem:s26+$0x8D60] =	vst v38;
	s26 =	smov.u32 s28;
	s28 =	smov.u32 s30;
	v38 =	vmul.f32 v40, v40;
	v19 =	vmul.f32 v24, v24;
	v8 =	vsub.f32 $1.500000000e+00, v34  }
0x1ef: {  	v47 =	vmov v41;
	v41 =	vld [tilespmem:s28+$0x8950];
	v35 =	vmul.f32 v0, v0;
	v30 =	vmul.f32 v55, v55  }
0x1f0: {  	s0 =	sadd.s32 $0x200, s0;
	v48 =	vmov v45;
	v45 =	vld [tilespmem:s28+$0x8960];
	v34 =	vmul.f32 v63, v63;
	v20 =	vmul.f32 v20, v8  }
0x1f1: {  	v8 =	vadd.f32 v33, v25;
	v27 =	vadd.f32 v36, v27  }
0x1f2: {  	v28 =	vadd.f32 v38, v28;
	v30 =	vadd.f32 v37, v30  }
0x1f3: {  	v25 =	vadd.f32 v34, v26;
	v26 =	vadd.f32 v35, v29;
	v34 =	vld [tilespmem:s28+$0x8970]  }
0x1f4: {  	v14 =	vld [tilespmem:s28+$0x8D60];
	v29 =	vmul.f32 v44, v44;
	v8 =	vadd.f32 v9, v8;
	v18 =	vadd.f32 v18, v27  }
0x1f5: {  	v36 =	vmul.f32 v43, v43;
	v19 =	vadd.f32 v19, v28;
	v10 =	vadd.f32 v10, v26;
	v26 =	vld [tilespmem:s28+$0x8D70]  }
0x1f6: {  	v29 =	vadd.f32 v29, v31;
	v9 =	vadd.f32 v11, v25;
	v11 =	vmul.f32 v41, v41  }
0x1f7: {  	v31 =	vadd.f32 v36, v32;
	v25 =	vmul.f32 v45, v45;
	v1 =	vadd.f32 v1, v8  }
0x1f8: {  	v5 =	vadd.f32 v5, v18;
	v4 =	vadd.f32 v4, v19;
	v27 =	vmul.f32 v34, v34  }
0x1f9: {  	v11 =	vadd.f32 v11, v30;
	v2 =	vadd.f32 v2, v9;
	v8 =	vmul.f32 v14, v14  }
0x1fa: {  	v25 =	vadd.f32 v25, v29;
	v27 =	vadd.f32 v27, v31;
	v9 =	vmul.f32 v26, v26  }
0x1fb: {  	v3 =	vadd.f32 v3, v10;
	v6 =	vadd.f32 v6, v11  }
0x1fc: {  	v8 =	vadd.f32 v8, v25;
	v9 =	vadd.f32 v9, v27  }
0x1fd: {  	v1 =	vadd.f32 v2, v1;
	v2 =	vadd.f32 v5, v3  }
0x1fe: {  	v5 =	vmul.f32 v20, v7;
	v3 =	vadd.f32 v6, v4;
	v4 =	vadd.f32 v9, v8;
	_ =	sdelay $0x1  }
0x1ff: {  	v25 =	vld [tilespmem:$0x1FFC0];
	v1 =	vadd.f32 v2, v1;
	v2 =	vadd.f32 v4, v3;
	v3 =	vmul.f32 v5, v20;
	_ =	sdelay $0x1  }
0x200: {  	v1 =	vadd.f32 v2, v1;
	v2 =	vsub.f32 $1.500000000e+00, v3;
	_ =	sdelay $0x1  }
0x201: {  	v2 =	vmul.f32 v2, v20  }
0x202: {  	v3 =	vperm.xlane v1, v25  }
0x203: {  	v2 =	vmin.f32 v2, $1.000000000e+06  }
0x204: {  	v4 =	vld [tilespmem:$0x1FCF0];
	v1 =	vadd.f32 v1, v3;
	v3 =	vmul.f32 v2, v13;
	_ =	sdelay $0x1  }
0x205: {  	v27 =	vld [tilespmem:$0x1FFD0];
	[tilespmem:s26+$0x8D70] =	vst v3  }
0x206: {  	v3 =	vld [tilespmem:$0x1FD00];
	_ =	sdelay $0x1  }
0x207: {  	v4 =	vmul.f32 v2, v4;
	_ =	sdelay $0x1  }
0x208: {  	[tilespmem:s26+$0x8100] =	vst v4  }
0x209: {  	v4 =	vld [tilespmem:$0x1FD10];
	v3 =	vmul.f32 v2, v3;
	_ =	sdelay $0x1  }
0x20a: {  	[tilespmem:s26+$0x8110] =	vst v3  }
0x20b: {  	v3 =	vld [tilespmem:$0x1FD20];
	_ =	sdelay $0x1  }
0x20c: {  	v4 =	vmul.f32 v2, v4;
	_ =	sdelay $0x1  }
0x20d: {  	[tilespmem:s26+$0x8120] =	vst v4  }
0x20e: {  	v4 =	vld [tilespmem:$0x1FD30];
	v3 =	vmul.f32 v2, v3  }
0x20f: {  	v28 =	vld [tilespmem:$0x1FFE0]  }
0x210: {  	v6 =	vld [tilespmem:$0x1FD40];
	[tilespmem:s26+$0x8130] =	vst v3  }
0x211: {  	v3 =	vld [tilespmem:$0x1FD50]  }
0x212: {  	v5 =	vperm.xlane v1, v27;
	_ =	sdelay $0x1  }
0x213: {  	v1 =	vadd.f32 v1, v5;
	v4 =	vmul.f32 v2, v4  }
0x214: {  	v6 =	vmul.f32 v2, v6  }
0x215: {  	v5 =	vperm.xlane v1, v28;
	[tilespmem:s26+$0x8140] =	vst v4;
	v3 =	vmul.f32 v2, v3  }
0x216: {  	v4 =	vld [tilespmem:$0x1FD60];
	[tilespmem:s26+$0x8150] =	vst v6  }
0x217: {  	v1 =	vadd.f32 v1, v5;
	v5 =	vld [tilespmem:$0x1FD70];
	[tilespmem:s26+$0x8160] =	vst v3  }
0x218: {  	v29 =	vld [tilespmem:$0x1FFF0];
	_ =	sdelay $0x2  }
0x219: {  	v4 =	vmul.f32 v2, v4  }
0x21a: {  	v5 =	vmul.f32 v2, v5;
	v6 =	vld [tilespmem:$0x1FD80]  }
0x21b: {  	[tilespmem:s26+$0x8170] =	vst v4;
	v3 =	vperm.xlane v1, v29  }
0x21c: {  	v4 =	vld [tilespmem:$0x1FD90];
	[tilespmem:s26+$0x8500] =	vst v5  }
0x21d: {  	v1 =	vadd.f32 v1, v3;
	v3 =	vld [tilespmem:$0x1FDA0];
	_ =	sdelay $0x1  }
0x21e: {  	v6 =	vmul.f32 v2, v6  }
0x21f: {  	v5 =	vmul.f32 v2, v52  }
0x220: {  	v4 =	vmul.f32 v2, v4;
	[tilespmem:s26+$0x8510] =	vst v6  }
0x221: {  	[tilespmem:s26+$0x8540] =	vst v5;
	v3 =	vmul.f32 v2, v3  }
0x222: {  	v6 =	vmul.f32 v2, v50;
	[tilespmem:s26+$0x8520] =	vst v4;
	v4 =	vmul.f32 $5.000000000e-01, v1;
	v1 =	vshra.s32 v1, $0x1  }
0x223: {  	v1 =	vsub.s32 $0x5F3759DF, v1;
	[tilespmem:s26+$0x8530] =	vst v3;
	v3 =	vmul.f32 v2, v49  }
0x224: {  	[tilespmem:s26+$0x8550] =	vst v6;
	v5 =	vmul.f32 v1, v4  }
0x225: {  	v6 =	vld [tilespmem:$0x1FCB0];
	[tilespmem:s26+$0x8560] =	vst v3  }
0x226: {  	v3 =	vmul.f32 v1, v5;
	v5 =	vld [tilespmem:$0x1FCC0];
	_ =	sdelay $0x2  }
0x227: {  	v7 =	vmul.f32 v2, v51  }
0x228: {  	v6 =	vmul.f32 v2, v6  }
0x229: {  	[tilespmem:s26+$0x8570] =	vst v7;
	v5 =	vmul.f32 v2, v5  }
0x22a: {  	v7 =	vld [tilespmem:$0x1FCD0];
	[tilespmem:s26+$0x8900] =	vst v6  }
0x22b: {  	v6 =	vld [tilespmem:$0x1FCE0];
	[tilespmem:s26+$0x8910] =	vst v5  }
0x22c: {  	v5 =	vld [tilespmem:$0x1FDB0];
	_ =	sdelay $0x2  }
0x22d: {  	v7 =	vmul.f32 v2, v7  }
0x22e: {  	v6 =	vmul.f32 v2, v6  }
0x22f: {  	[tilespmem:s26+$0x8920] =	vst v7;
	v5 =	vmul.f32 v2, v5  }
0x230: {  	[tilespmem:s26+$0x8930] =	vst v6  }
0x231: {  	[tilespmem:s26+$0x8940] =	vst v5  }
0x232: {  	v3 =	vsub.f32 $1.500000000e+00, v3;
	v5 =	vld [tilespmem:$0x1FDC0];
	_ =	sdelay $0x1  }
0x233: {  	v1 =	vmul.f32 v1, v3;
	v3 =	vmul.f32 v2, v47  }
0x234: {  	v6 =	vmul.f32 v2, v48  }
0x235: {  	[tilespmem:s26+$0x8950] =	vst v3  }
0x236: {  	[tilespmem:s26+$0x8960] =	vst v6;
	v5 =	vmul.f32 v2, v5  }
0x237: {  	v4 =	vmul.f32 v1, v4;
	v6 =	vld [tilespmem:$0x1FC80]  }
0x238: {  	v3 =	vmul.f32 v2, v42;
	[tilespmem:s26+$0x8970] =	vst v5  }
0x239: {  	v4 =	vmul.f32 v4, v1;
	v5 =	vld [tilespmem:$0x1FC90]  }
0x23a: {  	[tilespmem:s26+$0x8D00] =	vst v3  }
0x23b: {  	v3 =	vsub.f32 $1.500000000e+00, v4;
	v4 =	vld [tilespmem:$0x1FCA0]  }
0x23c: {  	v6 =	vmul.f32 v2, v6;
	_ =	sdelay $0x1  }
0x23d: {  	[tilespmem:s26+$0x8D10] =	vst v6;
	v1 =	vmul.f32 v3, v1;
	v5 =	vmul.f32 v2, v5  }
0x23e: {  	v6 =	vld [tilespmem:$0x1FDD0]  }
0x23f: {  	v1 =	vmin.f32 v1, $1.000000000e+06;
	v4 =	vmul.f32 v2, v4;
	[tilespmem:s26+$0x8D20] =	vst v5  }
0x240: {  	v0 =	vmul.f32 v1, v0;
	v3 =	vld [tilespmem:$0x1FDE0]  }
0x241: {  	[tilespmem:s26+$0x8D30] =	vst v4  }
0x242: {  	v4 =	vld [tilespmem:$0x1FDF0];
	[tilespmem:s28+$0x8520] =	vst v0;
	v0 =	vmul.f32 v1, v39  }
0x243: {  	v6 =	vmul.f32 v2, v6  }
0x244: {  	[tilespmem:s28+$0x8550] =	vst v0;
	v0 =	vmul.f32 v1, v46  }
0x245: {  	[tilespmem:s26+$0x8D40] =	vst v6;
	v3 =	vmul.f32 v2, v3  }
0x246: {  	[tilespmem:s28+$0x8900] =	vst v0;
	v0 =	vmul.f32 v1, v23  }
0x247: {  	v2 =	vmul.f32 v2, v4;
	[tilespmem:s26+$0x8D50] =	vst v3  }
0x248: {  	v4 =	vmul.f32 v1, v55;
	[tilespmem:s28+$0x8930] =	vst v0  }
0x249: {  	v3 =	vmul.f32 v1, v26;
	[tilespmem:s26+$0x8D60] =	vst v2  }
0x24a: {  	v0 =	vmul.f32 v1, v45;
	[tilespmem:s28+$0x8150] =	vst v4  }
0x24b: {  	v2 =	vmul.f32 v1, v60;
	[tilespmem:s28+$0x8D70] =	vst v3  }
0x24c: {  	v4 =	vmul.f32 v1, v62;
	[tilespmem:s28+$0x8960] =	vst v0  }
0x24d: {  	v3 =	vmul.f32 v1, v53;
	[tilespmem:s28+$0x8100] =	vst v2  }
0x24e: {  	v2 =	vmul.f32 v1, v56;
	[tilespmem:s28+$0x8500] =	vst v4  }
0x24f: {  	[tilespmem:s28+$0x8110] =	vst v3;
	v3 =	vmul.f32 v1, v54  }
0x250: {  	[tilespmem:s28+$0x8120] =	vst v2;
	v2 =	vmul.f32 v1, v57  }
0x251: {  	[tilespmem:s28+$0x8130] =	vst v3;
	v3 =	vmul.f32 v1, v58  }
0x252: {  	[tilespmem:s28+$0x8140] =	vst v2;
	v2 =	vmul.f32 v1, v61  }
0x253: {  	[tilespmem:s28+$0x8160] =	vst v3;
	v3 =	vmul.f32 v1, v63  }
0x254: {  	[tilespmem:s28+$0x8170] =	vst v2;
	v2 =	vmul.f32 v1, v59  }
0x255: {  	[tilespmem:s28+$0x8510] =	vst v3;
	v3 =	vmul.f32 v1, v40  }
0x256: {  	[tilespmem:s28+$0x8530] =	vst v2;
	v2 =	vmul.f32 v1, v44  }
0x257: {  	[tilespmem:s28+$0x8540] =	vst v3;
	v3 =	vmul.f32 v1, v43  }
0x258: {  	[tilespmem:s28+$0x8560] =	vst v2;
	v2 =	vmul.f32 v1, v21  }
0x259: {  	[tilespmem:s28+$0x8570] =	vst v3;
	v3 =	vmul.f32 v1, v22  }
0x25a: {  	[tilespmem:s28+$0x8910] =	vst v2;
	v2 =	vmul.f32 v1, v24  }
0x25b: {  	[tilespmem:s28+$0x8920] =	vst v3;
	v3 =	vmul.f32 v1, v41  }
0x25c: {  	[tilespmem:s28+$0x8940] =	vst v2;
	v2 =	vmul.f32 v1, v34  }
0x25d: {  	[tilespmem:s28+$0x8950] =	vst v3;
	v3 =	vmul.f32 v1, v16  }
0x25e: {  	v0 =	vmul.f32 v1, v15;
	[tilespmem:s28+$0x8970] =	vst v2  }
0x25f: {  	[tilespmem:s28+$0x8D00] =	vst v3  }
0x260: {  	v3 =	vld [tilespmem:$0x1FE00];
	[tilespmem:s28+$0x8D10] =	vst v0  }
0x261: {  	v0 =	vld [tilespmem:$0x1FE10]  }
0x262: {  	v2 =	vmul.f32 v1, v17;
	_ =	sdelay $0x1  }
0x263: {  	[tilespmem:s28+$0x8D20] =	vst v2;
	v2 =	vmul.f32 v1, v12  }
0x264: {  	v3 =	vmul.f32 v1, v3  }
0x265: {  	[tilespmem:s28+$0x8D50] =	vst v2;
	v0 =	vmul.f32 v1, v0  }
0x266: {  	v1 =	vmul.f32 v1, v14;
	[tilespmem:s28+$0x8D30] =	vst v3  }
0x267: {  	[tilespmem:s28+$0x8D40] =	vst v0  }
0x268: {  	s0 =	simm.s32 $0x0;
	[tilespmem:s28+$0x8D60] =	vst v1  }
0x269: {  	[hbm4b:s7+s0] =	stream.linear.scatter [tilespmem:s17], [sflag:$0x5], $0x8000, $0x38;
	[tilespmem:$0x18100] =	vst v63  }
0x26a: {  	s5 =	sadd.s32 $0x14000, s25;
	_ =	swait.ge [sflag:s20], $0x4000  }
0x26b: {  	s5 =	sshrl.u32 s5, $0x3;
	[sflag:s20] =	ssyncset.done $0x0  }
0x26c: {  	s5 =	sadd.s32 s1, s5;
	[sflag:s20] =	ssyncadd.s32 $0xFFFFC000  }
0x26d: {  	[tilespmem:s16], [sflag:$0x1] =	stream.linear.gather [hbm4b:s5+s0], $0x8000, $0x38;
	[tilespmem:$0x18100] =	vst v63  }
0x26e: {  	_ =	swait.ge [sflag:s21], $0x8000  }
0x26f: {  	s26 =	sand.u32 $0x7000, s0;
	s0 =	sand.u32 $0x380, s0;
	[sflag:s21] =	ssyncset.done $0x0  }
0x270: {  	s29 =	sor.u32 s0, s26;
	[sflag:s21] =	ssyncadd.s32 $0xFFFF8000  }
0x271: {  	s26 =	sadd.s32 $0x10100, s29;
	v0 =	vld [tilespmem:s29+$0x10100]  }
0x272: {  	v38 =	vld [tilespmem:s26+$0xC00]  }
0x273: {  	v39 =	vld [tilespmem:s26+$0xC10]  }
0x274: {  	v44 =	vld [tilespmem:s26+$0xC20]  }
0x275: {  	v48 =	vld [tilespmem:s26+$0xC30]  }
0x276: {  	v5 =	vld [tilespmem:s26+$0x800]  }
0x277: {  	v6 =	vld [tilespmem:s26+$0x810]  }
0x278: {  	v7 =	vld [tilespmem:s26+$0x820]  }
0x279: {  	v8 =	vld [tilespmem:s26+$0x830]  }
0x27a: {  	v9 =	vld [tilespmem:s26+$0x10]  }
0x27b: {  	v10 =	vld [tilespmem:s26+$0x20]  }
0x27c: {  	v11 =	vld [tilespmem:s26+$0x30]  }
0x27d: {  	v12 =	vld [tilespmem:s26+$0x40]  }
0x27e: {  	v13 =	vld [tilespmem:s26+$0x50]  }
0x27f: {  	v14 =	vld [tilespmem:s26+$0x60]  }
0x280: {  	v15 =	vld [tilespmem:s26+$0x70];
	[tilespmem:$0x1FB00] =	vst v0  }
0x281: {  	v16 =	vld [tilespmem:s26+$0x400]  }
0x282: {  	v17 =	vld [tilespmem:s26+$0x410];
	[tilespmem:$0x1FB10] =	vst v5  }
0x283: {  	v18 =	vld [tilespmem:s26+$0x420];
	[tilespmem:$0x1FB20] =	vst v6  }
0x284: {  	[tilespmem:$0x1FB30] =	vst v7  }
0x285: {  	v50 =	vld [tilespmem:s26+$0x430];
	[tilespmem:$0x1FB40] =	vst v8  }
0x286: {  	[tilespmem:$0x1FB50] =	vst v9  }
0x287: {  	v0 =	vmul.f32 v0, v0;
	v53 =	vld [tilespmem:s26+$0x440];
	[tilespmem:$0x1FB60] =	vst v10  }
0x288: {  	v1 =	vmul.f32 v38, v38;
	v2 =	vmul.f32 v39, v39;
	[tilespmem:$0x1FB70] =	vst v11  }
0x289: {  	v3 =	vmul.f32 v44, v44;
	v4 =	vmul.f32 v48, v48;
	v51 =	vld [tilespmem:s26+$0x450];
	[tilespmem:$0x1FB80] =	vst v12  }
0x28a: {  	v5 =	vmul.f32 v5, v5;
	v6 =	vmul.f32 v6, v6;
	v49 =	vld [tilespmem:s26+$0x460];
	[tilespmem:$0x1FB90] =	vst v13  }
0x28b: {  	v7 =	vmul.f32 v7, v7;
	v8 =	vmul.f32 v8, v8;
	[tilespmem:$0x1FBA0] =	vst v14  }
0x28c: {  	v9 =	vmul.f32 v9, v9;
	v10 =	vmul.f32 v10, v10;
	v52 =	vld [tilespmem:s26+$0x470];
	[tilespmem:$0x1FBB0] =	vst v15  }
0x28d: {  	v11 =	vmul.f32 v11, v11;
	v12 =	vmul.f32 v12, v12;
	v24 =	vld [tilespmem:s26+$0x840];
	[tilespmem:$0x1FBC0] =	vst v16  }
0x28e: {  	v13 =	vmul.f32 v13, v13;
	v16 =	vmul.f32 v16, v16;
	[tilespmem:$0x1FBD0] =	vst v17  }
0x28f: {  	v17 =	vmul.f32 v17, v17;
	[tilespmem:$0x1FBE0] =	vst v18;
	v18 =	vmul.f32 v18, v18  }
0x290: {  	v19 =	vmul.f32 v50, v50;
	v22 =	vld [tilespmem:s26+$0x860];
	v20 =	vmul.f32 v53, v53  }
0x291: {  	v31 =	vld [tilespmem:s26+$0x850];
	v21 =	vmul.f32 v51, v51;
	v0 =	vadd.f32 v16, v0;
	v9 =	vadd.f32 v17, v9  }
0x292: {  	v14 =	vmul.f32 v14, v14;
	v23 =	vld [tilespmem:s26+$0x870];
	v10 =	vadd.f32 v18, v10;
	v11 =	vadd.f32 v19, v11  }
0x293: {  	v15 =	vmul.f32 v15, v15;
	v26 =	vld [tilespmem:s26+$0xC40];
	v12 =	vadd.f32 v20, v12;
	v13 =	vadd.f32 v21, v13  }
0x294: {  	v30 =	vld [tilespmem:s26+$0xC50];
	v16 =	vmul.f32 v49, v49;
	v0 =	vadd.f32 v5, v0;
	v5 =	vadd.f32 v6, v9;
	[tilespmem:$0x1FBF0] =	vst v24  }
0x295: {  	v63 =	vmul.f32 v52, v52;
	v7 =	vadd.f32 v7, v10;
	v8 =	vadd.f32 v8, v11;
	v19 =	vld [tilespmem:s26+$0xC60];
	[tilespmem:$0x1FC00] =	vst v22  }
0x296: {  	v18 =	vmul.f32 v24, v24;
	v14 =	vadd.f32 v16, v14;
	v16 =	vmul.f32 v31, v31;
	v20 =	vld [tilespmem:s26+$0xC70]  }
0x297: {  	v15 =	vadd.f32 v63, v15;
	v21 =	vmul.f32 v22, v22;
	v0 =	vadd.f32 v1, v0  }
0x298: {  	v6 =	vmul.f32 v23, v23;
	v1 =	vadd.f32 v2, v5;
	v2 =	vadd.f32 v3, v7  }
0x299: {  	v9 =	vmul.f32 v26, v26;
	v3 =	vadd.f32 v4, v8;
	v10 =	vadd.f32 v18, v12  }
0x29a: {  	v12 =	vmul.f32 v30, v30;
	v11 =	vadd.f32 v16, v13;
	v13 =	vadd.f32 v21, v14  }
0x29b: {  	v6 =	vadd.f32 v6, v15;
	v14 =	vmul.f32 v19, v19;
	v4 =	vmul.f32 v20, v20  }
0x29c: {  	v5 =	vadd.f32 v9, v10;
	v7 =	vadd.f32 v12, v11  }
0x29d: {  	v8 =	vadd.f32 v14, v13;
	v4 =	vadd.f32 v4, v6  }
0x29e: {  	v0 =	vadd.f32 v1, v0;
	v1 =	vadd.f32 v3, v2  }
0x29f: {  	v2 =	vadd.f32 v7, v5;
	v3 =	vadd.f32 v4, v8;
	_ =	sdelay $0x1  }
0x2a0: {  	v0 =	vadd.f32 v1, v0;
	v1 =	vadd.f32 v3, v2;
	_ =	sdelay $0x1  }
0x2a1: {  	[tilespmem:$0x1FC10] =	vst v23;
	v0 =	vadd.f32 v1, v0  }
0x2a2: {  	s31 =	simm.s32 $0x80;
	s5 =	simm.s32 $0x200;
	[tilespmem:$0x1FC20] =	vst v26  }
0x2a3: {  	s0 =	sand.u32 $0x7000, s5;
	s5 =	sand.u32 $0x380, s31;
	[tilespmem:$0x1FC30] =	vst v30;
	v1 =	vperm.xlane v0, v25  }
0x2a4: {  	s30 =	sor.u32 s5, s0;
	[tilespmem:$0x1FC40] =	vst v19  }
0x2a5: {  	s28 =	sadd.s32 $0x10100, s30;
	v40 =	vld [tilespmem:s30+$0x10100];
	v0 =	vadd.f32 v0, v1  }
0x2a6: {  	v7 =	vld [tilespmem:s28+$0xC20]  }
0x2a7: {  	v12 =	vld [tilespmem:s28+$0xC50];
	v1 =	vperm.xlane v0, v27  }
0x2a8: {  	v22 =	vld [tilespmem:s28+$0x800]  }
0x2a9: {  	v23 =	vld [tilespmem:s28+$0x810];
	v0 =	vadd.f32 v0, v1  }
0x2aa: {  	v24 =	vld [tilespmem:s28+$0x820]  }
0x2ab: {  	v54 =	vld [tilespmem:s28+$0x10];
	v1 =	vperm.xlane v0, v28  }
0x2ac: {  	v57 =	vld [tilespmem:s28+$0x20]  }
0x2ad: {  	v55 =	vld [tilespmem:s28+$0x30];
	v0 =	vadd.f32 v0, v1  }
0x2ae: {  	v58 =	vld [tilespmem:s28+$0x40]  }
0x2af: {  	v4 =	vld [tilespmem:s28+$0xC00];
	v1 =	vperm.xlane v0, v29  }
0x2b0: {  	v3 =	vld [tilespmem:s28+$0xC10]  }
0x2b1: {  	v13 =	vld [tilespmem:s28+$0xC30];
	v0 =	vadd.f32 v0, v1  }
0x2b2: {  	v14 =	vld [tilespmem:s28+$0xC40]  }
0x2b3: {  	v27 =	vld [tilespmem:s28+$0x840];
	v6 =	vmul.f32 $5.000000000e-01, v0;
	v0 =	vshra.s32 v0, $0x1  }
0x2b4: {  	v9 =	vmul.f32 v40, v40;
	v10 =	vmul.f32 v22, v22;
	v28 =	vld [tilespmem:s28+$0x830];
	[tilespmem:$0x1FC50] =	vst v4;
	v0 =	vsub.s32 $0x5F3759DF, v0  }
0x2b5: {  	v11 =	vmul.f32 v23, v23;
	v56 =	vld [tilespmem:s28+$0x50];
	[tilespmem:$0x1FC60] =	vst v3;
	v2 =	vmul.f32 v0, v6  }
0x2b6: {  	v18 =	vmul.f32 v24, v24;
	v33 =	vmul.f32 v57, v57;
	v59 =	vld [tilespmem:s28+$0x60];
	[tilespmem:$0x1FC70] =	vst v7  }
0x2b7: {  	v26 =	vmul.f32 v55, v55;
	v60 =	vld [tilespmem:s28+$0x70];
	v5 =	vmul.f32 v0, v2  }
0x2b8: {  	v63 =	vmul.f32 v13, v13;
	v25 =	vmul.f32 v54, v54;
	v61 =	vld [tilespmem:s28+$0x400]  }
0x2b9: {  	v62 =	vld [tilespmem:s28+$0x410];
	v2 =	vmul.f32 v3, v3;
	v3 =	vmul.f32 v7, v7;
	v7 =	vsub.f32 $1.500000000e+00, v5  }
0x2ba: {  	v19 =	vmul.f32 v27, v27;
	v41 =	vld [tilespmem:s28+$0x430];
	v29 =	vmul.f32 v58, v58  }
0x2bb: {  	v16 =	vmov v20;
	v20 =	vmul.f32 v28, v28;
	v21 =	vmul.f32 v0, v7;
	v0 =	vld [tilespmem:s28+$0x420]  }
0x2bc: {  	v43 =	vld [tilespmem:s28+$0x440];
	v1 =	vmul.f32 v4, v4;
	v4 =	vmul.f32 v14, v14  }
0x2bd: {  	v17 =	vmov v31;
	v42 =	vld [tilespmem:s28+$0x450];
	v30 =	vmul.f32 v56, v56;
	v31 =	vmul.f32 v59, v59  }
0x2be: {  	v47 =	vld [tilespmem:s28+$0x460];
	v32 =	vmul.f32 v60, v60;
	v34 =	vmul.f32 v61, v61  }
0x2bf: {  	v46 =	vld [tilespmem:s28+$0x470];
	v35 =	vmul.f32 v62, v62;
	v37 =	vmul.f32 v41, v41  }
0x2c0: {  	s0 =	simm.s32 $0x400;
	v45 =	vld [tilespmem:s28+$0x850];
	v5 =	vmul.f32 v12, v12;
	v36 =	vmul.f32 v0, v0  }
.LBB2_6:
0x2c1: {  	_ = 	snop  }
0x2c2: {  	v15 =	vmov v13;
	v13 =	vmov v44;
	v44 =	vmul.f32 v21, v6  }
0x2c3: {  	[tilespmem:$0x1FAE0] =	vst v14;
	v9 =	vadd.f32 v34, v9;
	v25 =	vadd.f32 v35, v25  }
0x2c4: {  	v14 =	vmovc v48;
	v33 =	vadd.f32 v36, v33;
	v26 =	vadd.f32 v37, v26;
	v44 =	vmul.f32 v44, v21  }
0x2c5: {  	v48 =	vmovc v38;
	v10 =	vadd.f32 v10, v9;
	v11 =	vadd.f32 v11, v25;
	v38 =	vmul.f32 v43, v43  }
0x2c6: {  	v18 =	vadd.f32 v18, v33;
	v20 =	vadd.f32 v20, v26  }
0x2c7: {  	[tilespmem:$0x1FAF0] =	vst v12;
	v7 =	vld [tilespmem:s28+$0x870];
	v36 =	vsub.f32 $1.500000000e+00, v44;
	v29 =	vadd.f32 v38, v29  }
0x2c8: {  	v12 =	vmovc v39;
	v39 =	vmul.f32 v42, v42;
	v1 =	vadd.f32 v1, v10;
	v2 =	vadd.f32 v2, v11  }
0x2c9: {  	v34 =	vmul.f32 v47, v47;
	v3 =	vadd.f32 v3, v18;
	v19 =	vadd.f32 v19, v29  }
0x2ca: {  	v11 =	vadd.f32 v63, v20;
	v30 =	vadd.f32 v39, v30  }
0x2cb: {  	v35 =	vmul.f32 v46, v46;
	v31 =	vadd.f32 v34, v31;
	v4 =	vadd.f32 v4, v19;
	v19 =	vld [tilespmem:$0x1FB00]  }
0x2cc: {  	v9 =	vmul.f32 v7, v7;
	v1 =	vadd.f32 v2, v1;
	v2 =	vadd.f32 v11, v3;
	v3 =	vld [tilespmem:$0x1FB60]  }
0x2cd: {  	v34 =	vmul.f32 v45, v45;
	v32 =	vadd.f32 v35, v32;
	v21 =	vmul.f32 v36, v21  }
0x2ce: {  	v8 =	vld [tilespmem:s28+$0x860]  }
0x2cf: {  	v6 =	vld [tilespmem:s28+$0xC60];
	v25 =	vadd.f32 v34, v30;
	v30 =	vadd.f32 v9, v32;
	v9 =	vmin.f32 v21, $1.000000000e+06  }
0x2d0: {  	v44 =	vld [tilespmem:s28+$0xC70];
	v19 =	vmul.f32 v9, v19  }
0x2d1: {  	v3 =	vmul.f32 v9, v3  }
0x2d2: {  	v11 =	vld [tilespmem:$0x1FB90];
	[tilespmem:s29+$0x10100] =	vst v19  }
0x2d3: {  	v35 =	vmul.f32 v8, v8;
	[tilespmem:s26+$0x20] =	vst v3;
	v3 =	vld [tilespmem:$0x1FB80]  }
0x2d4: {  	v26 =	vmul.f32 v6, v6  }
0x2d5: {  	v20 =	vld [tilespmem:$0x1FB50];
	v29 =	vadd.f32 v35, v31;
	v10 =	vmul.f32 v9, v16;
	v18 =	vmul.f32 v44, v44  }
0x2d6: {  	v5 =	vadd.f32 v5, v25;
	v21 =	vmov v40  }
0x2d7: {  	[tilespmem:s26+$0xC70] =	vst v10;
	v10 =	vadd.f32 v26, v29;
	v18 =	vadd.f32 v18, v30;
	v11 =	vmul.f32 v9, v11  }
0x2d8: {  	v63 =	vmov v24;
	v24 =	vmov v28;
	v28 =	vld [tilespmem:$0x1FC00];
	[tilespmem:$0x1FB00] =	vst v21;
	v3 =	vmul.f32 v9, v3  }
0x2d9: {  	v4 =	vadd.f32 v5, v4;
	v5 =	vadd.f32 v18, v10;
	v10 =	vld [tilespmem:$0x1FB70];
	[tilespmem:s26+$0x50] =	vst v11  }
0x2da: {  	v25 =	vmul.f32 v9, v20;
	v30 =	vmov v0;
	[tilespmem:s26+$0x40] =	vst v3;
	v3 =	vld [tilespmem:$0x1FBB0]  }
0x2db: {  	v21 =	vmov v54;
	v11 =	vld [tilespmem:$0x1FBE0];
	[tilespmem:$0x1FBE0] =	vst v30  }
0x2dc: {  	s31 =	sadd.s32 $0x80, s31;
	v1 =	vadd.f32 v2, v1;
	v30 =	vld [tilespmem:$0x1FB40];
	[tilespmem:$0x1FB50] =	vst v21;
	v2 =	vadd.f32 v5, v4  }
0x2dd: {  	s5 =	sand.u32 $0x7000, s0;
	v4 =	vld [tilespmem:$0x1FBA0];
	v18 =	vmov v58;
	s29 =	smov.u32 s30;
	s30 =	sand.u32 $0x380, s31;
	[tilespmem:s26+$0x10] =	vst v25  }
0x2de: {  	s30 =	sor.u32 s30, s5;
	[tilespmem:$0x1FB80] =	vst v18;
	v1 =	vadd.f32 v2, v1;
	v2 =	vld [tilespmem:$0x1FBD0];
	v25 =	vmov v56;
	v10 =	vmul.f32 v9, v10  }
0x2df: {  	v40 =	vld [tilespmem:s30+$0x10100];
	[tilespmem:$0x1FB90] =	vst v25;
	v3 =	vmul.f32 v9, v3  }
0x2e0: {  	v25 =	vld [tilespmem:$0x1FFC0];
	[tilespmem:s26+$0x30] =	vst v10  }
0x2e1: {  	v21 =	vmov v59;
	s5 =	sadd.s32 $0x10100, s30;
	v10 =	vld [tilespmem:$0x1FBC0];
	[tilespmem:s26+$0x70] =	vst v3;
	v3 =	vmul.f32 v9, v51  }
0x2e2: {  	[tilespmem:$0x1FBA0] =	vst v21;
	v5 =	vld [tilespmem:s5+$0xC00];
	v4 =	vmul.f32 v9, v4  }
0x2e3: {  	[tilespmem:s26+$0x450] =	vst v3;
	v3 =	vld [tilespmem:$0x1FC10]  }
0x2e4: {  	v19 =	vmov v55;
	v18 =	vld [tilespmem:s5+$0xC10];
	[tilespmem:s26+$0x60] =	vst v4;
	v4 =	vmul.f32 v9, v50  }
0x2e5: {  	v32 =	vmul.f32 v9, v28;
	[tilespmem:$0x1FB70] =	vst v19;
	v19 =	vld [tilespmem:s5+$0xC20]  }
0x2e6: {  	v28 =	vmovc v8;
	v8 =	vmov v27;
	v21 =	vld [tilespmem:s5+$0xC30];
	v25 =	vperm.xlane v1, v25;
	[tilespmem:s26+$0x430] =	vst v4;
	v10 =	vmul.f32 v9, v10  }
0x2e7: {  	v4 =	vld [tilespmem:$0x1FBF0];
	[tilespmem:$0x1FBF0] =	vst v8  }
0x2e8: {  	v1 =	vadd.f32 v1, v25;
	v25 =	vld [tilespmem:$0x1FB20];
	[tilespmem:s26+$0x400] =	vst v10;
	v8 =	vmul.f32 v9, v3;
	v3 =	vmov v7  }
0x2e9: {  	v31 =	vmov v23;
	v10 =	vmul.f32 v9, v49;
	[tilespmem:$0x1FC10] =	vst v3;
	v3 =	vld [tilespmem:$0x1FC50]  }
0x2ea: {  	[tilespmem:$0x1FB20] =	vst v31;
	v31 =	vld [tilespmem:$0x1FFD0]  }
0x2eb: {  	[tilespmem:s26+$0x460] =	vst v10;
	v10 =	vld [tilespmem:$0x1FC60]  }
0x2ec: {  	v0 =	vld [tilespmem:s5+$0xC50]  }
0x2ed: {  	v20 =	vmovc v57;
	v26 =	vmov v61;
	v61 =	vmov v62;
	v62 =	vmov v22;
	v22 =	vld [tilespmem:s5+$0x800]  }
0x2ee: {  	[tilespmem:$0x1FB60] =	vst v20;
	v20 =	vmul.f32 v9, v53;
	v38 =	vmov v3;
	v3 =	vld [tilespmem:$0x1FFE0]  }
0x2ef: {  	[tilespmem:$0x1FC00] =	vst v28;
	v23 =	vld [tilespmem:s5+$0x810];
	v31 =	vperm.xlane v1, v31  }
0x2f0: {  	[tilespmem:s26+$0x440] =	vst v20;
	v39 =	vmov v10;
	v10 =	vld [tilespmem:$0x1FC70]  }
0x2f1: {  	v20 =	vmul.f32 v9, v17;
	[tilespmem:$0x1FB40] =	vst v24;
	v24 =	vld [tilespmem:s5+$0x820];
	v1 =	vadd.f32 v1, v31  }
0x2f2: {  	[tilespmem:$0x1FBD0] =	vst v61;
	v28 =	vld [tilespmem:s5+$0x830]  }
0x2f3: {  	v27 =	vld [tilespmem:s5+$0x840];
	[tilespmem:s26+$0x850] =	vst v20;
	v3 =	vperm.xlane v1, v3  }
0x2f4: {  	[tilespmem:$0x1FBC0] =	vst v26;
	v26 =	vld [tilespmem:s5+$0xC40];
	v2 =	vmul.f32 v9, v2  }
0x2f5: {  	v16 =	vmovc v44;
	v11 =	vmul.f32 v9, v11;
	[tilespmem:s26+$0x860] =	vst v32;
	v44 =	vmov v10;
	v10 =	vadd.f32 v1, v3;
	v1 =	vld [tilespmem:$0x1FC40]  }
0x2f6: {  	[tilespmem:s26+$0x410] =	vst v2;
	v2 =	vld [tilespmem:$0x1FB10]  }
0x2f7: {  	v30 =	vmul.f32 v9, v30;
	[tilespmem:s26+$0x420] =	vst v11;
	v11 =	vld [tilespmem:$0x1FB30]  }
0x2f8: {  	v33 =	vmul.f32 v9, v12;
	[tilespmem:$0x1FB30] =	vst v63;
	v54 =	vld [tilespmem:s5+$0x10]  }
0x2f9: {  	[tilespmem:s26+$0x830] =	vst v30;
	v57 =	vld [tilespmem:s5+$0x20]  }
0x2fa: {  	v34 =	vmul.f32 v9, v13;
	[tilespmem:s26+$0xC10] =	vst v33;
	v12 =	vmovc v5;
	v3 =	vld [tilespmem:$0x1FFF0];
	v37 =	vmul.f32 v9, v1;
	v1 =	vmov v6  }
0x2fb: {  	v2 =	vmul.f32 v9, v2;
	[tilespmem:$0x1FC40] =	vst v1;
	v1 =	vmul.f32 v5, v12;
	v5 =	vld [tilespmem:$0x1FAE0]  }
0x2fc: {  	[tilespmem:s26+$0xC20] =	vst v34;
	v61 =	vld [tilespmem:s5+$0x400]  }
0x2fd: {  	v29 =	vmov v60;
	[tilespmem:s26+$0x800] =	vst v2;
	v2 =	vld [tilespmem:$0x1FC20]  }
0x2fe: {  	[tilespmem:$0x1FBB0] =	vst v29;
	v29 =	vmul.f32 v9, v52;
	v58 =	vld [tilespmem:s5+$0x40]  }
0x2ff: {  	[tilespmem:$0x1FB10] =	vst v62;
	v20 =	vmul.f32 v28, v28;
	v11 =	vmul.f32 v9, v11;
	v56 =	vld [tilespmem:s5+$0x50]  }
0x300: {  	v13 =	vmovc v21;
	[tilespmem:s26+$0x470] =	vst v29;
	v4 =	vmul.f32 v9, v4;
	v6 =	vperm.xlane v10, v3;
	v3 =	vmov v5;
	v5 =	vld [tilespmem:$0x1FAF0]  }
0x301: {  	v63 =	vmul.f32 v21, v13;
	[tilespmem:s26+$0x820] =	vst v11;
	v25 =	vmul.f32 v9, v25;
	v59 =	vld [tilespmem:s5+$0x60]  }
0x302: {  	v11 =	vmul.f32 v23, v23;
	v62 =	vld [tilespmem:s5+$0x410];
	v33 =	vmul.f32 v57, v57;
	[tilespmem:s26+$0x840] =	vst v4  }
0x303: {  	v31 =	vmul.f32 v9, v48;
	[tilespmem:s26+$0x810] =	vst v25;
	v60 =	vld [tilespmem:s5+$0x70];
	v25 =	vmul.f32 v54, v54  }
0x304: {  	v34 =	vmul.f32 v61, v61;
	v35 =	vmul.f32 v9, v2;
	v2 =	vld [tilespmem:$0x1FC30];
	[tilespmem:$0x1FC50] =	vst v12;
	v12 =	vmov v0  }
0x305: {  	v29 =	vmul.f32 v58, v58;
	v4 =	vmovc v5;
	v5 =	vmul.f32 v0, v12;
	v0 =	vadd.f32 v10, v6  }
0x306: {  	[tilespmem:s26+$0xC00] =	vst v31;
	v30 =	vmul.f32 v56, v56;
	v31 =	vmul.f32 v59, v59  }
0x307: {  	v50 =	vmovc v41;
	v41 =	vld [tilespmem:s5+$0x430];
	v7 =	vmul.f32 v9, v14;
	[tilespmem:s26+$0xC40] =	vst v35;
	v6 =	vmul.f32 $5.000000000e-01, v0;
	v21 =	vshra.s32 v0, $0x1  }
0x308: {  	v32 =	vmul.f32 v60, v60;
	v35 =	vmul.f32 v62, v62;
	[tilespmem:s26+$0x870] =	vst v8;
	v8 =	vsub.s32 $0x5F3759DF, v21  }
0x309: {  	v55 =	vld [tilespmem:s5+$0x30];
	[tilespmem:s26+$0xC30] =	vst v7;
	v36 =	vmul.f32 v9, v2;
	v2 =	vmov v18;
	v21 =	vmul.f32 v8, v6  }
0x30a: {  	p0 =	sne.s32 s0, $0x7E00;
	[tilespmem:$0x1FC60] =	vst v2;
	v2 =	vmul.f32 v18, v2;
	v18 =	vmul.f32 v24, v24;
	v0 =	vld [tilespmem:s5+$0x420]  }
.Ltmp2:
0x30b: {  	v53 =	vmovc v43;
	v17 =	vmov v19;
	v43 =	vld [tilespmem:s5+$0x440];
	v9 =	vmul.f32 v40, v40;
	[tilespmem:s26+$0xC60] =	vst v37;
	v21 =	vmul.f32 v8, v21;
	(pc) =	sbr.rel @p0 .LBB2_6-.Ltmp2, $4  }
0x30c: {  	v49 =	vmovc v47;
	v51 =	vmov v42;
	v42 =	vld [tilespmem:s5+$0x450];
	v37 =	vmul.f32 v41, v41;
	[tilespmem:$0x1FC20] =	vst v3;
	v3 =	vmul.f32 v19, v17  }
0x30d: {  	v47 =	vld [tilespmem:s5+$0x460];
	v14 =	vmovc v26;
	[tilespmem:s26+$0xC50] =	vst v36;
	v19 =	vmul.f32 v27, v27;
	v10 =	vmul.f32 v22, v22;
	v7 =	vsub.f32 $1.500000000e+00, v21  }
0x30e: {  	v52 =	vmov v46;
	v46 =	vld [tilespmem:s5+$0x470];
	s26 =	smov.u32 s28;
	s28 =	smov.u32 s5;
	[tilespmem:$0x1FC30] =	vst v4;
	v4 =	vmul.f32 v26, v14;
	v26 =	vmul.f32 v55, v55  }
0x30f: {  	s0 =	sadd.s32 $0x200, s0;
	v48 =	vmovc v15;
	[tilespmem:$0x1FC70] =	vst v17;
	v17 =	vmov v45;
	v45 =	vld [tilespmem:s28+$0x850];
	v36 =	vmul.f32 v0, v0;
	v21 =	vmul.f32 v8, v7  }
0x310: {  	v8 =	vadd.f32 v35, v25;
	v25 =	vmul.f32 v43, v43  }
0x311: {  	v7 =	vadd.f32 v34, v9;
	v26 =	vadd.f32 v37, v26  }
0x312: {  	v37 =	vld [tilespmem:s28+$0x870];
	v9 =	vadd.f32 v36, v33;
	v33 =	vmul.f32 v42, v42;
	v25 =	vadd.f32 v25, v29  }
0x313: {  	v36 =	vld [tilespmem:s28+$0x860];
	v34 =	vmul.f32 v47, v47;
	v7 =	vadd.f32 v10, v7;
	v8 =	vadd.f32 v11, v8  }
0x314: {  	v15 =	vld [tilespmem:s28+$0xC60];
	v20 =	vadd.f32 v20, v26;
	v29 =	vadd.f32 v33, v30  }
0x315: {  	v9 =	vadd.f32 v18, v9;
	v18 =	vld [tilespmem:s28+$0xC70];
	v30 =	vadd.f32 v34, v31  }
0x316: {  	v35 =	vmul.f32 v46, v46;
	v19 =	vadd.f32 v19, v25;
	v1 =	vadd.f32 v1, v7  }
0x317: {  	v10 =	vmul.f32 v45, v45;
	v2 =	vadd.f32 v2, v8;
	v7 =	vadd.f32 v63, v20  }
0x318: {  	v31 =	vadd.f32 v35, v32;
	v25 =	vmul.f32 v37, v37;
	v11 =	vmul.f32 v36, v36  }
0x319: {  	v3 =	vadd.f32 v3, v9;
	v8 =	vmul.f32 v15, v15;
	v10 =	vadd.f32 v10, v29  }
0x31a: {  	v25 =	vadd.f32 v25, v31;
	v11 =	vadd.f32 v11, v30;
	v9 =	vmul.f32 v18, v18  }
0x31b: {  	v4 =	vadd.f32 v4, v19;
	v5 =	vadd.f32 v5, v10  }
0x31c: {  	v8 =	vadd.f32 v8, v11;
	v9 =	vadd.f32 v9, v25  }
0x31d: {  	v1 =	vadd.f32 v2, v1;
	v2 =	vadd.f32 v7, v3  }
0x31e: {  	v3 =	vadd.f32 v5, v4;
	v5 =	vmul.f32 v21, v6;
	v4 =	vadd.f32 v9, v8;
	_ =	sdelay $0x1  }
0x31f: {  	v1 =	vadd.f32 v2, v1;
	v25 =	vld [tilespmem:$0x1FFC0];
	v2 =	vadd.f32 v4, v3;
	v3 =	vmul.f32 v5, v21;
	_ =	sdelay $0x1  }
0x320: {  	v1 =	vadd.f32 v2, v1;
	v2 =	vsub.f32 $1.500000000e+00, v3;
	_ =	sdelay $0x1  }
0x321: {  	v4 =	vld [tilespmem:$0x1FB00];
	v2 =	vmul.f32 v2, v21  }
0x322: {  	v3 =	vperm.xlane v1, v25  }
0x323: {  	v2 =	vmin.f32 v2, $1.000000000e+06  }
0x324: {  	v1 =	vadd.f32 v1, v3;
	v3 =	vmul.f32 v2, v16;
	_ =	sdelay $0x1  }
0x325: {  	v26 =	vld [tilespmem:$0x1FFD0];
	v4 =	vmul.f32 v2, v4;
	[tilespmem:s26+$0xC70] =	vst v3  }
0x326: {  	v3 =	vld [tilespmem:$0x1FB50]  }
0x327: {  	[tilespmem:s29+$0x10100] =	vst v4  }
0x328: {  	v4 =	vld [tilespmem:$0x1FB60];
	_ =	sdelay $0x2  }
0x329: {  	v3 =	vmul.f32 v2, v3;
	_ =	sdelay $0x1  }
0x32a: {  	v4 =	vmul.f32 v2, v4;
	[tilespmem:s26+$0x10] =	vst v3  }
0x32b: {  	v3 =	vld [tilespmem:$0x1FB70]  }
0x32c: {  	[tilespmem:s26+$0x20] =	vst v4  }
0x32d: {  	v4 =	vld [tilespmem:$0x1FB80];
	_ =	sdelay $0x2  }
0x32e: {  	v3 =	vmul.f32 v2, v3  }
0x32f: {  	v6 =	vld [tilespmem:$0x1FB90]  }
0x330: {  	v29 =	vld [tilespmem:$0x1FFE0];
	v4 =	vmul.f32 v2, v4;
	[tilespmem:s26+$0x30] =	vst v3  }
0x331: {  	v5 =	vperm.xlane v1, v26;
	v3 =	vld [tilespmem:$0x1FBA0]  }
0x332: {  	[tilespmem:s26+$0x40] =	vst v4  }
0x333: {  	v1 =	vadd.f32 v1, v5;
	v4 =	vld [tilespmem:$0x1FBB0]  }
0x334: {  	v6 =	vmul.f32 v2, v6  }
0x335: {  	v5 =	vperm.xlane v1, v29  }
0x336: {  	[tilespmem:s26+$0x50] =	vst v6;
	v3 =	vmul.f32 v2, v3  }
0x337: {  	v1 =	vadd.f32 v1, v5;
	v5 =	vld [tilespmem:$0x1FBC0]  }
0x338: {  	v4 =	vmul.f32 v2, v4;
	[tilespmem:s26+$0x60] =	vst v3  }
0x339: {  	v30 =	vld [tilespmem:$0x1FFF0]  }
0x33a: {  	v6 =	vld [tilespmem:$0x1FBD0];
	[tilespmem:s26+$0x70] =	vst v4  }
0x33b: {  	v4 =	vld [tilespmem:$0x1FBE0]  }
0x33c: {  	v5 =	vmul.f32 v2, v5;
	_ =	sdelay $0x1  }
0x33d: {  	[tilespmem:s26+$0x400] =	vst v5;
	v5 =	vmul.f32 v2, v53;
	v3 =	vperm.xlane v1, v30  }
0x33e: {  	v6 =	vmul.f32 v2, v6  }
0x33f: {  	[tilespmem:s26+$0x440] =	vst v5;
	v4 =	vmul.f32 v2, v4;
	v1 =	vadd.f32 v1, v3  }
0x340: {  	v3 =	vmul.f32 v2, v50;
	[tilespmem:s26+$0x410] =	vst v6  }
0x341: {  	v6 =	vmul.f32 v2, v51;
	[tilespmem:s26+$0x420] =	vst v4;
	v4 =	vmul.f32 $5.000000000e-01, v1;
	v1 =	vshra.s32 v1, $0x1  }
0x342: {  	[tilespmem:s26+$0x430] =	vst v3;
	v3 =	vmul.f32 v2, v49;
	v1 =	vsub.s32 $0x5F3759DF, v1  }
0x343: {  	[tilespmem:s26+$0x450] =	vst v6;
	v5 =	vmul.f32 v1, v4  }
0x344: {  	v6 =	vld [tilespmem:$0x1FB10];
	[tilespmem:s26+$0x460] =	vst v3  }
0x345: {  	v3 =	vmul.f32 v1, v5;
	v5 =	vld [tilespmem:$0x1FB20];
	_ =	sdelay $0x2  }
0x346: {  	v7 =	vmul.f32 v2, v52  }
0x347: {  	v6 =	vmul.f32 v2, v6  }
0x348: {  	[tilespmem:s26+$0x470] =	vst v7;
	v5 =	vmul.f32 v2, v5  }
0x349: {  	v7 =	vld [tilespmem:$0x1FB30];
	[tilespmem:s26+$0x800] =	vst v6  }
0x34a: {  	v6 =	vld [tilespmem:$0x1FB40];
	[tilespmem:s26+$0x810] =	vst v5  }
0x34b: {  	v5 =	vld [tilespmem:$0x1FBF0];
	_ =	sdelay $0x2  }
0x34c: {  	v7 =	vmul.f32 v2, v7  }
0x34d: {  	v6 =	vmul.f32 v2, v6  }
0x34e: {  	[tilespmem:s26+$0x820] =	vst v7;
	v5 =	vmul.f32 v2, v5  }
0x34f: {  	[tilespmem:s26+$0x830] =	vst v6  }
0x350: {  	v3 =	vsub.f32 $1.500000000e+00, v3;
	v6 =	vld [tilespmem:$0x1FC00];
	[tilespmem:s26+$0x840] =	vst v5  }
0x351: {  	v5 =	vld [tilespmem:$0x1FC10]  }
0x352: {  	v1 =	vmul.f32 v1, v3;
	v3 =	vmul.f32 v2, v17;
	_ =	sdelay $0x1  }
0x353: {  	[tilespmem:s26+$0x850] =	vst v3;
	v3 =	vmul.f32 v2, v38  }
0x354: {  	v4 =	vmul.f32 v1, v4;
	v6 =	vmul.f32 v2, v6  }
0x355: {  	[tilespmem:s26+$0xC00] =	vst v3;
	v5 =	vmul.f32 v2, v5  }
0x356: {  	v4 =	vmul.f32 v4, v1;
	[tilespmem:s26+$0x860] =	vst v6;
	v6 =	vmul.f32 v2, v39  }
0x357: {  	[tilespmem:s26+$0x870] =	vst v5;
	v5 =	vmul.f32 v2, v44  }
0x358: {  	v3 =	vsub.f32 $1.500000000e+00, v4;
	v4 =	vmul.f32 v2, v48;
	[tilespmem:s26+$0xC10] =	vst v6  }
0x359: {  	v6 =	vld [tilespmem:$0x1FC20];
	[tilespmem:s26+$0xC20] =	vst v5  }
0x35a: {  	v1 =	vmul.f32 v3, v1;
	v3 =	vld [tilespmem:$0x1FC30];
	[tilespmem:s26+$0xC30] =	vst v4  }
0x35b: {  	v4 =	vld [tilespmem:$0x1FC40];
	_ =	sdelay $0x2  }
0x35c: {  	v6 =	vmul.f32 v2, v6  }
0x35d: {  	v3 =	vmul.f32 v2, v3  }
0x35e: {  	v1 =	vmin.f32 v1, $1.000000000e+06;
	[tilespmem:s26+$0xC40] =	vst v6;
	v2 =	vmul.f32 v2, v4  }
0x35f: {  	[tilespmem:s26+$0xC50] =	vst v3;
	v3 =	vmul.f32 v1, v18  }
0x360: {  	[tilespmem:s26+$0xC60] =	vst v2;
	v2 =	vmul.f32 v1, v40  }
0x361: {  	[tilespmem:s28+$0xC70] =	vst v3;
	v3 =	vmul.f32 v1, v54  }
0x362: {  	v4 =	vmul.f32 v1, v56;
	[tilespmem:s30+$0x10100] =	vst v2  }
0x363: {  	v0 =	vmul.f32 v1, v0;
	[tilespmem:s28+$0x10] =	vst v3  }
0x364: {  	v2 =	vmul.f32 v1, v57;
	[tilespmem:s28+$0x50] =	vst v4  }
0x365: {  	v3 =	vmul.f32 v1, v55;
	[tilespmem:s28+$0x420] =	vst v0  }
0x366: {  	v4 =	vmul.f32 v1, v61;
	[tilespmem:s28+$0x20] =	vst v2  }
0x367: {  	v0 =	vmul.f32 v1, v42;
	[tilespmem:s28+$0x30] =	vst v3  }
0x368: {  	v2 =	vmul.f32 v1, v58;
	[tilespmem:s28+$0x400] =	vst v4  }
0x369: {  	v3 =	vmul.f32 v1, v59;
	[tilespmem:s28+$0x450] =	vst v0  }
0x36a: {  	v0 =	vmul.f32 v1, v22;
	[tilespmem:s28+$0x40] =	vst v2  }
0x36b: {  	v2 =	vmul.f32 v1, v60;
	[tilespmem:s28+$0x60] =	vst v3  }
0x36c: {  	v3 =	vmul.f32 v1, v62;
	[tilespmem:s28+$0x800] =	vst v0  }
0x36d: {  	v0 =	vmul.f32 v1, v28;
	[tilespmem:s28+$0x70] =	vst v2  }
0x36e: {  	v2 =	vmul.f32 v1, v41;
	[tilespmem:s28+$0x410] =	vst v3  }
0x36f: {  	v3 =	vmul.f32 v1, v43;
	[tilespmem:s28+$0x830] =	vst v0  }
0x370: {  	[tilespmem:s28+$0x430] =	vst v2;
	v2 =	vmul.f32 v1, v47  }
0x371: {  	[tilespmem:s28+$0x440] =	vst v3;
	v3 =	vmul.f32 v1, v46  }
0x372: {  	[tilespmem:s28+$0x460] =	vst v2;
	v2 =	vmul.f32 v1, v23  }
0x373: {  	[tilespmem:s28+$0x470] =	vst v3;
	v3 =	vmul.f32 v1, v24  }
0x374: {  	[tilespmem:s28+$0x810] =	vst v2;
	v2 =	vmul.f32 v1, v27  }
0x375: {  	[tilespmem:s28+$0x820] =	vst v3;
	v3 =	vmul.f32 v1, v45  }
0x376: {  	v0 =	vmul.f32 v1, v36;
	[tilespmem:s28+$0x840] =	vst v2  }
0x377: {  	v2 =	vmul.f32 v1, v37;
	[tilespmem:s28+$0x850] =	vst v3  }
0x378: {  	v3 =	vld [tilespmem:$0x1FC50];
	[tilespmem:s28+$0x860] =	vst v0  }
0x379: {  	v0 =	vld [tilespmem:$0x1FC60];
	[tilespmem:s28+$0x870] =	vst v2  }
0x37a: {  	v2 =	vld [tilespmem:$0x1FC70];
	_ =	sdelay $0x2  }
0x37b: {  	v3 =	vmul.f32 v1, v3  }
0x37c: {  	v0 =	vmul.f32 v1, v0  }
0x37d: {  	v2 =	vmul.f32 v1, v2;
	[tilespmem:s28+$0xC00] =	vst v3  }
0x37e: {  	v3 =	vmul.f32 v1, v13;
	[tilespmem:s28+$0xC10] =	vst v0  }
0x37f: {  	v0 =	vmul.f32 v1, v14;
	[tilespmem:s28+$0xC20] =	vst v2  }
0x380: {  	v2 =	vmul.f32 v1, v12;
	[tilespmem:s28+$0xC30] =	vst v3  }
0x381: {  	v1 =	vmul.f32 v1, v15;
	[tilespmem:s28+$0xC40] =	vst v0  }
0x382: {  	[tilespmem:s28+$0xC50] =	vst v2  }
0x383: {  	s0 =	simm.s32 $0x0;
	[tilespmem:s28+$0xC60] =	vst v1  }
0x384: {  	[hbm4b:s10+s0] =	stream.linear.scatter [tilespmem:s18], [sflag:$0x6], $0x8000, $0x38;
	[tilespmem:$0x18100] =	vst v63  }
0x385: {  	s5 =	sadd.s32 $0x1C000, s25;
	_ =	swait.ge [sflag:s22], $0x8000  }
0x386: {  	s5 =	sshrl.u32 s5, $0x3;
	[sflag:s22] =	ssyncset.done $0x0  }
0x387: {  	s5 =	sadd.s32 s1, s5;
	[sflag:s22] =	ssyncadd.s32 $0xFFFF8000  }
0x388: {  	[tilespmem:s17], [sflag:$0x2] =	stream.linear.gather [hbm4b:s5+s0], $0x4000, $0x38;
	[tilespmem:$0x18100] =	vst v63  }
0x389: {  	_ =	swait.ge [sflag:s8], $0x8000  }
0x38a: {  	s29 =	sand.u32 $0x7000, s0;
	s0 =	sand.u32 $0x380, s0;
	[sflag:s8] =	ssyncset.done $0x0  }
0x38b: {  	s25 =	sor.u32 s0, s29;
	[sflag:s8] =	ssyncadd.s32 $0xFFFF8000  }
0x38c: {  	v42 =	vld [tilespmem:s25+$0xD00]  }
0x38d: {  	v1 =	vld [tilespmem:s25+$0xD10]  }
0x38e: {  	v2 =	vld [tilespmem:s25+$0xD20]  }
0x38f: {  	v3 =	vld [tilespmem:s25+$0xD30]  }
0x390: {  	v4 =	vld [tilespmem:s25+$0x900]  }
0x391: {  	v5 =	vld [tilespmem:s25+$0x910]  }
0x392: {  	v6 =	vld [tilespmem:s25+$0x920]  }
0x393: {  	v7 =	vld [tilespmem:s25+$0x930]  }
0x394: {  	v8 =	vld [tilespmem:s25+$0x100]  }
0x395: {  	v9 =	vld [tilespmem:s25+$0x110]  }
0x396: {  	v10 =	vld [tilespmem:s25+$0x120]  }
0x397: {  	v11 =	vld [tilespmem:s25+$0x130]  }
0x398: {  	v12 =	vld [tilespmem:s25+$0x140]  }
0x399: {  	v13 =	vld [tilespmem:s25+$0x150]  }
0x39a: {  	v14 =	vld [tilespmem:s25+$0x160]  }
0x39b: {  	v15 =	vld [tilespmem:s25+$0x170];
	[tilespmem:$0x1F940] =	vst v1  }
0x39c: {  	v16 =	vld [tilespmem:s25+$0x500];
	[tilespmem:$0x1F950] =	vst v2  }
0x39d: {  	[tilespmem:$0x1F960] =	vst v3  }
0x39e: {  	v17 =	vld [tilespmem:s25+$0x510];
	[tilespmem:$0x1F970] =	vst v4  }
0x39f: {  	[tilespmem:$0x1F980] =	vst v5  }
0x3a0: {  	v18 =	vld [tilespmem:s25+$0x520];
	[tilespmem:$0x1F990] =	vst v6  }
0x3a1: {  	[tilespmem:$0x1F9A0] =	vst v7  }
0x3a2: {  	v19 =	vld [tilespmem:s25+$0x530];
	[tilespmem:$0x1F9B0] =	vst v8  }
0x3a3: {  	[tilespmem:$0x1F9C0] =	vst v9  }
0x3a4: {  	v0 =	vmul.f32 v42, v42;
	v52 =	vld [tilespmem:s25+$0x540];
	[tilespmem:$0x1F9D0] =	vst v10  }
0x3a5: {  	v1 =	vmul.f32 v1, v1;
	v2 =	vmul.f32 v2, v2;
	[tilespmem:$0x1F9E0] =	vst v11  }
0x3a6: {  	v4 =	vmul.f32 v4, v4;
	v5 =	vmul.f32 v5, v5;
	v50 =	vld [tilespmem:s25+$0x550];
	[tilespmem:$0x1F9F0] =	vst v12  }
0x3a7: {  	v6 =	vmul.f32 v6, v6;
	v7 =	vmul.f32 v7, v7;
	v49 =	vld [tilespmem:s25+$0x560];
	[tilespmem:$0x1FA00] =	vst v13  }
0x3a8: {  	v8 =	vmul.f32 v8, v8;
	v9 =	vmul.f32 v9, v9;
	[tilespmem:$0x1FA10] =	vst v14  }
0x3a9: {  	v10 =	vmul.f32 v10, v10;
	v11 =	vmul.f32 v11, v11;
	v51 =	vld [tilespmem:s25+$0x570];
	[tilespmem:$0x1FA20] =	vst v15  }
0x3aa: {  	v12 =	vmul.f32 v12, v12;
	v13 =	vmul.f32 v13, v13;
	v23 =	vld [tilespmem:s25+$0x940];
	[tilespmem:$0x1FA30] =	vst v16  }
0x3ab: {  	v14 =	vmul.f32 v14, v14;
	v16 =	vmul.f32 v16, v16;
	[tilespmem:$0x1FA40] =	vst v17  }
0x3ac: {  	v17 =	vmul.f32 v17, v17;
	[tilespmem:$0x1FA50] =	vst v18;
	v18 =	vmul.f32 v18, v18  }
0x3ad: {  	v47 =	vld [tilespmem:s25+$0x950];
	[tilespmem:$0x1FA60] =	vst v19;
	v19 =	vmul.f32 v19, v19;
	v20 =	vmul.f32 v52, v52  }
0x3ae: {  	v48 =	vld [tilespmem:s25+$0x960];
	v21 =	vmul.f32 v50, v50;
	v8 =	vadd.f32 v16, v8;
	v9 =	vadd.f32 v17, v9  }
0x3af: {  	v15 =	vmul.f32 v15, v15;
	v22 =	vld [tilespmem:s25+$0x970];
	v10 =	vadd.f32 v18, v10;
	v11 =	vadd.f32 v19, v11  }
0x3b0: {  	v24 =	vld [tilespmem:s25+$0xD40];
	v16 =	vmul.f32 v49, v49;
	v12 =	vadd.f32 v20, v12;
	v13 =	vadd.f32 v21, v13  }
0x3b1: {  	v27 =	vld [tilespmem:s25+$0xD50];
	v17 =	vmul.f32 v51, v51;
	v4 =	vadd.f32 v4, v8;
	v5 =	vadd.f32 v5, v9;
	[tilespmem:$0x1FA70] =	vst v23  }
0x3b2: {  	v3 =	vmul.f32 v3, v3;
	v6 =	vadd.f32 v6, v10;
	v14 =	vadd.f32 v16, v14;
	v19 =	vld [tilespmem:s25+$0xD60]  }
0x3b3: {  	v18 =	vmul.f32 v23, v23;
	v7 =	vadd.f32 v7, v11;
	v15 =	vadd.f32 v17, v15;
	v20 =	vld [tilespmem:s25+$0xD70]  }
0x3b4: {  	v16 =	vmul.f32 v47, v47;
	v0 =	vadd.f32 v0, v4;
	v1 =	vadd.f32 v1, v5  }
0x3b5: {  	v2 =	vadd.f32 v2, v6;
	v17 =	vmul.f32 v48, v48;
	v8 =	vmul.f32 v22, v22  }
0x3b6: {  	v9 =	vmul.f32 v24, v24;
	v10 =	vadd.f32 v18, v12;
	v3 =	vadd.f32 v3, v7  }
0x3b7: {  	v12 =	vmul.f32 v27, v27;
	v11 =	vadd.f32 v16, v13;
	v16 =	vadd.f32 v17, v14  }
0x3b8: {  	v8 =	vadd.f32 v8, v15;
	v14 =	vmul.f32 v19, v19;
	v4 =	vmul.f32 v20, v20  }
0x3b9: {  	v5 =	vadd.f32 v9, v10;
	v6 =	vadd.f32 v12, v11  }
0x3ba: {  	v7 =	vadd.f32 v14, v16;
	v4 =	vadd.f32 v4, v8  }
0x3bb: {  	v0 =	vadd.f32 v1, v0;
	v1 =	vadd.f32 v3, v2  }
0x3bc: {  	[tilespmem:$0x1FA80] =	vst v22;
	v2 =	vadd.f32 v6, v5;
	v3 =	vadd.f32 v4, v7  }
0x3bd: {  	s30 =	simm.s32 $0x200;
	s28 =	simm.s32 $0x80;
	[tilespmem:$0x1FA90] =	vst v24  }
0x3be: {  	s31 =	sand.u32 $0x380, s28;
	s0 =	sand.u32 $0x7000, s30;
	[tilespmem:$0x1FAA0] =	vst v27;
	v0 =	vadd.f32 v1, v0;
	v1 =	vadd.f32 v3, v2  }
0x3bf: {  	s26 =	sor.u32 s31, s0;
	[tilespmem:$0x1FAB0] =	vst v19  }
0x3c0: {  	v15 =	vld [tilespmem:s26+$0xD10];
	v0 =	vadd.f32 v1, v0  }
0x3c1: {  	v17 =	vld [tilespmem:s26+$0xD20]  }
0x3c2: {  	v12 =	vld [tilespmem:s26+$0xD50];
	v1 =	vperm.xlane v0, v25  }
0x3c3: {  	v46 =	vld [tilespmem:s26+$0x900]  }
0x3c4: {  	v21 =	vld [tilespmem:s26+$0x910];
	v0 =	vadd.f32 v0, v1  }
0x3c5: {  	v22 =	vld [tilespmem:s26+$0x920]  }
0x3c6: {  	v23 =	vld [tilespmem:s26+$0x930];
	v1 =	vperm.xlane v0, v26  }
0x3c7: {  	v24 =	vld [tilespmem:s26+$0x940]  }
0x3c8: {  	v60 =	vld [tilespmem:s26+$0x100];
	v0 =	vadd.f32 v0, v1  }
0x3c9: {  	v53 =	vld [tilespmem:s26+$0x110]  }
0x3ca: {  	v56 =	vld [tilespmem:s26+$0x120];
	v1 =	vperm.xlane v0, v29  }
0x3cb: {  	v54 =	vld [tilespmem:s26+$0x130]  }
0x3cc: {  	v4 =	vld [tilespmem:s26+$0xD30];
	v0 =	vadd.f32 v0, v1  }
0x3cd: {  	v8 =	vld [tilespmem:s26+$0xD40]  }
0x3ce: {  	v57 =	vld [tilespmem:s26+$0x140];
	v1 =	vperm.xlane v0, v30  }
0x3cf: {  	v55 =	vld [tilespmem:s26+$0x150]  }
0x3d0: {  	v58 =	vld [tilespmem:s26+$0x160];
	v0 =	vadd.f32 v0, v1  }
0x3d1: {  	v16 =	vld [tilespmem:s26+$0xD00];
	v2 =	vmul.f32 v15, v15;
	[tilespmem:$0x1FAC0] =	vst v4  }
0x3d2: {  	v9 =	vmul.f32 v46, v46;
	v61 =	vld [tilespmem:s26+$0x170];
	[tilespmem:$0x1FAD0] =	vst v8;
	v7 =	vmul.f32 $5.000000000e-01, v0;
	v0 =	vshra.s32 v0, $0x1  }
0x3d3: {  	v11 =	vmul.f32 v21, v21;
	v10 =	vmul.f32 v22, v22;
	v62 =	vld [tilespmem:s26+$0x500];
	v0 =	vsub.s32 $0x5F3759DF, v0  }
0x3d4: {  	v18 =	vmul.f32 v23, v23;
	v63 =	vld [tilespmem:s26+$0x510];
	v3 =	vmul.f32 v0, v7  }
0x3d5: {  	v19 =	vmul.f32 v24, v24;
	v27 =	vmul.f32 v54, v54;
	v59 =	vld [tilespmem:s26+$0x530]  }
0x3d6: {  	v28 =	vmul.f32 v57, v57;
	v40 =	vld [tilespmem:s26+$0x540];
	v6 =	vmul.f32 v0, v3  }
0x3d7: {  	v31 =	vmul.f32 v58, v58;
	v5 =	vmul.f32 v4, v4;
	v39 =	vld [tilespmem:s26+$0x550]  }
0x3d8: {  	v4 =	vmul.f32 v8, v8;
	v25 =	vmul.f32 v60, v60;
	v8 =	vsub.f32 $1.500000000e+00, v6  }
0x3d9: {  	v26 =	vmul.f32 v53, v53;
	v32 =	vmul.f32 v61, v61  }
0x3da: {  	v13 =	vmov v20;
	v33 =	vmul.f32 v62, v62;
	v20 =	vmul.f32 v0, v8;
	v0 =	vld [tilespmem:s26+$0x520]  }
0x3db: {  	v34 =	vmul.f32 v63, v63;
	v36 =	vmul.f32 v59, v59  }
0x3dc: {  	v44 =	vld [tilespmem:s26+$0x560];
	v38 =	vmul.f32 v40, v40;
	v37 =	vmul.f32 v39, v39  }
0x3dd: {  	v43 =	vld [tilespmem:s26+$0x570];
	v29 =	vmul.f32 v56, v56;
	v30 =	vmul.f32 v55, v55  }
0x3de: {  	v41 =	vld [tilespmem:s26+$0x950];
	v1 =	vmul.f32 v16, v16;
	v3 =	vmul.f32 v17, v17  }
0x3df: {  	s0 =	simm.s32 $0x400;
	v45 =	vld [tilespmem:s26+$0x960];
	v6 =	vmul.f32 v12, v12;
	v35 =	vmul.f32 v0, v0  }
.LBB2_8:
0x3e0: {  	_ = 	snop  }
0x3e1: {  	v14 =	vmov v12;
	v25 =	vadd.f32 v33, v25;
	v26 =	vadd.f32 v34, v26  }
0x3e2: {  	v12 =	vmovc v42;
	v42 =	vmul.f32 v20, v7;
	v29 =	vadd.f32 v35, v29;
	v27 =	vadd.f32 v36, v27  }
0x3e3: {  	v28 =	vadd.f32 v38, v28;
	v30 =	vadd.f32 v37, v30  }
0x3e4: {  	v8 =	vld [tilespmem:s26+$0x970];
	v38 =	vmul.f32 v42, v20;
	v25 =	vadd.f32 v9, v25;
	v11 =	vadd.f32 v11, v26  }
0x3e5: {  	v10 =	vadd.f32 v10, v29;
	v18 =	vadd.f32 v18, v27  }
0x3e6: {  	v19 =	vadd.f32 v19, v28;
	v35 =	vsub.f32 $1.500000000e+00, v38  }
0x3e7: {  	v7 =	vld [tilespmem:s26+$0xD60];
	v34 =	vmul.f32 v43, v43;
	v1 =	vadd.f32 v1, v25;
	v2 =	vadd.f32 v2, v11  }
0x3e8: {  	v42 =	vld [tilespmem:s26+$0xD70];
	v3 =	vadd.f32 v3, v10;
	v5 =	vadd.f32 v5, v18  }
0x3e9: {  	v9 =	vmul.f32 v8, v8;
	v18 =	vld [tilespmem:$0x1F9B0];
	v32 =	vadd.f32 v34, v32;
	v20 =	vmul.f32 v35, v20  }
0x3ea: {  	v33 =	vmul.f32 v44, v44;
	v1 =	vadd.f32 v2, v1;
	v2 =	vadd.f32 v5, v3;
	v3 =	vld [tilespmem:$0x1F9D0]  }
0x3eb: {  	v4 =	vadd.f32 v4, v19;
	v19 =	vld [tilespmem:$0x1F9C0];
	v29 =	vadd.f32 v9, v32;
	v9 =	vmin.f32 v20, $1.000000000e+06  }
0x3ec: {  	v31 =	vadd.f32 v33, v31;
	v33 =	vmul.f32 v41, v41;
	v11 =	vmul.f32 v9, v13  }
0x3ed: {  	s28 =	sadd.s32 $0x80, s28;
	v34 =	vmul.f32 v45, v45;
	v27 =	vmul.f32 v7, v7  }
0x3ee: {  	s5 =	sand.u32 $0x7000, s0;
	s29 =	sand.u32 $0x380, s28;
	v26 =	vadd.f32 v33, v30;
	v18 =	vmul.f32 v9, v18;
	v20 =	vmov v60;
	[tilespmem:s25+$0xD70] =	vst v11  }
0x3ef: {  	s29 =	sor.u32 s29, s5;
	v28 =	vadd.f32 v34, v31;
	v10 =	vmul.f32 v42, v42;
	[tilespmem:$0x1F9B0] =	vst v20;
	v3 =	vmul.f32 v9, v3  }
0x3f0: {  	v30 =	vmov v21;
	v21 =	vld [tilespmem:s29+$0x910];
	v6 =	vadd.f32 v6, v26;
	v19 =	vmul.f32 v9, v19;
	[tilespmem:s25+$0x100] =	vst v18  }
0x3f1: {  	v25 =	vadd.f32 v27, v28;
	v10 =	vadd.f32 v10, v29;
	[tilespmem:s25+$0x120] =	vst v3;
	v3 =	vld [tilespmem:$0x1F9F0]  }
0x3f2: {  	v4 =	vadd.f32 v6, v4;
	[tilespmem:s25+$0x110] =	vst v19;
	v6 =	vld [tilespmem:$0x1F9E0];
	v26 =	vmov v55  }
0x3f3: {  	v5 =	vadd.f32 v10, v25;
	v10 =	vld [tilespmem:$0x1FA00];
	[tilespmem:$0x1FA00] =	vst v26;
	v20 =	vmov v53  }
0x3f4: {  	v26 =	vld [tilespmem:$0x1FFC0];
	v11 =	vmov v56;
	[tilespmem:$0x1F9C0] =	vst v20  }
0x3f5: {  	v1 =	vadd.f32 v2, v1;
	v2 =	vadd.f32 v5, v4;
	v4 =	vld [tilespmem:$0x1FA10];
	v19 =	vmov v54;
	[tilespmem:$0x1F9D0] =	vst v11  }
0x3f6: {  	v5 =	vld [tilespmem:s29+$0xD10];
	v18 =	vmov v57;
	[tilespmem:$0x1F9E0] =	vst v19;
	v3 =	vmul.f32 v9, v3  }
0x3f7: {  	v11 =	vld [tilespmem:s29+$0xD00];
	[tilespmem:$0x1F9F0] =	vst v18  }
0x3f8: {  	v33 =	vmul.f32 v9, v12;
	v25 =	vmov v58;
	[tilespmem:s25+$0x140] =	vst v3;
	v3 =	vld [tilespmem:$0x1FA20]  }
0x3f9: {  	v18 =	vld [tilespmem:s29+$0xD20];
	[tilespmem:$0x1FA10] =	vst v25;
	v1 =	vadd.f32 v2, v1  }
0x3fa: {  	v13 =	vmov v42;
	v42 =	vmov v63;
	v19 =	vld [tilespmem:s29+$0xD30];
	v20 =	vmul.f32 v9, v52;
	[tilespmem:s25+$0xD00] =	vst v33  }
0x3fb: {  	v2 =	vld [tilespmem:$0x1FA40];
	[tilespmem:$0x1FA40] =	vst v42;
	v26 =	vperm.xlane v1, v26  }
0x3fc: {  	v31 =	vmov v46;
	v46 =	vmov v22;
	v22 =	vld [tilespmem:s29+$0x920];
	[tilespmem:s25+$0x540] =	vst v20;
	v4 =	vmul.f32 v9, v4  }
0x3fd: {  	v1 =	vadd.f32 v1, v26;
	v26 =	vld [tilespmem:$0x1F980];
	[tilespmem:$0x1F980] =	vst v30;
	v3 =	vmul.f32 v9, v3  }
0x3fe: {  	v6 =	vmul.f32 v9, v6;
	[tilespmem:s25+$0x160] =	vst v4;
	v4 =	vld [tilespmem:$0x1FA60]  }
0x3ff: {  	v30 =	vld [tilespmem:$0x1FFD0];
	[tilespmem:s25+$0x170] =	vst v3;
	v3 =	vmul.f32 v9, v50  }
0x400: {  	v29 =	vmov v0;
	v0 =	vld [tilespmem:s29+$0x900];
	v10 =	vmul.f32 v9, v10;
	[tilespmem:s25+$0x130] =	vst v6  }
0x401: {  	[tilespmem:s25+$0x550] =	vst v3;
	v3 =	vld [tilespmem:$0x1FA80]  }
0x402: {  	v27 =	vmov v62;
	v25 =	vld [tilespmem:s29+$0xD40];
	[tilespmem:s25+$0x150] =	vst v10  }
0x403: {  	v6 =	vld [tilespmem:$0x1FA30];
	[tilespmem:$0x1FA30] =	vst v27;
	v4 =	vmul.f32 v9, v4  }
0x404: {  	v10 =	vld [tilespmem:$0x1FA50];
	[tilespmem:$0x1FA50] =	vst v29;
	v30 =	vperm.xlane v1, v30  }
0x405: {  	v28 =	vmov v61;
	v2 =	vmul.f32 v9, v2;
	[tilespmem:s25+$0x530] =	vst v4;
	v4 =	vld [tilespmem:$0x1FA70]  }
0x406: {  	[tilespmem:$0x1FA20] =	vst v28;
	v1 =	vadd.f32 v1, v30;
	v30 =	vmul.f32 v9, v3;
	v3 =	vld [tilespmem:$0x1F940]  }
0x407: {  	v29 =	vld [tilespmem:$0x1F9A0];
	v28 =	vmul.f32 v9, v51;
	[tilespmem:s25+$0x510] =	vst v2  }
0x408: {  	v2 =	vld [tilespmem:$0x1F970];
	[tilespmem:$0x1F970] =	vst v31;
	v6 =	vmul.f32 v9, v6  }
0x409: {  	v53 =	vld [tilespmem:s29+$0x110];
	[tilespmem:s25+$0x570] =	vst v28;
	v10 =	vmul.f32 v9, v10  }
0x40a: {  	v56 =	vld [tilespmem:s29+$0x120];
	[tilespmem:s25+$0x500] =	vst v6  }
0x40b: {  	[tilespmem:s25+$0x520] =	vst v10;
	v31 =	vmul.f32 v9, v4;
	v4 =	vmov v59;
	v34 =	vmul.f32 v9, v3;
	v3 =	vld [tilespmem:$0x1F950]  }
0x40c: {  	[tilespmem:$0x1FA60] =	vst v4;
	v4 =	vld [tilespmem:$0x1F960]  }
0x40d: {  	v6 =	vmul.f32 v9, v49;
	v10 =	vld [tilespmem:$0x1F990];
	[tilespmem:$0x1F990] =	vst v46;
	v49 =	vmov v23  }
0x40e: {  	v24 =	vmov v24;
	v23 =	vld [tilespmem:s29+$0x930];
	[tilespmem:$0x1F9A0] =	vst v49;
	v2 =	vmul.f32 v9, v2  }
0x40f: {  	[tilespmem:$0x1FA70] =	vst v24;
	v24 =	vld [tilespmem:s29+$0x940]  }
0x410: {  	[tilespmem:s25+$0x900] =	vst v2;
	v2 =	vld [tilespmem:$0x1FA90];
	v35 =	vmul.f32 v9, v3;
	v3 =	vmov v8  }
0x411: {  	v8 =	vmul.f32 v9, v4;
	v4 =	vmov v15;
	[tilespmem:$0x1FA80] =	vst v3;
	v3 =	vld [tilespmem:$0x1FFE0]  }
0x412: {  	v26 =	vmul.f32 v9, v26;
	[tilespmem:$0x1F940] =	vst v4;
	v4 =	vld [tilespmem:$0x1FAC0]  }
0x413: {  	v29 =	vmul.f32 v9, v29;
	[tilespmem:s25+$0x560] =	vst v6;
	v58 =	vld [tilespmem:s29+$0x160]  }
0x414: {  	v20 =	vmul.f32 v9, v47;
	[tilespmem:s25+$0x910] =	vst v26;
	v61 =	vld [tilespmem:s29+$0x170]  }
0x415: {  	v50 =	vmul.f32 v9, v48;
	[tilespmem:s25+$0x930] =	vst v29;
	v62 =	vld [tilespmem:s29+$0x500];
	v10 =	vmul.f32 v9, v10  }
0x416: {  	[tilespmem:s25+$0x950] =	vst v20;
	v36 =	vmul.f32 v9, v2;
	v2 =	vld [tilespmem:$0x1FAA0];
	v6 =	vperm.xlane v1, v3  }
0x417: {  	[tilespmem:s25+$0x960] =	vst v50;
	v3 =	vmov v4;
	v4 =	vld [tilespmem:$0x1FFF0]  }
0x418: {  	[tilespmem:s25+$0x920] =	vst v10;
	v28 =	vadd.f32 v1, v6;
	v1 =	vld [tilespmem:$0x1FAB0]  }
0x419: {  	v26 =	vmul.f32 v53, v53;
	v59 =	vld [tilespmem:s29+$0x530];
	[tilespmem:s25+$0x940] =	vst v31  }
0x41a: {  	v27 =	vld [tilespmem:s29+$0xD50];
	v29 =	vmul.f32 v56, v56;
	v10 =	vmul.f32 v22, v22;
	[tilespmem:s25+$0x970] =	vst v30  }
0x41b: {  	v50 =	vmovc v39;
	v39 =	vld [tilespmem:s29+$0x550];
	v32 =	vmul.f32 v61, v61;
	[tilespmem:s25+$0xD40] =	vst v36;
	v37 =	vmul.f32 v9, v2;
	v2 =	vmov v17  }
0x41c: {  	v33 =	vmul.f32 v62, v62;
	v31 =	vmul.f32 v58, v58;
	[tilespmem:$0x1F950] =	vst v2  }
0x41d: {  	[tilespmem:s25+$0xD10] =	vst v34;
	v15 =	vmovc v5;
	v6 =	vld [tilespmem:$0x1FAD0];
	v38 =	vmul.f32 v9, v1;
	v1 =	vmov v7;
	v7 =	vperm.xlane v28, v4  }
0x41e: {  	v60 =	vld [tilespmem:s29+$0x100];
	v36 =	vmul.f32 v59, v59;
	[tilespmem:s25+$0xD50] =	vst v37;
	v2 =	vmul.f32 v5, v15;
	v5 =	vmov v19  }
0x41f: {  	v52 =	vmovc v40;
	v54 =	vld [tilespmem:s29+$0x130];
	v17 =	vmov v18;
	[tilespmem:$0x1FAC0] =	vst v5;
	v5 =	vmul.f32 v19, v5;
	v19 =	vadd.f32 v28, v7  }
0x420: {  	v42 =	vmovc v16;
	v16 =	vmov v11;
	v57 =	vld [tilespmem:s29+$0x140];
	v37 =	vmul.f32 v39, v39;
	[tilespmem:$0x1F960] =	vst v3;
	v3 =	vmul.f32 v18, v17  }
0x421: {  	v12 =	vmovc v27;
	v55 =	vld [tilespmem:s29+$0x150];
	v18 =	vmul.f32 v23, v23;
	v4 =	vmovc v25;
	[tilespmem:$0x1FAB0] =	vst v1;
	v7 =	vmul.f32 $5.000000000e-01, v19;
	v20 =	vshra.s32 v19, $0x1  }
0x422: {  	v40 =	vld [tilespmem:s29+$0x540];
	v9 =	vmovc v6;
	v1 =	vmul.f32 v11, v16;
	[tilespmem:$0x1FAD0] =	vst v4;
	v4 =	vmul.f32 v25, v4;
	v20 =	vsub.s32 $0x5F3759DF, v20  }
0x423: {  	v46 =	vmovc v0;
	v6 =	vmov v14;
	[tilespmem:$0x1FA90] =	vst v9;
	v9 =	vmul.f32 v0, v0;
	v0 =	vld [tilespmem:s29+$0x520];
	v30 =	vmul.f32 v20, v7  }
0x424: {  	p0 =	sne.s32 s0, $0x7E00;
	v63 =	vld [tilespmem:s29+$0x510];
	[tilespmem:$0x1FAA0] =	vst v6;
	v6 =	vmul.f32 v27, v12;
	v11 =	vmul.f32 v21, v21  }
.Ltmp3:
0x425: {  	[tilespmem:s25+$0xD20] =	vst v35;
	v25 =	vmul.f32 v60, v60;
	v34 =	vmul.f32 v20, v30;
	(pc) =	sbr.rel @p0 .LBB2_8-.Ltmp3, $4  }
0x426: {  	v49 =	vmov v44;
	v44 =	vld [tilespmem:s29+$0x560];
	[tilespmem:s25+$0xD30] =	vst v8;
	v27 =	vmul.f32 v54, v54;
	v28 =	vmul.f32 v57, v57  }
0x427: {  	v51 =	vmovc v43;
	v43 =	vld [tilespmem:s29+$0x570];
	[tilespmem:s25+$0xD60] =	vst v38;
	s25 =	smov.u32 s26;
	s26 =	smov.u32 s29;
	v38 =	vmul.f32 v40, v40;
	v19 =	vmul.f32 v24, v24;
	v8 =	vsub.f32 $1.500000000e+00, v34  }
0x428: {  	v47 =	vmov v41;
	v41 =	vld [tilespmem:s26+$0x950];
	v35 =	vmul.f32 v0, v0;
	v30 =	vmul.f32 v55, v55  }
0x429: {  	s0 =	sadd.s32 $0x200, s0;
	v48 =	vmov v45;
	v45 =	vld [tilespmem:s26+$0x960];
	v34 =	vmul.f32 v63, v63;
	v20 =	vmul.f32 v20, v8  }
0x42a: {  	v8 =	vadd.f32 v33, v25;
	v27 =	vadd.f32 v36, v27  }
0x42b: {  	v28 =	vadd.f32 v38, v28;
	v30 =	vadd.f32 v37, v30  }
0x42c: {  	v25 =	vadd.f32 v34, v26;
	v26 =	vadd.f32 v35, v29;
	v34 =	vld [tilespmem:s26+$0x970]  }
0x42d: {  	v14 =	vld [tilespmem:s26+$0xD60];
	v29 =	vmul.f32 v44, v44;
	v8 =	vadd.f32 v9, v8;
	v18 =	vadd.f32 v18, v27  }
0x42e: {  	v36 =	vmul.f32 v43, v43;
	v19 =	vadd.f32 v19, v28;
	v10 =	vadd.f32 v10, v26;
	v26 =	vld [tilespmem:s26+$0xD70]  }
0x42f: {  	v29 =	vadd.f32 v29, v31;
	v9 =	vadd.f32 v11, v25;
	v11 =	vmul.f32 v41, v41  }
0x430: {  	v31 =	vadd.f32 v36, v32;
	v25 =	vmul.f32 v45, v45;
	v1 =	vadd.f32 v1, v8  }
0x431: {  	v5 =	vadd.f32 v5, v18;
	v4 =	vadd.f32 v4, v19;
	v27 =	vmul.f32 v34, v34  }
0x432: {  	v11 =	vadd.f32 v11, v30;
	v2 =	vadd.f32 v2, v9;
	v8 =	vmul.f32 v14, v14  }
0x433: {  	v25 =	vadd.f32 v25, v29;
	v27 =	vadd.f32 v27, v31;
	v9 =	vmul.f32 v26, v26  }
0x434: {  	v3 =	vadd.f32 v3, v10;
	v6 =	vadd.f32 v6, v11  }
0x435: {  	v8 =	vadd.f32 v8, v25;
	v9 =	vadd.f32 v9, v27  }
0x436: {  	v1 =	vadd.f32 v2, v1;
	v2 =	vadd.f32 v5, v3  }
0x437: {  	v5 =	vmul.f32 v20, v7;
	v3 =	vadd.f32 v6, v4;
	v4 =	vadd.f32 v9, v8;
	_ =	sdelay $0x1  }
0x438: {  	v25 =	vld [tilespmem:$0x1FFC0];
	v1 =	vadd.f32 v2, v1;
	v2 =	vadd.f32 v4, v3;
	v3 =	vmul.f32 v5, v20;
	_ =	sdelay $0x1  }
0x439: {  	v1 =	vadd.f32 v2, v1;
	v2 =	vsub.f32 $1.500000000e+00, v3;
	_ =	sdelay $0x1  }
0x43a: {  	v2 =	vmul.f32 v2, v20  }
0x43b: {  	v3 =	vperm.xlane v1, v25  }
0x43c: {  	v2 =	vmin.f32 v2, $1.000000000e+06  }
0x43d: {  	v4 =	vld [tilespmem:$0x1F9B0];
	v1 =	vadd.f32 v1, v3;
	v3 =	vmul.f32 v2, v13;
	_ =	sdelay $0x1  }
0x43e: {  	v27 =	vld [tilespmem:$0x1FFD0];
	[tilespmem:s25+$0xD70] =	vst v3  }
0x43f: {  	v3 =	vld [tilespmem:$0x1F9C0];
	_ =	sdelay $0x1  }
0x440: {  	v4 =	vmul.f32 v2, v4;
	_ =	sdelay $0x1  }
0x441: {  	[tilespmem:s25+$0x100] =	vst v4  }
0x442: {  	v4 =	vld [tilespmem:$0x1F9D0];
	v3 =	vmul.f32 v2, v3;
	_ =	sdelay $0x1  }
0x443: {  	[tilespmem:s25+$0x110] =	vst v3  }
0x444: {  	v3 =	vld [tilespmem:$0x1F9E0];
	_ =	sdelay $0x1  }
0x445: {  	v4 =	vmul.f32 v2, v4;
	_ =	sdelay $0x1  }
0x446: {  	[tilespmem:s25+$0x120] =	vst v4  }
0x447: {  	v4 =	vld [tilespmem:$0x1F9F0];
	v3 =	vmul.f32 v2, v3  }
0x448: {  	v28 =	vld [tilespmem:$0x1FFE0]  }
0x449: {  	v6 =	vld [tilespmem:$0x1FA00];
	[tilespmem:s25+$0x130] =	vst v3  }
0x44a: {  	v3 =	vld [tilespmem:$0x1FA10]  }
0x44b: {  	v5 =	vperm.xlane v1, v27;
	_ =	sdelay $0x1  }
0x44c: {  	v1 =	vadd.f32 v1, v5;
	v4 =	vmul.f32 v2, v4  }
0x44d: {  	v6 =	vmul.f32 v2, v6  }
0x44e: {  	v5 =	vperm.xlane v1, v28;
	[tilespmem:s25+$0x140] =	vst v4;
	v3 =	vmul.f32 v2, v3  }
0x44f: {  	v4 =	vld [tilespmem:$0x1FA20];
	[tilespmem:s25+$0x150] =	vst v6  }
0x450: {  	v1 =	vadd.f32 v1, v5;
	v5 =	vld [tilespmem:$0x1FA30];
	[tilespmem:s25+$0x160] =	vst v3  }
0x451: {  	v29 =	vld [tilespmem:$0x1FFF0];
	_ =	sdelay $0x2  }
0x452: {  	v4 =	vmul.f32 v2, v4  }
0x453: {  	v5 =	vmul.f32 v2, v5;
	v6 =	vld [tilespmem:$0x1FA40]  }
0x454: {  	[tilespmem:s25+$0x170] =	vst v4;
	v3 =	vperm.xlane v1, v29  }
0x455: {  	v4 =	vld [tilespmem:$0x1FA50];
	[tilespmem:s25+$0x500] =	vst v5  }
0x456: {  	v1 =	vadd.f32 v1, v3;
	v3 =	vld [tilespmem:$0x1FA60];
	_ =	sdelay $0x1  }
0x457: {  	v6 =	vmul.f32 v2, v6  }
0x458: {  	v5 =	vmul.f32 v2, v52  }
0x459: {  	v4 =	vmul.f32 v2, v4;
	[tilespmem:s25+$0x510] =	vst v6  }
0x45a: {  	[tilespmem:s25+$0x540] =	vst v5;
	v3 =	vmul.f32 v2, v3  }
0x45b: {  	v6 =	vmul.f32 v2, v50;
	[tilespmem:s25+$0x520] =	vst v4;
	v4 =	vmul.f32 $5.000000000e-01, v1;
	v1 =	vshra.s32 v1, $0x1  }
0x45c: {  	v1 =	vsub.s32 $0x5F3759DF, v1;
	[tilespmem:s25+$0x530] =	vst v3;
	v3 =	vmul.f32 v2, v49  }
0x45d: {  	[tilespmem:s25+$0x550] =	vst v6;
	v5 =	vmul.f32 v1, v4  }
0x45e: {  	v6 =	vld [tilespmem:$0x1F970];
	[tilespmem:s25+$0x560] =	vst v3  }
0x45f: {  	v3 =	vmul.f32 v1, v5;
	v5 =	vld [tilespmem:$0x1F980];
	_ =	sdelay $0x2  }
0x460: {  	v7 =	vmul.f32 v2, v51  }
0x461: {  	v6 =	vmul.f32 v2, v6  }
0x462: {  	[tilespmem:s25+$0x570] =	vst v7;
	v5 =	vmul.f32 v2, v5  }
0x463: {  	v7 =	vld [tilespmem:$0x1F990];
	[tilespmem:s25+$0x900] =	vst v6  }
0x464: {  	v6 =	vld [tilespmem:$0x1F9A0];
	[tilespmem:s25+$0x910] =	vst v5  }
0x465: {  	v5 =	vld [tilespmem:$0x1FA70];
	_ =	sdelay $0x2  }
0x466: {  	v7 =	vmul.f32 v2, v7  }
0x467: {  	v6 =	vmul.f32 v2, v6  }
0x468: {  	[tilespmem:s25+$0x920] =	vst v7;
	v5 =	vmul.f32 v2, v5  }
0x469: {  	[tilespmem:s25+$0x930] =	vst v6  }
0x46a: {  	[tilespmem:s25+$0x940] =	vst v5  }
0x46b: {  	v3 =	vsub.f32 $1.500000000e+00, v3;
	v5 =	vld [tilespmem:$0x1FA80];
	_ =	sdelay $0x1  }
0x46c: {  	v1 =	vmul.f32 v1, v3;
	v3 =	vmul.f32 v2, v47  }
0x46d: {  	v6 =	vmul.f32 v2, v48  }
0x46e: {  	[tilespmem:s25+$0x950] =	vst v3  }
0x46f: {  	[tilespmem:s25+$0x960] =	vst v6;
	v5 =	vmul.f32 v2, v5  }
0x470: {  	v4 =	vmul.f32 v1, v4;
	v6 =	vld [tilespmem:$0x1F940]  }
0x471: {  	v3 =	vmul.f32 v2, v42;
	[tilespmem:s25+$0x970] =	vst v5  }
0x472: {  	v4 =	vmul.f32 v4, v1;
	v5 =	vld [tilespmem:$0x1F950]  }
0x473: {  	[tilespmem:s25+$0xD00] =	vst v3  }
0x474: {  	v3 =	vsub.f32 $1.500000000e+00, v4;
	v4 =	vld [tilespmem:$0x1F960]  }
0x475: {  	v6 =	vmul.f32 v2, v6;
	_ =	sdelay $0x1  }
0x476: {  	[tilespmem:s25+$0xD10] =	vst v6;
	v1 =	vmul.f32 v3, v1;
	v5 =	vmul.f32 v2, v5  }
0x477: {  	v6 =	vld [tilespmem:$0x1FA90]  }
0x478: {  	v1 =	vmin.f32 v1, $1.000000000e+06;
	v4 =	vmul.f32 v2, v4;
	[tilespmem:s25+$0xD20] =	vst v5  }
0x479: {  	v0 =	vmul.f32 v1, v0;
	v3 =	vld [tilespmem:$0x1FAA0]  }
0x47a: {  	[tilespmem:s25+$0xD30] =	vst v4  }
0x47b: {  	v4 =	vld [tilespmem:$0x1FAB0];
	[tilespmem:s26+$0x520] =	vst v0;
	v0 =	vmul.f32 v1, v39  }
0x47c: {  	v6 =	vmul.f32 v2, v6  }
0x47d: {  	[tilespmem:s26+$0x550] =	vst v0;
	v0 =	vmul.f32 v1, v46  }
0x47e: {  	[tilespmem:s25+$0xD40] =	vst v6;
	v3 =	vmul.f32 v2, v3  }
0x47f: {  	[tilespmem:s26+$0x900] =	vst v0;
	v0 =	vmul.f32 v1, v23  }
0x480: {  	v2 =	vmul.f32 v2, v4;
	[tilespmem:s25+$0xD50] =	vst v3  }
0x481: {  	v4 =	vmul.f32 v1, v55;
	[tilespmem:s26+$0x930] =	vst v0  }
0x482: {  	v3 =	vmul.f32 v1, v26;
	[tilespmem:s25+$0xD60] =	vst v2  }
0x483: {  	v0 =	vmul.f32 v1, v45;
	[tilespmem:s26+$0x150] =	vst v4  }
0x484: {  	v2 =	vmul.f32 v1, v60;
	[tilespmem:s26+$0xD70] =	vst v3  }
0x485: {  	v4 =	vmul.f32 v1, v62;
	[tilespmem:s26+$0x960] =	vst v0  }
0x486: {  	v3 =	vmul.f32 v1, v53;
	[tilespmem:s26+$0x100] =	vst v2  }
0x487: {  	v2 =	vmul.f32 v1, v56;
	[tilespmem:s26+$0x500] =	vst v4  }
0x488: {  	[tilespmem:s26+$0x110] =	vst v3;
	v3 =	vmul.f32 v1, v54  }
0x489: {  	[tilespmem:s26+$0x120] =	vst v2;
	v2 =	vmul.f32 v1, v57  }
0x48a: {  	[tilespmem:s26+$0x130] =	vst v3;
	v3 =	vmul.f32 v1, v58  }
0x48b: {  	[tilespmem:s26+$0x140] =	vst v2;
	v2 =	vmul.f32 v1, v61  }
0x48c: {  	[tilespmem:s26+$0x160] =	vst v3;
	v3 =	vmul.f32 v1, v63  }
0x48d: {  	[tilespmem:s26+$0x170] =	vst v2;
	v2 =	vmul.f32 v1, v59  }
0x48e: {  	[tilespmem:s26+$0x510] =	vst v3;
	v3 =	vmul.f32 v1, v40  }
0x48f: {  	[tilespmem:s26+$0x530] =	vst v2;
	v2 =	vmul.f32 v1, v44  }
0x490: {  	[tilespmem:s26+$0x540] =	vst v3;
	v3 =	vmul.f32 v1, v43  }
0x491: {  	[tilespmem:s26+$0x560] =	vst v2;
	v2 =	vmul.f32 v1, v21  }
0x492: {  	[tilespmem:s26+$0x570] =	vst v3;
	v3 =	vmul.f32 v1, v22  }
0x493: {  	[tilespmem:s26+$0x910] =	vst v2;
	v2 =	vmul.f32 v1, v24  }
0x494: {  	[tilespmem:s26+$0x920] =	vst v3;
	v3 =	vmul.f32 v1, v41  }
0x495: {  	[tilespmem:s26+$0x940] =	vst v2;
	v2 =	vmul.f32 v1, v34  }
0x496: {  	[tilespmem:s26+$0x950] =	vst v3;
	v3 =	vmul.f32 v1, v16  }
0x497: {  	v0 =	vmul.f32 v1, v15;
	[tilespmem:s26+$0x970] =	vst v2  }
0x498: {  	[tilespmem:s26+$0xD00] =	vst v3  }
0x499: {  	v3 =	vld [tilespmem:$0x1FAC0];
	[tilespmem:s26+$0xD10] =	vst v0  }
0x49a: {  	v0 =	vld [tilespmem:$0x1FAD0]  }
0x49b: {  	v2 =	vmul.f32 v1, v17;
	_ =	sdelay $0x1  }
0x49c: {  	[tilespmem:s26+$0xD20] =	vst v2;
	v2 =	vmul.f32 v1, v12  }
0x49d: {  	v3 =	vmul.f32 v1, v3  }
0x49e: {  	[tilespmem:s26+$0xD50] =	vst v2;
	v0 =	vmul.f32 v1, v0  }
0x49f: {  	v1 =	vmul.f32 v1, v14;
	[tilespmem:s26+$0xD30] =	vst v3  }
0x4a0: {  	[tilespmem:s26+$0xD40] =	vst v0  }
0x4a1: {  	s0 =	simm.s32 $0x0;
	[tilespmem:s26+$0xD60] =	vst v1  }
0x4a2: {  	[hbm4b:s11+s0] =	stream.linear.scatter [tilespmem:s16], [sflag:$0x4], $0x8000, $0x38;
	[tilespmem:$0x18100] =	vst v63  }
0x4a3: {  	_ =	swait.ge [sflag:s19], $0x4000  }
0x4a4: {  	s5 =	sand.u32 $0x3000, s0;
	s0 =	sand.u32 $0x380, s0;
	[sflag:s19] =	ssyncset.done $0x0  }
0x4a5: {  	s25 =	sor.u32 s0, s5;
	[sflag:s19] =	ssyncadd.s32 $0xFFFFC000  }
0x4a6: {  	v42 =	vld [tilespmem:s25+$0x8D00]  }
0x4a7: {  	v1 =	vld [tilespmem:s25+$0x8D10]  }
0x4a8: {  	v2 =	vld [tilespmem:s25+$0x8D20]  }
0x4a9: {  	v3 =	vld [tilespmem:s25+$0x8D30]  }
0x4aa: {  	v4 =	vld [tilespmem:s25+$0x8900]  }
0x4ab: {  	v5 =	vld [tilespmem:s25+$0x8910]  }
0x4ac: {  	v6 =	vld [tilespmem:s25+$0x8920]  }
0x4ad: {  	v7 =	vld [tilespmem:s25+$0x8930]  }
0x4ae: {  	v8 =	vld [tilespmem:s25+$0x8100]  }
0x4af: {  	v9 =	vld [tilespmem:s25+$0x8110]  }
0x4b0: {  	v10 =	vld [tilespmem:s25+$0x8120]  }
0x4b1: {  	v11 =	vld [tilespmem:s25+$0x8130]  }
0x4b2: {  	v12 =	vld [tilespmem:s25+$0x8140]  }
0x4b3: {  	v13 =	vld [tilespmem:s25+$0x8150]  }
0x4b4: {  	v14 =	vld [tilespmem:s25+$0x8160]  }
0x4b5: {  	v15 =	vld [tilespmem:s25+$0x8170];
	[tilespmem:$0x1F7A0] =	vst v1  }
0x4b6: {  	v16 =	vld [tilespmem:s25+$0x8500];
	[tilespmem:$0x1F7B0] =	vst v2  }
0x4b7: {  	[tilespmem:$0x1F7C0] =	vst v3  }
0x4b8: {  	v17 =	vld [tilespmem:s25+$0x8510];
	[tilespmem:$0x1F7D0] =	vst v4  }
0x4b9: {  	[tilespmem:$0x1F7E0] =	vst v5  }
0x4ba: {  	v18 =	vld [tilespmem:s25+$0x8520];
	[tilespmem:$0x1F7F0] =	vst v6  }
0x4bb: {  	[tilespmem:$0x1F800] =	vst v7  }
0x4bc: {  	v19 =	vld [tilespmem:s25+$0x8530];
	[tilespmem:$0x1F810] =	vst v8  }
0x4bd: {  	[tilespmem:$0x1F820] =	vst v9  }
0x4be: {  	v0 =	vmul.f32 v42, v42;
	v52 =	vld [tilespmem:s25+$0x8540];
	[tilespmem:$0x1F830] =	vst v10  }
0x4bf: {  	v1 =	vmul.f32 v1, v1;
	v2 =	vmul.f32 v2, v2;
	[tilespmem:$0x1F840] =	vst v11  }
0x4c0: {  	v4 =	vmul.f32 v4, v4;
	v5 =	vmul.f32 v5, v5;
	v50 =	vld [tilespmem:s25+$0x8550];
	[tilespmem:$0x1F850] =	vst v12  }
0x4c1: {  	v6 =	vmul.f32 v6, v6;
	v7 =	vmul.f32 v7, v7;
	v49 =	vld [tilespmem:s25+$0x8560];
	[tilespmem:$0x1F860] =	vst v13  }
0x4c2: {  	v8 =	vmul.f32 v8, v8;
	v9 =	vmul.f32 v9, v9;
	[tilespmem:$0x1F870] =	vst v14  }
0x4c3: {  	v10 =	vmul.f32 v10, v10;
	v11 =	vmul.f32 v11, v11;
	v51 =	vld [tilespmem:s25+$0x8570];
	[tilespmem:$0x1F880] =	vst v15  }
0x4c4: {  	v12 =	vmul.f32 v12, v12;
	v13 =	vmul.f32 v13, v13;
	v22 =	vld [tilespmem:s25+$0x8940];
	[tilespmem:$0x1F890] =	vst v16  }
0x4c5: {  	v14 =	vmul.f32 v14, v14;
	v16 =	vmul.f32 v16, v16;
	[tilespmem:$0x1F8A0] =	vst v17  }
0x4c6: {  	v17 =	vmul.f32 v17, v17;
	[tilespmem:$0x1F8B0] =	vst v18;
	v18 =	vmul.f32 v18, v18  }
0x4c7: {  	v47 =	vld [tilespmem:s25+$0x8950];
	[tilespmem:$0x1F8C0] =	vst v19;
	v19 =	vmul.f32 v19, v19;
	v20 =	vmul.f32 v52, v52  }
0x4c8: {  	v48 =	vld [tilespmem:s25+$0x8960];
	v21 =	vmul.f32 v50, v50;
	v8 =	vadd.f32 v16, v8;
	v9 =	vadd.f32 v17, v9  }
0x4c9: {  	v15 =	vmul.f32 v15, v15;
	v23 =	vld [tilespmem:s25+$0x8970];
	v10 =	vadd.f32 v18, v10;
	v11 =	vadd.f32 v19, v11  }
0x4ca: {  	v24 =	vld [tilespmem:s25+$0x8D40];
	v16 =	vmul.f32 v49, v49;
	v12 =	vadd.f32 v20, v12;
	v13 =	vadd.f32 v21, v13  }
0x4cb: {  	v26 =	vld [tilespmem:s25+$0x8D50];
	v17 =	vmul.f32 v51, v51;
	v4 =	vadd.f32 v4, v8;
	v5 =	vadd.f32 v5, v9;
	[tilespmem:$0x1F8D0] =	vst v22  }
0x4cc: {  	v3 =	vmul.f32 v3, v3;
	v6 =	vadd.f32 v6, v10;
	v14 =	vadd.f32 v16, v14;
	v19 =	vld [tilespmem:s25+$0x8D60]  }
0x4cd: {  	v18 =	vmul.f32 v22, v22;
	v7 =	vadd.f32 v7, v11;
	v15 =	vadd.f32 v17, v15;
	v20 =	vld [tilespmem:s25+$0x8D70]  }
0x4ce: {  	v16 =	vmul.f32 v47, v47;
	v0 =	vadd.f32 v0, v4;
	v1 =	vadd.f32 v1, v5  }
0x4cf: {  	v2 =	vadd.f32 v2, v6;
	v17 =	vmul.f32 v48, v48;
	v8 =	vmul.f32 v23, v23  }
0x4d0: {  	v9 =	vmul.f32 v24, v24;
	v10 =	vadd.f32 v18, v12;
	v3 =	vadd.f32 v3, v7  }
0x4d1: {  	v12 =	vmul.f32 v26, v26;
	v11 =	vadd.f32 v16, v13;
	v16 =	vadd.f32 v17, v14  }
0x4d2: {  	v8 =	vadd.f32 v8, v15;
	v14 =	vmul.f32 v19, v19;
	v4 =	vmul.f32 v20, v20  }
0x4d3: {  	v5 =	vadd.f32 v9, v10;
	v6 =	vadd.f32 v12, v11  }
0x4d4: {  	v7 =	vadd.f32 v14, v16;
	v4 =	vadd.f32 v4, v8  }
0x4d5: {  	v0 =	vadd.f32 v1, v0;
	v1 =	vadd.f32 v3, v2  }
0x4d6: {  	[tilespmem:$0x1F8E0] =	vst v23;
	v2 =	vadd.f32 v6, v5;
	v3 =	vadd.f32 v4, v7  }
0x4d7: {  	s30 =	simm.s32 $0x200;
	s28 =	simm.s32 $0x80;
	[tilespmem:$0x1F8F0] =	vst v24  }
0x4d8: {  	s31 =	sand.u32 $0x380, s28;
	s0 =	sand.u32 $0x3000, s30;
	[tilespmem:$0x1F900] =	vst v26;
	v0 =	vadd.f32 v1, v0;
	v1 =	vadd.f32 v3, v2  }
0x4d9: {  	s26 =	sor.u32 s31, s0;
	[tilespmem:$0x1F910] =	vst v19  }
0x4da: {  	v15 =	vld [tilespmem:s26+$0x8D10];
	v0 =	vadd.f32 v1, v0  }
0x4db: {  	v17 =	vld [tilespmem:s26+$0x8D20]  }
0x4dc: {  	v12 =	vld [tilespmem:s26+$0x8D50];
	v1 =	vperm.xlane v0, v25  }
0x4dd: {  	v46 =	vld [tilespmem:s26+$0x8900]  }
0x4de: {  	v21 =	vld [tilespmem:s26+$0x8910];
	v0 =	vadd.f32 v0, v1  }
0x4df: {  	v22 =	vld [tilespmem:s26+$0x8920]  }
0x4e0: {  	v23 =	vld [tilespmem:s26+$0x8930];
	v1 =	vperm.xlane v0, v27  }
0x4e1: {  	v24 =	vld [tilespmem:s26+$0x8940]  }
0x4e2: {  	v60 =	vld [tilespmem:s26+$0x8100];
	v0 =	vadd.f32 v0, v1  }
0x4e3: {  	v53 =	vld [tilespmem:s26+$0x8110]  }
0x4e4: {  	v56 =	vld [tilespmem:s26+$0x8120];
	v1 =	vperm.xlane v0, v28  }
0x4e5: {  	v54 =	vld [tilespmem:s26+$0x8130]  }
0x4e6: {  	v4 =	vld [tilespmem:s26+$0x8D30];
	v0 =	vadd.f32 v0, v1  }
0x4e7: {  	v8 =	vld [tilespmem:s26+$0x8D40]  }
0x4e8: {  	v57 =	vld [tilespmem:s26+$0x8140];
	v1 =	vperm.xlane v0, v29  }
0x4e9: {  	v55 =	vld [tilespmem:s26+$0x8150]  }
0x4ea: {  	v58 =	vld [tilespmem:s26+$0x8160];
	v0 =	vadd.f32 v0, v1  }
0x4eb: {  	v16 =	vld [tilespmem:s26+$0x8D00];
	v2 =	vmul.f32 v15, v15;
	[tilespmem:$0x1F920] =	vst v4  }
0x4ec: {  	v9 =	vmul.f32 v46, v46;
	v61 =	vld [tilespmem:s26+$0x8170];
	[tilespmem:$0x1F930] =	vst v8;
	v7 =	vmul.f32 $5.000000000e-01, v0;
	v0 =	vshra.s32 v0, $0x1  }
0x4ed: {  	v11 =	vmul.f32 v21, v21;
	v10 =	vmul.f32 v22, v22;
	v62 =	vld [tilespmem:s26+$0x8500];
	v0 =	vsub.s32 $0x5F3759DF, v0  }
0x4ee: {  	v18 =	vmul.f32 v23, v23;
	v63 =	vld [tilespmem:s26+$0x8510];
	v3 =	vmul.f32 v0, v7  }
0x4ef: {  	v19 =	vmul.f32 v24, v24;
	v26 =	vmul.f32 v53, v53;
	v59 =	vld [tilespmem:s26+$0x8530]  }
0x4f0: {  	v30 =	vmul.f32 v55, v55;
	v40 =	vld [tilespmem:s26+$0x8540];
	v6 =	vmul.f32 v0, v3  }
0x4f1: {  	v31 =	vmul.f32 v58, v58;
	v5 =	vmul.f32 v4, v4;
	v39 =	vld [tilespmem:s26+$0x8550]  }
0x4f2: {  	v4 =	vmul.f32 v8, v8;
	v25 =	vmul.f32 v60, v60;
	v8 =	vsub.f32 $1.500000000e+00, v6  }
0x4f3: {  	v27 =	vmul.f32 v54, v54;
	v32 =	vmul.f32 v61, v61  }
0x4f4: {  	v13 =	vmov v20;
	v33 =	vmul.f32 v62, v62;
	v20 =	vmul.f32 v0, v8;
	v0 =	vld [tilespmem:s26+$0x8520]  }
0x4f5: {  	v34 =	vmul.f32 v63, v63;
	v36 =	vmul.f32 v59, v59  }
0x4f6: {  	v44 =	vld [tilespmem:s26+$0x8560];
	v38 =	vmul.f32 v40, v40;
	v37 =	vmul.f32 v39, v39  }
0x4f7: {  	v43 =	vld [tilespmem:s26+$0x8570];
	v28 =	vmul.f32 v57, v57;
	v29 =	vmul.f32 v56, v56  }
0x4f8: {  	v41 =	vld [tilespmem:s26+$0x8950];
	v1 =	vmul.f32 v16, v16;
	v3 =	vmul.f32 v17, v17  }
0x4f9: {  	s0 =	simm.s32 $0x400;
	v45 =	vld [tilespmem:s26+$0x8960];
	v6 =	vmul.f32 v12, v12;
	v35 =	vmul.f32 v0, v0  }
.LBB2_10:
0x4fa: {  	_ = 	snop  }
0x4fb: {  	v14 =	vmov v12;
	v25 =	vadd.f32 v33, v25;
	v26 =	vadd.f32 v34, v26  }
0x4fc: {  	v12 =	vmovc v42;
	v42 =	vmul.f32 v20, v7;
	v29 =	vadd.f32 v35, v29;
	v27 =	vadd.f32 v36, v27  }
0x4fd: {  	v28 =	vadd.f32 v38, v28;
	v30 =	vadd.f32 v37, v30  }
0x4fe: {  	v8 =	vld [tilespmem:s26+$0x8970];
	v38 =	vmul.f32 v42, v20;
	v25 =	vadd.f32 v9, v25;
	v11 =	vadd.f32 v11, v26  }
0x4ff: {  	v10 =	vadd.f32 v10, v29;
	v18 =	vadd.f32 v18, v27  }
0x500: {  	v19 =	vadd.f32 v19, v28;
	v35 =	vsub.f32 $1.500000000e+00, v38  }
0x501: {  	v7 =	vld [tilespmem:s26+$0x8D60];
	v34 =	vmul.f32 v43, v43;
	v1 =	vadd.f32 v1, v25;
	v2 =	vadd.f32 v2, v11  }
0x502: {  	v42 =	vld [tilespmem:s26+$0x8D70];
	v3 =	vadd.f32 v3, v10;
	v5 =	vadd.f32 v5, v18  }
0x503: {  	v9 =	vmul.f32 v8, v8;
	v18 =	vld [tilespmem:$0x1F810];
	v32 =	vadd.f32 v34, v32;
	v20 =	vmul.f32 v35, v20  }
0x504: {  	v33 =	vmul.f32 v44, v44;
	v1 =	vadd.f32 v2, v1;
	v2 =	vadd.f32 v5, v3;
	v3 =	vld [tilespmem:$0x1F830]  }
0x505: {  	v4 =	vadd.f32 v4, v19;
	v19 =	vld [tilespmem:$0x1F820];
	v29 =	vadd.f32 v9, v32;
	v9 =	vmin.f32 v20, $1.000000000e+06  }
0x506: {  	v31 =	vadd.f32 v33, v31;
	v33 =	vmul.f32 v41, v41;
	v11 =	vmul.f32 v9, v13  }
0x507: {  	s28 =	sadd.s32 $0x80, s28;
	v34 =	vmul.f32 v45, v45;
	v27 =	vmul.f32 v7, v7  }
0x508: {  	s5 =	sand.u32 $0x3000, s0;
	s29 =	sand.u32 $0x380, s28;
	v26 =	vadd.f32 v33, v30;
	v18 =	vmul.f32 v9, v18;
	v20 =	vmov v60;
	[tilespmem:s25+$0x8D70] =	vst v11  }
0x509: {  	s29 =	sor.u32 s29, s5;
	v28 =	vadd.f32 v34, v31;
	v10 =	vmul.f32 v42, v42;
	[tilespmem:$0x1F810] =	vst v20;
	v3 =	vmul.f32 v9, v3  }
0x50a: {  	v30 =	vmov v21;
	v21 =	vld [tilespmem:s29+$0x8910];
	v6 =	vadd.f32 v6, v26;
	v19 =	vmul.f32 v9, v19;
	[tilespmem:s25+$0x8100] =	vst v18  }
0x50b: {  	v25 =	vadd.f32 v27, v28;
	v10 =	vadd.f32 v10, v29;
	[tilespmem:s25+$0x8120] =	vst v3;
	v3 =	vld [tilespmem:$0x1F850]  }
0x50c: {  	v4 =	vadd.f32 v6, v4;
	[tilespmem:s25+$0x8110] =	vst v19;
	v6 =	vld [tilespmem:$0x1F840];
	v26 =	vmov v55  }
0x50d: {  	v5 =	vadd.f32 v10, v25;
	v10 =	vld [tilespmem:$0x1F860];
	[tilespmem:$0x1F860] =	vst v26;
	v20 =	vmov v53  }
0x50e: {  	v26 =	vld [tilespmem:$0x1FFC0];
	v11 =	vmov v56;
	[tilespmem:$0x1F820] =	vst v20  }
0x50f: {  	v1 =	vadd.f32 v2, v1;
	v2 =	vadd.f32 v5, v4;
	v4 =	vld [tilespmem:$0x1F870];
	v19 =	vmov v54;
	[tilespmem:$0x1F830] =	vst v11  }
0x510: {  	v5 =	vld [tilespmem:s29+$0x8D10];
	v18 =	vmov v57;
	[tilespmem:$0x1F840] =	vst v19;
	v3 =	vmul.f32 v9, v3  }
0x511: {  	v11 =	vld [tilespmem:s29+$0x8D00];
	[tilespmem:$0x1F850] =	vst v18  }
0x512: {  	v33 =	vmul.f32 v9, v12;
	v25 =	vmov v58;
	[tilespmem:s25+$0x8140] =	vst v3;
	v3 =	vld [tilespmem:$0x1F880]  }
0x513: {  	v18 =	vld [tilespmem:s29+$0x8D20];
	[tilespmem:$0x1F870] =	vst v25;
	v1 =	vadd.f32 v2, v1  }
0x514: {  	v13 =	vmov v42;
	v42 =	vmov v63;
	v19 =	vld [tilespmem:s29+$0x8D30];
	v20 =	vmul.f32 v9, v52;
	[tilespmem:s25+$0x8D00] =	vst v33  }
0x515: {  	v2 =	vld [tilespmem:$0x1F8A0];
	[tilespmem:$0x1F8A0] =	vst v42;
	v26 =	vperm.xlane v1, v26  }
0x516: {  	v31 =	vmov v46;
	v46 =	vmov v22;
	v22 =	vld [tilespmem:s29+$0x8920];
	[tilespmem:s25+$0x8540] =	vst v20;
	v4 =	vmul.f32 v9, v4  }
0x517: {  	v1 =	vadd.f32 v1, v26;
	v26 =	vld [tilespmem:$0x1F7E0];
	[tilespmem:$0x1F7E0] =	vst v30;
	v3 =	vmul.f32 v9, v3  }
0x518: {  	v6 =	vmul.f32 v9, v6;
	[tilespmem:s25+$0x8160] =	vst v4;
	v4 =	vld [tilespmem:$0x1F8C0]  }
0x519: {  	v30 =	vld [tilespmem:$0x1FFD0];
	[tilespmem:s25+$0x8170] =	vst v3;
	v3 =	vmul.f32 v9, v50  }
0x51a: {  	v29 =	vmov v0;
	v0 =	vld [tilespmem:s29+$0x8900];
	v10 =	vmul.f32 v9, v10;
	[tilespmem:s25+$0x8130] =	vst v6  }
0x51b: {  	[tilespmem:s25+$0x8550] =	vst v3;
	v3 =	vld [tilespmem:$0x1F8E0]  }
0x51c: {  	v27 =	vmov v62;
	v25 =	vld [tilespmem:s29+$0x8D40];
	[tilespmem:s25+$0x8150] =	vst v10  }
0x51d: {  	v6 =	vld [tilespmem:$0x1F890];
	[tilespmem:$0x1F890] =	vst v27;
	v4 =	vmul.f32 v9, v4  }
0x51e: {  	v10 =	vld [tilespmem:$0x1F8B0];
	[tilespmem:$0x1F8B0] =	vst v29;
	v30 =	vperm.xlane v1, v30  }
0x51f: {  	v28 =	vmov v61;
	v2 =	vmul.f32 v9, v2;
	[tilespmem:s25+$0x8530] =	vst v4;
	v4 =	vld [tilespmem:$0x1F8D0]  }
0x520: {  	[tilespmem:$0x1F880] =	vst v28;
	v1 =	vadd.f32 v1, v30;
	v30 =	vmul.f32 v9, v3;
	v3 =	vld [tilespmem:$0x1F7A0]  }
0x521: {  	v29 =	vld [tilespmem:$0x1F800];
	v28 =	vmul.f32 v9, v51;
	[tilespmem:s25+$0x8510] =	vst v2  }
0x522: {  	v2 =	vld [tilespmem:$0x1F7D0];
	[tilespmem:$0x1F7D0] =	vst v31;
	v6 =	vmul.f32 v9, v6  }
0x523: {  	v53 =	vld [tilespmem:s29+$0x8110];
	[tilespmem:s25+$0x8570] =	vst v28;
	v10 =	vmul.f32 v9, v10  }
0x524: {  	v56 =	vld [tilespmem:s29+$0x8120];
	[tilespmem:s25+$0x8500] =	vst v6  }
0x525: {  	[tilespmem:s25+$0x8520] =	vst v10;
	v31 =	vmul.f32 v9, v4;
	v4 =	vmov v59;
	v34 =	vmul.f32 v9, v3;
	v3 =	vld [tilespmem:$0x1F7B0]  }
0x526: {  	[tilespmem:$0x1F8C0] =	vst v4;
	v4 =	vld [tilespmem:$0x1F7C0]  }
0x527: {  	v6 =	vmul.f32 v9, v49;
	v10 =	vld [tilespmem:$0x1F7F0];
	[tilespmem:$0x1F7F0] =	vst v46;
	v49 =	vmov v23  }
0x528: {  	v24 =	vmov v24;
	v23 =	vld [tilespmem:s29+$0x8930];
	[tilespmem:$0x1F800] =	vst v49;
	v2 =	vmul.f32 v9, v2  }
0x529: {  	[tilespmem:$0x1F8D0] =	vst v24;
	v24 =	vld [tilespmem:s29+$0x8940]  }
0x52a: {  	[tilespmem:s25+$0x8900] =	vst v2;
	v2 =	vld [tilespmem:$0x1F8F0];
	v35 =	vmul.f32 v9, v3;
	v3 =	vmov v8  }
0x52b: {  	v8 =	vmul.f32 v9, v4;
	v4 =	vmov v15;
	[tilespmem:$0x1F8E0] =	vst v3;
	v3 =	vld [tilespmem:$0x1FFE0]  }
0x52c: {  	v26 =	vmul.f32 v9, v26;
	[tilespmem:$0x1F7A0] =	vst v4;
	v4 =	vld [tilespmem:$0x1F920]  }
0x52d: {  	v29 =	vmul.f32 v9, v29;
	[tilespmem:s25+$0x8560] =	vst v6;
	v58 =	vld [tilespmem:s29+$0x8160]  }
0x52e: {  	v20 =	vmul.f32 v9, v47;
	[tilespmem:s25+$0x8910] =	vst v26;
	v61 =	vld [tilespmem:s29+$0x8170]  }
0x52f: {  	v50 =	vmul.f32 v9, v48;
	[tilespmem:s25+$0x8930] =	vst v29;
	v62 =	vld [tilespmem:s29+$0x8500];
	v10 =	vmul.f32 v9, v10  }
0x530: {  	[tilespmem:s25+$0x8950] =	vst v20;
	v36 =	vmul.f32 v9, v2;
	v2 =	vld [tilespmem:$0x1F900];
	v6 =	vperm.xlane v1, v3  }
0x531: {  	[tilespmem:s25+$0x8960] =	vst v50;
	v3 =	vmov v4;
	v4 =	vld [tilespmem:$0x1FFF0]  }
0x532: {  	[tilespmem:s25+$0x8920] =	vst v10;
	v28 =	vadd.f32 v1, v6;
	v1 =	vld [tilespmem:$0x1F910]  }
0x533: {  	v26 =	vmul.f32 v53, v53;
	v59 =	vld [tilespmem:s29+$0x8530];
	[tilespmem:s25+$0x8940] =	vst v31  }
0x534: {  	v27 =	vld [tilespmem:s29+$0x8D50];
	v29 =	vmul.f32 v56, v56;
	v10 =	vmul.f32 v22, v22;
	[tilespmem:s25+$0x8970] =	vst v30  }
0x535: {  	v50 =	vmovc v39;
	v39 =	vld [tilespmem:s29+$0x8550];
	v32 =	vmul.f32 v61, v61;
	[tilespmem:s25+$0x8D40] =	vst v36;
	v37 =	vmul.f32 v9, v2;
	v2 =	vmov v17  }
0x536: {  	v33 =	vmul.f32 v62, v62;
	v31 =	vmul.f32 v58, v58;
	[tilespmem:$0x1F7B0] =	vst v2  }
0x537: {  	[tilespmem:s25+$0x8D10] =	vst v34;
	v15 =	vmovc v5;
	v6 =	vld [tilespmem:$0x1F930];
	v38 =	vmul.f32 v9, v1;
	v1 =	vmov v7;
	v7 =	vperm.xlane v28, v4  }
0x538: {  	v60 =	vld [tilespmem:s29+$0x8100];
	v36 =	vmul.f32 v59, v59;
	[tilespmem:s25+$0x8D50] =	vst v37;
	v2 =	vmul.f32 v5, v15;
	v5 =	vmov v19  }
0x539: {  	v52 =	vmovc v40;
	v54 =	vld [tilespmem:s29+$0x8130];
	v17 =	vmov v18;
	[tilespmem:$0x1F920] =	vst v5;
	v5 =	vmul.f32 v19, v5;
	v19 =	vadd.f32 v28, v7  }
0x53a: {  	v42 =	vmovc v16;
	v16 =	vmov v11;
	v57 =	vld [tilespmem:s29+$0x8140];
	v37 =	vmul.f32 v39, v39;
	[tilespmem:$0x1F7C0] =	vst v3;
	v3 =	vmul.f32 v18, v17  }
0x53b: {  	v12 =	vmovc v27;
	v55 =	vld [tilespmem:s29+$0x8150];
	v18 =	vmul.f32 v23, v23;
	v4 =	vmovc v25;
	[tilespmem:$0x1F910] =	vst v1;
	v7 =	vmul.f32 $5.000000000e-01, v19;
	v20 =	vshra.s32 v19, $0x1  }
0x53c: {  	v40 =	vld [tilespmem:s29+$0x8540];
	v9 =	vmovc v6;
	v1 =	vmul.f32 v11, v16;
	[tilespmem:$0x1F930] =	vst v4;
	v4 =	vmul.f32 v25, v4;
	v20 =	vsub.s32 $0x5F3759DF, v20  }
0x53d: {  	v46 =	vmovc v0;
	v6 =	vmov v14;
	[tilespmem:$0x1F8F0] =	vst v9;
	v9 =	vmul.f32 v0, v0;
	v0 =	vld [tilespmem:s29+$0x8520];
	v30 =	vmul.f32 v20, v7  }
0x53e: {  	p0 =	sne.s32 s0, $0x3E00;
	v63 =	vld [tilespmem:s29+$0x8510];
	[tilespmem:$0x1F900] =	vst v6;
	v6 =	vmul.f32 v27, v12;
	v11 =	vmul.f32 v21, v21  }
.Ltmp4:
0x53f: {  	[tilespmem:s25+$0x8D20] =	vst v35;
	v25 =	vmul.f32 v60, v60;
	v34 =	vmul.f32 v20, v30;
	(pc) =	sbr.rel @p0 .LBB2_10-.Ltmp4, $4  }
0x540: {  	v49 =	vmov v44;
	v44 =	vld [tilespmem:s29+$0x8560];
	[tilespmem:s25+$0x8D30] =	vst v8;
	v27 =	vmul.f32 v54, v54;
	v28 =	vmul.f32 v57, v57  }
0x541: {  	v51 =	vmovc v43;
	v43 =	vld [tilespmem:s29+$0x8570];
	[tilespmem:s25+$0x8D60] =	vst v38;
	s25 =	smov.u32 s26;
	s26 =	smov.u32 s29;
	v38 =	vmul.f32 v40, v40;
	v19 =	vmul.f32 v24, v24;
	v8 =	vsub.f32 $1.500000000e+00, v34  }
0x542: {  	v47 =	vmov v41;
	v41 =	vld [tilespmem:s26+$0x8950];
	v35 =	vmul.f32 v0, v0;
	v30 =	vmul.f32 v55, v55  }
0x543: {  	s0 =	sadd.s32 $0x200, s0;
	v48 =	vmov v45;
	v45 =	vld [tilespmem:s26+$0x8960];
	v34 =	vmul.f32 v63, v63;
	v20 =	vmul.f32 v20, v8  }
0x544: {  	v8 =	vadd.f32 v33, v25;
	v27 =	vadd.f32 v36, v27  }
0x545: {  	v28 =	vadd.f32 v38, v28;
	v30 =	vadd.f32 v37, v30;
	v14 =	vmul.f32 v44, v44  }
0x546: {  	v25 =	vadd.f32 v34, v26;
	v26 =	vadd.f32 v35, v29;
	v34 =	vld [tilespmem:s26+$0x8970]  }
0x547: {  	v36 =	vmul.f32 v43, v43;
	v8 =	vadd.f32 v9, v8;
	v29 =	vadd.f32 v14, v31;
	v14 =	vld [tilespmem:s26+$0x8D60]  }
0x548: {  	v18 =	vadd.f32 v18, v27;
	v19 =	vadd.f32 v19, v28  }
0x549: {  	v10 =	vadd.f32 v10, v26;
	v33 =	vmul.f32 v41, v41;
	v26 =	vld [tilespmem:s26+$0x8D70];
	v38 =	vadd.f32 v36, v32  }
0x54a: {  	v32 =	vadd.f32 v11, v25;
	v35 =	vmul.f32 v45, v45;
	v1 =	vadd.f32 v1, v8  }
0x54b: {  	v5 =	vadd.f32 v5, v18;
	v4 =	vadd.f32 v4, v19;
	v36 =	vmul.f32 v34, v34  }
0x54c: {  	v11 =	vadd.f32 v33, v30;
	v25 =	vadd.f32 v35, v29;
	v37 =	vmul.f32 v14, v14  }
0x54d: {  	v3 =	vadd.f32 v3, v10;
	v27 =	vadd.f32 v36, v38  }
0x54e: {  	v38 =	vmul.f32 v26, v26;
	v8 =	vadd.f32 v37, v25;
	v25 =	vmul.f32 v20, v7  }
0x54f: {  	v2 =	vadd.f32 v2, v32;
	v6 =	vadd.f32 v6, v11  }
0x550: {  	v11 =	vadd.f32 v5, v3;
	v9 =	vadd.f32 v38, v27;
	v28 =	vmul.f32 v25, v20  }
0x551: {  	v1 =	vadd.f32 v2, v1;
	v18 =	vadd.f32 v6, v4  }
0x552: {  	v19 =	vadd.f32 v9, v8;
	v29 =	vsub.f32 $1.500000000e+00, v28  }
0x553: {  	v30 =	vld [tilespmem:$0x1FFC0]  }
0x554: {  	v1 =	vadd.f32 v11, v1;
	v27 =	vadd.f32 v19, v18;
	v2 =	vmul.f32 v29, v20;
	_ =	sdelay $0x1  }
0x555: {  	v1 =	vadd.f32 v27, v1;
	v2 =	vmin.f32 v2, $1.000000000e+06  }
0x556: {  	v31 =	vmul.f32 v2, v13  }
0x557: {  	v32 =	vld [tilespmem:$0x1F810];
	v3 =	vperm.xlane v1, v30  }
0x558: {  	v33 =	vld [tilespmem:$0x1FFD0];
	[tilespmem:s25+$0x8D70] =	vst v31  }
0x559: {  	v1 =	vadd.f32 v1, v3;
	v3 =	vld [tilespmem:$0x1F820];
	_ =	sdelay $0x2  }
0x55a: {  	v4 =	vmul.f32 v2, v32;
	_ =	sdelay $0x1  }
0x55b: {  	[tilespmem:s25+$0x8100] =	vst v4;
	v3 =	vmul.f32 v2, v3  }
0x55c: {  	v4 =	vld [tilespmem:$0x1F830]  }
0x55d: {  	[tilespmem:s25+$0x8110] =	vst v3  }
0x55e: {  	v3 =	vld [tilespmem:$0x1F840];
	_ =	sdelay $0x2  }
0x55f: {  	v4 =	vmul.f32 v2, v4;
	_ =	sdelay $0x1  }
0x560: {  	[tilespmem:s25+$0x8120] =	vst v4;
	v3 =	vmul.f32 v2, v3  }
0x561: {  	v4 =	vld [tilespmem:$0x1F850]  }
0x562: {  	v35 =	vld [tilespmem:$0x1FFE0];
	[tilespmem:s25+$0x8130] =	vst v3  }
0x563: {  	v3 =	vld [tilespmem:$0x1F860];
	_ =	sdelay $0x3  }
0x564: {  	v4 =	vmul.f32 v2, v4  }
0x565: {  	v3 =	vmul.f32 v2, v3  }
0x566: {  	[tilespmem:s25+$0x8140] =	vst v4  }
0x567: {  	v4 =	vld [tilespmem:$0x1F870];
	[tilespmem:s25+$0x8150] =	vst v3  }
0x568: {  	v3 =	vld [tilespmem:$0x1F880];
	_ =	sdelay $0x2  }
0x569: {  	v5 =	vperm.xlane v1, v33  }
0x56a: {  	v4 =	vmul.f32 v2, v4;
	v36 =	vld [tilespmem:$0x1F890]  }
0x56b: {  	v1 =	vadd.f32 v1, v5;
	v3 =	vmul.f32 v2, v3  }
0x56c: {  	[tilespmem:s25+$0x8160] =	vst v4  }
0x56d: {  	v5 =	vperm.xlane v1, v35;
	v4 =	vld [tilespmem:$0x1FFF0];
	[tilespmem:s25+$0x8170] =	vst v3  }
0x56e: {  	v3 =	vld [tilespmem:$0x1F8A0]  }
0x56f: {  	v1 =	vadd.f32 v1, v5;
	v5 =	vmul.f32 v2, v36;
	_ =	sdelay $0x1  }
0x570: {  	[tilespmem:s25+$0x8500] =	vst v5  }
0x571: {  	v37 =	vld [tilespmem:$0x1F8B0]  }
0x572: {  	v3 =	vmul.f32 v2, v3;
	_ =	sdelay $0x1  }
0x573: {  	v4 =	vperm.xlane v1, v4;
	[tilespmem:s25+$0x8510] =	vst v3  }
0x574: {  	v3 =	vld [tilespmem:$0x1F8C0]  }
0x575: {  	v1 =	vadd.f32 v1, v4;
	v4 =	vmul.f32 v2, v37  }
0x576: {  	v38 =	vmul.f32 v2, v52  }
0x577: {  	v9 =	vmul.f32 v2, v50;
	[tilespmem:s25+$0x8520] =	vst v4  }
0x578: {  	v10 =	vmul.f32 v2, v49;
	[tilespmem:s25+$0x8540] =	vst v38  }
0x579: {  	[tilespmem:s25+$0x8550] =	vst v9;
	v3 =	vmul.f32 v2, v3  }
0x57a: {  	[tilespmem:s25+$0x8560] =	vst v10  }
0x57b: {  	[tilespmem:s25+$0x8530] =	vst v3  }
0x57c: {  	v6 =	vld [tilespmem:$0x1F7D0];
	_ =	sdelay $0x2  }
0x57d: {  	v13 =	vmul.f32 v2, v51;
	_ =	sdelay $0x1  }
0x57e: {  	[tilespmem:s25+$0x8570] =	vst v13;
	v6 =	vmul.f32 v2, v6  }
0x57f: {  	v3 =	vld [tilespmem:$0x1F7E0]  }
0x580: {  	[tilespmem:s25+$0x8900] =	vst v6  }
0x581: {  	v6 =	vld [tilespmem:$0x1F7F0];
	_ =	sdelay $0x2  }
0x582: {  	v3 =	vmul.f32 v2, v3;
	_ =	sdelay $0x1  }
0x583: {  	v52 =	vmul.f32 $5.000000000e-01, v1;
	v1 =	vshra.s32 v1, $0x1;
	[tilespmem:s25+$0x8910] =	vst v3;
	v6 =	vmul.f32 v2, v6  }
0x584: {  	v1 =	vsub.s32 $0x5F3759DF, v1;
	v3 =	vld [tilespmem:$0x1F800]  }
0x585: {  	v11 =	vmul.f32 v1, v52;
	[tilespmem:s25+$0x8920] =	vst v6  }
0x586: {  	v18 =	vld [tilespmem:$0x1F8D0]  }
0x587: {  	v5 =	vmul.f32 v1, v11;
	_ =	sdelay $0x1  }
0x588: {  	v5 =	vsub.f32 $1.500000000e+00, v5;
	v3 =	vmul.f32 v2, v3  }
0x589: {  	v19 =	vmul.f32 v2, v47  }
0x58a: {  	v1 =	vmul.f32 v1, v5;
	[tilespmem:s25+$0x8930] =	vst v3;
	v5 =	vmul.f32 v2, v18  }
0x58b: {  	[tilespmem:s25+$0x8950] =	vst v19  }
0x58c: {  	[tilespmem:s25+$0x8940] =	vst v5  }
0x58d: {  	v3 =	vld [tilespmem:$0x1F8E0];
	_ =	sdelay $0x3  }
0x58e: {  	v20 =	vmul.f32 v2, v48  }
0x58f: {  	v3 =	vmul.f32 v2, v3  }
0x590: {  	[tilespmem:s25+$0x8960] =	vst v20  }
0x591: {  	v25 =	vmul.f32 v2, v42;
	[tilespmem:s25+$0x8970] =	vst v3  }
0x592: {  	v3 =	vld [tilespmem:$0x1F7A0]  }
0x593: {  	[tilespmem:s25+$0x8D00] =	vst v25  }
0x594: {  	v5 =	vld [tilespmem:$0x1F7B0];
	_ =	sdelay $0x2  }
0x595: {  	v3 =	vmul.f32 v2, v3;
	_ =	sdelay $0x1  }
0x596: {  	v4 =	vmul.f32 v1, v52;
	v5 =	vmul.f32 v2, v5;
	[tilespmem:s25+$0x8D10] =	vst v3  }
0x597: {  	v3 =	vld [tilespmem:$0x1F7C0]  }
0x598: {  	v4 =	vmul.f32 v4, v1;
	[tilespmem:s25+$0x8D20] =	vst v5  }
0x599: {  	v27 =	vld [tilespmem:$0x1F8F0]  }
0x59a: {  	v4 =	vsub.f32 $1.500000000e+00, v4;
	_ =	sdelay $0x1  }
0x59b: {  	v1 =	vmul.f32 v4, v1;
	v3 =	vmul.f32 v2, v3;
	_ =	sdelay $0x1  }
0x59c: {  	v1 =	vmin.f32 v1, $1.000000000e+06;
	v4 =	vmul.f32 v2, v27;
	[tilespmem:s25+$0x8D30] =	vst v3  }
0x59d: {  	v28 =	vmul.f32 v1, v26;
	v3 =	vld [tilespmem:$0x1F900]  }
0x59e: {  	v29 =	vmul.f32 v1, v60;
	v5 =	vld [tilespmem:$0x1F910];
	[tilespmem:s25+$0x8D40] =	vst v4  }
0x59f: {  	v30 =	vmul.f32 v1, v53;
	[tilespmem:s26+$0x8D70] =	vst v28  }
0x5a0: {  	v31 =	vmul.f32 v1, v56;
	[tilespmem:s26+$0x8100] =	vst v29  }
0x5a1: {  	v32 =	vmul.f32 v1, v54;
	[tilespmem:s26+$0x8110] =	vst v30  }
0x5a2: {  	v33 =	vmul.f32 v1, v57;
	[tilespmem:s26+$0x8120] =	vst v31  }
0x5a3: {  	v35 =	vmul.f32 v1, v55;
	[tilespmem:s26+$0x8130] =	vst v32  }
0x5a4: {  	v36 =	vmul.f32 v1, v58;
	[tilespmem:s26+$0x8140] =	vst v33  }
0x5a5: {  	v37 =	vmul.f32 v1, v61;
	[tilespmem:s26+$0x8150] =	vst v35  }
0x5a6: {  	v38 =	vmul.f32 v1, v62;
	[tilespmem:s26+$0x8160] =	vst v36  }
0x5a7: {  	v42 =	vmul.f32 v1, v63;
	[tilespmem:s26+$0x8170] =	vst v37  }
0x5a8: {  	v0 =	vmul.f32 v1, v0;
	[tilespmem:s26+$0x8500] =	vst v38  }
0x5a9: {  	v47 =	vmul.f32 v1, v59;
	[tilespmem:s26+$0x8510] =	vst v42  }
0x5aa: {  	v48 =	vmul.f32 v1, v40;
	[tilespmem:s26+$0x8520] =	vst v0  }
0x5ab: {  	v49 =	vmul.f32 v1, v39;
	[tilespmem:s26+$0x8530] =	vst v47  }
0x5ac: {  	v50 =	vmul.f32 v1, v44;
	[tilespmem:s26+$0x8540] =	vst v48  }
0x5ad: {  	v51 =	vmul.f32 v1, v43;
	[tilespmem:s26+$0x8550] =	vst v49  }
0x5ae: {  	v52 =	vmul.f32 v1, v46;
	[tilespmem:s26+$0x8560] =	vst v50  }
0x5af: {  	v53 =	vmul.f32 v1, v21;
	[tilespmem:s26+$0x8570] =	vst v51  }
0x5b0: {  	v54 =	vmul.f32 v1, v22;
	[tilespmem:s26+$0x8900] =	vst v52  }
0x5b1: {  	v55 =	vmul.f32 v1, v23;
	[tilespmem:s26+$0x8910] =	vst v53  }
0x5b2: {  	v56 =	vmul.f32 v1, v24;
	[tilespmem:s26+$0x8920] =	vst v54  }
0x5b3: {  	v57 =	vmul.f32 v1, v41;
	[tilespmem:s26+$0x8930] =	vst v55  }
0x5b4: {  	v58 =	vmul.f32 v1, v45;
	[tilespmem:s26+$0x8940] =	vst v56  }
0x5b5: {  	v59 =	vmul.f32 v1, v34;
	[tilespmem:s26+$0x8950] =	vst v57  }
0x5b6: {  	v60 =	vmul.f32 v1, v16;
	[tilespmem:s26+$0x8960] =	vst v58  }
0x5b7: {  	v61 =	vmul.f32 v1, v15;
	[tilespmem:s26+$0x8970] =	vst v59  }
0x5b8: {  	[tilespmem:s26+$0x8D00] =	vst v60;
	v3 =	vmul.f32 v2, v3  }
0x5b9: {  	[tilespmem:s26+$0x8D10] =	vst v61;
	v2 =	vmul.f32 v2, v5  }
0x5ba: {  	v62 =	vmul.f32 v1, v17;
	[tilespmem:s25+$0x8D50] =	vst v3  }
0x5bb: {  	[tilespmem:s25+$0x8D60] =	vst v2  }
0x5bc: {  	v2 =	vld [tilespmem:$0x1F920];
	[tilespmem:s26+$0x8D20] =	vst v62  }
0x5bd: {  	v0 =	vld [tilespmem:$0x1F930];
	_ =	sdelay $0x2  }
0x5be: {  	v63 =	vmul.f32 v1, v12  }
0x5bf: {  	v2 =	vmul.f32 v1, v2  }
0x5c0: {  	[tilespmem:s26+$0x8D50] =	vst v63;
	v0 =	vmul.f32 v1, v0  }
0x5c1: {  	v1 =	vmul.f32 v1, v14;
	[tilespmem:s26+$0x8D30] =	vst v2  }
0x5c2: {  	[tilespmem:s26+$0x8D40] =	vst v0  }
0x5c3: {  	[tilespmem:s26+$0x8D60] =	vst v1  }
0x5c4: {  	[hbm4b:s12+s4] =	stream.linear.scatter [tilespmem:s17], [sflag:$0x5], $0x4000, $0x38;
	[tilespmem:$0x18100] =	vst v63  }
0x5c5: {  	_ =	swait.ge [sflag:s23], $0x8000  }
0x5c6: {  	[sflag:s23] =	ssyncset.done $0x0  }
0x5c7: {  	s24 =	sadd.s32 $0x1, s24;
	[sflag:s23] =	ssyncadd.s32 $0xFFFF8000  }
0x5c8: {  	p0 =	sne.s32 s24, s13;
	_ =	swait.ge [sflag:s20], $0x8000  }
.Ltmp5:
0x5c9: {  	[sflag:s20] =	ssyncset.done $0x0;
	(pc) =	sbr.rel @p0 .LBB2_1-.Ltmp5, $4  }
0x5ca: {  	[sflag:s20] =	ssyncadd.s32 $0xFFFF8000  }
0x5cb: {  	_ =	swait.ge [sflag:s22], $0x4000  }
0x5cc: {  	[sflag:s22] =	ssyncset.done $0x0  }
0x5cd: {  	[sflag:s22] =	ssyncadd.s32 $0xFFFFC000  }
0x5ce: {  	_ =	sfence.sel $0x180000  }
0x5cf: {  	[bflag:$0x0] =	sbarrier.arrive $0xFFFF  }
0x5d0: {  	_ =	strace $0x90000047  }
0x5d1: {  	s0 =	stileid.u32;
	[bflag:$0x2] =	sbarrier.arrive $0xFFFF  }
0x5d2: {  	p0 =	sne.s32 s0, $0x0;
	s0 =	rddreg [dreg:$0x4]  }
0x5d3: {  	s0 =	sadd.s32 @!p0 $0x100000, s0  }
0x5d4: {  	[sflag:s0] =	ssyncadd.tile.s32 @!p0 $0x1;
	_ =	shalt  }
.Lfunc_end2:
_tile_overlayer_lowered:
.L_overlay_start_2:
0x5d5: {  	(tag) =	ssettag $0x2  }
0x5d6: {  	s0 =	rddreg [dreg:$0x0];
	s2 =	stileid.u32  }
0x5d7: {  	s1 =	rddreg [dreg:$0x1];
	p0 =	sne.s32 s2, $0x0  }
0x5d8: {  	s3 =	rddreg [dreg:$0x2];
	[bflag:$0x3] =	sbarrier.arrive $0xFFFF;
	s2 =	simm.s32 @!p0 $0x1C07  }
0x5d9: {  	[timem:s3], [sflag:s2] =	dma.local @!p0 [hbm:s0], s1  }
0x5da: {  	s0 =	simm.s32 @!p0 $0x7  }
0x5db: {  	_ =	swait.ge @!p0 [sflag:s0], s1  }
0x5dc: {  	s1 =	ssub.s32 @!p0 $0x0, s1;
	[sflag:s0] =	ssyncset.done @!p0 $0x0  }
0x5dd: {  	[sflag:s0] =	ssyncadd.s32 @!p0 s1  }
0x5de: {  	[bflag:$0x3] =	sbarrier.arrive $0xFFFF  }
0x5df: {  	_ =	shalt  }

</sc_bundles>
